<compile_context>
chip_gen: v7x
topology: tpu7x:2x2x1
jax: 0.10.2.dev20260603
libtpu: 0.0.44.dev20260713+nightly
codegen_flags: <defaults>
</compile_context>

<pallas_src>
import dataclasses
import functools

import jax
import jax.numpy as jnp
from jax import lax
from jax.experimental import pallas as pl
from jax.experimental.pallas import tpu as pltpu
from jax.experimental.pallas import tpu_sc as plsc

N_NODES = 10000
D = 128
NP = 10240
E = 320000
CH = 128
N_CORES = 2
N_SUB = 16
N_W = N_CORES * N_SUB
PER_W_E = 10240
CHUNKS_PER_W = PER_W_E // CH
PER_W = PER_W_E
E_PAD = N_W * PER_W
ROWS_PER_SUB = NP // N_SUB
DCH = 128
D_CHUNKS = PER_W_E // DCH



@functools.cache
def _sc_degree_kernel():
    mesh = plsc.VectorSubcoreMesh(core_axis_name="c", subcore_axis_name="s")
    cp = pltpu.CompilerParams()
    if "needs_layout_passes" in pltpu.CompilerParams.__dataclass_fields__:
        cp = dataclasses.replace(cp, needs_layout_passes=False)
    return functools.partial(
        pl.kernel,
        out_type=jax.ShapeDtypeStruct((N_CORES, N_SUB, ROWS_PER_SUB),
                                      jnp.float32),
        mesh=mesh,
        compiler_params=cp,
        scratch_types=[
            pltpu.VMEM((NP,), jnp.float32),
            pltpu.VMEM((N_SUB, ROWS_PER_SUB), jnp.float32),
            pltpu.VMEM((D_CHUNKS, DCH), jnp.int32),
            pltpu.VMEM_SHARED((N_SUB, N_SUB, ROWS_PER_SUB), jnp.float32),
            pltpu.SemaphoreType.DMA,
        ],
    )(_sc_degree_body)


def _sc_degree_body(dst_hbm, out_hbm, hist, sumbuf, didx, shared, sem):
    cid = lax.axis_index("c")
    sid = lax.axis_index("s")
    w = cid * N_SUB + sid
    pltpu.sync_copy(dst_hbm.at[pl.ds(w * D_CHUNKS, D_CHUNKS)], didx)

    zeros16 = jnp.zeros((16,), jnp.float32)
    ones16 = jnp.ones((16,), jnp.float32)

    @pl.loop(0, NP // 16)
    def _zero(i):
        hist[pl.ds(i * 16, 16)] = zeros16

    @pl.loop(0, D_CHUNKS)
    def _chunk(g):
        @pl.loop(0, DCH // 16)
        def _grp(j):
            idx = didx[g, pl.ds(j * 16, 16)]
            plsc.addupdate_scatter(hist, [idx], ones16)

    for s in range(N_SUB):
        pltpu.make_async_copy(hist.at[pl.ds(s * ROWS_PER_SUB, ROWS_PER_SUB)],
                              shared.at[s].at[sid], sem).start()
    for s in range(N_SUB):
        pltpu.make_async_copy(hist.at[pl.ds(s * ROWS_PER_SUB, ROWS_PER_SUB)],
                              shared.at[s].at[sid], sem).wait()
    plsc.subcore_barrier()
    pltpu.sync_copy(shared.at[sid], sumbuf)

    @pl.loop(0, ROWS_PER_SUB // 16)
    def _sum(k):
        col = pl.ds(k * 16, 16)
        v = sumbuf[0, col]
        for t in range(1, N_SUB):
            v = v + sumbuf[t, col]
        hist[col] = v

    pltpu.sync_copy(hist.at[pl.ds(0, ROWS_PER_SUB)], out_hbm.at[cid].at[sid])


NBUF = 2
N_PHASE = 2
HALF = CHUNKS_PER_W // N_PHASE


@functools.cache
def _sc_aggregate_kernel():
    mesh = plsc.VectorSubcoreMesh(core_axis_name="c", subcore_axis_name="s")
    return functools.partial(
        pl.kernel,
        out_type=jax.ShapeDtypeStruct((N_CORES, NP, D), jnp.float32),
        mesh=mesh,
        scratch_types=[
            pltpu.VMEM_SHARED((NP, D), jnp.float32),
            pltpu.VMEM((NBUF, CH, D), jnp.float32),
            pltpu.VMEM((HALF, CH), jnp.int32),
            pltpu.VMEM((HALF, CH), jnp.int32),
        ] + [pltpu.SemaphoreType.DMA] * NBUF,
    )(_sc_aggregate_body)


def _sc_aggregate_body(hp_hbm, src_hbm, dst_hbm, zeros_hbm, out_hbm,
                       acc, rows, sidx, didx, *sems):
    cid = lax.axis_index("c")
    sid = lax.axis_index("s")
    pltpu.sync_copy(zeros_hbm, rows.at[0])

    @pl.loop(0, ROWS_PER_SUB // CH)
    def _zero(i):
        pltpu.sync_copy(rows.at[0], acc.at[pl.ds(sid * ROWS_PER_SUB + i * CH, CH)])

    w = cid * N_SUB + sid
    plsc.subcore_barrier()

    def _gather(g, b):
        pltpu.make_async_copy(hp_hbm.at[sidx.at[g]], rows.at[b], sems[b]).start()

    def _drain_and_scatter(g, b):
        pltpu.make_async_copy(hp_hbm.at[sidx.at[g]], rows.at[b], sems[b]).wait()
        pltpu.sync_copy(rows.at[b], acc.at[didx.at[g]], add=True)

    for phase in range(N_PHASE):
        base = w * CHUNKS_PER_W + phase * HALF
        pltpu.sync_copy(src_hbm.at[pl.ds(base, HALF)], sidx)
        pltpu.sync_copy(dst_hbm.at[pl.ds(base, HALF)], didx)
        for b in range(NBUF):
            _gather(b, b)

        @pl.loop(0, (HALF - NBUF) // NBUF)
        def _agg(i):
            for b in range(NBUF):
                g = i * NBUF + b
                _drain_and_scatter(g, b)
                _gather(g + NBUF, b)

        for b in range(NBUF):
            _drain_and_scatter(HALF - NBUF + b, b)

    plsc.subcore_barrier()
    pltpu.sync_copy(acc.at[pl.ds(sid * ROWS_PER_SUB, ROWS_PER_SUB)],
                    out_hbm.at[cid].at[pl.ds(sid * ROWS_PER_SUB, ROWS_PER_SUB)])



BLK = 512
GRID = NP // BLK


def _mm_body(x_ref, w_ref, o_ref):
    o_ref[...] = jnp.dot(x_ref[...], w_ref[...],
                         preferred_element_type=jnp.float32,
                         precision=lax.Precision.HIGHEST)


_mm = pl.pallas_call(
    _mm_body,
    grid=(GRID,),
    in_specs=[pl.BlockSpec((BLK, D), lambda i: (i, 0)),
              pl.BlockSpec((D, D), lambda i: (0, 0))],
    out_specs=pl.BlockSpec((BLK, D), lambda i: (i, 0)),
    out_shape=jax.ShapeDtypeStruct((NP, D), jnp.float32),
)


def _dinv(deg_ref):
    deg = deg_ref[0] + deg_ref[1] + 1.0
    return lax.rsqrt(deg)


def _scale_body(deg_ref, h_ref, o_ref):
    o_ref[...] = h_ref[...] * _dinv(deg_ref)


_scale = pl.pallas_call(
    _scale_body,
    grid=(GRID,),
    in_specs=[pl.BlockSpec((N_CORES, BLK, 1), lambda i: (0, i, 0)),
              pl.BlockSpec((BLK, D), lambda i: (i, 0))],
    out_specs=pl.BlockSpec((BLK, D), lambda i: (i, 0)),
    out_shape=jax.ShapeDtypeStruct((NP, D), jnp.float32),
)


def _mid_body(deg_ref, agg_ref, hp_ref, b1_ref, w2_ref, o_ref):
    dinv = _dinv(deg_ref)
    z = (agg_ref[0] + agg_ref[1] + hp_ref[...]) * dinv + b1_ref[...]
    z = jnp.maximum(z, 0.0)
    h2 = jnp.dot(z, w2_ref[...], preferred_element_type=jnp.float32,
                 precision=lax.Precision.HIGHEST)
    o_ref[...] = h2 * dinv


_mid = pl.pallas_call(
    _mid_body,
    grid=(GRID,),
    in_specs=[pl.BlockSpec((N_CORES, BLK, 1), lambda i: (0, i, 0)),
              pl.BlockSpec((N_CORES, BLK, D), lambda i: (0, i, 0)),
              pl.BlockSpec((BLK, D), lambda i: (i, 0)),
              pl.BlockSpec((1, D), lambda i: (0, 0)),
              pl.BlockSpec((D, D), lambda i: (0, 0))],
    out_specs=pl.BlockSpec((BLK, D), lambda i: (i, 0)),
    out_shape=jax.ShapeDtypeStruct((NP, D), jnp.float32),
)


def _final_body(deg_ref, agg_ref, hp_ref, b2_ref, o_ref):
    dinv = _dinv(deg_ref)
    o_ref[...] = (agg_ref[0] + agg_ref[1] + hp_ref[...]) * dinv + b2_ref[...]


_final = pl.pallas_call(
    _final_body,
    grid=(GRID,),
    in_specs=[pl.BlockSpec((N_CORES, BLK, 1), lambda i: (0, i, 0)),
              pl.BlockSpec((N_CORES, BLK, D), lambda i: (0, i, 0)),
              pl.BlockSpec((BLK, D), lambda i: (i, 0)),
              pl.BlockSpec((1, D), lambda i: (0, 0))],
    out_specs=pl.BlockSpec((BLK, D), lambda i: (i, 0)),
    out_shape=jax.ShapeDtypeStruct((N_NODES, D), jnp.float32),
)



def kernel(x, edge_index, W1, b1, W2, b2):
    src = edge_index[0].astype(jnp.int32)
    dst = edge_index[1].astype(jnp.int32)
    pad = N_NODES + (jnp.arange(E_PAD - E, dtype=jnp.int32) % (NP - N_NODES))
    src_all = jnp.concatenate([src, pad])
    dst_all = jnp.concatenate([dst, pad])
    src_p = src_all.reshape(E_PAD // CH, CH)
    dst_p = dst_all.reshape(E_PAD // CH, CH)
    dst_pd = dst_all.reshape(E_PAD // DCH, DCH)
    x_p = jnp.zeros((NP, D), jnp.float32).at[:N_NODES].set(x)
    zeros_rows = jnp.zeros((CH, D), jnp.float32)
    b1r = b1.reshape(1, D)
    b2r = b2.reshape(1, D)

    sc_degree = _sc_degree_kernel()
    sc_aggregate = _sc_aggregate_kernel()
    degp = sc_degree(dst_pd).reshape(N_CORES, NP, 1)
    h1 = _mm(x_p, W1)
    h1p = _scale(degp, h1)
    agg1 = sc_aggregate(h1p, src_p, dst_p, zeros_rows)
    h2p = _mid(degp, agg1, h1p, b1r, W2)
    agg2 = sc_aggregate(h2p, src_p, dst_p, zeros_rows)
    return _final(degp, agg2, h2p, b2r)

# --- scband reference (transcript-rebuilt; emitter-appended) ---
"""Pipeline reference for scband-gcn-18056042512717 (READ-ONLY COPY).

The authoritative reference and input builder live on the scoring server;
editing this copy changes nothing except your own understanding.
"""

import jax, jax.numpy as jnp
import numpy as np

N_NODES = 10000
D_IN = 128
HIDDEN = 128
OUT = 128
N_EDGES = 320000


def setup_inputs(seed: int = 0) -> dict:
    key = jax.random.key(seed)
    k1, k2, k3, k4 = jax.random.split(key, 4)
    x = jax.random.normal(k1, (N_NODES, D_IN), dtype=jnp.float32)
    edge_index = jax.random.randint(k2, (2, N_EDGES), 0, N_NODES, dtype=jnp.int64)
    # Glorot-style init for GCNConv weights, zeros for bias (PyG defaults)
    W1 = jax.random.normal(k3, (D_IN, HIDDEN), dtype=jnp.float32) * (1.0 / np.sqrt(D_IN))
    b1 = jnp.zeros((HIDDEN,), dtype=jnp.float32)
    W2 = jax.random.normal(k4, (HIDDEN, OUT), dtype=jnp.float32) * (1.0 / np.sqrt(HIDDEN))
    b2 = jnp.zeros((OUT,), dtype=jnp.float32)
    return {"x": x, "edge_index": edge_index, "W1": W1, "b1": b1, "W2": W2, "b2": b2}


def _gcn_conv(x, edge_index, W, b, n_nodes):
    # PyG GCNConv: add self-loops, symmetric normalization D^-1/2 (A+I) D^-1/2 X W + b
    src = edge_index[0]
    dst = edge_index[1]
    loop = jnp.arange(n_nodes, dtype=src.dtype)
    src = jnp.concatenate([src, loop])
    dst = jnp.concatenate([dst, loop])
    deg = jnp.zeros((n_nodes,), dtype=x.dtype).at[dst].add(1.0)
    deg_inv_sqrt = jnp.where(deg > 0, jax.lax.rsqrt(jnp.maximum(deg, 1e-12)), 0.0)
    norm = deg_inv_sqrt[src] * deg_inv_sqrt[dst]
    h = x @ W
    msg = h[src] * norm[:, None]
    out = jnp.zeros((n_nodes, W.shape[1]), dtype=x.dtype).at[dst].add(msg)
    return out + b


def reference(x, edge_index, W1, b1, W2, b2):
    n = x.shape[0]
    h = _gcn_conv(x, edge_index, W1, b1, n)
    h = jax.nn.relu(h)
    out = _gcn_conv(h, edge_index, W2, b2, n)
    return out

if __name__ == "__main__":
    import jax
    _d = setup_inputs()
    print(jax.jit(kernel)(*tuple(_d.values())))

</pallas_src>

<mosaic_0001>
#map = affine_map<(d0, d1) -> (0, 0)>
#map1 = affine_map<(d0, d1) -> (0, 0, 0)>
module attributes {stable_mosaic.version = 14 : i64} {
  func.func @_sc_degree_body(%arg0: i32, %arg1: i32, %arg2: memref<2560x128xi32, #tpu.memory_space<hbm>>, %arg3: memref<2x16x640xf32, #tpu.memory_space<hbm>>, %arg4: memref<10240xf32, #tpu.memory_space<vmem>>, %arg5: memref<16x640xf32, #tpu.memory_space<vmem>>, %arg6: memref<80x128xi32, #tpu.memory_space<vmem>>, %arg7: memref<16x16x640xf32, #tpu.memory_space<vmem_shared>>, %arg8: memref<!tpu.dma_semaphore, #tpu.memory_space<semaphore_mem>>) attributes {dimension_semantics = [#tpu.dimension_semantics<core_parallel>, #tpu.dimension_semantics<subcore_parallel>], iteration_bounds = array<i64: 2, 16>, scalar_prefetch = 0 : i64, scratch_operands = 5 : i64, tpu.core_type = #tpu.core_type<sc_vector_subcore>, window_params = [{transform_indices = #map}, {transform_indices = #map1}]} {
    %mul3A = arith.constant 16 : i32
    %mul3A_0 = arith.muli %arg0, %mul3A : i32
    %add3A = arith.addi %mul3A_0, %arg1 : i32
    %mul3A_1 = arith.constant 80 : i32
    %mul3A_2 = arith.muli %add3A, %mul3A_1 : i32
    "tpu.region"() ({
      %run_scoped3A = tpu.sem_alloc : memref<!tpu.dma_semaphore, #tpu.memory_space<semaphore_mem>>
      %dma_start3A_626 = arith.constant 0 : i32
      %dma_start3A_627 = tpu.memref_slice %arg2[%mul3A_2, %dma_start3A_626] : memref<2560x128xi32, #tpu.memory_space<hbm>> -> memref<80x128xi32, #tpu.memory_space<hbm>>
      %dma_start3A_628 = arith.constant 0 : i32
      %dma_start3A_629 = tpu.memref_slice %arg2[%mul3A_2, %dma_start3A_628] : memref<2560x128xi32, #tpu.memory_space<hbm>> -> memref<80x128xi32, #tpu.memory_space<hbm>>
      tpu.enqueue_dma source(%dma_start3A_629 : memref<80x128xi32, #tpu.memory_space<hbm>>) target(%arg6 : memref<80x128xi32, #tpu.memory_space<vmem>>) target_semaphore(%run_scoped3A : memref<!tpu.dma_semaphore, #tpu.memory_space<semaphore_mem>>)
      %dma_wait3A_630 = arith.constant 0 : i32
      %dma_wait3A_631 = tpu.memref_slice %arg2[%mul3A_2, %dma_wait3A_630] : memref<2560x128xi32, #tpu.memory_space<hbm>> -> memref<80x128xi32, #tpu.memory_space<hbm>>
      %dma_wait3A_632 = arith.constant 0 : i32
      %dma_wait3A_633 = tpu.memref_slice %arg2[%mul3A_2, %dma_wait3A_632] : memref<2560x128xi32, #tpu.memory_space<hbm>> -> memref<80x128xi32, #tpu.memory_space<hbm>>
      tpu.wait_dma2 semaphore(%run_scoped3A : memref<!tpu.dma_semaphore, #tpu.memory_space<semaphore_mem>>) src(%dma_wait3A_633 : memref<80x128xi32, #tpu.memory_space<hbm>>) dst(%arg6 : memref<80x128xi32, #tpu.memory_space<vmem>>)
      tpu.yield
    }) : () -> ()
    %broadcast_in_dim3A = arith.constant 0.000000e+00 : f32
    %broadcast_in_dim3A_3 = vector.broadcast %broadcast_in_dim3A : f32 to vector<16xf32>
    %broadcast_in_dim3A_4 = arith.constant 1.000000e+00 : f32
    %broadcast_in_dim3A_5 = vector.broadcast %broadcast_in_dim3A_4 : f32 to vector<16xf32>
    %scan3A = arith.constant 0 : i32
    %scan3A_6 = arith.constant 640 : i32
    %scan3A_7 = arith.addi %scan3A, %scan3A_6 : i32
    %scan3A_8 = arith.constant 1 : i32
    scf.for %scan3A_626 = %scan3A to %scan3A_7 step %scan3A_8  : i32 {
      %mul3A_627 = arith.constant 1 : i32
      %mul3A_628 = arith.muli %scan3A_626, %mul3A_627 : i32
      %add3A_629 = arith.constant 0 : i32
      %add3A_630 = arith.addi %add3A_629, %mul3A_628 : i32
      %mul3A_631 = arith.constant 16 : i32
      %mul3A_632 = arith.muli %add3A_630, %mul3A_631 : i32
      %swap3A = arith.index_cast %mul3A_632 : i32 to index
      %swap3A_633 = tpu.vector_load %arg4[%swap3A] {strides = array<i32>} : memref<10240xf32, #tpu.memory_space<vmem>>, vector<16xf32>,
      tpu.vector_store %arg4[%swap3A], %broadcast_in_dim3A_3 {strides = array<i32>} : memref<10240xf32, #tpu.memory_space<vmem>>, vector<16xf32>,
    }
    %scan3A_9 = arith.constant 640 : i32
    %scan3A_10 = arith.constant 0 : i32
    %scan3A_11 = arith.constant 80 : i32
    %scan3A_12 = arith.addi %scan3A_10, %scan3A_11 : i32
    %scan3A_13 = arith.constant 1 : i32
    scf.for %scan3A_626 = %scan3A_10 to %scan3A_12 step %scan3A_13  : i32 {
      %mul3A_627 = arith.constant 1 : i32
      %mul3A_628 = arith.muli %scan3A_626, %mul3A_627 : i32
      %add3A_629 = arith.constant 0 : i32
      %add3A_630 = arith.addi %add3A_629, %mul3A_628 : i32
      %scan3A_631 = arith.constant 0 : i32
      %scan3A_632 = arith.constant 8 : i32
      %scan3A_633 = arith.addi %scan3A_631, %scan3A_632 : i32
      %scan3A_634 = arith.constant 1 : i32
      scf.for %scan3A_636 = %scan3A_631 to %scan3A_633 step %scan3A_634  : i32 {
        %mul3A_637 = arith.constant 1 : i32
        %mul3A_638 = arith.muli %scan3A_636, %mul3A_637 : i32
        %add3A_639 = arith.constant 0 : i32
        %add3A_640 = arith.addi %add3A_639, %mul3A_638 : i32
        %mul3A_641 = arith.constant 16 : i32
        %mul3A_642 = arith.muli %add3A_640, %mul3A_641 : i32
        %get3A = arith.index_cast %add3A_630 : i32 to index
        %get3A_643 = arith.index_cast %mul3A_642 : i32 to index
        %get3A_644 = tpu.vector_load %arg6[%get3A, %get3A_643] {strides = array<i32>} : memref<80x128xi32, #tpu.memory_space<vmem>>, vector<16xi32>,
        tpu.vector_store_idx %arg4[%get3A_644], %broadcast_in_dim3A_5 {add = true} : memref<10240xf32, #tpu.memory_space<vmem>>[vector<16xi32>], vector<16xf32>,
      }
      %scan3A_635 = arith.constant 8 : i32
    }
    %scan3A_14 = arith.constant 80 : i32
    %dma_start3A = arith.constant 0 : i32
    %dma_start3A_15 = arith.constant 0 : i32
    %dma_start3A_16 = tpu.memref_slice %arg4[%dma_start3A_15] : memref<10240xf32, #tpu.memory_space<vmem>> -> memref<640xf32, #tpu.memory_space<vmem>>
    %dma_start3A_17 = arith.constant 0 : i32
    %dma_start3A_18 = arith.constant 0 : i32
    %dma_start3A_19 = tpu.memref_slice %arg7[%dma_start3A, %dma_start3A_17, %dma_start3A_18] : memref<16x16x640xf32, #tpu.memory_space<vmem_shared>> -> memref<1x16x640xf32, #tpu.memory_space<vmem_shared>>
    %dma_start3A_20 = tpu.memref_squeeze %dma_start3A_19 : memref<1x16x640xf32, #tpu.memory_space<vmem_shared>> -> memref<16x640xf32, #tpu.memory_space<vmem_shared>>
    %dma_start3A_21 = arith.constant 0 : i32
    %dma_start3A_22 = tpu.memref_slice %dma_start3A_20[%arg1, %dma_start3A_21] : memref<16x640xf32, #tpu.memory_space<vmem_shared>> -> memref<1x640xf32, #tpu.memory_space<vmem_shared>>
    %dma_start3A_23 = tpu.memref_squeeze %dma_start3A_22 : memref<1x640xf32, #tpu.memory_space<vmem_shared>> -> memref<640xf32, #tpu.memory_space<vmem_shared>>
    %dma_start3A_24 = arith.constant 0 : i32
    %dma_start3A_25 = arith.constant 0 : i32
    %dma_start3A_26 = tpu.memref_slice %arg7[%dma_start3A, %dma_start3A_24, %dma_start3A_25] : memref<16x16x640xf32, #tpu.memory_space<vmem_shared>> -> memref<1x16x640xf32, #tpu.memory_space<vmem_shared>>
    %dma_start3A_27 = tpu.memref_squeeze %dma_start3A_26 : memref<1x16x640xf32, #tpu.memory_space<vmem_shared>> -> memref<16x640xf32, #tpu.memory_space<vmem_shared>>
    %dma_start3A_28 = arith.constant 0 : i32
    %dma_start3A_29 = tpu.memref_slice %dma_start3A_27[%arg1, %dma_start3A_28] : memref<16x640xf32, #tpu.memory_space<vmem_shared>> -> memref<1x640xf32, #tpu.memory_space<vmem_shared>>
    %dma_start3A_30 = tpu.memref_squeeze %dma_start3A_29 : memref<1x640xf32, #tpu.memory_space<vmem_shared>> -> memref<640xf32, #tpu.memory_space<vmem_shared>>
    %dma_start3A_31 = arith.constant 0 : i32
    %dma_start3A_32 = tpu.memref_slice %arg4[%dma_start3A_31] : memref<10240xf32, #tpu.memory_space<vmem>> -> memref<640xf32, #tpu.memory_space<vmem>>
    tpu.enqueue_dma source(%dma_start3A_32 : memref<640xf32, #tpu.memory_space<vmem>>) target(%dma_start3A_30 : memref<640xf32, #tpu.memory_space<vmem_shared>>) target_semaphore(%arg8 : memref<!tpu.dma_semaphore, #tpu.memory_space<semaphore_mem>>)
    %dma_start3A_33 = arith.constant 1 : i32
    %dma_start3A_34 = arith.constant 640 : i32
    %dma_start3A_35 = tpu.memref_slice %arg4[%dma_start3A_34] : memref<10240xf32, #tpu.memory_space<vmem>> -> memref<640xf32, #tpu.memory_space<vmem>>
    %dma_start3A_36 = arith.constant 0 : i32
    %dma_start3A_37 = arith.constant 0 : i32
    %dma_start3A_38 = tpu.memref_slice %arg7[%dma_start3A_33, %dma_start3A_36, %dma_start3A_37] : memref<16x16x640xf32, #tpu.memory_space<vmem_shared>> -> memref<1x16x640xf32, #tpu.memory_space<vmem_shared>>
    %dma_start3A_39 = tpu.memref_squeeze %dma_start3A_38 : memref<1x16x640xf32, #tpu.memory_space<vmem_shared>> -> memref<16x640xf32, #tpu.memory_space<vmem_shared>>
    %dma_start3A_40 = arith.constant 0 : i32
    %dma_start3A_41 = tpu.memref_slice %dma_start3A_39[%arg1, %dma_start3A_40] : memref<16x640xf32, #tpu.memory_space<vmem_shared>> -> memref<1x640xf32, #tpu.memory_space<vmem_shared>>
    %dma_start3A_42 = tpu.memref_squeeze %dma_start3A_41 : memref<1x640xf32, #tpu.memory_space<vmem_shared>> -> memref<640xf32, #tpu.memory_space<vmem_shared>>
    %dma_start3A_43 = arith.constant 0 : i32
    %dma_start3A_44 = arith.constant 0 : i32
    %dma_start3A_45 = tpu.memref_slice %arg7[%dma_start3A_33, %dma_start3A_43, %dma_start3A_44] : memref<16x16x640xf32, #tpu.memory_space<vmem_shared>> -> memref<1x16x640xf32, #tpu.memory_space<vmem_shared>>
    %dma_start3A_46 = tpu.memref_squeeze %dma_start3A_45 : memref<1x16x640xf32, #tpu.memory_space<vmem_shared>> -> memref<16x640xf32, #tpu.memory_space<vmem_shared>>
    %dma_start3A_47 = arith.constant 0 : i32
    %dma_start3A_48 = tpu.memref_slice %dma_start3A_46[%arg1, %dma_start3A_47] : memref<16x640xf32, #tpu.memory_space<vmem_shared>> -> memref<1x640xf32, #tpu.memory_space<vmem_shared>>
    %dma_start3A_49 = tpu.memref_squeeze %dma_start3A_48 : memref<1x640xf32, #tpu.memory_space<vmem_shared>> -> memref<640xf32, #tpu.memory_space<vmem_shared>>
    %dma_start3A_50 = arith.constant 640 : i32
    %dma_start3A_51 = tpu.memref_slice %arg4[%dma_start3A_50] : memref<10240xf32, #tpu.memory_space<vmem>> -> memref<640xf32, #tpu.memory_space<vmem>>
    tpu.enqueue_dma source(%dma_start3A_51 : memref<640xf32, #tpu.memory_space<vmem>>) target(%dma_start3A_49 : memref<640xf32, #tpu.memory_space<vmem_shared>>) target_semaphore(%arg8 : memref<!tpu.dma_semaphore, #tpu.memory_space<semaphore_mem>>)
    %dma_start3A_52 = arith.constant 2 : i32
    %dma_start3A_53 = arith.constant 1280 : i32
    %dma_start3A_54 = tpu.memref_slice %arg4[%dma_start3A_53] : memref<10240xf32, #tpu.memory_space<vmem>> -> memref<640xf32, #tpu.memory_space<vmem>>
    %dma_start3A_55 = arith.constant 0 : i32
    %dma_start3A_56 = arith.constant 0 : i32
    %dma_start3A_57 = tpu.memref_slice %arg7[%dma_start3A_52, %dma_start3A_55, %dma_start3A_56] : memref<16x16x640xf32, #tpu.memory_space<vmem_shared>> -> memref<1x16x640xf32, #tpu.memory_space<vmem_shared>>
    %dma_start3A_58 = tpu.memref_squeeze %dma_start3A_57 : memref<1x16x640xf32, #tpu.memory_space<vmem_shared>> -> memref<16x640xf32, #tpu.memory_space<vmem_shared>>
    %dma_start3A_59 = arith.constant 0 : i32
    %dma_start3A_60 = tpu.memref_slice %dma_start3A_58[%arg1, %dma_start3A_59] : memref<16x640xf32, #tpu.memory_space<vmem_shared>> -> memref<1x640xf32, #tpu.memory_space<vmem_shared>>
    %dma_start3A_61 = tpu.memref_squeeze %dma_start3A_60 : memref<1x640xf32, #tpu.memory_space<vmem_shared>> -> memref<640xf32, #tpu.memory_space<vmem_shared>>
    %dma_start3A_62 = arith.constant 0 : i32
    %dma_start3A_63 = arith.constant 0 : i32
    %dma_start3A_64 = tpu.memref_slice %arg7[%dma_start3A_52, %dma_start3A_62, %dma_start3A_63] : memref<16x16x640xf32, #tpu.memory_space<vmem_shared>> -> memref<1x16x640xf32, #tpu.memory_space<vmem_shared>>
    %dma_start3A_65 = tpu.memref_squeeze %dma_start3A_64 : memref<1x16x640xf32, #tpu.memory_space<vmem_shared>> -> memref<16x640xf32, #tpu.memory_space<vmem_shared>>
    %dma_start3A_66 = arith.constant 0 : i32
    %dma_start3A_67 = tpu.memref_slice %dma_start3A_65[%arg1, %dma_start3A_66] : memref<16x640xf32, #tpu.memory_space<vmem_shared>> -> memref<1x640xf32, #tpu.memory_space<vmem_shared>>
    %dma_start3A_68 = tpu.memref_squeeze %dma_start3A_67 : memref<1x640xf32, #tpu.memory_space<vmem_shared>> -> memref<640xf32, #tpu.memory_space<vmem_shared>>
    %dma_start3A_69 = arith.constant 1280 : i32
    %dma_start3A_70 = tpu.memref_slice %arg4[%dma_start3A_69] : memref<10240xf32, #tpu.memory_space<vmem>> -> memref<640xf32, #tpu.memory_space<vmem>>
    tpu.enqueue_dma source(%dma_start3A_70 : memref<640xf32, #tpu.memory_space<vmem>>) target(%dma_start3A_68 : memref<640xf32, #tpu.memory_space<vmem_shared>>) target_semaphore(%arg8 : memref<!tpu.dma_semaphore, #tpu.memory_space<semaphore_mem>>)
    %dma_start3A_71 = arith.constant 3 : i32
    %dma_start3A_72 = arith.constant 1920 : i32
    %dma_start3A_73 = tpu.memref_slice %arg4[%dma_start3A_72] : memref<10240xf32, #tpu.memory_space<vmem>> -> memref<640xf32, #tpu.memory_space<vmem>>
    %dma_start3A_74 = arith.constant 0 : i32
    %dma_start3A_75 = arith.constant 0 : i32
    %dma_start3A_76 = tpu.memref_slice %arg7[%dma_start3A_71, %dma_start3A_74, %dma_start3A_75] : memref<16x16x640xf32, #tpu.memory_space<vmem_shared>> -> memref<1x16x640xf32, #tpu.memory_space<vmem_shared>>
    %dma_start3A_77 = tpu.memref_squeeze %dma_start3A_76 : memref<1x16x640xf32, #tpu.memory_space<vmem_shared>> -> memref<16x640xf32, #tpu.memory_space<vmem_shared>>
    %dma_start3A_78 = arith.constant 0 : i32
    %dma_start3A_79 = tpu.memref_slice %dma_start3A_77[%arg1, %dma_start3A_78] : memref<16x640xf32, #tpu.memory_space<vmem_shared>> -> memref<1x640xf32, #tpu.memory_space<vmem_shared>>
    %dma_start3A_80 = tpu.memref_squeeze %dma_start3A_79 : memref<1x640xf32, #tpu.memory_space<vmem_shared>> -> memref<640xf32, #tpu.memory_space<vmem_shared>>
    %dma_start3A_81 = arith.constant 0 : i32
    %dma_start3A_82 = arith.constant 0 : i32
    %dma_start3A_83 = tpu.memref_slice %arg7[%dma_start3A_71, %dma_start3A_81, %dma_start3A_82] : memref<16x16x640xf32, #tpu.memory_space<vmem_shared>> -> memref<1x16x640xf32, #tpu.memory_space<vmem_shared>>
    %dma_start3A_84 = tpu.memref_squeeze %dma_start3A_83 : memref<1x16x640xf32, #tpu.memory_space<vmem_shared>> -> memref<16x640xf32, #tpu.memory_space<vmem_shared>>
    %dma_start3A_85 = arith.constant 0 : i32
    %dma_start3A_86 = tpu.memref_slice %dma_start3A_84[%arg1, %dma_start3A_85] : memref<16x640xf32, #tpu.memory_space<vmem_shared>> -> memref<1x640xf32, #tpu.memory_space<vmem_shared>>
    %dma_start3A_87 = tpu.memref_squeeze %dma_start3A_86 : memref<1x640xf32, #tpu.memory_space<vmem_shared>> -> memref<640xf32, #tpu.memory_space<vmem_shared>>
    %dma_start3A_88 = arith.constant 1920 : i32
    %dma_start3A_89 = tpu.memref_slice %arg4[%dma_start3A_88] : memref<10240xf32, #tpu.memory_space<vmem>> -> memref<640xf32, #tpu.memory_space<vmem>>
    tpu.enqueue_dma source(%dma_start3A_89 : memref<640xf32, #tpu.memory_space<vmem>>) target(%dma_start3A_87 : memref<640xf32, #tpu.memory_space<vmem_shared>>) target_semaphore(%arg8 : memref<!tpu.dma_semaphore, #tpu.memory_space<semaphore_mem>>)
    %dma_start3A_90 = arith.constant 4 : i32
    %dma_start3A_91 = arith.constant 2560 : i32
    %dma_start3A_92 = tpu.memref_slice %arg4[%dma_start3A_91] : memref<10240xf32, #tpu.memory_space<vmem>> -> memref<640xf32, #tpu.memory_space<vmem>>
    %dma_start3A_93 = arith.constant 0 : i32
    %dma_start3A_94 = arith.constant 0 : i32
    %dma_start3A_95 = tpu.memref_slice %arg7[%dma_start3A_90, %dma_start3A_93, %dma_start3A_94] : memref<16x16x640xf32, #tpu.memory_space<vmem_shared>> -> memref<1x16x640xf32, #tpu.memory_space<vmem_shared>>
    %dma_start3A_96 = tpu.memref_squeeze %dma_start3A_95 : memref<1x16x640xf32, #tpu.memory_space<vmem_shared>> -> memref<16x640xf32, #tpu.memory_space<vmem_shared>>
    %dma_start3A_97 = arith.constant 0 : i32
    %dma_start3A_98 = tpu.memref_slice %dma_start3A_96[%arg1, %dma_start3A_97] : memref<16x640xf32, #tpu.memory_space<vmem_shared>> -> memref<1x640xf32, #tpu.memory_space<vmem_shared>>
    %dma_start3A_99 = tpu.memref_squeeze %dma_start3A_98 : memref<1x640xf32, #tpu.memory_space<vmem_shared>> -> memref<640xf32, #tpu.memory_space<vmem_shared>>
    %dma_start3A_100 = arith.constant 0 : i32
    %dma_start3A_101 = arith.constant 0 : i32
    %dma_start3A_102 = tpu.memref_slice %arg7[%dma_start3A_90, %dma_start3A_100, %dma_start3A_101] : memref<16x16x640xf32, #tpu.memory_space<vmem_shared>> -> memref<1x16x640xf32, #tpu.memory_space<vmem_shared>>
    %dma_start3A_103 = tpu.memref_squeeze %dma_start3A_102 : memref<1x16x640xf32, #tpu.memory_space<vmem_shared>> -> memref<16x640xf32, #tpu.memory_space<vmem_shared>>
    %dma_start3A_104 = arith.constant 0 : i32
    %dma_start3A_105 = tpu.memref_slice %dma_start3A_103[%arg1, %dma_start3A_104] : memref<16x640xf32, #tpu.memory_space<vmem_shared>> -> memref<1x640xf32, #tpu.memory_space<vmem_shared>>
    %dma_start3A_106 = tpu.memref_squeeze %dma_start3A_105 : memref<1x640xf32, #tpu.memory_space<vmem_shared>> -> memref<640xf32, #tpu.memory_space<vmem_shared>>
    %dma_start3A_107 = arith.constant 2560 : i32
    %dma_start3A_108 = tpu.memref_slice %arg4[%dma_start3A_107] : memref<10240xf32, #tpu.memory_space<vmem>> -> memref<640xf32, #tpu.memory_space<vmem>>
    tpu.enqueue_dma source(%dma_start3A_108 : memref<640xf32, #tpu.memory_space<vmem>>) target(%dma_start3A_106 : memref<640xf32, #tpu.memory_space<vmem_shared>>) target_semaphore(%arg8 : memref<!tpu.dma_semaphore, #tpu.memory_space<semaphore_mem>>)
    %dma_start3A_109 = arith.constant 5 : i32
    %dma_start3A_110 = arith.constant 3200 : i32
    %dma_start3A_111 = tpu.memref_slice %arg4[%dma_start3A_110] : memref<10240xf32, #tpu.memory_space<vmem>> -> memref<640xf32, #tpu.memory_space<vmem>>
    %dma_start3A_112 = arith.constant 0 : i32
    %dma_start3A_113 = arith.constant 0 : i32
    %dma_start3A_114 = tpu.memref_slice %arg7[%dma_start3A_109, %dma_start3A_112, %dma_start3A_113] : memref<16x16x640xf32, #tpu.memory_space<vmem_shared>> -> memref<1x16x640xf32, #tpu.memory_space<vmem_shared>>
    %dma_start3A_115 = tpu.memref_squeeze %dma_start3A_114 : memref<1x16x640xf32, #tpu.memory_space<vmem_shared>> -> memref<16x640xf32, #tpu.memory_space<vmem_shared>>
    %dma_start3A_116 = arith.constant 0 : i32
    %dma_start3A_117 = tpu.memref_slice %dma_start3A_115[%arg1, %dma_start3A_116] : memref<16x640xf32, #tpu.memory_space<vmem_shared>> -> memref<1x640xf32, #tpu.memory_space<vmem_shared>>
    %dma_start3A_118 = tpu.memref_squeeze %dma_start3A_117 : memref<1x640xf32, #tpu.memory_space<vmem_shared>> -> memref<640xf32, #tpu.memory_space<vmem_shared>>
    %dma_start3A_119 = arith.constant 0 : i32
    %dma_start3A_120 = arith.constant 0 : i32
    %dma_start3A_121 = tpu.memref_slice %arg7[%dma_start3A_109, %dma_start3A_119, %dma_start3A_120] : memref<16x16x640xf32, #tpu.memory_space<vmem_shared>> -> memref<1x16x640xf32, #tpu.memory_space<vmem_shared>>
    %dma_start3A_122 = tpu.memref_squeeze %dma_start3A_121 : memref<1x16x640xf32, #tpu.memory_space<vmem_shared>> -> memref<16x640xf32, #tpu.memory_space<vmem_shared>>
    %dma_start3A_123 = arith.constant 0 : i32
    %dma_start3A_124 = tpu.memref_slice %dma_start3A_122[%arg1, %dma_start3A_123] : memref<16x640xf32, #tpu.memory_space<vmem_shared>> -> memref<1x640xf32, #tpu.memory_space<vmem_shared>>
    %dma_start3A_125 = tpu.memref_squeeze %dma_start3A_124 : memref<1x640xf32, #tpu.memory_space<vmem_shared>> -> memref<640xf32, #tpu.memory_space<vmem_shared>>
    %dma_start3A_126 = arith.constant 3200 : i32
    %dma_start3A_127 = tpu.memref_slice %arg4[%dma_start3A_126] : memref<10240xf32, #tpu.memory_space<vmem>> -> memref<640xf32, #tpu.memory_space<vmem>>
    tpu.enqueue_dma source(%dma_start3A_127 : memref<640xf32, #tpu.memory_space<vmem>>) target(%dma_start3A_125 : memref<640xf32, #tpu.memory_space<vmem_shared>>) target_semaphore(%arg8 : memref<!tpu.dma_semaphore, #tpu.memory_space<semaphore_mem>>)
    %dma_start3A_128 = arith.constant 6 : i32
    %dma_start3A_129 = arith.constant 3840 : i32
    %dma_start3A_130 = tpu.memref_slice %arg4[%dma_start3A_129] : memref<10240xf32, #tpu.memory_space<vmem>> -> memref<640xf32, #tpu.memory_space<vmem>>
    %dma_start3A_131 = arith.constant 0 : i32
    %dma_start3A_132 = arith.constant 0 : i32
    %dma_start3A_133 = tpu.memref_slice %arg7[%dma_start3A_128, %dma_start3A_131, %dma_start3A_132] : memref<16x16x640xf32, #tpu.memory_space<vmem_shared>> -> memref<1x16x640xf32, #tpu.memory_space<vmem_shared>>
    %dma_start3A_134 = tpu.memref_squeeze %dma_start3A_133 : memref<1x16x640xf32, #tpu.memory_space<vmem_shared>> -> memref<16x640xf32, #tpu.memory_space<vmem_shared>>
    %dma_start3A_135 = arith.constant 0 : i32
    %dma_start3A_136 = tpu.memref_slice %dma_start3A_134[%arg1, %dma_start3A_135] : memref<16x640xf32, #tpu.memory_space<vmem_shared>> -> memref<1x640xf32, #tpu.memory_space<vmem_shared>>
    %dma_start3A_137 = tpu.memref_squeeze %dma_start3A_136 : memref<1x640xf32, #tpu.memory_space<vmem_shared>> -> memref<640xf32, #tpu.memory_space<vmem_shared>>
    %dma_start3A_138 = arith.constant 0 : i32
    %dma_start3A_139 = arith.constant 0 : i32
    %dma_start3A_140 = tpu.memref_slice %arg7[%dma_start3A_128, %dma_start3A_138, %dma_start3A_139] : memref<16x16x640xf32, #tpu.memory_space<vmem_shared>> -> memref<1x16x640xf32, #tpu.memory_space<vmem_shared>>
    %dma_start3A_141 = tpu.memref_squeeze %dma_start3A_140 : memref<1x16x640xf32, #tpu.memory_space<vmem_shared>> -> memref<16x640xf32, #tpu.memory_space<vmem_shared>>
    %dma_start3A_142 = arith.constant 0 : i32
    %dma_start3A_143 = tpu.memref_slice %dma_start3A_141[%arg1, %dma_start3A_142] : memref<16x640xf32, #tpu.memory_space<vmem_shared>> -> memref<1x640xf32, #tpu.memory_space<vmem_shared>>
    %dma_start3A_144 = tpu.memref_squeeze %dma_start3A_143 : memref<1x640xf32, #tpu.memory_space<vmem_shared>> -> memref<640xf32, #tpu.memory_space<vmem_shared>>
    %dma_start3A_145 = arith.constant 3840 : i32
    %dma_start3A_146 = tpu.memref_slice %arg4[%dma_start3A_145] : memref<10240xf32, #tpu.memory_space<vmem>> -> memref<640xf32, #tpu.memory_space<vmem>>
    tpu.enqueue_dma source(%dma_start3A_146 : memref<640xf32, #tpu.memory_space<vmem>>) target(%dma_start3A_144 : memref<640xf32, #tpu.memory_space<vmem_shared>>) target_semaphore(%arg8 : memref<!tpu.dma_semaphore, #tpu.memory_space<semaphore_mem>>)
    %dma_start3A_147 = arith.constant 7 : i32
    %dma_start3A_148 = arith.constant 4480 : i32
    %dma_start3A_149 = tpu.memref_slice %arg4[%dma_start3A_148] : memref<10240xf32, #tpu.memory_space<vmem>> -> memref<640xf32, #tpu.memory_space<vmem>>
    %dma_start3A_150 = arith.constant 0 : i32
    %dma_start3A_151 = arith.constant 0 : i32
    %dma_start3A_152 = tpu.memref_slice %arg7[%dma_start3A_147, %dma_start3A_150, %dma_start3A_151] : memref<16x16x640xf32, #tpu.memory_space<vmem_shared>> -> memref<1x16x640xf32, #tpu.memory_space<vmem_shared>>
    %dma_start3A_153 = tpu.memref_squeeze %dma_start3A_152 : memref<1x16x640xf32, #tpu.memory_space<vmem_shared>> -> memref<16x640xf32, #tpu.memory_space<vmem_shared>>
    %dma_start3A_154 = arith.constant 0 : i32
    %dma_start3A_155 = tpu.memref_slice %dma_start3A_153[%arg1, %dma_start3A_154] : memref<16x640xf32, #tpu.memory_space<vmem_shared>> -> memref<1x640xf32, #tpu.memory_space<vmem_shared>>
    %dma_start3A_156 = tpu.memref_squeeze %dma_start3A_155 : memref<1x640xf32, #tpu.memory_space<vmem_shared>> -> memref<640xf32, #tpu.memory_space<vmem_shared>>
    %dma_start3A_157 = arith.constant 0 : i32
    %dma_start3A_158 = arith.constant 0 : i32
    %dma_start3A_159 = tpu.memref_slice %arg7[%dma_start3A_147, %dma_start3A_157, %dma_start3A_158] : memref<16x16x640xf32, #tpu.memory_space<vmem_shared>> -> memref<1x16x640xf32, #tpu.memory_space<vmem_shared>>
    %dma_start3A_160 = tpu.memref_squeeze %dma_start3A_159 : memref<1x16x640xf32, #tpu.memory_space<vmem_shared>> -> memref<16x640xf32, #tpu.memory_space<vmem_shared>>
    %dma_start3A_161 = arith.constant 0 : i32
    %dma_start3A_162 = tpu.memref_slice %dma_start3A_160[%arg1, %dma_start3A_161] : memref<16x640xf32, #tpu.memory_space<vmem_shared>> -> memref<1x640xf32, #tpu.memory_space<vmem_shared>>
    %dma_start3A_163 = tpu.memref_squeeze %dma_start3A_162 : memref<1x640xf32, #tpu.memory_space<vmem_shared>> -> memref<640xf32, #tpu.memory_space<vmem_shared>>
    %dma_start3A_164 = arith.constant 4480 : i32
    %dma_start3A_165 = tpu.memref_slice %arg4[%dma_start3A_164] : memref<10240xf32, #tpu.memory_space<vmem>> -> memref<640xf32, #tpu.memory_space<vmem>>
    tpu.enqueue_dma source(%dma_start3A_165 : memref<640xf32, #tpu.memory_space<vmem>>) target(%dma_start3A_163 : memref<640xf32, #tpu.memory_space<vmem_shared>>) target_semaphore(%arg8 : memref<!tpu.dma_semaphore, #tpu.memory_space<semaphore_mem>>)
    %dma_start3A_166 = arith.constant 8 : i32
    %dma_start3A_167 = arith.constant 5120 : i32
    %dma_start3A_168 = tpu.memref_slice %arg4[%dma_start3A_167] : memref<10240xf32, #tpu.memory_space<vmem>> -> memref<640xf32, #tpu.memory_space<vmem>>
    %dma_start3A_169 = arith.constant 0 : i32
    %dma_start3A_170 = arith.constant 0 : i32
    %dma_start3A_171 = tpu.memref_slice %arg7[%dma_start3A_166, %dma_start3A_169, %dma_start3A_170] : memref<16x16x640xf32, #tpu.memory_space<vmem_shared>> -> memref<1x16x640xf32, #tpu.memory_space<vmem_shared>>
    %dma_start3A_172 = tpu.memref_squeeze %dma_start3A_171 : memref<1x16x640xf32, #tpu.memory_space<vmem_shared>> -> memref<16x640xf32, #tpu.memory_space<vmem_shared>>
    %dma_start3A_173 = arith.constant 0 : i32
    %dma_start3A_174 = tpu.memref_slice %dma_start3A_172[%arg1, %dma_start3A_173] : memref<16x640xf32, #tpu.memory_space<vmem_shared>> -> memref<1x640xf32, #tpu.memory_space<vmem_shared>>
    %dma_start3A_175 = tpu.memref_squeeze %dma_start3A_174 : memref<1x640xf32, #tpu.memory_space<vmem_shared>> -> memref<640xf32, #tpu.memory_space<vmem_shared>>
    %dma_start3A_176 = arith.constant 0 : i32
    %dma_start3A_177 = arith.constant 0 : i32
    %dma_start3A_178 = tpu.memref_slice %arg7[%dma_start3A_166, %dma_start3A_176, %dma_start3A_177] : memref<16x16x640xf32, #tpu.memory_space<vmem_shared>> -> memref<1x16x640xf32, #tpu.memory_space<vmem_shared>>
    %dma_start3A_179 = tpu.memref_squeeze %dma_start3A_178 : memref<1x16x640xf32, #tpu.memory_space<vmem_shared>> -> memref<16x640xf32, #tpu.memory_space<vmem_shared>>
    %dma_start3A_180 = arith.constant 0 : i32
    %dma_start3A_181 = tpu.memref_slice %dma_start3A_179[%arg1, %dma_start3A_180] : memref<16x640xf32, #tpu.memory_space<vmem_shared>> -> memref<1x640xf32, #tpu.memory_space<vmem_shared>>
    %dma_start3A_182 = tpu.memref_squeeze %dma_start3A_181 : memref<1x640xf32, #tpu.memory_space<vmem_shared>> -> memref<640xf32, #tpu.memory_space<vmem_shared>>
    %dma_start3A_183 = arith.constant 5120 : i32
    %dma_start3A_184 = tpu.memref_slice %arg4[%dma_start3A_183] : memref<10240xf32, #tpu.memory_space<vmem>> -> memref<640xf32, #tpu.memory_space<vmem>>
    tpu.enqueue_dma source(%dma_start3A_184 : memref<640xf32, #tpu.memory_space<vmem>>) target(%dma_start3A_182 : memref<640xf32, #tpu.memory_space<vmem_shared>>) target_semaphore(%arg8 : memref<!tpu.dma_semaphore, #tpu.memory_space<semaphore_mem>>)
    %dma_start3A_185 = arith.constant 9 : i32
    %dma_start3A_186 = arith.constant 5760 : i32
    %dma_start3A_187 = tpu.memref_slice %arg4[%dma_start3A_186] : memref<10240xf32, #tpu.memory_space<vmem>> -> memref<640xf32, #tpu.memory_space<vmem>>
    %dma_start3A_188 = arith.constant 0 : i32
    %dma_start3A_189 = arith.constant 0 : i32
    %dma_start3A_190 = tpu.memref_slice %arg7[%dma_start3A_185, %dma_start3A_188, %dma_start3A_189] : memref<16x16x640xf32, #tpu.memory_space<vmem_shared>> -> memref<1x16x640xf32, #tpu.memory_space<vmem_shared>>
    %dma_start3A_191 = tpu.memref_squeeze %dma_start3A_190 : memref<1x16x640xf32, #tpu.memory_space<vmem_shared>> -> memref<16x640xf32, #tpu.memory_space<vmem_shared>>
    %dma_start3A_192 = arith.constant 0 : i32
    %dma_start3A_193 = tpu.memref_slice %dma_start3A_191[%arg1, %dma_start3A_192] : memref<16x640xf32, #tpu.memory_space<vmem_shared>> -> memref<1x640xf32, #tpu.memory_space<vmem_shared>>
    %dma_start3A_194 = tpu.memref_squeeze %dma_start3A_193 : memref<1x640xf32, #tpu.memory_space<vmem_shared>> -> memref<640xf32, #tpu.memory_space<vmem_shared>>
    %dma_start3A_195 = arith.constant 0 : i32
    %dma_start3A_196 = arith.constant 0 : i32
    %dma_start3A_197 = tpu.memref_slice %arg7[%dma_start3A_185, %dma_start3A_195, %dma_start3A_196] : memref<16x16x640xf32, #tpu.memory_space<vmem_shared>> -> memref<1x16x640xf32, #tpu.memory_space<vmem_shared>>
    %dma_start3A_198 = tpu.memref_squeeze %dma_start3A_197 : memref<1x16x640xf32, #tpu.memory_space<vmem_shared>> -> memref<16x640xf32, #tpu.memory_space<vmem_shared>>
    %dma_start3A_199 = arith.constant 0 : i32
    %dma_start3A_200 = tpu.memref_slice %dma_start3A_198[%arg1, %dma_start3A_199] : memref<16x640xf32, #tpu.memory_space<vmem_shared>> -> memref<1x640xf32, #tpu.memory_space<vmem_shared>>
    %dma_start3A_201 = tpu.memref_squeeze %dma_start3A_200 : memref<1x640xf32, #tpu.memory_space<vmem_shared>> -> memref<640xf32, #tpu.memory_space<vmem_shared>>
    %dma_start3A_202 = arith.constant 5760 : i32
    %dma_start3A_203 = tpu.memref_slice %arg4[%dma_start3A_202] : memref<10240xf32, #tpu.memory_space<vmem>> -> memref<640xf32, #tpu.memory_space<vmem>>
    tpu.enqueue_dma source(%dma_start3A_203 : memref<640xf32, #tpu.memory_space<vmem>>) target(%dma_start3A_201 : memref<640xf32, #tpu.memory_space<vmem_shared>>) target_semaphore(%arg8 : memref<!tpu.dma_semaphore, #tpu.memory_space<semaphore_mem>>)
    %dma_start3A_204 = arith.constant 10 : i32
    %dma_start3A_205 = arith.constant 6400 : i32
    %dma_start3A_206 = tpu.memref_slice %arg4[%dma_start3A_205] : memref<10240xf32, #tpu.memory_space<vmem>> -> memref<640xf32, #tpu.memory_space<vmem>>
    %dma_start3A_207 = arith.constant 0 : i32
    %dma_start3A_208 = arith.constant 0 : i32
    %dma_start3A_209 = tpu.memref_slice %arg7[%dma_start3A_204, %dma_start3A_207, %dma_start3A_208] : memref<16x16x640xf32, #tpu.memory_space<vmem_shared>> -> memref<1x16x640xf32, #tpu.memory_space<vmem_shared>>
    %dma_start3A_210 = tpu.memref_squeeze %dma_start3A_209 : memref<1x16x640xf32, #tpu.memory_space<vmem_shared>> -> memref<16x640xf32, #tpu.memory_space<vmem_shared>>
    %dma_start3A_211 = arith.constant 0 : i32
    %dma_start3A_212 = tpu.memref_slice %dma_start3A_210[%arg1, %dma_start3A_211] : memref<16x640xf32, #tpu.memory_space<vmem_shared>> -> memref<1x640xf32, #tpu.memory_space<vmem_shared>>
    %dma_start3A_213 = tpu.memref_squeeze %dma_start3A_212 : memref<1x640xf32, #tpu.memory_space<vmem_shared>> -> memref<640xf32, #tpu.memory_space<vmem_shared>>
    %dma_start3A_214 = arith.constant 0 : i32
    %dma_start3A_215 = arith.constant 0 : i32
    %dma_start3A_216 = tpu.memref_slice %arg7[%dma_start3A_204, %dma_start3A_214, %dma_start3A_215] : memref<16x16x640xf32, #tpu.memory_space<vmem_shared>> -> memref<1x16x640xf32, #tpu.memory_space<vmem_shared>>
    %dma_start3A_217 = tpu.memref_squeeze %dma_start3A_216 : memref<1x16x640xf32, #tpu.memory_space<vmem_shared>> -> memref<16x640xf32, #tpu.memory_space<vmem_shared>>
    %dma_start3A_218 = arith.constant 0 : i32
    %dma_start3A_219 = tpu.memref_slice %dma_start3A_217[%arg1, %dma_start3A_218] : memref<16x640xf32, #tpu.memory_space<vmem_shared>> -> memref<1x640xf32, #tpu.memory_space<vmem_shared>>
    %dma_start3A_220 = tpu.memref_squeeze %dma_start3A_219 : memref<1x640xf32, #tpu.memory_space<vmem_shared>> -> memref<640xf32, #tpu.memory_space<vmem_shared>>
    %dma_start3A_221 = arith.constant 6400 : i32
    %dma_start3A_222 = tpu.memref_slice %arg4[%dma_start3A_221] : memref<10240xf32, #tpu.memory_space<vmem>> -> memref<640xf32, #tpu.memory_space<vmem>>
    tpu.enqueue_dma source(%dma_start3A_222 : memref<640xf32, #tpu.memory_space<vmem>>) target(%dma_start3A_220 : memref<640xf32, #tpu.memory_space<vmem_shared>>) target_semaphore(%arg8 : memref<!tpu.dma_semaphore, #tpu.memory_space<semaphore_mem>>)
    %dma_start3A_223 = arith.constant 11 : i32
    %dma_start3A_224 = arith.constant 7040 : i32
    %dma_start3A_225 = tpu.memref_slice %arg4[%dma_start3A_224] : memref<10240xf32, #tpu.memory_space<vmem>> -> memref<640xf32, #tpu.memory_space<vmem>>
    %dma_start3A_226 = arith.constant 0 : i32
    %dma_start3A_227 = arith.constant 0 : i32
    %dma_start3A_228 = tpu.memref_slice %arg7[%dma_start3A_223, %dma_start3A_226, %dma_start3A_227] : memref<16x16x640xf32, #tpu.memory_space<vmem_shared>> -> memref<1x16x640xf32, #tpu.memory_space<vmem_shared>>
    %dma_start3A_229 = tpu.memref_squeeze %dma_start3A_228 : memref<1x16x640xf32, #tpu.memory_space<vmem_shared>> -> memref<16x640xf32, #tpu.memory_space<vmem_shared>>
    %dma_start3A_230 = arith.constant 0 : i32
    %dma_start3A_231 = tpu.memref_slice %dma_start3A_229[%arg1, %dma_start3A_230] : memref<16x640xf32, #tpu.memory_space<vmem_shared>> -> memref<1x640xf32, #tpu.memory_space<vmem_shared>>
    %dma_start3A_232 = tpu.memref_squeeze %dma_start3A_231 : memref<1x640xf32, #tpu.memory_space<vmem_shared>> -> memref<640xf32, #tpu.memory_space<vmem_shared>>
    %dma_start3A_233 = arith.constant 0 : i32
    %dma_start3A_234 = arith.constant 0 : i32
    %dma_start3A_235 = tpu.memref_slice %arg7[%dma_start3A_223, %dma_start3A_233, %dma_start3A_234] : memref<16x16x640xf32, #tpu.memory_space<vmem_shared>> -> memref<1x16x640xf32, #tpu.memory_space<vmem_shared>>
    %dma_start3A_236 = tpu.memref_squeeze %dma_start3A_235 : memref<1x16x640xf32, #tpu.memory_space<vmem_shared>> -> memref<16x640xf32, #tpu.memory_space<vmem_shared>>
    %dma_start3A_237 = arith.constant 0 : i32
    %dma_start3A_238 = tpu.memref_slice %dma_start3A_236[%arg1, %dma_start3A_237] : memref<16x640xf32, #tpu.memory_space<vmem_shared>> -> memref<1x640xf32, #tpu.memory_space<vmem_shared>>
    %dma_start3A_239 = tpu.memref_squeeze %dma_start3A_238 : memref<1x640xf32, #tpu.memory_space<vmem_shared>> -> memref<640xf32, #tpu.memory_space<vmem_shared>>
    %dma_start3A_240 = arith.constant 7040 : i32
    %dma_start3A_241 = tpu.memref_slice %arg4[%dma_start3A_240] : memref<10240xf32, #tpu.memory_space<vmem>> -> memref<640xf32, #tpu.memory_space<vmem>>
    tpu.enqueue_dma source(%dma_start3A_241 : memref<640xf32, #tpu.memory_space<vmem>>) target(%dma_start3A_239 : memref<640xf32, #tpu.memory_space<vmem_shared>>) target_semaphore(%arg8 : memref<!tpu.dma_semaphore, #tpu.memory_space<semaphore_mem>>)
    %dma_start3A_242 = arith.constant 12 : i32
    %dma_start3A_243 = arith.constant 7680 : i32
    %dma_start3A_244 = tpu.memref_slice %arg4[%dma_start3A_243] : memref<10240xf32, #tpu.memory_space<vmem>> -> memref<640xf32, #tpu.memory_space<vmem>>
    %dma_start3A_245 = arith.constant 0 : i32
    %dma_start3A_246 = arith.constant 0 : i32
    %dma_start3A_247 = tpu.memref_slice %arg7[%dma_start3A_242, %dma_start3A_245, %dma_start3A_246] : memref<16x16x640xf32, #tpu.memory_space<vmem_shared>> -> memref<1x16x640xf32, #tpu.memory_space<vmem_shared>>
    %dma_start3A_248 = tpu.memref_squeeze %dma_start3A_247 : memref<1x16x640xf32, #tpu.memory_space<vmem_shared>> -> memref<16x640xf32, #tpu.memory_space<vmem_shared>>
    %dma_start3A_249 = arith.constant 0 : i32
    %dma_start3A_250 = tpu.memref_slice %dma_start3A_248[%arg1, %dma_start3A_249] : memref<16x640xf32, #tpu.memory_space<vmem_shared>> -> memref<1x640xf32, #tpu.memory_space<vmem_shared>>
    %dma_start3A_251 = tpu.memref_squeeze %dma_start3A_250 : memref<1x640xf32, #tpu.memory_space<vmem_shared>> -> memref<640xf32, #tpu.memory_space<vmem_shared>>
    %dma_start3A_252 = arith.constant 0 : i32
    %dma_start3A_253 = arith.constant 0 : i32
    %dma_start3A_254 = tpu.memref_slice %arg7[%dma_start3A_242, %dma_start3A_252, %dma_start3A_253] : memref<16x16x640xf32, #tpu.memory_space<vmem_shared>> -> memref<1x16x640xf32, #tpu.memory_space<vmem_shared>>
    %dma_start3A_255 = tpu.memref_squeeze %dma_start3A_254 : memref<1x16x640xf32, #tpu.memory_space<vmem_shared>> -> memref<16x640xf32, #tpu.memory_space<vmem_shared>>
    %dma_start3A_256 = arith.constant 0 : i32
    %dma_start3A_257 = tpu.memref_slice %dma_start3A_255[%arg1, %dma_start3A_256] : memref<16x640xf32, #tpu.memory_space<vmem_shared>> -> memref<1x640xf32, #tpu.memory_space<vmem_shared>>
    %dma_start3A_258 = tpu.memref_squeeze %dma_start3A_257 : memref<1x640xf32, #tpu.memory_space<vmem_shared>> -> memref<640xf32, #tpu.memory_space<vmem_shared>>
    %dma_start3A_259 = arith.constant 7680 : i32
    %dma_start3A_260 = tpu.memref_slice %arg4[%dma_start3A_259] : memref<10240xf32, #tpu.memory_space<vmem>> -> memref<640xf32, #tpu.memory_space<vmem>>
    tpu.enqueue_dma source(%dma_start3A_260 : memref<640xf32, #tpu.memory_space<vmem>>) target(%dma_start3A_258 : memref<640xf32, #tpu.memory_space<vmem_shared>>) target_semaphore(%arg8 : memref<!tpu.dma_semaphore, #tpu.memory_space<semaphore_mem>>)
    %dma_start3A_261 = arith.constant 13 : i32
    %dma_start3A_262 = arith.constant 8320 : i32
    %dma_start3A_263 = tpu.memref_slice %arg4[%dma_start3A_262] : memref<10240xf32, #tpu.memory_space<vmem>> -> memref<640xf32, #tpu.memory_space<vmem>>
    %dma_start3A_264 = arith.constant 0 : i32
    %dma_start3A_265 = arith.constant 0 : i32
    %dma_start3A_266 = tpu.memref_slice %arg7[%dma_start3A_261, %dma_start3A_264, %dma_start3A_265] : memref<16x16x640xf32, #tpu.memory_space<vmem_shared>> -> memref<1x16x640xf32, #tpu.memory_space<vmem_shared>>
    %dma_start3A_267 = tpu.memref_squeeze %dma_start3A_266 : memref<1x16x640xf32, #tpu.memory_space<vmem_shared>> -> memref<16x640xf32, #tpu.memory_space<vmem_shared>>
    %dma_start3A_268 = arith.constant 0 : i32
    %dma_start3A_269 = tpu.memref_slice %dma_start3A_267[%arg1, %dma_start3A_268] : memref<16x640xf32, #tpu.memory_space<vmem_shared>> -> memref<1x640xf32, #tpu.memory_space<vmem_shared>>
    %dma_start3A_270 = tpu.memref_squeeze %dma_start3A_269 : memref<1x640xf32, #tpu.memory_space<vmem_shared>> -> memref<640xf32, #tpu.memory_space<vmem_shared>>
    %dma_start3A_271 = arith.constant 0 : i32
    %dma_start3A_272 = arith.constant 0 : i32
    %dma_start3A_273 = tpu.memref_slice %arg7[%dma_start3A_261, %dma_start3A_271, %dma_start3A_272] : memref<16x16x640xf32, #tpu.memory_space<vmem_shared>> -> memref<1x16x640xf32, #tpu.memory_space<vmem_shared>>
    %dma_start3A_274 = tpu.memref_squeeze %dma_start3A_273 : memref<1x16x640xf32, #tpu.memory_space<vmem_shared>> -> memref<16x640xf32, #tpu.memory_space<vmem_shared>>
    %dma_start3A_275 = arith.constant 0 : i32
    %dma_start3A_276 = tpu.memref_slice %dma_start3A_274[%arg1, %dma_start3A_275] : memref<16x640xf32, #tpu.memory_space<vmem_shared>> -> memref<1x640xf32, #tpu.memory_space<vmem_shared>>
    %dma_start3A_277 = tpu.memref_squeeze %dma_start3A_276 : memref<1x640xf32, #tpu.memory_space<vmem_shared>> -> memref<640xf32, #tpu.memory_space<vmem_shared>>
    %dma_start3A_278 = arith.constant 8320 : i32
    %dma_start3A_279 = tpu.memref_slice %arg4[%dma_start3A_278] : memref<10240xf32, #tpu.memory_space<vmem>> -> memref<640xf32, #tpu.memory_space<vmem>>
    tpu.enqueue_dma source(%dma_start3A_279 : memref<640xf32, #tpu.memory_space<vmem>>) target(%dma_start3A_277 : memref<640xf32, #tpu.memory_space<vmem_shared>>) target_semaphore(%arg8 : memref<!tpu.dma_semaphore, #tpu.memory_space<semaphore_mem>>)
    %dma_start3A_280 = arith.constant 14 : i32
    %dma_start3A_281 = arith.constant 8960 : i32
    %dma_start3A_282 = tpu.memref_slice %arg4[%dma_start3A_281] : memref<10240xf32, #tpu.memory_space<vmem>> -> memref<640xf32, #tpu.memory_space<vmem>>
    %dma_start3A_283 = arith.constant 0 : i32
    %dma_start3A_284 = arith.constant 0 : i32
    %dma_start3A_285 = tpu.memref_slice %arg7[%dma_start3A_280, %dma_start3A_283, %dma_start3A_284] : memref<16x16x640xf32, #tpu.memory_space<vmem_shared>> -> memref<1x16x640xf32, #tpu.memory_space<vmem_shared>>
    %dma_start3A_286 = tpu.memref_squeeze %dma_start3A_285 : memref<1x16x640xf32, #tpu.memory_space<vmem_shared>> -> memref<16x640xf32, #tpu.memory_space<vmem_shared>>
    %dma_start3A_287 = arith.constant 0 : i32
    %dma_start3A_288 = tpu.memref_slice %dma_start3A_286[%arg1, %dma_start3A_287] : memref<16x640xf32, #tpu.memory_space<vmem_shared>> -> memref<1x640xf32, #tpu.memory_space<vmem_shared>>
    %dma_start3A_289 = tpu.memref_squeeze %dma_start3A_288 : memref<1x640xf32, #tpu.memory_space<vmem_shared>> -> memref<640xf32, #tpu.memory_space<vmem_shared>>
    %dma_start3A_290 = arith.constant 0 : i32
    %dma_start3A_291 = arith.constant 0 : i32
    %dma_start3A_292 = tpu.memref_slice %arg7[%dma_start3A_280, %dma_start3A_290, %dma_start3A_291] : memref<16x16x640xf32, #tpu.memory_space<vmem_shared>> -> memref<1x16x640xf32, #tpu.memory_space<vmem_shared>>
    %dma_start3A_293 = tpu.memref_squeeze %dma_start3A_292 : memref<1x16x640xf32, #tpu.memory_space<vmem_shared>> -> memref<16x640xf32, #tpu.memory_space<vmem_shared>>
    %dma_start3A_294 = arith.constant 0 : i32
    %dma_start3A_295 = tpu.memref_slice %dma_start3A_293[%arg1, %dma_start3A_294] : memref<16x640xf32, #tpu.memory_space<vmem_shared>> -> memref<1x640xf32, #tpu.memory_space<vmem_shared>>
    %dma_start3A_296 = tpu.memref_squeeze %dma_start3A_295 : memref<1x640xf32, #tpu.memory_space<vmem_shared>> -> memref<640xf32, #tpu.memory_space<vmem_shared>>
    %dma_start3A_297 = arith.constant 8960 : i32
    %dma_start3A_298 = tpu.memref_slice %arg4[%dma_start3A_297] : memref<10240xf32, #tpu.memory_space<vmem>> -> memref<640xf32, #tpu.memory_space<vmem>>
    tpu.enqueue_dma source(%dma_start3A_298 : memref<640xf32, #tpu.memory_space<vmem>>) target(%dma_start3A_296 : memref<640xf32, #tpu.memory_space<vmem_shared>>) target_semaphore(%arg8 : memref<!tpu.dma_semaphore, #tpu.memory_space<semaphore_mem>>)
    %dma_start3A_299 = arith.constant 15 : i32
    %dma_start3A_300 = arith.constant 9600 : i32
    %dma_start3A_301 = tpu.memref_slice %arg4[%dma_start3A_300] : memref<10240xf32, #tpu.memory_space<vmem>> -> memref<640xf32, #tpu.memory_space<vmem>>
    %dma_start3A_302 = arith.constant 0 : i32
    %dma_start3A_303 = arith.constant 0 : i32
    %dma_start3A_304 = tpu.memref_slice %arg7[%dma_start3A_299, %dma_start3A_302, %dma_start3A_303] : memref<16x16x640xf32, #tpu.memory_space<vmem_shared>> -> memref<1x16x640xf32, #tpu.memory_space<vmem_shared>>
    %dma_start3A_305 = tpu.memref_squeeze %dma_start3A_304 : memref<1x16x640xf32, #tpu.memory_space<vmem_shared>> -> memref<16x640xf32, #tpu.memory_space<vmem_shared>>
    %dma_start3A_306 = arith.constant 0 : i32
    %dma_start3A_307 = tpu.memref_slice %dma_start3A_305[%arg1, %dma_start3A_306] : memref<16x640xf32, #tpu.memory_space<vmem_shared>> -> memref<1x640xf32, #tpu.memory_space<vmem_shared>>
    %dma_start3A_308 = tpu.memref_squeeze %dma_start3A_307 : memref<1x640xf32, #tpu.memory_space<vmem_shared>> -> memref<640xf32, #tpu.memory_space<vmem_shared>>
    %dma_start3A_309 = arith.constant 0 : i32
    %dma_start3A_310 = arith.constant 0 : i32
    %dma_start3A_311 = tpu.memref_slice %arg7[%dma_start3A_299, %dma_start3A_309, %dma_start3A_310] : memref<16x16x640xf32, #tpu.memory_space<vmem_shared>> -> memref<1x16x640xf32, #tpu.memory_space<vmem_shared>>
    %dma_start3A_312 = tpu.memref_squeeze %dma_start3A_311 : memref<1x16x640xf32, #tpu.memory_space<vmem_shared>> -> memref<16x640xf32, #tpu.memory_space<vmem_shared>>
    %dma_start3A_313 = arith.constant 0 : i32
    %dma_start3A_314 = tpu.memref_slice %dma_start3A_312[%arg1, %dma_start3A_313] : memref<16x640xf32, #tpu.memory_space<vmem_shared>> -> memref<1x640xf32, #tpu.memory_space<vmem_shared>>
    %dma_start3A_315 = tpu.memref_squeeze %dma_start3A_314 : memref<1x640xf32, #tpu.memory_space<vmem_shared>> -> memref<640xf32, #tpu.memory_space<vmem_shared>>
    %dma_start3A_316 = arith.constant 9600 : i32
    %dma_start3A_317 = tpu.memref_slice %arg4[%dma_start3A_316] : memref<10240xf32, #tpu.memory_space<vmem>> -> memref<640xf32, #tpu.memory_space<vmem>>
    tpu.enqueue_dma source(%dma_start3A_317 : memref<640xf32, #tpu.memory_space<vmem>>) target(%dma_start3A_315 : memref<640xf32, #tpu.memory_space<vmem_shared>>) target_semaphore(%arg8 : memref<!tpu.dma_semaphore, #tpu.memory_space<semaphore_mem>>)
    %dma_wait3A = arith.constant 0 : i32
    %dma_wait3A_318 = arith.constant 0 : i32
    %dma_wait3A_319 = tpu.memref_slice %arg4[%dma_wait3A_318] : memref<10240xf32, #tpu.memory_space<vmem>> -> memref<640xf32, #tpu.memory_space<vmem>>
    %dma_wait3A_320 = arith.constant 0 : i32
    %dma_wait3A_321 = arith.constant 0 : i32
    %dma_wait3A_322 = tpu.memref_slice %arg7[%dma_wait3A, %dma_wait3A_320, %dma_wait3A_321] : memref<16x16x640xf32, #tpu.memory_space<vmem_shared>> -> memref<1x16x640xf32, #tpu.memory_space<vmem_shared>>
    %dma_wait3A_323 = tpu.memref_squeeze %dma_wait3A_322 : memref<1x16x640xf32, #tpu.memory_space<vmem_shared>> -> memref<16x640xf32, #tpu.memory_space<vmem_shared>>
    %dma_wait3A_324 = arith.constant 0 : i32
    %dma_wait3A_325 = tpu.memref_slice %dma_wait3A_323[%arg1, %dma_wait3A_324] : memref<16x640xf32, #tpu.memory_space<vmem_shared>> -> memref<1x640xf32, #tpu.memory_space<vmem_shared>>
    %dma_wait3A_326 = tpu.memref_squeeze %dma_wait3A_325 : memref<1x640xf32, #tpu.memory_space<vmem_shared>> -> memref<640xf32, #tpu.memory_space<vmem_shared>>
    %dma_wait3A_327 = arith.constant 0 : i32
    %dma_wait3A_328 = arith.constant 0 : i32
    %dma_wait3A_329 = tpu.memref_slice %arg7[%dma_wait3A, %dma_wait3A_327, %dma_wait3A_328] : memref<16x16x640xf32, #tpu.memory_space<vmem_shared>> -> memref<1x16x640xf32, #tpu.memory_space<vmem_shared>>
    %dma_wait3A_330 = tpu.memref_squeeze %dma_wait3A_329 : memref<1x16x640xf32, #tpu.memory_space<vmem_shared>> -> memref<16x640xf32, #tpu.memory_space<vmem_shared>>
    %dma_wait3A_331 = arith.constant 0 : i32
    %dma_wait3A_332 = tpu.memref_slice %dma_wait3A_330[%arg1, %dma_wait3A_331] : memref<16x640xf32, #tpu.memory_space<vmem_shared>> -> memref<1x640xf32, #tpu.memory_space<vmem_shared>>
    %dma_wait3A_333 = tpu.memref_squeeze %dma_wait3A_332 : memref<1x640xf32, #tpu.memory_space<vmem_shared>> -> memref<640xf32, #tpu.memory_space<vmem_shared>>
    %dma_wait3A_334 = arith.constant 0 : i32
    %dma_wait3A_335 = tpu.memref_slice %arg4[%dma_wait3A_334] : memref<10240xf32, #tpu.memory_space<vmem>> -> memref<640xf32, #tpu.memory_space<vmem>>
    tpu.wait_dma2 semaphore(%arg8 : memref<!tpu.dma_semaphore, #tpu.memory_space<semaphore_mem>>) src(%dma_wait3A_335 : memref<640xf32, #tpu.memory_space<vmem>>) dst(%dma_wait3A_333 : memref<640xf32, #tpu.memory_space<vmem_shared>>)
    %dma_wait3A_336 = arith.constant 1 : i32
    %dma_wait3A_337 = arith.constant 640 : i32
    %dma_wait3A_338 = tpu.memref_slice %arg4[%dma_wait3A_337] : memref<10240xf32, #tpu.memory_space<vmem>> -> memref<640xf32, #tpu.memory_space<vmem>>
    %dma_wait3A_339 = arith.constant 0 : i32
    %dma_wait3A_340 = arith.constant 0 : i32
    %dma_wait3A_341 = tpu.memref_slice %arg7[%dma_wait3A_336, %dma_wait3A_339, %dma_wait3A_340] : memref<16x16x640xf32, #tpu.memory_space<vmem_shared>> -> memref<1x16x640xf32, #tpu.memory_space<vmem_shared>>
    %dma_wait3A_342 = tpu.memref_squeeze %dma_wait3A_341 : memref<1x16x640xf32, #tpu.memory_space<vmem_shared>> -> memref<16x640xf32, #tpu.memory_space<vmem_shared>>
    %dma_wait3A_343 = arith.constant 0 : i32
    %dma_wait3A_344 = tpu.memref_slice %dma_wait3A_342[%arg1, %dma_wait3A_343] : memref<16x640xf32, #tpu.memory_space<vmem_shared>> -> memref<1x640xf32, #tpu.memory_space<vmem_shared>>
    %dma_wait3A_345 = tpu.memref_squeeze %dma_wait3A_344 : memref<1x640xf32, #tpu.memory_space<vmem_shared>> -> memref<640xf32, #tpu.memory_space<vmem_shared>>
    %dma_wait3A_346 = arith.constant 0 : i32
    %dma_wait3A_347 = arith.constant 0 : i32
    %dma_wait3A_348 = tpu.memref_slice %arg7[%dma_wait3A_336, %dma_wait3A_346, %dma_wait3A_347] : memref<16x16x640xf32, #tpu.memory_space<vmem_shared>> -> memref<1x16x640xf32, #tpu.memory_space<vmem_shared>>
    %dma_wait3A_349 = tpu.memref_squeeze %dma_wait3A_348 : memref<1x16x640xf32, #tpu.memory_space<vmem_shared>> -> memref<16x640xf32, #tpu.memory_space<vmem_shared>>
    %dma_wait3A_350 = arith.constant 0 : i32
    %dma_wait3A_351 = tpu.memref_slice %dma_wait3A_349[%arg1, %dma_wait3A_350] : memref<16x640xf32, #tpu.memory_space<vmem_shared>> -> memref<1x640xf32, #tpu.memory_space<vmem_shared>>
    %dma_wait3A_352 = tpu.memref_squeeze %dma_wait3A_351 : memref<1x640xf32, #tpu.memory_space<vmem_shared>> -> memref<640xf32, #tpu.memory_space<vmem_shared>>
    %dma_wait3A_353 = arith.constant 640 : i32
    %dma_wait3A_354 = tpu.memref_slice %arg4[%dma_wait3A_353] : memref<10240xf32, #tpu.memory_space<vmem>> -> memref<640xf32, #tpu.memory_space<vmem>>
    tpu.wait_dma2 semaphore(%arg8 : memref<!tpu.dma_semaphore, #tpu.memory_space<semaphore_mem>>) src(%dma_wait3A_354 : memref<640xf32, #tpu.memory_space<vmem>>) dst(%dma_wait3A_352 : memref<640xf32, #tpu.memory_space<vmem_shared>>)
    %dma_wait3A_355 = arith.constant 2 : i32
    %dma_wait3A_356 = arith.constant 1280 : i32
    %dma_wait3A_357 = tpu.memref_slice %arg4[%dma_wait3A_356] : memref<10240xf32, #tpu.memory_space<vmem>> -> memref<640xf32, #tpu.memory_space<vmem>>
    %dma_wait3A_358 = arith.constant 0 : i32
    %dma_wait3A_359 = arith.constant 0 : i32
    %dma_wait3A_360 = tpu.memref_slice %arg7[%dma_wait3A_355, %dma_wait3A_358, %dma_wait3A_359] : memref<16x16x640xf32, #tpu.memory_space<vmem_shared>> -> memref<1x16x640xf32, #tpu.memory_space<vmem_shared>>
    %dma_wait3A_361 = tpu.memref_squeeze %dma_wait3A_360 : memref<1x16x640xf32, #tpu.memory_space<vmem_shared>> -> memref<16x640xf32, #tpu.memory_space<vmem_shared>>
    %dma_wait3A_362 = arith.constant 0 : i32
    %dma_wait3A_363 = tpu.memref_slice %dma_wait3A_361[%arg1, %dma_wait3A_362] : memref<16x640xf32, #tpu.memory_space<vmem_shared>> -> memref<1x640xf32, #tpu.memory_space<vmem_shared>>
    %dma_wait3A_364 = tpu.memref_squeeze %dma_wait3A_363 : memref<1x640xf32, #tpu.memory_space<vmem_shared>> -> memref<640xf32, #tpu.memory_space<vmem_shared>>
    %dma_wait3A_365 = arith.constant 0 : i32
    %dma_wait3A_366 = arith.constant 0 : i32
    %dma_wait3A_367 = tpu.memref_slice %arg7[%dma_wait3A_355, %dma_wait3A_365, %dma_wait3A_366] : memref<16x16x640xf32, #tpu.memory_space<vmem_shared>> -> memref<1x16x640xf32, #tpu.memory_space<vmem_shared>>
    %dma_wait3A_368 = tpu.memref_squeeze %dma_wait3A_367 : memref<1x16x640xf32, #tpu.memory_space<vmem_shared>> -> memref<16x640xf32, #tpu.memory_space<vmem_shared>>
    %dma_wait3A_369 = arith.constant 0 : i32
    %dma_wait3A_370 = tpu.memref_slice %dma_wait3A_368[%arg1, %dma_wait3A_369] : memref<16x640xf32, #tpu.memory_space<vmem_shared>> -> memref<1x640xf32, #tpu.memory_space<vmem_shared>>
    %dma_wait3A_371 = tpu.memref_squeeze %dma_wait3A_370 : memref<1x640xf32, #tpu.memory_space<vmem_shared>> -> memref<640xf32, #tpu.memory_space<vmem_shared>>
    %dma_wait3A_372 = arith.constant 1280 : i32
    %dma_wait3A_373 = tpu.memref_slice %arg4[%dma_wait3A_372] : memref<10240xf32, #tpu.memory_space<vmem>> -> memref<640xf32, #tpu.memory_space<vmem>>
    tpu.wait_dma2 semaphore(%arg8 : memref<!tpu.dma_semaphore, #tpu.memory_space<semaphore_mem>>) src(%dma_wait3A_373 : memref<640xf32, #tpu.memory_space<vmem>>) dst(%dma_wait3A_371 : memref<640xf32, #tpu.memory_space<vmem_shared>>)
    %dma_wait3A_374 = arith.constant 3 : i32
    %dma_wait3A_375 = arith.constant 1920 : i32
    %dma_wait3A_376 = tpu.memref_slice %arg4[%dma_wait3A_375] : memref<10240xf32, #tpu.memory_space<vmem>> -> memref<640xf32, #tpu.memory_space<vmem>>
    %dma_wait3A_377 = arith.constant 0 : i32
    %dma_wait3A_378 = arith.constant 0 : i32
    %dma_wait3A_379 = tpu.memref_slice %arg7[%dma_wait3A_374, %dma_wait3A_377, %dma_wait3A_378] : memref<16x16x640xf32, #tpu.memory_space<vmem_shared>> -> memref<1x16x640xf32, #tpu.memory_space<vmem_shared>>
    %dma_wait3A_380 = tpu.memref_squeeze %dma_wait3A_379 : memref<1x16x640xf32, #tpu.memory_space<vmem_shared>> -> memref<16x640xf32, #tpu.memory_space<vmem_shared>>
    %dma_wait3A_381 = arith.constant 0 : i32
    %dma_wait3A_382 = tpu.memref_slice %dma_wait3A_380[%arg1, %dma_wait3A_381] : memref<16x640xf32, #tpu.memory_space<vmem_shared>> -> memref<1x640xf32, #tpu.memory_space<vmem_shared>>
    %dma_wait3A_383 = tpu.memref_squeeze %dma_wait3A_382 : memref<1x640xf32, #tpu.memory_space<vmem_shared>> -> memref<640xf32, #tpu.memory_space<vmem_shared>>
    %dma_wait3A_384 = arith.constant 0 : i32
    %dma_wait3A_385 = arith.constant 0 : i32
    %dma_wait3A_386 = tpu.memref_slice %arg7[%dma_wait3A_374, %dma_wait3A_384, %dma_wait3A_385] : memref<16x16x640xf32, #tpu.memory_space<vmem_shared>> -> memref<1x16x640xf32, #tpu.memory_space<vmem_shared>>
    %dma_wait3A_387 = tpu.memref_squeeze %dma_wait3A_386 : memref<1x16x640xf32, #tpu.memory_space<vmem_shared>> -> memref<16x640xf32, #tpu.memory_space<vmem_shared>>
    %dma_wait3A_388 = arith.constant 0 : i32
    %dma_wait3A_389 = tpu.memref_slice %dma_wait3A_387[%arg1, %dma_wait3A_388] : memref<16x640xf32, #tpu.memory_space<vmem_shared>> -> memref<1x640xf32, #tpu.memory_space<vmem_shared>>
    %dma_wait3A_390 = tpu.memref_squeeze %dma_wait3A_389 : memref<1x640xf32, #tpu.memory_space<vmem_shared>> -> memref<640xf32, #tpu.memory_space<vmem_shared>>
    %dma_wait3A_391 = arith.constant 1920 : i32
    %dma_wait3A_392 = tpu.memref_slice %arg4[%dma_wait3A_391] : memref<10240xf32, #tpu.memory_space<vmem>> -> memref<640xf32, #tpu.memory_space<vmem>>
    tpu.wait_dma2 semaphore(%arg8 : memref<!tpu.dma_semaphore, #tpu.memory_space<semaphore_mem>>) src(%dma_wait3A_392 : memref<640xf32, #tpu.memory_space<vmem>>) dst(%dma_wait3A_390 : memref<640xf32, #tpu.memory_space<vmem_shared>>)
    %dma_wait3A_393 = arith.constant 4 : i32
    %dma_wait3A_394 = arith.constant 2560 : i32
    %dma_wait3A_395 = tpu.memref_slice %arg4[%dma_wait3A_394] : memref<10240xf32, #tpu.memory_space<vmem>> -> memref<640xf32, #tpu.memory_space<vmem>>
    %dma_wait3A_396 = arith.constant 0 : i32
    %dma_wait3A_397 = arith.constant 0 : i32
    %dma_wait3A_398 = tpu.memref_slice %arg7[%dma_wait3A_393, %dma_wait3A_396, %dma_wait3A_397] : memref<16x16x640xf32, #tpu.memory_space<vmem_shared>> -> memref<1x16x640xf32, #tpu.memory_space<vmem_shared>>
    %dma_wait3A_399 = tpu.memref_squeeze %dma_wait3A_398 : memref<1x16x640xf32, #tpu.memory_space<vmem_shared>> -> memref<16x640xf32, #tpu.memory_space<vmem_shared>>
    %dma_wait3A_400 = arith.constant 0 : i32
    %dma_wait3A_401 = tpu.memref_slice %dma_wait3A_399[%arg1, %dma_wait3A_400] : memref<16x640xf32, #tpu.memory_space<vmem_shared>> -> memref<1x640xf32, #tpu.memory_space<vmem_shared>>
    %dma_wait3A_402 = tpu.memref_squeeze %dma_wait3A_401 : memref<1x640xf32, #tpu.memory_space<vmem_shared>> -> memref<640xf32, #tpu.memory_space<vmem_shared>>
    %dma_wait3A_403 = arith.constant 0 : i32
    %dma_wait3A_404 = arith.constant 0 : i32
    %dma_wait3A_405 = tpu.memref_slice %arg7[%dma_wait3A_393, %dma_wait3A_403, %dma_wait3A_404] : memref<16x16x640xf32, #tpu.memory_space<vmem_shared>> -> memref<1x16x640xf32, #tpu.memory_space<vmem_shared>>
    %dma_wait3A_406 = tpu.memref_squeeze %dma_wait3A_405 : memref<1x16x640xf32, #tpu.memory_space<vmem_shared>> -> memref<16x640xf32, #tpu.memory_space<vmem_shared>>
    %dma_wait3A_407 = arith.constant 0 : i32
    %dma_wait3A_408 = tpu.memref_slice %dma_wait3A_406[%arg1, %dma_wait3A_407] : memref<16x640xf32, #tpu.memory_space<vmem_shared>> -> memref<1x640xf32, #tpu.memory_space<vmem_shared>>
    %dma_wait3A_409 = tpu.memref_squeeze %dma_wait3A_408 : memref<1x640xf32, #tpu.memory_space<vmem_shared>> -> memref<640xf32, #tpu.memory_space<vmem_shared>>
    %dma_wait3A_410 = arith.constant 2560 : i32
    %dma_wait3A_411 = tpu.memref_slice %arg4[%dma_wait3A_410] : memref<10240xf32, #tpu.memory_space<vmem>> -> memref<640xf32, #tpu.memory_space<vmem>>
    tpu.wait_dma2 semaphore(%arg8 : memref<!tpu.dma_semaphore, #tpu.memory_space<semaphore_mem>>) src(%dma_wait3A_411 : memref<640xf32, #tpu.memory_space<vmem>>) dst(%dma_wait3A_409 : memref<640xf32, #tpu.memory_space<vmem_shared>>)
    %dma_wait3A_412 = arith.constant 5 : i32
    %dma_wait3A_413 = arith.constant 3200 : i32
    %dma_wait3A_414 = tpu.memref_slice %arg4[%dma_wait3A_413] : memref<10240xf32, #tpu.memory_space<vmem>> -> memref<640xf32, #tpu.memory_space<vmem>>
    %dma_wait3A_415 = arith.constant 0 : i32
    %dma_wait3A_416 = arith.constant 0 : i32
    %dma_wait3A_417 = tpu.memref_slice %arg7[%dma_wait3A_412, %dma_wait3A_415, %dma_wait3A_416] : memref<16x16x640xf32, #tpu.memory_space<vmem_shared>> -> memref<1x16x640xf32, #tpu.memory_space<vmem_shared>>
    %dma_wait3A_418 = tpu.memref_squeeze %dma_wait3A_417 : memref<1x16x640xf32, #tpu.memory_space<vmem_shared>> -> memref<16x640xf32, #tpu.memory_space<vmem_shared>>
    %dma_wait3A_419 = arith.constant 0 : i32
    %dma_wait3A_420 = tpu.memref_slice %dma_wait3A_418[%arg1, %dma_wait3A_419] : memref<16x640xf32, #tpu.memory_space<vmem_shared>> -> memref<1x640xf32, #tpu.memory_space<vmem_shared>>
    %dma_wait3A_421 = tpu.memref_squeeze %dma_wait3A_420 : memref<1x640xf32, #tpu.memory_space<vmem_shared>> -> memref<640xf32, #tpu.memory_space<vmem_shared>>
    %dma_wait3A_422 = arith.constant 0 : i32
    %dma_wait3A_423 = arith.constant 0 : i32
    %dma_wait3A_424 = tpu.memref_slice %arg7[%dma_wait3A_412, %dma_wait3A_422, %dma_wait3A_423] : memref<16x16x640xf32, #tpu.memory_space<vmem_shared>> -> memref<1x16x640xf32, #tpu.memory_space<vmem_shared>>
    %dma_wait3A_425 = tpu.memref_squeeze %dma_wait3A_424 : memref<1x16x640xf32, #tpu.memory_space<vmem_shared>> -> memref<16x640xf32, #tpu.memory_space<vmem_shared>>
    %dma_wait3A_426 = arith.constant 0 : i32
    %dma_wait3A_427 = tpu.memref_slice %dma_wait3A_425[%arg1, %dma_wait3A_426] : memref<16x640xf32, #tpu.memory_space<vmem_shared>> -> memref<1x640xf32, #tpu.memory_space<vmem_shared>>
    %dma_wait3A_428 = tpu.memref_squeeze %dma_wait3A_427 : memref<1x640xf32, #tpu.memory_space<vmem_shared>> -> memref<640xf32, #tpu.memory_space<vmem_shared>>
    %dma_wait3A_429 = arith.constant 3200 : i32
    %dma_wait3A_430 = tpu.memref_slice %arg4[%dma_wait3A_429] : memref<10240xf32, #tpu.memory_space<vmem>> -> memref<640xf32, #tpu.memory_space<vmem>>
    tpu.wait_dma2 semaphore(%arg8 : memref<!tpu.dma_semaphore, #tpu.memory_space<semaphore_mem>>) src(%dma_wait3A_430 : memref<640xf32, #tpu.memory_space<vmem>>) dst(%dma_wait3A_428 : memref<640xf32, #tpu.memory_space<vmem_shared>>)
    %dma_wait3A_431 = arith.constant 6 : i32
    %dma_wait3A_432 = arith.constant 3840 : i32
    %dma_wait3A_433 = tpu.memref_slice %arg4[%dma_wait3A_432] : memref<10240xf32, #tpu.memory_space<vmem>> -> memref<640xf32, #tpu.memory_space<vmem>>
    %dma_wait3A_434 = arith.constant 0 : i32
    %dma_wait3A_435 = arith.constant 0 : i32
    %dma_wait3A_436 = tpu.memref_slice %arg7[%dma_wait3A_431, %dma_wait3A_434, %dma_wait3A_435] : memref<16x16x640xf32, #tpu.memory_space<vmem_shared>> -> memref<1x16x640xf32, #tpu.memory_space<vmem_shared>>
    %dma_wait3A_437 = tpu.memref_squeeze %dma_wait3A_436 : memref<1x16x640xf32, #tpu.memory_space<vmem_shared>> -> memref<16x640xf32, #tpu.memory_space<vmem_shared>>
    %dma_wait3A_438 = arith.constant 0 : i32
    %dma_wait3A_439 = tpu.memref_slice %dma_wait3A_437[%arg1, %dma_wait3A_438] : memref<16x640xf32, #tpu.memory_space<vmem_shared>> -> memref<1x640xf32, #tpu.memory_space<vmem_shared>>
    %dma_wait3A_440 = tpu.memref_squeeze %dma_wait3A_439 : memref<1x640xf32, #tpu.memory_space<vmem_shared>> -> memref<640xf32, #tpu.memory_space<vmem_shared>>
    %dma_wait3A_441 = arith.constant 0 : i32
    %dma_wait3A_442 = arith.constant 0 : i32
    %dma_wait3A_443 = tpu.memref_slice %arg7[%dma_wait3A_431, %dma_wait3A_441, %dma_wait3A_442] : memref<16x16x640xf32, #tpu.memory_space<vmem_shared>> -> memref<1x16x640xf32, #tpu.memory_space<vmem_shared>>
    %dma_wait3A_444 = tpu.memref_squeeze %dma_wait3A_443 : memref<1x16x640xf32, #tpu.memory_space<vmem_shared>> -> memref<16x640xf32, #tpu.memory_space<vmem_shared>>
    %dma_wait3A_445 = arith.constant 0 : i32
    %dma_wait3A_446 = tpu.memref_slice %dma_wait3A_444[%arg1, %dma_wait3A_445] : memref<16x640xf32, #tpu.memory_space<vmem_shared>> -> memref<1x640xf32, #tpu.memory_space<vmem_shared>>
    %dma_wait3A_447 = tpu.memref_squeeze %dma_wait3A_446 : memref<1x640xf32, #tpu.memory_space<vmem_shared>> -> memref<640xf32, #tpu.memory_space<vmem_shared>>
    %dma_wait3A_448 = arith.constant 3840 : i32
    %dma_wait3A_449 = tpu.memref_slice %arg4[%dma_wait3A_448] : memref<10240xf32, #tpu.memory_space<vmem>> -> memref<640xf32, #tpu.memory_space<vmem>>
    tpu.wait_dma2 semaphore(%arg8 : memref<!tpu.dma_semaphore, #tpu.memory_space<semaphore_mem>>) src(%dma_wait3A_449 : memref<640xf32, #tpu.memory_space<vmem>>) dst(%dma_wait3A_447 : memref<640xf32, #tpu.memory_space<vmem_shared>>)
    %dma_wait3A_450 = arith.constant 7 : i32
    %dma_wait3A_451 = arith.constant 4480 : i32
    %dma_wait3A_452 = tpu.memref_slice %arg4[%dma_wait3A_451] : memref<10240xf32, #tpu.memory_space<vmem>> -> memref<640xf32, #tpu.memory_space<vmem>>
    %dma_wait3A_453 = arith.constant 0 : i32
    %dma_wait3A_454 = arith.constant 0 : i32
    %dma_wait3A_455 = tpu.memref_slice %arg7[%dma_wait3A_450, %dma_wait3A_453, %dma_wait3A_454] : memref<16x16x640xf32, #tpu.memory_space<vmem_shared>> -> memref<1x16x640xf32, #tpu.memory_space<vmem_shared>>
    %dma_wait3A_456 = tpu.memref_squeeze %dma_wait3A_455 : memref<1x16x640xf32, #tpu.memory_space<vmem_shared>> -> memref<16x640xf32, #tpu.memory_space<vmem_shared>>
    %dma_wait3A_457 = arith.constant 0 : i32
    %dma_wait3A_458 = tpu.memref_slice %dma_wait3A_456[%arg1, %dma_wait3A_457] : memref<16x640xf32, #tpu.memory_space<vmem_shared>> -> memref<1x640xf32, #tpu.memory_space<vmem_shared>>
    %dma_wait3A_459 = tpu.memref_squeeze %dma_wait3A_458 : memref<1x640xf32, #tpu.memory_space<vmem_shared>> -> memref<640xf32, #tpu.memory_space<vmem_shared>>
    %dma_wait3A_460 = arith.constant 0 : i32
    %dma_wait3A_461 = arith.constant 0 : i32
    %dma_wait3A_462 = tpu.memref_slice %arg7[%dma_wait3A_450, %dma_wait3A_460, %dma_wait3A_461] : memref<16x16x640xf32, #tpu.memory_space<vmem_shared>> -> memref<1x16x640xf32, #tpu.memory_space<vmem_shared>>
    %dma_wait3A_463 = tpu.memref_squeeze %dma_wait3A_462 : memref<1x16x640xf32, #tpu.memory_space<vmem_shared>> -> memref<16x640xf32, #tpu.memory_space<vmem_shared>>
    %dma_wait3A_464 = arith.constant 0 : i32
    %dma_wait3A_465 = tpu.memref_slice %dma_wait3A_463[%arg1, %dma_wait3A_464] : memref<16x640xf32, #tpu.memory_space<vmem_shared>> -> memref<1x640xf32, #tpu.memory_space<vmem_shared>>
    %dma_wait3A_466 = tpu.memref_squeeze %dma_wait3A_465 : memref<1x640xf32, #tpu.memory_space<vmem_shared>> -> memref<640xf32, #tpu.memory_space<vmem_shared>>
    %dma_wait3A_467 = arith.constant 4480 : i32
    %dma_wait3A_468 = tpu.memref_slice %arg4[%dma_wait3A_467] : memref<10240xf32, #tpu.memory_space<vmem>> -> memref<640xf32, #tpu.memory_space<vmem>>
    tpu.wait_dma2 semaphore(%arg8 : memref<!tpu.dma_semaphore, #tpu.memory_space<semaphore_mem>>) src(%dma_wait3A_468 : memref<640xf32, #tpu.memory_space<vmem>>) dst(%dma_wait3A_466 : memref<640xf32, #tpu.memory_space<vmem_shared>>)
    %dma_wait3A_469 = arith.constant 8 : i32
    %dma_wait3A_470 = arith.constant 5120 : i32
    %dma_wait3A_471 = tpu.memref_slice %arg4[%dma_wait3A_470] : memref<10240xf32, #tpu.memory_space<vmem>> -> memref<640xf32, #tpu.memory_space<vmem>>
    %dma_wait3A_472 = arith.constant 0 : i32
    %dma_wait3A_473 = arith.constant 0 : i32
    %dma_wait3A_474 = tpu.memref_slice %arg7[%dma_wait3A_469, %dma_wait3A_472, %dma_wait3A_473] : memref<16x16x640xf32, #tpu.memory_space<vmem_shared>> -> memref<1x16x640xf32, #tpu.memory_space<vmem_shared>>
    %dma_wait3A_475 = tpu.memref_squeeze %dma_wait3A_474 : memref<1x16x640xf32, #tpu.memory_space<vmem_shared>> -> memref<16x640xf32, #tpu.memory_space<vmem_shared>>
    %dma_wait3A_476 = arith.constant 0 : i32
    %dma_wait3A_477 = tpu.memref_slice %dma_wait3A_475[%arg1, %dma_wait3A_476] : memref<16x640xf32, #tpu.memory_space<vmem_shared>> -> memref<1x640xf32, #tpu.memory_space<vmem_shared>>
    %dma_wait3A_478 = tpu.memref_squeeze %dma_wait3A_477 : memref<1x640xf32, #tpu.memory_space<vmem_shared>> -> memref<640xf32, #tpu.memory_space<vmem_shared>>
    %dma_wait3A_479 = arith.constant 0 : i32
    %dma_wait3A_480 = arith.constant 0 : i32
    %dma_wait3A_481 = tpu.memref_slice %arg7[%dma_wait3A_469, %dma_wait3A_479, %dma_wait3A_480] : memref<16x16x640xf32, #tpu.memory_space<vmem_shared>> -> memref<1x16x640xf32, #tpu.memory_space<vmem_shared>>
    %dma_wait3A_482 = tpu.memref_squeeze %dma_wait3A_481 : memref<1x16x640xf32, #tpu.memory_space<vmem_shared>> -> memref<16x640xf32, #tpu.memory_space<vmem_shared>>
    %dma_wait3A_483 = arith.constant 0 : i32
    %dma_wait3A_484 = tpu.memref_slice %dma_wait3A_482[%arg1, %dma_wait3A_483] : memref<16x640xf32, #tpu.memory_space<vmem_shared>> -> memref<1x640xf32, #tpu.memory_space<vmem_shared>>
    %dma_wait3A_485 = tpu.memref_squeeze %dma_wait3A_484 : memref<1x640xf32, #tpu.memory_space<vmem_shared>> -> memref<640xf32, #tpu.memory_space<vmem_shared>>
    %dma_wait3A_486 = arith.constant 5120 : i32
    %dma_wait3A_487 = tpu.memref_slice %arg4[%dma_wait3A_486] : memref<10240xf32, #tpu.memory_space<vmem>> -> memref<640xf32, #tpu.memory_space<vmem>>
    tpu.wait_dma2 semaphore(%arg8 : memref<!tpu.dma_semaphore, #tpu.memory_space<semaphore_mem>>) src(%dma_wait3A_487 : memref<640xf32, #tpu.memory_space<vmem>>) dst(%dma_wait3A_485 : memref<640xf32, #tpu.memory_space<vmem_shared>>)
    %dma_wait3A_488 = arith.constant 9 : i32
    %dma_wait3A_489 = arith.constant 5760 : i32
    %dma_wait3A_490 = tpu.memref_slice %arg4[%dma_wait3A_489] : memref<10240xf32, #tpu.memory_space<vmem>> -> memref<640xf32, #tpu.memory_space<vmem>>
    %dma_wait3A_491 = arith.constant 0 : i32
    %dma_wait3A_492 = arith.constant 0 : i32
    %dma_wait3A_493 = tpu.memref_slice %arg7[%dma_wait3A_488, %dma_wait3A_491, %dma_wait3A_492] : memref<16x16x640xf32, #tpu.memory_space<vmem_shared>> -> memref<1x16x640xf32, #tpu.memory_space<vmem_shared>>
    %dma_wait3A_494 = tpu.memref_squeeze %dma_wait3A_493 : memref<1x16x640xf32, #tpu.memory_space<vmem_shared>> -> memref<16x640xf32, #tpu.memory_space<vmem_shared>>
    %dma_wait3A_495 = arith.constant 0 : i32
    %dma_wait3A_496 = tpu.memref_slice %dma_wait3A_494[%arg1, %dma_wait3A_495] : memref<16x640xf32, #tpu.memory_space<vmem_shared>> -> memref<1x640xf32, #tpu.memory_space<vmem_shared>>
    %dma_wait3A_497 = tpu.memref_squeeze %dma_wait3A_496 : memref<1x640xf32, #tpu.memory_space<vmem_shared>> -> memref<640xf32, #tpu.memory_space<vmem_shared>>
    %dma_wait3A_498 = arith.constant 0 : i32
    %dma_wait3A_499 = arith.constant 0 : i32
    %dma_wait3A_500 = tpu.memref_slice %arg7[%dma_wait3A_488, %dma_wait3A_498, %dma_wait3A_499] : memref<16x16x640xf32, #tpu.memory_space<vmem_shared>> -> memref<1x16x640xf32, #tpu.memory_space<vmem_shared>>
    %dma_wait3A_501 = tpu.memref_squeeze %dma_wait3A_500 : memref<1x16x640xf32, #tpu.memory_space<vmem_shared>> -> memref<16x640xf32, #tpu.memory_space<vmem_shared>>
    %dma_wait3A_502 = arith.constant 0 : i32
    %dma_wait3A_503 = tpu.memref_slice %dma_wait3A_501[%arg1, %dma_wait3A_502] : memref<16x640xf32, #tpu.memory_space<vmem_shared>> -> memref<1x640xf32, #tpu.memory_space<vmem_shared>>
    %dma_wait3A_504 = tpu.memref_squeeze %dma_wait3A_503 : memref<1x640xf32, #tpu.memory_space<vmem_shared>> -> memref<640xf32, #tpu.memory_space<vmem_shared>>
    %dma_wait3A_505 = arith.constant 5760 : i32
    %dma_wait3A_506 = tpu.memref_slice %arg4[%dma_wait3A_505] : memref<10240xf32, #tpu.memory_space<vmem>> -> memref<640xf32, #tpu.memory_space<vmem>>
    tpu.wait_dma2 semaphore(%arg8 : memref<!tpu.dma_semaphore, #tpu.memory_space<semaphore_mem>>) src(%dma_wait3A_506 : memref<640xf32, #tpu.memory_space<vmem>>) dst(%dma_wait3A_504 : memref<640xf32, #tpu.memory_space<vmem_shared>>)
    %dma_wait3A_507 = arith.constant 10 : i32
    %dma_wait3A_508 = arith.constant 6400 : i32
    %dma_wait3A_509 = tpu.memref_slice %arg4[%dma_wait3A_508] : memref<10240xf32, #tpu.memory_space<vmem>> -> memref<640xf32, #tpu.memory_space<vmem>>
    %dma_wait3A_510 = arith.constant 0 : i32
    %dma_wait3A_511 = arith.constant 0 : i32
    %dma_wait3A_512 = tpu.memref_slice %arg7[%dma_wait3A_507, %dma_wait3A_510, %dma_wait3A_511] : memref<16x16x640xf32, #tpu.memory_space<vmem_shared>> -> memref<1x16x640xf32, #tpu.memory_space<vmem_shared>>
    %dma_wait3A_513 = tpu.memref_squeeze %dma_wait3A_512 : memref<1x16x640xf32, #tpu.memory_space<vmem_shared>> -> memref<16x640xf32, #tpu.memory_space<vmem_shared>>
    %dma_wait3A_514 = arith.constant 0 : i32
    %dma_wait3A_515 = tpu.memref_slice %dma_wait3A_513[%arg1, %dma_wait3A_514] : memref<16x640xf32, #tpu.memory_space<vmem_shared>> -> memref<1x640xf32, #tpu.memory_space<vmem_shared>>
    %dma_wait3A_516 = tpu.memref_squeeze %dma_wait3A_515 : memref<1x640xf32, #tpu.memory_space<vmem_shared>> -> memref<640xf32, #tpu.memory_space<vmem_shared>>
    %dma_wait3A_517 = arith.constant 0 : i32
    %dma_wait3A_518 = arith.constant 0 : i32
    %dma_wait3A_519 = tpu.memref_slice %arg7[%dma_wait3A_507, %dma_wait3A_517, %dma_wait3A_518] : memref<16x16x640xf32, #tpu.memory_space<vmem_shared>> -> memref<1x16x640xf32, #tpu.memory_space<vmem_shared>>
    %dma_wait3A_520 = tpu.memref_squeeze %dma_wait3A_519 : memref<1x16x640xf32, #tpu.memory_space<vmem_shared>> -> memref<16x640xf32, #tpu.memory_space<vmem_shared>>
    %dma_wait3A_521 = arith.constant 0 : i32
    %dma_wait3A_522 = tpu.memref_slice %dma_wait3A_520[%arg1, %dma_wait3A_521] : memref<16x640xf32, #tpu.memory_space<vmem_shared>> -> memref<1x640xf32, #tpu.memory_space<vmem_shared>>
    %dma_wait3A_523 = tpu.memref_squeeze %dma_wait3A_522 : memref<1x640xf32, #tpu.memory_space<vmem_shared>> -> memref<640xf32, #tpu.memory_space<vmem_shared>>
    %dma_wait3A_524 = arith.constant 6400 : i32
    %dma_wait3A_525 = tpu.memref_slice %arg4[%dma_wait3A_524] : memref<10240xf32, #tpu.memory_space<vmem>> -> memref<640xf32, #tpu.memory_space<vmem>>
    tpu.wait_dma2 semaphore(%arg8 : memref<!tpu.dma_semaphore, #tpu.memory_space<semaphore_mem>>) src(%dma_wait3A_525 : memref<640xf32, #tpu.memory_space<vmem>>) dst(%dma_wait3A_523 : memref<640xf32, #tpu.memory_space<vmem_shared>>)
    %dma_wait3A_526 = arith.constant 11 : i32
    %dma_wait3A_527 = arith.constant 7040 : i32
    %dma_wait3A_528 = tpu.memref_slice %arg4[%dma_wait3A_527] : memref<10240xf32, #tpu.memory_space<vmem>> -> memref<640xf32, #tpu.memory_space<vmem>>
    %dma_wait3A_529 = arith.constant 0 : i32
    %dma_wait3A_530 = arith.constant 0 : i32
    %dma_wait3A_531 = tpu.memref_slice %arg7[%dma_wait3A_526, %dma_wait3A_529, %dma_wait3A_530] : memref<16x16x640xf32, #tpu.memory_space<vmem_shared>> -> memref<1x16x640xf32, #tpu.memory_space<vmem_shared>>
    %dma_wait3A_532 = tpu.memref_squeeze %dma_wait3A_531 : memref<1x16x640xf32, #tpu.memory_space<vmem_shared>> -> memref<16x640xf32, #tpu.memory_space<vmem_shared>>
    %dma_wait3A_533 = arith.constant 0 : i32
    %dma_wait3A_534 = tpu.memref_slice %dma_wait3A_532[%arg1, %dma_wait3A_533] : memref<16x640xf32, #tpu.memory_space<vmem_shared>> -> memref<1x640xf32, #tpu.memory_space<vmem_shared>>
    %dma_wait3A_535 = tpu.memref_squeeze %dma_wait3A_534 : memref<1x640xf32, #tpu.memory_space<vmem_shared>> -> memref<640xf32, #tpu.memory_space<vmem_shared>>
    %dma_wait3A_536 = arith.constant 0 : i32
    %dma_wait3A_537 = arith.constant 0 : i32
    %dma_wait3A_538 = tpu.memref_slice %arg7[%dma_wait3A_526, %dma_wait3A_536, %dma_wait3A_537] : memref<16x16x640xf32, #tpu.memory_space<vmem_shared>> -> memref<1x16x640xf32, #tpu.memory_space<vmem_shared>>
    %dma_wait3A_539 = tpu.memref_squeeze %dma_wait3A_538 : memref<1x16x640xf32, #tpu.memory_space<vmem_shared>> -> memref<16x640xf32, #tpu.memory_space<vmem_shared>>
    %dma_wait3A_540 = arith.constant 0 : i32
    %dma_wait3A_541 = tpu.memref_slice %dma_wait3A_539[%arg1, %dma_wait3A_540] : memref<16x640xf32, #tpu.memory_space<vmem_shared>> -> memref<1x640xf32, #tpu.memory_space<vmem_shared>>
    %dma_wait3A_542 = tpu.memref_squeeze %dma_wait3A_541 : memref<1x640xf32, #tpu.memory_space<vmem_shared>> -> memref<640xf32, #tpu.memory_space<vmem_shared>>
    %dma_wait3A_543 = arith.constant 7040 : i32
    %dma_wait3A_544 = tpu.memref_slice %arg4[%dma_wait3A_543] : memref<10240xf32, #tpu.memory_space<vmem>> -> memref<640xf32, #tpu.memory_space<vmem>>
    tpu.wait_dma2 semaphore(%arg8 : memref<!tpu.dma_semaphore, #tpu.memory_space<semaphore_mem>>) src(%dma_wait3A_544 : memref<640xf32, #tpu.memory_space<vmem>>) dst(%dma_wait3A_542 : memref<640xf32, #tpu.memory_space<vmem_shared>>)
    %dma_wait3A_545 = arith.constant 12 : i32
    %dma_wait3A_546 = arith.constant 7680 : i32
    %dma_wait3A_547 = tpu.memref_slice %arg4[%dma_wait3A_546] : memref<10240xf32, #tpu.memory_space<vmem>> -> memref<640xf32, #tpu.memory_space<vmem>>
    %dma_wait3A_548 = arith.constant 0 : i32
    %dma_wait3A_549 = arith.constant 0 : i32
    %dma_wait3A_550 = tpu.memref_slice %arg7[%dma_wait3A_545, %dma_wait3A_548, %dma_wait3A_549] : memref<16x16x640xf32, #tpu.memory_space<vmem_shared>> -> memref<1x16x640xf32, #tpu.memory_space<vmem_shared>>
    %dma_wait3A_551 = tpu.memref_squeeze %dma_wait3A_550 : memref<1x16x640xf32, #tpu.memory_space<vmem_shared>> -> memref<16x640xf32, #tpu.memory_space<vmem_shared>>
    %dma_wait3A_552 = arith.constant 0 : i32
    %dma_wait3A_553 = tpu.memref_slice %dma_wait3A_551[%arg1, %dma_wait3A_552] : memref<16x640xf32, #tpu.memory_space<vmem_shared>> -> memref<1x640xf32, #tpu.memory_space<vmem_shared>>
    %dma_wait3A_554 = tpu.memref_squeeze %dma_wait3A_553 : memref<1x640xf32, #tpu.memory_space<vmem_shared>> -> memref<640xf32, #tpu.memory_space<vmem_shared>>
    %dma_wait3A_555 = arith.constant 0 : i32
    %dma_wait3A_556 = arith.constant 0 : i32
    %dma_wait3A_557 = tpu.memref_slice %arg7[%dma_wait3A_545, %dma_wait3A_555, %dma_wait3A_556] : memref<16x16x640xf32, #tpu.memory_space<vmem_shared>> -> memref<1x16x640xf32, #tpu.memory_space<vmem_shared>>
    %dma_wait3A_558 = tpu.memref_squeeze %dma_wait3A_557 : memref<1x16x640xf32, #tpu.memory_space<vmem_shared>> -> memref<16x640xf32, #tpu.memory_space<vmem_shared>>
    %dma_wait3A_559 = arith.constant 0 : i32
    %dma_wait3A_560 = tpu.memref_slice %dma_wait3A_558[%arg1, %dma_wait3A_559] : memref<16x640xf32, #tpu.memory_space<vmem_shared>> -> memref<1x640xf32, #tpu.memory_space<vmem_shared>>
    %dma_wait3A_561 = tpu.memref_squeeze %dma_wait3A_560 : memref<1x640xf32, #tpu.memory_space<vmem_shared>> -> memref<640xf32, #tpu.memory_space<vmem_shared>>
    %dma_wait3A_562 = arith.constant 7680 : i32
    %dma_wait3A_563 = tpu.memref_slice %arg4[%dma_wait3A_562] : memref<10240xf32, #tpu.memory_space<vmem>> -> memref<640xf32, #tpu.memory_space<vmem>>
    tpu.wait_dma2 semaphore(%arg8 : memref<!tpu.dma_semaphore, #tpu.memory_space<semaphore_mem>>) src(%dma_wait3A_563 : memref<640xf32, #tpu.memory_space<vmem>>) dst(%dma_wait3A_561 : memref<640xf32, #tpu.memory_space<vmem_shared>>)
    %dma_wait3A_564 = arith.constant 13 : i32
    %dma_wait3A_565 = arith.constant 8320 : i32
    %dma_wait3A_566 = tpu.memref_slice %arg4[%dma_wait3A_565] : memref<10240xf32, #tpu.memory_space<vmem>> -> memref<640xf32, #tpu.memory_space<vmem>>
    %dma_wait3A_567 = arith.constant 0 : i32
    %dma_wait3A_568 = arith.constant 0 : i32
    %dma_wait3A_569 = tpu.memref_slice %arg7[%dma_wait3A_564, %dma_wait3A_567, %dma_wait3A_568] : memref<16x16x640xf32, #tpu.memory_space<vmem_shared>> -> memref<1x16x640xf32, #tpu.memory_space<vmem_shared>>
    %dma_wait3A_570 = tpu.memref_squeeze %dma_wait3A_569 : memref<1x16x640xf32, #tpu.memory_space<vmem_shared>> -> memref<16x640xf32, #tpu.memory_space<vmem_shared>>
    %dma_wait3A_571 = arith.constant 0 : i32
    %dma_wait3A_572 = tpu.memref_slice %dma_wait3A_570[%arg1, %dma_wait3A_571] : memref<16x640xf32, #tpu.memory_space<vmem_shared>> -> memref<1x640xf32, #tpu.memory_space<vmem_shared>>
    %dma_wait3A_573 = tpu.memref_squeeze %dma_wait3A_572 : memref<1x640xf32, #tpu.memory_space<vmem_shared>> -> memref<640xf32, #tpu.memory_space<vmem_shared>>
    %dma_wait3A_574 = arith.constant 0 : i32
    %dma_wait3A_575 = arith.constant 0 : i32
    %dma_wait3A_576 = tpu.memref_slice %arg7[%dma_wait3A_564, %dma_wait3A_574, %dma_wait3A_575] : memref<16x16x640xf32, #tpu.memory_space<vmem_shared>> -> memref<1x16x640xf32, #tpu.memory_space<vmem_shared>>
    %dma_wait3A_577 = tpu.memref_squeeze %dma_wait3A_576 : memref<1x16x640xf32, #tpu.memory_space<vmem_shared>> -> memref<16x640xf32, #tpu.memory_space<vmem_shared>>
    %dma_wait3A_578 = arith.constant 0 : i32
    %dma_wait3A_579 = tpu.memref_slice %dma_wait3A_577[%arg1, %dma_wait3A_578] : memref<16x640xf32, #tpu.memory_space<vmem_shared>> -> memref<1x640xf32, #tpu.memory_space<vmem_shared>>
    %dma_wait3A_580 = tpu.memref_squeeze %dma_wait3A_579 : memref<1x640xf32, #tpu.memory_space<vmem_shared>> -> memref<640xf32, #tpu.memory_space<vmem_shared>>
    %dma_wait3A_581 = arith.constant 8320 : i32
    %dma_wait3A_582 = tpu.memref_slice %arg4[%dma_wait3A_581] : memref<10240xf32, #tpu.memory_space<vmem>> -> memref<640xf32, #tpu.memory_space<vmem>>
    tpu.wait_dma2 semaphore(%arg8 : memref<!tpu.dma_semaphore, #tpu.memory_space<semaphore_mem>>) src(%dma_wait3A_582 : memref<640xf32, #tpu.memory_space<vmem>>) dst(%dma_wait3A_580 : memref<640xf32, #tpu.memory_space<vmem_shared>>)
    %dma_wait3A_583 = arith.constant 14 : i32
    %dma_wait3A_584 = arith.constant 8960 : i32
    %dma_wait3A_585 = tpu.memref_slice %arg4[%dma_wait3A_584] : memref<10240xf32, #tpu.memory_space<vmem>> -> memref<640xf32, #tpu.memory_space<vmem>>
    %dma_wait3A_586 = arith.constant 0 : i32
    %dma_wait3A_587 = arith.constant 0 : i32
    %dma_wait3A_588 = tpu.memref_slice %arg7[%dma_wait3A_583, %dma_wait3A_586, %dma_wait3A_587] : memref<16x16x640xf32, #tpu.memory_space<vmem_shared>> -> memref<1x16x640xf32, #tpu.memory_space<vmem_shared>>
    %dma_wait3A_589 = tpu.memref_squeeze %dma_wait3A_588 : memref<1x16x640xf32, #tpu.memory_space<vmem_shared>> -> memref<16x640xf32, #tpu.memory_space<vmem_shared>>
    %dma_wait3A_590 = arith.constant 0 : i32
    %dma_wait3A_591 = tpu.memref_slice %dma_wait3A_589[%arg1, %dma_wait3A_590] : memref<16x640xf32, #tpu.memory_space<vmem_shared>> -> memref<1x640xf32, #tpu.memory_space<vmem_shared>>
    %dma_wait3A_592 = tpu.memref_squeeze %dma_wait3A_591 : memref<1x640xf32, #tpu.memory_space<vmem_shared>> -> memref<640xf32, #tpu.memory_space<vmem_shared>>
    %dma_wait3A_593 = arith.constant 0 : i32
    %dma_wait3A_594 = arith.constant 0 : i32
    %dma_wait3A_595 = tpu.memref_slice %arg7[%dma_wait3A_583, %dma_wait3A_593, %dma_wait3A_594] : memref<16x16x640xf32, #tpu.memory_space<vmem_shared>> -> memref<1x16x640xf32, #tpu.memory_space<vmem_shared>>
    %dma_wait3A_596 = tpu.memref_squeeze %dma_wait3A_595 : memref<1x16x640xf32, #tpu.memory_space<vmem_shared>> -> memref<16x640xf32, #tpu.memory_space<vmem_shared>>
    %dma_wait3A_597 = arith.constant 0 : i32
    %dma_wait3A_598 = tpu.memref_slice %dma_wait3A_596[%arg1, %dma_wait3A_597] : memref<16x640xf32, #tpu.memory_space<vmem_shared>> -> memref<1x640xf32, #tpu.memory_space<vmem_shared>>
    %dma_wait3A_599 = tpu.memref_squeeze %dma_wait3A_598 : memref<1x640xf32, #tpu.memory_space<vmem_shared>> -> memref<640xf32, #tpu.memory_space<vmem_shared>>
    %dma_wait3A_600 = arith.constant 8960 : i32
    %dma_wait3A_601 = tpu.memref_slice %arg4[%dma_wait3A_600] : memref<10240xf32, #tpu.memory_space<vmem>> -> memref<640xf32, #tpu.memory_space<vmem>>
    tpu.wait_dma2 semaphore(%arg8 : memref<!tpu.dma_semaphore, #tpu.memory_space<semaphore_mem>>) src(%dma_wait3A_601 : memref<640xf32, #tpu.memory_space<vmem>>) dst(%dma_wait3A_599 : memref<640xf32, #tpu.memory_space<vmem_shared>>)
    %dma_wait3A_602 = arith.constant 15 : i32
    %dma_wait3A_603 = arith.constant 9600 : i32
    %dma_wait3A_604 = tpu.memref_slice %arg4[%dma_wait3A_603] : memref<10240xf32, #tpu.memory_space<vmem>> -> memref<640xf32, #tpu.memory_space<vmem>>
    %dma_wait3A_605 = arith.constant 0 : i32
    %dma_wait3A_606 = arith.constant 0 : i32
    %dma_wait3A_607 = tpu.memref_slice %arg7[%dma_wait3A_602, %dma_wait3A_605, %dma_wait3A_606] : memref<16x16x640xf32, #tpu.memory_space<vmem_shared>> -> memref<1x16x640xf32, #tpu.memory_space<vmem_shared>>
    %dma_wait3A_608 = tpu.memref_squeeze %dma_wait3A_607 : memref<1x16x640xf32, #tpu.memory_space<vmem_shared>> -> memref<16x640xf32, #tpu.memory_space<vmem_shared>>
    %dma_wait3A_609 = arith.constant 0 : i32
    %dma_wait3A_610 = tpu.memref_slice %dma_wait3A_608[%arg1, %dma_wait3A_609] : memref<16x640xf32, #tpu.memory_space<vmem_shared>> -> memref<1x640xf32, #tpu.memory_space<vmem_shared>>
    %dma_wait3A_611 = tpu.memref_squeeze %dma_wait3A_610 : memref<1x640xf32, #tpu.memory_space<vmem_shared>> -> memref<640xf32, #tpu.memory_space<vmem_shared>>
    %dma_wait3A_612 = arith.constant 0 : i32
    %dma_wait3A_613 = arith.constant 0 : i32
    %dma_wait3A_614 = tpu.memref_slice %arg7[%dma_wait3A_602, %dma_wait3A_612, %dma_wait3A_613] : memref<16x16x640xf32, #tpu.memory_space<vmem_shared>> -> memref<1x16x640xf32, #tpu.memory_space<vmem_shared>>
    %dma_wait3A_615 = tpu.memref_squeeze %dma_wait3A_614 : memref<1x16x640xf32, #tpu.memory_space<vmem_shared>> -> memref<16x640xf32, #tpu.memory_space<vmem_shared>>
    %dma_wait3A_616 = arith.constant 0 : i32
    %dma_wait3A_617 = tpu.memref_slice %dma_wait3A_615[%arg1, %dma_wait3A_616] : memref<16x640xf32, #tpu.memory_space<vmem_shared>> -> memref<1x640xf32, #tpu.memory_space<vmem_shared>>
    %dma_wait3A_618 = tpu.memref_squeeze %dma_wait3A_617 : memref<1x640xf32, #tpu.memory_space<vmem_shared>> -> memref<640xf32, #tpu.memory_space<vmem_shared>>
    %dma_wait3A_619 = arith.constant 9600 : i32
    %dma_wait3A_620 = tpu.memref_slice %arg4[%dma_wait3A_619] : memref<10240xf32, #tpu.memory_space<vmem>> -> memref<640xf32, #tpu.memory_space<vmem>>
    tpu.wait_dma2 semaphore(%arg8 : memref<!tpu.dma_semaphore, #tpu.memory_space<semaphore_mem>>) src(%dma_wait3A_620 : memref<640xf32, #tpu.memory_space<vmem>>) dst(%dma_wait3A_618 : memref<640xf32, #tpu.memory_space<vmem_shared>>)
    %barrier3A = arith.constant 0 : index
    tpu.barrier barrier_id(%barrier3A)
    "tpu.region"() ({
      %run_scoped3A = tpu.sem_alloc : memref<!tpu.dma_semaphore, #tpu.memory_space<semaphore_mem>>
      %dma_start3A_626 = arith.constant 0 : i32
      %dma_start3A_627 = arith.constant 0 : i32
      %dma_start3A_628 = tpu.memref_slice %arg7[%arg1, %dma_start3A_626, %dma_start3A_627] : memref<16x16x640xf32, #tpu.memory_space<vmem_shared>> -> memref<1x16x640xf32, #tpu.memory_space<vmem_shared>>
      %dma_start3A_629 = tpu.memref_squeeze %dma_start3A_628 : memref<1x16x640xf32, #tpu.memory_space<vmem_shared>> -> memref<16x640xf32, #tpu.memory_space<vmem_shared>>
      %dma_start3A_630 = arith.constant 0 : i32
      %dma_start3A_631 = arith.constant 0 : i32
      %dma_start3A_632 = tpu.memref_slice %arg7[%arg1, %dma_start3A_630, %dma_start3A_631] : memref<16x16x640xf32, #tpu.memory_space<vmem_shared>> -> memref<1x16x640xf32, #tpu.memory_space<vmem_shared>>
      %dma_start3A_633 = tpu.memref_squeeze %dma_start3A_632 : memref<1x16x640xf32, #tpu.memory_space<vmem_shared>> -> memref<16x640xf32, #tpu.memory_space<vmem_shared>>
      tpu.enqueue_dma source(%dma_start3A_633 : memref<16x640xf32, #tpu.memory_space<vmem_shared>>) target(%arg5 : memref<16x640xf32, #tpu.memory_space<vmem>>) target_semaphore(%run_scoped3A : memref<!tpu.dma_semaphore, #tpu.memory_space<semaphore_mem>>)
      %dma_wait3A_634 = arith.constant 0 : i32
      %dma_wait3A_635 = arith.constant 0 : i32
      %dma_wait3A_636 = tpu.memref_slice %arg7[%arg1, %dma_wait3A_634, %dma_wait3A_635] : memref<16x16x640xf32, #tpu.memory_space<vmem_shared>> -> memref<1x16x640xf32, #tpu.memory_space<vmem_shared>>
      %dma_wait3A_637 = tpu.memref_squeeze %dma_wait3A_636 : memref<1x16x640xf32, #tpu.memory_space<vmem_shared>> -> memref<16x640xf32, #tpu.memory_space<vmem_shared>>
      %dma_wait3A_638 = arith.constant 0 : i32
      %dma_wait3A_639 = arith.constant 0 : i32
      %dma_wait3A_640 = tpu.memref_slice %arg7[%arg1, %dma_wait3A_638, %dma_wait3A_639] : memref<16x16x640xf32, #tpu.memory_space<vmem_shared>> -> memref<1x16x640xf32, #tpu.memory_space<vmem_shared>>
      %dma_wait3A_641 = tpu.memref_squeeze %dma_wait3A_640 : memref<1x16x640xf32, #tpu.memory_space<vmem_shared>> -> memref<16x640xf32, #tpu.memory_space<vmem_shared>>
      tpu.wait_dma2 semaphore(%run_scoped3A : memref<!tpu.dma_semaphore, #tpu.memory_space<semaphore_mem>>) src(%dma_wait3A_641 : memref<16x640xf32, #tpu.memory_space<vmem_shared>>) dst(%arg5 : memref<16x640xf32, #tpu.memory_space<vmem>>)
      tpu.yield
    }) : () -> ()
    %scan3A_621 = arith.constant 0 : i32
    %scan3A_622 = arith.constant 40 : i32
    %scan3A_623 = arith.addi %scan3A_621, %scan3A_622 : i32
    %scan3A_624 = arith.constant 1 : i32
    scf.for %scan3A_626 = %scan3A_621 to %scan3A_623 step %scan3A_624  : i32 {
      %mul3A_627 = arith.constant 1 : i32
      %mul3A_628 = arith.muli %scan3A_626, %mul3A_627 : i32
      %add3A_629 = arith.constant 0 : i32
      %add3A_630 = arith.addi %add3A_629, %mul3A_628 : i32
      %mul3A_631 = arith.constant 16 : i32
      %mul3A_632 = arith.muli %add3A_630, %mul3A_631 : i32
      %get3A = arith.constant 0 : i32
      %get3A_633 = arith.index_cast %get3A : i32 to index
      %get3A_634 = arith.index_cast %mul3A_632 : i32 to index
      %get3A_635 = tpu.vector_load %arg5[%get3A_633, %get3A_634] {strides = array<i32>} : memref<16x640xf32, #tpu.memory_space<vmem>>, vector<16xf32>,
      %get3A_636 = arith.constant 1 : i32
      %get3A_637 = arith.index_cast %get3A_636 : i32 to index
      %get3A_638 = arith.index_cast %mul3A_632 : i32 to index
      %get3A_639 = tpu.vector_load %arg5[%get3A_637, %get3A_638] {strides = array<i32>} : memref<16x640xf32, #tpu.memory_space<vmem>>, vector<16xf32>,
      %add3A_640 = arith.addf %get3A_635, %get3A_639 : vector<16xf32>
      %get3A_641 = arith.constant 2 : i32
      %get3A_642 = arith.index_cast %get3A_641 : i32 to index
      %get3A_643 = arith.index_cast %mul3A_632 : i32 to index
      %get3A_644 = tpu.vector_load %arg5[%get3A_642, %get3A_643] {strides = array<i32>} : memref<16x640xf32, #tpu.memory_space<vmem>>, vector<16xf32>,
      %add3A_645 = arith.addf %add3A_640, %get3A_644 : vector<16xf32>
      %get3A_646 = arith.constant 3 : i32
      %get3A_647 = arith.index_cast %get3A_646 : i32 to index
      %get3A_648 = arith.index_cast %mul3A_632 : i32 to index
      %get3A_649 = tpu.vector_load %arg5[%get3A_647, %get3A_648] {strides = array<i32>} : memref<16x640xf32, #tpu.memory_space<vmem>>, vector<16xf32>,
      %add3A_650 = arith.addf %add3A_645, %get3A_649 : vector<16xf32>
      %get3A_651 = arith.constant 4 : i32
      %get3A_652 = arith.index_cast %get3A_651 : i32 to index
      %get3A_653 = arith.index_cast %mul3A_632 : i32 to index
      %get3A_654 = tpu.vector_load %arg5[%get3A_652, %get3A_653] {strides = array<i32>} : memref<16x640xf32, #tpu.memory_space<vmem>>, vector<16xf32>,
      %add3A_655 = arith.addf %add3A_650, %get3A_654 : vector<16xf32>
      %get3A_656 = arith.constant 5 : i32
      %get3A_657 = arith.index_cast %get3A_656 : i32 to index
      %get3A_658 = arith.index_cast %mul3A_632 : i32 to index
      %get3A_659 = tpu.vector_load %arg5[%get3A_657, %get3A_658] {strides = array<i32>} : memref<16x640xf32, #tpu.memory_space<vmem>>, vector<16xf32>,
      %add3A_660 = arith.addf %add3A_655, %get3A_659 : vector<16xf32>
      %get3A_661 = arith.constant 6 : i32
      %get3A_662 = arith.index_cast %get3A_661 : i32 to index
      %get3A_663 = arith.index_cast %mul3A_632 : i32 to index
      %get3A_664 = tpu.vector_load %arg5[%get3A_662, %get3A_663] {strides = array<i32>} : memref<16x640xf32, #tpu.memory_space<vmem>>, vector<16xf32>,
      %add3A_665 = arith.addf %add3A_660, %get3A_664 : vector<16xf32>
      %get3A_666 = arith.constant 7 : i32
      %get3A_667 = arith.index_cast %get3A_666 : i32 to index
      %get3A_668 = arith.index_cast %mul3A_632 : i32 to index
      %get3A_669 = tpu.vector_load %arg5[%get3A_667, %get3A_668] {strides = array<i32>} : memref<16x640xf32, #tpu.memory_space<vmem>>, vector<16xf32>,
      %add3A_670 = arith.addf %add3A_665, %get3A_669 : vector<16xf32>
      %get3A_671 = arith.constant 8 : i32
      %get3A_672 = arith.index_cast %get3A_671 : i32 to index
      %get3A_673 = arith.index_cast %mul3A_632 : i32 to index
      %get3A_674 = tpu.vector_load %arg5[%get3A_672, %get3A_673] {strides = array<i32>} : memref<16x640xf32, #tpu.memory_space<vmem>>, vector<16xf32>,
      %add3A_675 = arith.addf %add3A_670, %get3A_674 : vector<16xf32>
      %get3A_676 = arith.constant 9 : i32
      %get3A_677 = arith.index_cast %get3A_676 : i32 to index
      %get3A_678 = arith.index_cast %mul3A_632 : i32 to index
      %get3A_679 = tpu.vector_load %arg5[%get3A_677, %get3A_678] {strides = array<i32>} : memref<16x640xf32, #tpu.memory_space<vmem>>, vector<16xf32>,
      %add3A_680 = arith.addf %add3A_675, %get3A_679 : vector<16xf32>
      %get3A_681 = arith.constant 10 : i32
      %get3A_682 = arith.index_cast %get3A_681 : i32 to index
      %get3A_683 = arith.index_cast %mul3A_632 : i32 to index
      %get3A_684 = tpu.vector_load %arg5[%get3A_682, %get3A_683] {strides = array<i32>} : memref<16x640xf32, #tpu.memory_space<vmem>>, vector<16xf32>,
      %add3A_685 = arith.addf %add3A_680, %get3A_684 : vector<16xf32>
      %get3A_686 = arith.constant 11 : i32
      %get3A_687 = arith.index_cast %get3A_686 : i32 to index
      %get3A_688 = arith.index_cast %mul3A_632 : i32 to index
      %get3A_689 = tpu.vector_load %arg5[%get3A_687, %get3A_688] {strides = array<i32>} : memref<16x640xf32, #tpu.memory_space<vmem>>, vector<16xf32>,
      %add3A_690 = arith.addf %add3A_685, %get3A_689 : vector<16xf32>
      %get3A_691 = arith.constant 12 : i32
      %get3A_692 = arith.index_cast %get3A_691 : i32 to index
      %get3A_693 = arith.index_cast %mul3A_632 : i32 to index
      %get3A_694 = tpu.vector_load %arg5[%get3A_692, %get3A_693] {strides = array<i32>} : memref<16x640xf32, #tpu.memory_space<vmem>>, vector<16xf32>,
      %add3A_695 = arith.addf %add3A_690, %get3A_694 : vector<16xf32>
      %get3A_696 = arith.constant 13 : i32
      %get3A_697 = arith.index_cast %get3A_696 : i32 to index
      %get3A_698 = arith.index_cast %mul3A_632 : i32 to index
      %get3A_699 = tpu.vector_load %arg5[%get3A_697, %get3A_698] {strides = array<i32>} : memref<16x640xf32, #tpu.memory_space<vmem>>, vector<16xf32>,
      %add3A_700 = arith.addf %add3A_695, %get3A_699 : vector<16xf32>
      %get3A_701 = arith.constant 14 : i32
      %get3A_702 = arith.index_cast %get3A_701 : i32 to index
      %get3A_703 = arith.index_cast %mul3A_632 : i32 to index
      %get3A_704 = tpu.vector_load %arg5[%get3A_702, %get3A_703] {strides = array<i32>} : memref<16x640xf32, #tpu.memory_space<vmem>>, vector<16xf32>,
      %add3A_705 = arith.addf %add3A_700, %get3A_704 : vector<16xf32>
      %get3A_706 = arith.constant 15 : i32
      %get3A_707 = arith.index_cast %get3A_706 : i32 to index
      %get3A_708 = arith.index_cast %mul3A_632 : i32 to index
      %get3A_709 = tpu.vector_load %arg5[%get3A_707, %get3A_708] {strides = array<i32>} : memref<16x640xf32, #tpu.memory_space<vmem>>, vector<16xf32>,
      %add3A_710 = arith.addf %add3A_705, %get3A_709 : vector<16xf32>
      %swap3A = arith.index_cast %mul3A_632 : i32 to index
      %swap3A_711 = tpu.vector_load %arg4[%swap3A] {strides = array<i32>} : memref<10240xf32, #tpu.memory_space<vmem>>, vector<16xf32>,
      tpu.vector_store %arg4[%swap3A], %add3A_710 {strides = array<i32>} : memref<10240xf32, #tpu.memory_space<vmem>>, vector<16xf32>,
    }
    %scan3A_625 = arith.constant 40 : i32
    "tpu.region"() ({
      %run_scoped3A = tpu.sem_alloc : memref<!tpu.dma_semaphore, #tpu.memory_space<semaphore_mem>>
      %dma_start3A_626 = arith.constant 0 : i32
      %dma_start3A_627 = tpu.memref_slice %arg4[%dma_start3A_626] : memref<10240xf32, #tpu.memory_space<vmem>> -> memref<640xf32, #tpu.memory_space<vmem>>
      %dma_start3A_628 = arith.constant 0 : i32
      %dma_start3A_629 = arith.constant 0 : i32
      %dma_start3A_630 = tpu.memref_slice %arg3[%arg0, %dma_start3A_628, %dma_start3A_629] : memref<2x16x640xf32, #tpu.memory_space<hbm>> -> memref<1x16x640xf32, #tpu.memory_space<hbm>>
      %dma_start3A_631 = tpu.memref_squeeze %dma_start3A_630 : memref<1x16x640xf32, #tpu.memory_space<hbm>> -> memref<16x640xf32, #tpu.memory_space<hbm>>
      %dma_start3A_632 = arith.constant 0 : i32
      %dma_start3A_633 = tpu.memref_slice %dma_start3A_631[%arg1, %dma_start3A_632] : memref<16x640xf32, #tpu.memory_space<hbm>> -> memref<1x640xf32, #tpu.memory_space<hbm>>
      %dma_start3A_634 = tpu.memref_squeeze %dma_start3A_633 : memref<1x640xf32, #tpu.memory_space<hbm>> -> memref<640xf32, #tpu.memory_space<hbm>>
      %dma_start3A_635 = arith.constant 0 : i32
      %dma_start3A_636 = arith.constant 0 : i32
      %dma_start3A_637 = tpu.memref_slice %arg3[%arg0, %dma_start3A_635, %dma_start3A_636] : memref<2x16x640xf32, #tpu.memory_space<hbm>> -> memref<1x16x640xf32, #tpu.memory_space<hbm>>
      %dma_start3A_638 = tpu.memref_squeeze %dma_start3A_637 : memref<1x16x640xf32, #tpu.memory_space<hbm>> -> memref<16x640xf32, #tpu.memory_space<hbm>>
      %dma_start3A_639 = arith.constant 0 : i32
      %dma_start3A_640 = tpu.memref_slice %dma_start3A_638[%arg1, %dma_start3A_639] : memref<16x640xf32, #tpu.memory_space<hbm>> -> memref<1x640xf32, #tpu.memory_space<hbm>>
      %dma_start3A_641 = tpu.memref_squeeze %dma_start3A_640 : memref<1x640xf32, #tpu.memory_space<hbm>> -> memref<640xf32, #tpu.memory_space<hbm>>
      %dma_start3A_642 = arith.constant 0 : i32
      %dma_start3A_643 = tpu.memref_slice %arg4[%dma_start3A_642] : memref<10240xf32, #tpu.memory_space<vmem>> -> memref<640xf32, #tpu.memory_space<vmem>>
      tpu.enqueue_dma source(%dma_start3A_643 : memref<640xf32, #tpu.memory_space<vmem>>) target(%dma_start3A_641 : memref<640xf32, #tpu.memory_space<hbm>>) target_semaphore(%run_scoped3A : memref<!tpu.dma_semaphore, #tpu.memory_space<semaphore_mem>>)
      %dma_wait3A_644 = arith.constant 0 : i32
      %dma_wait3A_645 = tpu.memref_slice %arg4[%dma_wait3A_644] : memref<10240xf32, #tpu.memory_space<vmem>> -> memref<640xf32, #tpu.memory_space<vmem>>
      %dma_wait3A_646 = arith.constant 0 : i32
      %dma_wait3A_647 = arith.constant 0 : i32
      %dma_wait3A_648 = tpu.memref_slice %arg3[%arg0, %dma_wait3A_646, %dma_wait3A_647] : memref<2x16x640xf32, #tpu.memory_space<hbm>> -> memref<1x16x640xf32, #tpu.memory_space<hbm>>
      %dma_wait3A_649 = tpu.memref_squeeze %dma_wait3A_648 : memref<1x16x640xf32, #tpu.memory_space<hbm>> -> memref<16x640xf32, #tpu.memory_space<hbm>>
      %dma_wait3A_650 = arith.constant 0 : i32
      %dma_wait3A_651 = tpu.memref_slice %dma_wait3A_649[%arg1, %dma_wait3A_650] : memref<16x640xf32, #tpu.memory_space<hbm>> -> memref<1x640xf32, #tpu.memory_space<hbm>>
      %dma_wait3A_652 = tpu.memref_squeeze %dma_wait3A_651 : memref<1x640xf32, #tpu.memory_space<hbm>> -> memref<640xf32, #tpu.memory_space<hbm>>
      %dma_wait3A_653 = arith.constant 0 : i32
      %dma_wait3A_654 = arith.constant 0 : i32
      %dma_wait3A_655 = tpu.memref_slice %arg3[%arg0, %dma_wait3A_653, %dma_wait3A_654] : memref<2x16x640xf32, #tpu.memory_space<hbm>> -> memref<1x16x640xf32, #tpu.memory_space<hbm>>
      %dma_wait3A_656 = tpu.memref_squeeze %dma_wait3A_655 : memref<1x16x640xf32, #tpu.memory_space<hbm>> -> memref<16x640xf32, #tpu.memory_space<hbm>>
      %dma_wait3A_657 = arith.constant 0 : i32
      %dma_wait3A_658 = tpu.memref_slice %dma_wait3A_656[%arg1, %dma_wait3A_657] : memref<16x640xf32, #tpu.memory_space<hbm>> -> memref<1x640xf32, #tpu.memory_space<hbm>>
      %dma_wait3A_659 = tpu.memref_squeeze %dma_wait3A_658 : memref<1x640xf32, #tpu.memory_space<hbm>> -> memref<640xf32, #tpu.memory_space<hbm>>
      %dma_wait3A_660 = arith.constant 0 : i32
      %dma_wait3A_661 = tpu.memref_slice %arg4[%dma_wait3A_660] : memref<10240xf32, #tpu.memory_space<vmem>> -> memref<640xf32, #tpu.memory_space<vmem>>
      tpu.wait_dma2 semaphore(%run_scoped3A : memref<!tpu.dma_semaphore, #tpu.memory_space<semaphore_mem>>) src(%dma_wait3A_661 : memref<640xf32, #tpu.memory_space<vmem>>) dst(%dma_wait3A_659 : memref<640xf32, #tpu.memory_space<hbm>>)
      tpu.yield
    }) : () -> ()
    return
  }
}

#map = affine_map<(d0, d1) -> (0, 0)>
#map1 = affine_map<(d0, d1) -> (0, 0, 0)>
module attributes {stable_mosaic.version = 14 : i64} {
  func.func @_sc_aggregate_body(%arg0: i32, %arg1: i32, %arg2: memref<10240x128xf32, #tpu.memory_space<hbm>>, %arg3: memref<2560x128xi32, #tpu.memory_space<hbm>>, %arg4: memref<2560x128xi32, #tpu.memory_space<hbm>>, %arg5: memref<128x128xf32, #tpu.memory_space<hbm>>, %arg6: memref<2x10240x128xf32, #tpu.memory_space<hbm>>, %arg7: memref<10240x128xf32, #tpu.memory_space<vmem_shared>>, %arg8: memref<2x128x128xf32, #tpu.memory_space<vmem>>, %arg9: memref<40x128xi32, #tpu.memory_space<vmem>>, %arg10: memref<40x128xi32, #tpu.memory_space<vmem>>, %arg11: memref<!tpu.dma_semaphore, #tpu.memory_space<semaphore_mem>>, %arg12: memref<!tpu.dma_semaphore, #tpu.memory_space<semaphore_mem>>) attributes {dimension_semantics = [#tpu.dimension_semantics<core_parallel>, #tpu.dimension_semantics<subcore_parallel>], iteration_bounds = array<i64: 2, 16>, scalar_prefetch = 0 : i64, scratch_operands = 6 : i64, tpu.core_type = #tpu.core_type<sc_vector_subcore>, window_params = [{transform_indices = #map}, {transform_indices = #map}, {transform_indices = #map}, {transform_indices = #map}, {transform_indices = #map1}]} {
    %run_scoped3A = arith.constant 0 : i32
    "tpu.region"() ({
      %run_scoped3A_130 = tpu.sem_alloc : memref<!tpu.dma_semaphore, #tpu.memory_space<semaphore_mem>>
      %dma_start3A_131 = arith.constant 0 : i32
      %dma_start3A_132 = arith.constant 0 : i32
      %dma_start3A_133 = tpu.memref_slice %arg8[%run_scoped3A, %dma_start3A_131, %dma_start3A_132] : memref<2x128x128xf32, #tpu.memory_space<vmem>> -> memref<1x128x128xf32, #tpu.memory_space<vmem>>
      %dma_start3A_134 = tpu.memref_squeeze %dma_start3A_133 : memref<1x128x128xf32, #tpu.memory_space<vmem>> -> memref<128x128xf32, #tpu.memory_space<vmem>>
      %dma_start3A_135 = arith.constant 0 : i32
      %dma_start3A_136 = arith.constant 0 : i32
      %dma_start3A_137 = tpu.memref_slice %arg8[%run_scoped3A, %dma_start3A_135, %dma_start3A_136] : memref<2x128x128xf32, #tpu.memory_space<vmem>> -> memref<1x128x128xf32, #tpu.memory_space<vmem>>
      %dma_start3A_138 = tpu.memref_squeeze %dma_start3A_137 : memref<1x128x128xf32, #tpu.memory_space<vmem>> -> memref<128x128xf32, #tpu.memory_space<vmem>>
      tpu.enqueue_dma source(%arg5 : memref<128x128xf32, #tpu.memory_space<hbm>>) target(%dma_start3A_138 : memref<128x128xf32, #tpu.memory_space<vmem>>) target_semaphore(%run_scoped3A_130 : memref<!tpu.dma_semaphore, #tpu.memory_space<semaphore_mem>>)
      %dma_wait3A_139 = arith.constant 0 : i32
      %dma_wait3A_140 = arith.constant 0 : i32
      %dma_wait3A_141 = tpu.memref_slice %arg8[%run_scoped3A, %dma_wait3A_139, %dma_wait3A_140] : memref<2x128x128xf32, #tpu.memory_space<vmem>> -> memref<1x128x128xf32, #tpu.memory_space<vmem>>
      %dma_wait3A_142 = tpu.memref_squeeze %dma_wait3A_141 : memref<1x128x128xf32, #tpu.memory_space<vmem>> -> memref<128x128xf32, #tpu.memory_space<vmem>>
      %dma_wait3A_143 = arith.constant 0 : i32
      %dma_wait3A_144 = arith.constant 0 : i32
      %dma_wait3A_145 = tpu.memref_slice %arg8[%run_scoped3A, %dma_wait3A_143, %dma_wait3A_144] : memref<2x128x128xf32, #tpu.memory_space<vmem>> -> memref<1x128x128xf32, #tpu.memory_space<vmem>>
      %dma_wait3A_146 = tpu.memref_squeeze %dma_wait3A_145 : memref<1x128x128xf32, #tpu.memory_space<vmem>> -> memref<128x128xf32, #tpu.memory_space<vmem>>
      tpu.wait_dma2 semaphore(%run_scoped3A_130 : memref<!tpu.dma_semaphore, #tpu.memory_space<semaphore_mem>>) src(%arg5 : memref<128x128xf32, #tpu.memory_space<hbm>>) dst(%dma_wait3A_146 : memref<128x128xf32, #tpu.memory_space<vmem>>)
      tpu.yield
    }) : () -> ()
    %scan3A = arith.constant 0 : i32
    %scan3A_0 = arith.constant 5 : i32
    %scan3A_1 = arith.addi %scan3A, %scan3A_0 : i32
    %scan3A_2 = arith.constant 1 : i32
    scf.for %scan3A_130 = %scan3A to %scan3A_1 step %scan3A_2  : i32 {
      %mul3A_131 = arith.constant 1 : i32
      %mul3A_132 = arith.muli %scan3A_130, %mul3A_131 : i32
      %add3A_133 = arith.constant 0 : i32
      %add3A_134 = arith.addi %add3A_133, %mul3A_132 : i32
      %mul3A_135 = arith.constant 640 : i32
      %mul3A_136 = arith.muli %arg1, %mul3A_135 : i32
      %mul3A_137 = arith.constant 128 : i32
      %mul3A_138 = arith.muli %add3A_134, %mul3A_137 : i32
      %add3A_139 = arith.addi %mul3A_136, %mul3A_138 : i32
      %run_scoped3A_140 = arith.constant 0 : i32
      "tpu.region"() ({
        %run_scoped3A_141 = tpu.sem_alloc : memref<!tpu.dma_semaphore, #tpu.memory_space<semaphore_mem>>
        %dma_start3A_142 = arith.constant 0 : i32
        %dma_start3A_143 = arith.constant 0 : i32
        %dma_start3A_144 = tpu.memref_slice %arg8[%run_scoped3A_140, %dma_start3A_142, %dma_start3A_143] : memref<2x128x128xf32, #tpu.memory_space<vmem>> -> memref<1x128x128xf32, #tpu.memory_space<vmem>>
        %dma_start3A_145 = tpu.memref_squeeze %dma_start3A_144 : memref<1x128x128xf32, #tpu.memory_space<vmem>> -> memref<128x128xf32, #tpu.memory_space<vmem>>
        %dma_start3A_146 = arith.constant 0 : i32
        %dma_start3A_147 = tpu.memref_slice %arg7[%add3A_139, %dma_start3A_146] : memref<10240x128xf32, #tpu.memory_space<vmem_shared>> -> memref<128x128xf32, #tpu.memory_space<vmem_shared>>
        %dma_start3A_148 = arith.constant 0 : i32
        %dma_start3A_149 = tpu.memref_slice %arg7[%add3A_139, %dma_start3A_148] : memref<10240x128xf32, #tpu.memory_space<vmem_shared>> -> memref<128x128xf32, #tpu.memory_space<vmem_shared>>
        %dma_start3A_150 = arith.constant 0 : i32
        %dma_start3A_151 = arith.constant 0 : i32
        %dma_start3A_152 = tpu.memref_slice %arg8[%run_scoped3A_140, %dma_start3A_150, %dma_start3A_151] : memref<2x128x128xf32, #tpu.memory_space<vmem>> -> memref<1x128x128xf32, #tpu.memory_space<vmem>>
        %dma_start3A_153 = tpu.memref_squeeze %dma_start3A_152 : memref<1x128x128xf32, #tpu.memory_space<vmem>> -> memref<128x128xf32, #tpu.memory_space<vmem>>
        tpu.enqueue_dma source(%dma_start3A_153 : memref<128x128xf32, #tpu.memory_space<vmem>>) target(%dma_start3A_149 : memref<128x128xf32, #tpu.memory_space<vmem_shared>>) target_semaphore(%run_scoped3A_141 : memref<!tpu.dma_semaphore, #tpu.memory_space<semaphore_mem>>)
        %dma_wait3A_154 = arith.constant 0 : i32
        %dma_wait3A_155 = arith.constant 0 : i32
        %dma_wait3A_156 = tpu.memref_slice %arg8[%run_scoped3A_140, %dma_wait3A_154, %dma_wait3A_155] : memref<2x128x128xf32, #tpu.memory_space<vmem>> -> memref<1x128x128xf32, #tpu.memory_space<vmem>>
        %dma_wait3A_157 = tpu.memref_squeeze %dma_wait3A_156 : memref<1x128x128xf32, #tpu.memory_space<vmem>> -> memref<128x128xf32, #tpu.memory_space<vmem>>
        %dma_wait3A_158 = arith.constant 0 : i32
        %dma_wait3A_159 = tpu.memref_slice %arg7[%add3A_139, %dma_wait3A_158] : memref<10240x128xf32, #tpu.memory_space<vmem_shared>> -> memref<128x128xf32, #tpu.memory_space<vmem_shared>>
        %dma_wait3A_160 = arith.constant 0 : i32
        %dma_wait3A_161 = tpu.memref_slice %arg7[%add3A_139, %dma_wait3A_160] : memref<10240x128xf32, #tpu.memory_space<vmem_shared>> -> memref<128x128xf32, #tpu.memory_space<vmem_shared>>
        %dma_wait3A_162 = arith.constant 0 : i32
        %dma_wait3A_163 = arith.constant 0 : i32
        %dma_wait3A_164 = tpu.memref_slice %arg8[%run_scoped3A_140, %dma_wait3A_162, %dma_wait3A_163] : memref<2x128x128xf32, #tpu.memory_space<vmem>> -> memref<1x128x128xf32, #tpu.memory_space<vmem>>
        %dma_wait3A_165 = tpu.memref_squeeze %dma_wait3A_164 : memref<1x128x128xf32, #tpu.memory_space<vmem>> -> memref<128x128xf32, #tpu.memory_space<vmem>>
        tpu.wait_dma2 semaphore(%run_scoped3A_141 : memref<!tpu.dma_semaphore, #tpu.memory_space<semaphore_mem>>) src(%dma_wait3A_165 : memref<128x128xf32, #tpu.memory_space<vmem>>) dst(%dma_wait3A_161 : memref<128x128xf32, #tpu.memory_space<vmem_shared>>)
        tpu.yield
      }) : () -> ()
    }
    %scan3A_3 = arith.constant 5 : i32
    %mul3A = arith.constant 16 : i32
    %mul3A_4 = arith.muli %arg0, %mul3A : i32
    %add3A = arith.addi %mul3A_4, %arg1 : i32
    %barrier3A = arith.constant 0 : index
    tpu.barrier barrier_id(%barrier3A)
    %mul3A_5 = arith.constant 80 : i32
    %mul3A_6 = arith.muli %add3A, %mul3A_5 : i32
    %add3A_7 = arith.constant 0 : i32
    %add3A_8 = arith.addi %mul3A_6, %add3A_7 : i32
    "tpu.region"() ({
      %run_scoped3A_130 = tpu.sem_alloc : memref<!tpu.dma_semaphore, #tpu.memory_space<semaphore_mem>>
      %dma_start3A_131 = arith.constant 0 : i32
      %dma_start3A_132 = tpu.memref_slice %arg3[%add3A_8, %dma_start3A_131] : memref<2560x128xi32, #tpu.memory_space<hbm>> -> memref<40x128xi32, #tpu.memory_space<hbm>>
      %dma_start3A_133 = arith.constant 0 : i32
      %dma_start3A_134 = tpu.memref_slice %arg3[%add3A_8, %dma_start3A_133] : memref<2560x128xi32, #tpu.memory_space<hbm>> -> memref<40x128xi32, #tpu.memory_space<hbm>>
      tpu.enqueue_dma source(%dma_start3A_134 : memref<40x128xi32, #tpu.memory_space<hbm>>) target(%arg9 : memref<40x128xi32, #tpu.memory_space<vmem>>) target_semaphore(%run_scoped3A_130 : memref<!tpu.dma_semaphore, #tpu.memory_space<semaphore_mem>>)
      %dma_wait3A_135 = arith.constant 0 : i32
      %dma_wait3A_136 = tpu.memref_slice %arg3[%add3A_8, %dma_wait3A_135] : memref<2560x128xi32, #tpu.memory_space<hbm>> -> memref<40x128xi32, #tpu.memory_space<hbm>>
      %dma_wait3A_137 = arith.constant 0 : i32
      %dma_wait3A_138 = tpu.memref_slice %arg3[%add3A_8, %dma_wait3A_137] : memref<2560x128xi32, #tpu.memory_space<hbm>> -> memref<40x128xi32, #tpu.memory_space<hbm>>
      tpu.wait_dma2 semaphore(%run_scoped3A_130 : memref<!tpu.dma_semaphore, #tpu.memory_space<semaphore_mem>>) src(%dma_wait3A_138 : memref<40x128xi32, #tpu.memory_space<hbm>>) dst(%arg9 : memref<40x128xi32, #tpu.memory_space<vmem>>)
      tpu.yield
    }) : () -> ()
    "tpu.region"() ({
      %run_scoped3A_130 = tpu.sem_alloc : memref<!tpu.dma_semaphore, #tpu.memory_space<semaphore_mem>>
      %dma_start3A_131 = arith.constant 0 : i32
      %dma_start3A_132 = tpu.memref_slice %arg4[%add3A_8, %dma_start3A_131] : memref<2560x128xi32, #tpu.memory_space<hbm>> -> memref<40x128xi32, #tpu.memory_space<hbm>>
      %dma_start3A_133 = arith.constant 0 : i32
      %dma_start3A_134 = tpu.memref_slice %arg4[%add3A_8, %dma_start3A_133] : memref<2560x128xi32, #tpu.memory_space<hbm>> -> memref<40x128xi32, #tpu.memory_space<hbm>>
      tpu.enqueue_dma source(%dma_start3A_134 : memref<40x128xi32, #tpu.memory_space<hbm>>) target(%arg10 : memref<40x128xi32, #tpu.memory_space<vmem>>) target_semaphore(%run_scoped3A_130 : memref<!tpu.dma_semaphore, #tpu.memory_space<semaphore_mem>>)
      %dma_wait3A_135 = arith.constant 0 : i32
      %dma_wait3A_136 = tpu.memref_slice %arg4[%add3A_8, %dma_wait3A_135] : memref<2560x128xi32, #tpu.memory_space<hbm>> -> memref<40x128xi32, #tpu.memory_space<hbm>>
      %dma_wait3A_137 = arith.constant 0 : i32
      %dma_wait3A_138 = tpu.memref_slice %arg4[%add3A_8, %dma_wait3A_137] : memref<2560x128xi32, #tpu.memory_space<hbm>> -> memref<40x128xi32, #tpu.memory_space<hbm>>
      tpu.wait_dma2 semaphore(%run_scoped3A_130 : memref<!tpu.dma_semaphore, #tpu.memory_space<semaphore_mem>>) src(%dma_wait3A_138 : memref<40x128xi32, #tpu.memory_space<hbm>>) dst(%arg10 : memref<40x128xi32, #tpu.memory_space<vmem>>)
      tpu.yield
    }) : () -> ()
    %dma_start3A = arith.constant 0 : i32
    %dma_start3A_9 = arith.constant 0 : i32
    %dma_start3A_10 = arith.constant 0 : i32
    %dma_start3A_11 = arith.constant 0 : i32
    %dma_start3A_12 = tpu.memref_slice %arg8[%dma_start3A_9, %dma_start3A_10, %dma_start3A_11] : memref<2x128x128xf32, #tpu.memory_space<vmem>> -> memref<1x128x128xf32, #tpu.memory_space<vmem>>
    %dma_start3A_13 = tpu.memref_squeeze %dma_start3A_12 : memref<1x128x128xf32, #tpu.memory_space<vmem>> -> memref<128x128xf32, #tpu.memory_space<vmem>>
    %dma_start3A_14 = arith.constant 0 : i32
    %dma_start3A_15 = tpu.memref_slice %arg9[%dma_start3A, %dma_start3A_14] : memref<40x128xi32, #tpu.memory_space<vmem>> -> memref<1x128xi32, #tpu.memory_space<vmem>>
    %dma_start3A_16 = tpu.memref_squeeze %dma_start3A_15 : memref<1x128xi32, #tpu.memory_space<vmem>> -> memref<128xi32, #tpu.memory_space<vmem>>
    %dma_start3A_17 = arith.constant 0 : i32
    %dma_start3A_18 = arith.constant 0 : i32
    %dma_start3A_19 = tpu.memref_slice %arg2[%dma_start3A_17, %dma_start3A_18] : memref<10240x128xf32, #tpu.memory_space<hbm>> -> memref<10240x128xf32, #tpu.memory_space<hbm>>
    tpu.enqueue_indirect_dma source(%dma_start3A_19 : memref<10240x128xf32, #tpu.memory_space<hbm>>) target(%dma_start3A_13 : memref<128x128xf32, #tpu.memory_space<vmem>>) offsets(%dma_start3A_16 : memref<128xi32, #tpu.memory_space<vmem>>) semaphore(%arg11 : memref<!tpu.dma_semaphore, #tpu.memory_space<semaphore_mem>>)
    %dma_start3A_20 = arith.constant 1 : i32
    %dma_start3A_21 = arith.constant 1 : i32
    %dma_start3A_22 = arith.constant 0 : i32
    %dma_start3A_23 = arith.constant 0 : i32
    %dma_start3A_24 = tpu.memref_slice %arg8[%dma_start3A_21, %dma_start3A_22, %dma_start3A_23] : memref<2x128x128xf32, #tpu.memory_space<vmem>> -> memref<1x128x128xf32, #tpu.memory_space<vmem>>
    %dma_start3A_25 = tpu.memref_squeeze %dma_start3A_24 : memref<1x128x128xf32, #tpu.memory_space<vmem>> -> memref<128x128xf32, #tpu.memory_space<vmem>>
    %dma_start3A_26 = arith.constant 0 : i32
    %dma_start3A_27 = tpu.memref_slice %arg9[%dma_start3A_20, %dma_start3A_26] : memref<40x128xi32, #tpu.memory_space<vmem>> -> memref<1x128xi32, #tpu.memory_space<vmem>>
    %dma_start3A_28 = tpu.memref_squeeze %dma_start3A_27 : memref<1x128xi32, #tpu.memory_space<vmem>> -> memref<128xi32, #tpu.memory_space<vmem>>
    %dma_start3A_29 = arith.constant 0 : i32
    %dma_start3A_30 = arith.constant 0 : i32
    %dma_start3A_31 = tpu.memref_slice %arg2[%dma_start3A_29, %dma_start3A_30] : memref<10240x128xf32, #tpu.memory_space<hbm>> -> memref<10240x128xf32, #tpu.memory_space<hbm>>
    tpu.enqueue_indirect_dma source(%dma_start3A_31 : memref<10240x128xf32, #tpu.memory_space<hbm>>) target(%dma_start3A_25 : memref<128x128xf32, #tpu.memory_space<vmem>>) offsets(%dma_start3A_28 : memref<128xi32, #tpu.memory_space<vmem>>) semaphore(%arg12 : memref<!tpu.dma_semaphore, #tpu.memory_space<semaphore_mem>>)
    %scan3A_32 = arith.constant 0 : i32
    %scan3A_33 = arith.constant 19 : i32
    %scan3A_34 = arith.addi %scan3A_32, %scan3A_33 : i32
    %scan3A_35 = arith.constant 1 : i32
    scf.for %scan3A_130 = %scan3A_32 to %scan3A_34 step %scan3A_35  : i32 {
      %mul3A_131 = arith.constant 1 : i32
      %mul3A_132 = arith.muli %scan3A_130, %mul3A_131 : i32
      %add3A_133 = arith.constant 0 : i32
      %add3A_134 = arith.addi %add3A_133, %mul3A_132 : i32
      %mul3A_135 = arith.constant 2 : i32
      %mul3A_136 = arith.muli %add3A_134, %mul3A_135 : i32
      %add3A_137 = arith.constant 0 : i32
      %add3A_138 = arith.addi %mul3A_136, %add3A_137 : i32
      %dma_wait3A_139 = arith.constant 0 : i32
      %dma_wait3A_140 = arith.constant 0 : i32
      %dma_wait3A_141 = arith.constant 0 : i32
      %dma_wait3A_142 = tpu.memref_slice %arg8[%dma_wait3A_139, %dma_wait3A_140, %dma_wait3A_141] : memref<2x128x128xf32, #tpu.memory_space<vmem>> -> memref<1x128x128xf32, #tpu.memory_space<vmem>>
      %dma_wait3A_143 = tpu.memref_squeeze %dma_wait3A_142 : memref<1x128x128xf32, #tpu.memory_space<vmem>> -> memref<128x128xf32, #tpu.memory_space<vmem>>
      %dma_wait3A_144 = arith.constant 0 : i32
      %dma_wait3A_145 = tpu.memref_slice %arg9[%add3A_138, %dma_wait3A_144] : memref<40x128xi32, #tpu.memory_space<vmem>> -> memref<1x128xi32, #tpu.memory_space<vmem>>
      %dma_wait3A_146 = tpu.memref_squeeze %dma_wait3A_145 : memref<1x128xi32, #tpu.memory_space<vmem>> -> memref<128xi32, #tpu.memory_space<vmem>>
      %dma_wait3A_147 = arith.constant 0 : i32
      %dma_wait3A_148 = arith.constant 0 : i32
      %dma_wait3A_149 = tpu.memref_slice %arg2[%dma_wait3A_147, %dma_wait3A_148] : memref<10240x128xf32, #tpu.memory_space<hbm>> -> memref<10240x128xf32, #tpu.memory_space<hbm>>
      tpu.wait_indirect_dma semaphore(%arg11 : memref<!tpu.dma_semaphore, #tpu.memory_space<semaphore_mem>>) src(%dma_wait3A_149 : memref<10240x128xf32, #tpu.memory_space<hbm>>) dst(%dma_wait3A_143 : memref<128x128xf32, #tpu.memory_space<vmem>>)
      %run_scoped3A_150 = arith.constant 0 : i32
      "tpu.region"() ({
        %run_scoped3A_193 = tpu.sem_alloc : memref<!tpu.dma_semaphore, #tpu.memory_space<semaphore_mem>>
        %dma_start3A_194 = arith.constant 0 : i32
        %dma_start3A_195 = arith.constant 0 : i32
        %dma_start3A_196 = tpu.memref_slice %arg8[%run_scoped3A_150, %dma_start3A_194, %dma_start3A_195] : memref<2x128x128xf32, #tpu.memory_space<vmem>> -> memref<1x128x128xf32, #tpu.memory_space<vmem>>
        %dma_start3A_197 = tpu.memref_squeeze %dma_start3A_196 : memref<1x128x128xf32, #tpu.memory_space<vmem>> -> memref<128x128xf32, #tpu.memory_space<vmem>>
        %dma_start3A_198 = arith.constant 0 : i32
        %dma_start3A_199 = tpu.memref_slice %arg10[%add3A_138, %dma_start3A_198] : memref<40x128xi32, #tpu.memory_space<vmem>> -> memref<1x128xi32, #tpu.memory_space<vmem>>
        %dma_start3A_200 = tpu.memref_squeeze %dma_start3A_199 : memref<1x128xi32, #tpu.memory_space<vmem>> -> memref<128xi32, #tpu.memory_space<vmem>>
        %dma_start3A_201 = arith.constant 0 : i32
        %dma_start3A_202 = arith.constant 0 : i32
        %dma_start3A_203 = tpu.memref_slice %arg7[%dma_start3A_201, %dma_start3A_202] : memref<10240x128xf32, #tpu.memory_space<vmem_shared>> -> memref<10240x128xf32, #tpu.memory_space<vmem_shared>>
        tpu.enqueue_indirect_dma source(%dma_start3A_197 : memref<128x128xf32, #tpu.memory_space<vmem>>) target(%dma_start3A_203 : memref<10240x128xf32, #tpu.memory_space<vmem_shared>>) offsets(%dma_start3A_200 : memref<128xi32, #tpu.memory_space<vmem>>) semaphore(%run_scoped3A_193 : memref<!tpu.dma_semaphore, #tpu.memory_space<semaphore_mem>>) {add = true}
        %dma_wait3A_204 = arith.constant 0 : i32
        %dma_wait3A_205 = arith.constant 0 : i32
        %dma_wait3A_206 = tpu.memref_slice %arg8[%run_scoped3A_150, %dma_wait3A_204, %dma_wait3A_205] : memref<2x128x128xf32, #tpu.memory_space<vmem>> -> memref<1x128x128xf32, #tpu.memory_space<vmem>>
        %dma_wait3A_207 = tpu.memref_squeeze %dma_wait3A_206 : memref<1x128x128xf32, #tpu.memory_space<vmem>> -> memref<128x128xf32, #tpu.memory_space<vmem>>
        %dma_wait3A_208 = arith.constant 0 : i32
        %dma_wait3A_209 = tpu.memref_slice %arg10[%add3A_138, %dma_wait3A_208] : memref<40x128xi32, #tpu.memory_space<vmem>> -> memref<1x128xi32, #tpu.memory_space<vmem>>
        %dma_wait3A_210 = tpu.memref_squeeze %dma_wait3A_209 : memref<1x128xi32, #tpu.memory_space<vmem>> -> memref<128xi32, #tpu.memory_space<vmem>>
        %dma_wait3A_211 = arith.constant 0 : i32
        %dma_wait3A_212 = arith.constant 0 : i32
        %dma_wait3A_213 = tpu.memref_slice %arg7[%dma_wait3A_211, %dma_wait3A_212] : memref<10240x128xf32, #tpu.memory_space<vmem_shared>> -> memref<10240x128xf32, #tpu.memory_space<vmem_shared>>
        tpu.wait_indirect_dma semaphore(%run_scoped3A_193 : memref<!tpu.dma_semaphore, #tpu.memory_space<semaphore_mem>>) src(%dma_wait3A_207 : memref<128x128xf32, #tpu.memory_space<vmem>>) dst(%dma_wait3A_213 : memref<10240x128xf32, #tpu.memory_space<vmem_shared>>)
        tpu.yield
      }) : () -> ()
      %add3A_151 = arith.constant 2 : i32
      %add3A_152 = arith.addi %add3A_138, %add3A_151 : i32
      %dma_start3A_153 = arith.constant 0 : i32
      %dma_start3A_154 = arith.constant 0 : i32
      %dma_start3A_155 = arith.constant 0 : i32
      %dma_start3A_156 = tpu.memref_slice %arg8[%dma_start3A_153, %dma_start3A_154, %dma_start3A_155] : memref<2x128x128xf32, #tpu.memory_space<vmem>> -> memref<1x128x128xf32, #tpu.memory_space<vmem>>
      %dma_start3A_157 = tpu.memref_squeeze %dma_start3A_156 : memref<1x128x128xf32, #tpu.memory_space<vmem>> -> memref<128x128xf32, #tpu.memory_space<vmem>>
      %dma_start3A_158 = arith.constant 0 : i32
      %dma_start3A_159 = tpu.memref_slice %arg9[%add3A_152, %dma_start3A_158] : memref<40x128xi32, #tpu.memory_space<vmem>> -> memref<1x128xi32, #tpu.memory_space<vmem>>
      %dma_start3A_160 = tpu.memref_squeeze %dma_start3A_159 : memref<1x128xi32, #tpu.memory_space<vmem>> -> memref<128xi32, #tpu.memory_space<vmem>>
      %dma_start3A_161 = arith.constant 0 : i32
      %dma_start3A_162 = arith.constant 0 : i32
      %dma_start3A_163 = tpu.memref_slice %arg2[%dma_start3A_161, %dma_start3A_162] : memref<10240x128xf32, #tpu.memory_space<hbm>> -> memref<10240x128xf32, #tpu.memory_space<hbm>>
      tpu.enqueue_indirect_dma source(%dma_start3A_163 : memref<10240x128xf32, #tpu.memory_space<hbm>>) target(%dma_start3A_157 : memref<128x128xf32, #tpu.memory_space<vmem>>) offsets(%dma_start3A_160 : memref<128xi32, #tpu.memory_space<vmem>>) semaphore(%arg11 : memref<!tpu.dma_semaphore, #tpu.memory_space<semaphore_mem>>)
      %mul3A_164 = arith.constant 2 : i32
      %mul3A_165 = arith.muli %add3A_134, %mul3A_164 : i32
      %add3A_166 = arith.constant 1 : i32
      %add3A_167 = arith.addi %mul3A_165, %add3A_166 : i32
      %dma_wait3A_168 = arith.constant 1 : i32
      %dma_wait3A_169 = arith.constant 0 : i32
      %dma_wait3A_170 = arith.constant 0 : i32
      %dma_wait3A_171 = tpu.memref_slice %arg8[%dma_wait3A_168, %dma_wait3A_169, %dma_wait3A_170] : memref<2x128x128xf32, #tpu.memory_space<vmem>> -> memref<1x128x128xf32, #tpu.memory_space<vmem>>
      %dma_wait3A_172 = tpu.memref_squeeze %dma_wait3A_171 : memref<1x128x128xf32, #tpu.memory_space<vmem>> -> memref<128x128xf32, #tpu.memory_space<vmem>>
      %dma_wait3A_173 = arith.constant 0 : i32
      %dma_wait3A_174 = tpu.memref_slice %arg9[%add3A_167, %dma_wait3A_173] : memref<40x128xi32, #tpu.memory_space<vmem>> -> memref<1x128xi32, #tpu.memory_space<vmem>>
      %dma_wait3A_175 = tpu.memref_squeeze %dma_wait3A_174 : memref<1x128xi32, #tpu.memory_space<vmem>> -> memref<128xi32, #tpu.memory_space<vmem>>
      %dma_wait3A_176 = arith.constant 0 : i32
      %dma_wait3A_177 = arith.constant 0 : i32
      %dma_wait3A_178 = tpu.memref_slice %arg2[%dma_wait3A_176, %dma_wait3A_177] : memref<10240x128xf32, #tpu.memory_space<hbm>> -> memref<10240x128xf32, #tpu.memory_space<hbm>>
      tpu.wait_indirect_dma semaphore(%arg12 : memref<!tpu.dma_semaphore, #tpu.memory_space<semaphore_mem>>) src(%dma_wait3A_178 : memref<10240x128xf32, #tpu.memory_space<hbm>>) dst(%dma_wait3A_172 : memref<128x128xf32, #tpu.memory_space<vmem>>)
      %run_scoped3A_179 = arith.constant 1 : i32
      "tpu.region"() ({
        %run_scoped3A_193 = tpu.sem_alloc : memref<!tpu.dma_semaphore, #tpu.memory_space<semaphore_mem>>
        %dma_start3A_194 = arith.constant 0 : i32
        %dma_start3A_195 = arith.constant 0 : i32
        %dma_start3A_196 = tpu.memref_slice %arg8[%run_scoped3A_179, %dma_start3A_194, %dma_start3A_195] : memref<2x128x128xf32, #tpu.memory_space<vmem>> -> memref<1x128x128xf32, #tpu.memory_space<vmem>>
        %dma_start3A_197 = tpu.memref_squeeze %dma_start3A_196 : memref<1x128x128xf32, #tpu.memory_space<vmem>> -> memref<128x128xf32, #tpu.memory_space<vmem>>
        %dma_start3A_198 = arith.constant 0 : i32
        %dma_start3A_199 = tpu.memref_slice %arg10[%add3A_167, %dma_start3A_198] : memref<40x128xi32, #tpu.memory_space<vmem>> -> memref<1x128xi32, #tpu.memory_space<vmem>>
        %dma_start3A_200 = tpu.memref_squeeze %dma_start3A_199 : memref<1x128xi32, #tpu.memory_space<vmem>> -> memref<128xi32, #tpu.memory_space<vmem>>
        %dma_start3A_201 = arith.constant 0 : i32
        %dma_start3A_202 = arith.constant 0 : i32
        %dma_start3A_203 = tpu.memref_slice %arg7[%dma_start3A_201, %dma_start3A_202] : memref<10240x128xf32, #tpu.memory_space<vmem_shared>> -> memref<10240x128xf32, #tpu.memory_space<vmem_shared>>
        tpu.enqueue_indirect_dma source(%dma_start3A_197 : memref<128x128xf32, #tpu.memory_space<vmem>>) target(%dma_start3A_203 : memref<10240x128xf32, #tpu.memory_space<vmem_shared>>) offsets(%dma_start3A_200 : memref<128xi32, #tpu.memory_space<vmem>>) semaphore(%run_scoped3A_193 : memref<!tpu.dma_semaphore, #tpu.memory_space<semaphore_mem>>) {add = true}
        %dma_wait3A_204 = arith.constant 0 : i32
        %dma_wait3A_205 = arith.constant 0 : i32
        %dma_wait3A_206 = tpu.memref_slice %arg8[%run_scoped3A_179, %dma_wait3A_204, %dma_wait3A_205] : memref<2x128x128xf32, #tpu.memory_space<vmem>> -> memref<1x128x128xf32, #tpu.memory_space<vmem>>
        %dma_wait3A_207 = tpu.memref_squeeze %dma_wait3A_206 : memref<1x128x128xf32, #tpu.memory_space<vmem>> -> memref<128x128xf32, #tpu.memory_space<vmem>>
        %dma_wait3A_208 = arith.constant 0 : i32
        %dma_wait3A_209 = tpu.memref_slice %arg10[%add3A_167, %dma_wait3A_208] : memref<40x128xi32, #tpu.memory_space<vmem>> -> memref<1x128xi32, #tpu.memory_space<vmem>>
        %dma_wait3A_210 = tpu.memref_squeeze %dma_wait3A_209 : memref<1x128xi32, #tpu.memory_space<vmem>> -> memref<128xi32, #tpu.memory_space<vmem>>
        %dma_wait3A_211 = arith.constant 0 : i32
        %dma_wait3A_212 = arith.constant 0 : i32
        %dma_wait3A_213 = tpu.memref_slice %arg7[%dma_wait3A_211, %dma_wait3A_212] : memref<10240x128xf32, #tpu.memory_space<vmem_shared>> -> memref<10240x128xf32, #tpu.memory_space<vmem_shared>>
        tpu.wait_indirect_dma semaphore(%run_scoped3A_193 : memref<!tpu.dma_semaphore, #tpu.memory_space<semaphore_mem>>) src(%dma_wait3A_207 : memref<128x128xf32, #tpu.memory_space<vmem>>) dst(%dma_wait3A_213 : memref<10240x128xf32, #tpu.memory_space<vmem_shared>>)
        tpu.yield
      }) : () -> ()
      %add3A_180 = arith.constant 2 : i32
      %add3A_181 = arith.addi %add3A_167, %add3A_180 : i32
      %dma_start3A_182 = arith.constant 1 : i32
      %dma_start3A_183 = arith.constant 0 : i32
      %dma_start3A_184 = arith.constant 0 : i32
      %dma_start3A_185 = tpu.memref_slice %arg8[%dma_start3A_182, %dma_start3A_183, %dma_start3A_184] : memref<2x128x128xf32, #tpu.memory_space<vmem>> -> memref<1x128x128xf32, #tpu.memory_space<vmem>>
      %dma_start3A_186 = tpu.memref_squeeze %dma_start3A_185 : memref<1x128x128xf32, #tpu.memory_space<vmem>> -> memref<128x128xf32, #tpu.memory_space<vmem>>
      %dma_start3A_187 = arith.constant 0 : i32
      %dma_start3A_188 = tpu.memref_slice %arg9[%add3A_181, %dma_start3A_187] : memref<40x128xi32, #tpu.memory_space<vmem>> -> memref<1x128xi32, #tpu.memory_space<vmem>>
      %dma_start3A_189 = tpu.memref_squeeze %dma_start3A_188 : memref<1x128xi32, #tpu.memory_space<vmem>> -> memref<128xi32, #tpu.memory_space<vmem>>
      %dma_start3A_190 = arith.constant 0 : i32
      %dma_start3A_191 = arith.constant 0 : i32
      %dma_start3A_192 = tpu.memref_slice %arg2[%dma_start3A_190, %dma_start3A_191] : memref<10240x128xf32, #tpu.memory_space<hbm>> -> memref<10240x128xf32, #tpu.memory_space<hbm>>
      tpu.enqueue_indirect_dma source(%dma_start3A_192 : memref<10240x128xf32, #tpu.memory_space<hbm>>) target(%dma_start3A_186 : memref<128x128xf32, #tpu.memory_space<vmem>>) offsets(%dma_start3A_189 : memref<128xi32, #tpu.memory_space<vmem>>) semaphore(%arg12 : memref<!tpu.dma_semaphore, #tpu.memory_space<semaphore_mem>>)
    }
    %scan3A_36 = arith.constant 19 : i32
    %dma_wait3A = arith.constant 38 : i32
    %dma_wait3A_37 = arith.constant 0 : i32
    %dma_wait3A_38 = arith.constant 0 : i32
    %dma_wait3A_39 = arith.constant 0 : i32
    %dma_wait3A_40 = tpu.memref_slice %arg8[%dma_wait3A_37, %dma_wait3A_38, %dma_wait3A_39] : memref<2x128x128xf32, #tpu.memory_space<vmem>> -> memref<1x128x128xf32, #tpu.memory_space<vmem>>
    %dma_wait3A_41 = tpu.memref_squeeze %dma_wait3A_40 : memref<1x128x128xf32, #tpu.memory_space<vmem>> -> memref<128x128xf32, #tpu.memory_space<vmem>>
    %dma_wait3A_42 = arith.constant 0 : i32
    %dma_wait3A_43 = tpu.memref_slice %arg9[%dma_wait3A, %dma_wait3A_42] : memref<40x128xi32, #tpu.memory_space<vmem>> -> memref<1x128xi32, #tpu.memory_space<vmem>>
    %dma_wait3A_44 = tpu.memref_squeeze %dma_wait3A_43 : memref<1x128xi32, #tpu.memory_space<vmem>> -> memref<128xi32, #tpu.memory_space<vmem>>
    %dma_wait3A_45 = arith.constant 0 : i32
    %dma_wait3A_46 = arith.constant 0 : i32
    %dma_wait3A_47 = tpu.memref_slice %arg2[%dma_wait3A_45, %dma_wait3A_46] : memref<10240x128xf32, #tpu.memory_space<hbm>> -> memref<10240x128xf32, #tpu.memory_space<hbm>>
    tpu.wait_indirect_dma semaphore(%arg11 : memref<!tpu.dma_semaphore, #tpu.memory_space<semaphore_mem>>) src(%dma_wait3A_47 : memref<10240x128xf32, #tpu.memory_space<hbm>>) dst(%dma_wait3A_41 : memref<128x128xf32, #tpu.memory_space<vmem>>)
    %run_scoped3A_48 = arith.constant 0 : i32
    %run_scoped3A_49 = arith.constant 38 : i32
    "tpu.region"() ({
      %run_scoped3A_130 = tpu.sem_alloc : memref<!tpu.dma_semaphore, #tpu.memory_space<semaphore_mem>>
      %dma_start3A_131 = arith.constant 0 : i32
      %dma_start3A_132 = arith.constant 0 : i32
      %dma_start3A_133 = tpu.memref_slice %arg8[%run_scoped3A_48, %dma_start3A_131, %dma_start3A_132] : memref<2x128x128xf32, #tpu.memory_space<vmem>> -> memref<1x128x128xf32, #tpu.memory_space<vmem>>
      %dma_start3A_134 = tpu.memref_squeeze %dma_start3A_133 : memref<1x128x128xf32, #tpu.memory_space<vmem>> -> memref<128x128xf32, #tpu.memory_space<vmem>>
      %dma_start3A_135 = arith.constant 0 : i32
      %dma_start3A_136 = tpu.memref_slice %arg10[%run_scoped3A_49, %dma_start3A_135] : memref<40x128xi32, #tpu.memory_space<vmem>> -> memref<1x128xi32, #tpu.memory_space<vmem>>
      %dma_start3A_137 = tpu.memref_squeeze %dma_start3A_136 : memref<1x128xi32, #tpu.memory_space<vmem>> -> memref<128xi32, #tpu.memory_space<vmem>>
      %dma_start3A_138 = arith.constant 0 : i32
      %dma_start3A_139 = arith.constant 0 : i32
      %dma_start3A_140 = tpu.memref_slice %arg7[%dma_start3A_138, %dma_start3A_139] : memref<10240x128xf32, #tpu.memory_space<vmem_shared>> -> memref<10240x128xf32, #tpu.memory_space<vmem_shared>>
      tpu.enqueue_indirect_dma source(%dma_start3A_134 : memref<128x128xf32, #tpu.memory_space<vmem>>) target(%dma_start3A_140 : memref<10240x128xf32, #tpu.memory_space<vmem_shared>>) offsets(%dma_start3A_137 : memref<128xi32, #tpu.memory_space<vmem>>) semaphore(%run_scoped3A_130 : memref<!tpu.dma_semaphore, #tpu.memory_space<semaphore_mem>>) {add = true}
      %dma_wait3A_141 = arith.constant 0 : i32
      %dma_wait3A_142 = arith.constant 0 : i32
      %dma_wait3A_143 = tpu.memref_slice %arg8[%run_scoped3A_48, %dma_wait3A_141, %dma_wait3A_142] : memref<2x128x128xf32, #tpu.memory_space<vmem>> -> memref<1x128x128xf32, #tpu.memory_space<vmem>>
      %dma_wait3A_144 = tpu.memref_squeeze %dma_wait3A_143 : memref<1x128x128xf32, #tpu.memory_space<vmem>> -> memref<128x128xf32, #tpu.memory_space<vmem>>
      %dma_wait3A_145 = arith.constant 0 : i32
      %dma_wait3A_146 = tpu.memref_slice %arg10[%run_scoped3A_49, %dma_wait3A_145] : memref<40x128xi32, #tpu.memory_space<vmem>> -> memref<1x128xi32, #tpu.memory_space<vmem>>
      %dma_wait3A_147 = tpu.memref_squeeze %dma_wait3A_146 : memref<1x128xi32, #tpu.memory_space<vmem>> -> memref<128xi32, #tpu.memory_space<vmem>>
      %dma_wait3A_148 = arith.constant 0 : i32
      %dma_wait3A_149 = arith.constant 0 : i32
      %dma_wait3A_150 = tpu.memref_slice %arg7[%dma_wait3A_148, %dma_wait3A_149] : memref<10240x128xf32, #tpu.memory_space<vmem_shared>> -> memref<10240x128xf32, #tpu.memory_space<vmem_shared>>
      tpu.wait_indirect_dma semaphore(%run_scoped3A_130 : memref<!tpu.dma_semaphore, #tpu.memory_space<semaphore_mem>>) src(%dma_wait3A_144 : memref<128x128xf32, #tpu.memory_space<vmem>>) dst(%dma_wait3A_150 : memref<10240x128xf32, #tpu.memory_space<vmem_shared>>)
      tpu.yield
    }) : () -> ()
    %dma_wait3A_50 = arith.constant 39 : i32
    %dma_wait3A_51 = arith.constant 1 : i32
    %dma_wait3A_52 = arith.constant 0 : i32
    %dma_wait3A_53 = arith.constant 0 : i32
    %dma_wait3A_54 = tpu.memref_slice %arg8[%dma_wait3A_51, %dma_wait3A_52, %dma_wait3A_53] : memref<2x128x128xf32, #tpu.memory_space<vmem>> -> memref<1x128x128xf32, #tpu.memory_space<vmem>>
    %dma_wait3A_55 = tpu.memref_squeeze %dma_wait3A_54 : memref<1x128x128xf32, #tpu.memory_space<vmem>> -> memref<128x128xf32, #tpu.memory_space<vmem>>
    %dma_wait3A_56 = arith.constant 0 : i32
    %dma_wait3A_57 = tpu.memref_slice %arg9[%dma_wait3A_50, %dma_wait3A_56] : memref<40x128xi32, #tpu.memory_space<vmem>> -> memref<1x128xi32, #tpu.memory_space<vmem>>
    %dma_wait3A_58 = tpu.memref_squeeze %dma_wait3A_57 : memref<1x128xi32, #tpu.memory_space<vmem>> -> memref<128xi32, #tpu.memory_space<vmem>>
    %dma_wait3A_59 = arith.constant 0 : i32
    %dma_wait3A_60 = arith.constant 0 : i32
    %dma_wait3A_61 = tpu.memref_slice %arg2[%dma_wait3A_59, %dma_wait3A_60] : memref<10240x128xf32, #tpu.memory_space<hbm>> -> memref<10240x128xf32, #tpu.memory_space<hbm>>
    tpu.wait_indirect_dma semaphore(%arg12 : memref<!tpu.dma_semaphore, #tpu.memory_space<semaphore_mem>>) src(%dma_wait3A_61 : memref<10240x128xf32, #tpu.memory_space<hbm>>) dst(%dma_wait3A_55 : memref<128x128xf32, #tpu.memory_space<vmem>>)
    %run_scoped3A_62 = arith.constant 1 : i32
    %run_scoped3A_63 = arith.constant 39 : i32
    "tpu.region"() ({
      %run_scoped3A_130 = tpu.sem_alloc : memref<!tpu.dma_semaphore, #tpu.memory_space<semaphore_mem>>
      %dma_start3A_131 = arith.constant 0 : i32
      %dma_start3A_132 = arith.constant 0 : i32
      %dma_start3A_133 = tpu.memref_slice %arg8[%run_scoped3A_62, %dma_start3A_131, %dma_start3A_132] : memref<2x128x128xf32, #tpu.memory_space<vmem>> -> memref<1x128x128xf32, #tpu.memory_space<vmem>>
      %dma_start3A_134 = tpu.memref_squeeze %dma_start3A_133 : memref<1x128x128xf32, #tpu.memory_space<vmem>> -> memref<128x128xf32, #tpu.memory_space<vmem>>
      %dma_start3A_135 = arith.constant 0 : i32
      %dma_start3A_136 = tpu.memref_slice %arg10[%run_scoped3A_63, %dma_start3A_135] : memref<40x128xi32, #tpu.memory_space<vmem>> -> memref<1x128xi32, #tpu.memory_space<vmem>>
      %dma_start3A_137 = tpu.memref_squeeze %dma_start3A_136 : memref<1x128xi32, #tpu.memory_space<vmem>> -> memref<128xi32, #tpu.memory_space<vmem>>
      %dma_start3A_138 = arith.constant 0 : i32
      %dma_start3A_139 = arith.constant 0 : i32
      %dma_start3A_140 = tpu.memref_slice %arg7[%dma_start3A_138, %dma_start3A_139] : memref<10240x128xf32, #tpu.memory_space<vmem_shared>> -> memref<10240x128xf32, #tpu.memory_space<vmem_shared>>
      tpu.enqueue_indirect_dma source(%dma_start3A_134 : memref<128x128xf32, #tpu.memory_space<vmem>>) target(%dma_start3A_140 : memref<10240x128xf32, #tpu.memory_space<vmem_shared>>) offsets(%dma_start3A_137 : memref<128xi32, #tpu.memory_space<vmem>>) semaphore(%run_scoped3A_130 : memref<!tpu.dma_semaphore, #tpu.memory_space<semaphore_mem>>) {add = true}
      %dma_wait3A_141 = arith.constant 0 : i32
      %dma_wait3A_142 = arith.constant 0 : i32
      %dma_wait3A_143 = tpu.memref_slice %arg8[%run_scoped3A_62, %dma_wait3A_141, %dma_wait3A_142] : memref<2x128x128xf32, #tpu.memory_space<vmem>> -> memref<1x128x128xf32, #tpu.memory_space<vmem>>
      %dma_wait3A_144 = tpu.memref_squeeze %dma_wait3A_143 : memref<1x128x128xf32, #tpu.memory_space<vmem>> -> memref<128x128xf32, #tpu.memory_space<vmem>>
      %dma_wait3A_145 = arith.constant 0 : i32
      %dma_wait3A_146 = tpu.memref_slice %arg10[%run_scoped3A_63, %dma_wait3A_145] : memref<40x128xi32, #tpu.memory_space<vmem>> -> memref<1x128xi32, #tpu.memory_space<vmem>>
      %dma_wait3A_147 = tpu.memref_squeeze %dma_wait3A_146 : memref<1x128xi32, #tpu.memory_space<vmem>> -> memref<128xi32, #tpu.memory_space<vmem>>
      %dma_wait3A_148 = arith.constant 0 : i32
      %dma_wait3A_149 = arith.constant 0 : i32
      %dma_wait3A_150 = tpu.memref_slice %arg7[%dma_wait3A_148, %dma_wait3A_149] : memref<10240x128xf32, #tpu.memory_space<vmem_shared>> -> memref<10240x128xf32, #tpu.memory_space<vmem_shared>>
      tpu.wait_indirect_dma semaphore(%run_scoped3A_130 : memref<!tpu.dma_semaphore, #tpu.memory_space<semaphore_mem>>) src(%dma_wait3A_144 : memref<128x128xf32, #tpu.memory_space<vmem>>) dst(%dma_wait3A_150 : memref<10240x128xf32, #tpu.memory_space<vmem_shared>>)
      tpu.yield
    }) : () -> ()
    %mul3A_64 = arith.constant 80 : i32
    %mul3A_65 = arith.muli %add3A, %mul3A_64 : i32
    %add3A_66 = arith.constant 40 : i32
    %add3A_67 = arith.addi %mul3A_65, %add3A_66 : i32
    "tpu.region"() ({
      %run_scoped3A_130 = tpu.sem_alloc : memref<!tpu.dma_semaphore, #tpu.memory_space<semaphore_mem>>
      %dma_start3A_131 = arith.constant 0 : i32
      %dma_start3A_132 = tpu.memref_slice %arg3[%add3A_67, %dma_start3A_131] : memref<2560x128xi32, #tpu.memory_space<hbm>> -> memref<40x128xi32, #tpu.memory_space<hbm>>
      %dma_start3A_133 = arith.constant 0 : i32
      %dma_start3A_134 = tpu.memref_slice %arg3[%add3A_67, %dma_start3A_133] : memref<2560x128xi32, #tpu.memory_space<hbm>> -> memref<40x128xi32, #tpu.memory_space<hbm>>
      tpu.enqueue_dma source(%dma_start3A_134 : memref<40x128xi32, #tpu.memory_space<hbm>>) target(%arg9 : memref<40x128xi32, #tpu.memory_space<vmem>>) target_semaphore(%run_scoped3A_130 : memref<!tpu.dma_semaphore, #tpu.memory_space<semaphore_mem>>)
      %dma_wait3A_135 = arith.constant 0 : i32
      %dma_wait3A_136 = tpu.memref_slice %arg3[%add3A_67, %dma_wait3A_135] : memref<2560x128xi32, #tpu.memory_space<hbm>> -> memref<40x128xi32, #tpu.memory_space<hbm>>
      %dma_wait3A_137 = arith.constant 0 : i32
      %dma_wait3A_138 = tpu.memref_slice %arg3[%add3A_67, %dma_wait3A_137] : memref<2560x128xi32, #tpu.memory_space<hbm>> -> memref<40x128xi32, #tpu.memory_space<hbm>>
      tpu.wait_dma2 semaphore(%run_scoped3A_130 : memref<!tpu.dma_semaphore, #tpu.memory_space<semaphore_mem>>) src(%dma_wait3A_138 : memref<40x128xi32, #tpu.memory_space<hbm>>) dst(%arg9 : memref<40x128xi32, #tpu.memory_space<vmem>>)
      tpu.yield
    }) : () -> ()
    "tpu.region"() ({
      %run_scoped3A_130 = tpu.sem_alloc : memref<!tpu.dma_semaphore, #tpu.memory_space<semaphore_mem>>
      %dma_start3A_131 = arith.constant 0 : i32
      %dma_start3A_132 = tpu.memref_slice %arg4[%add3A_67, %dma_start3A_131] : memref<2560x128xi32, #tpu.memory_space<hbm>> -> memref<40x128xi32, #tpu.memory_space<hbm>>
      %dma_start3A_133 = arith.constant 0 : i32
      %dma_start3A_134 = tpu.memref_slice %arg4[%add3A_67, %dma_start3A_133] : memref<2560x128xi32, #tpu.memory_space<hbm>> -> memref<40x128xi32, #tpu.memory_space<hbm>>
      tpu.enqueue_dma source(%dma_start3A_134 : memref<40x128xi32, #tpu.memory_space<hbm>>) target(%arg10 : memref<40x128xi32, #tpu.memory_space<vmem>>) target_semaphore(%run_scoped3A_130 : memref<!tpu.dma_semaphore, #tpu.memory_space<semaphore_mem>>)
      %dma_wait3A_135 = arith.constant 0 : i32
      %dma_wait3A_136 = tpu.memref_slice %arg4[%add3A_67, %dma_wait3A_135] : memref<2560x128xi32, #tpu.memory_space<hbm>> -> memref<40x128xi32, #tpu.memory_space<hbm>>
      %dma_wait3A_137 = arith.constant 0 : i32
      %dma_wait3A_138 = tpu.memref_slice %arg4[%add3A_67, %dma_wait3A_137] : memref<2560x128xi32, #tpu.memory_space<hbm>> -> memref<40x128xi32, #tpu.memory_space<hbm>>
      tpu.wait_dma2 semaphore(%run_scoped3A_130 : memref<!tpu.dma_semaphore, #tpu.memory_space<semaphore_mem>>) src(%dma_wait3A_138 : memref<40x128xi32, #tpu.memory_space<hbm>>) dst(%arg10 : memref<40x128xi32, #tpu.memory_space<vmem>>)
      tpu.yield
    }) : () -> ()
    %dma_start3A_68 = arith.constant 0 : i32
    %dma_start3A_69 = arith.constant 0 : i32
    %dma_start3A_70 = arith.constant 0 : i32
    %dma_start3A_71 = arith.constant 0 : i32
    %dma_start3A_72 = tpu.memref_slice %arg8[%dma_start3A_69, %dma_start3A_70, %dma_start3A_71] : memref<2x128x128xf32, #tpu.memory_space<vmem>> -> memref<1x128x128xf32, #tpu.memory_space<vmem>>
    %dma_start3A_73 = tpu.memref_squeeze %dma_start3A_72 : memref<1x128x128xf32, #tpu.memory_space<vmem>> -> memref<128x128xf32, #tpu.memory_space<vmem>>
    %dma_start3A_74 = arith.constant 0 : i32
    %dma_start3A_75 = tpu.memref_slice %arg9[%dma_start3A_68, %dma_start3A_74] : memref<40x128xi32, #tpu.memory_space<vmem>> -> memref<1x128xi32, #tpu.memory_space<vmem>>
    %dma_start3A_76 = tpu.memref_squeeze %dma_start3A_75 : memref<1x128xi32, #tpu.memory_space<vmem>> -> memref<128xi32, #tpu.memory_space<vmem>>
    %dma_start3A_77 = arith.constant 0 : i32
    %dma_start3A_78 = arith.constant 0 : i32
    %dma_start3A_79 = tpu.memref_slice %arg2[%dma_start3A_77, %dma_start3A_78] : memref<10240x128xf32, #tpu.memory_space<hbm>> -> memref<10240x128xf32, #tpu.memory_space<hbm>>
    tpu.enqueue_indirect_dma source(%dma_start3A_79 : memref<10240x128xf32, #tpu.memory_space<hbm>>) target(%dma_start3A_73 : memref<128x128xf32, #tpu.memory_space<vmem>>) offsets(%dma_start3A_76 : memref<128xi32, #tpu.memory_space<vmem>>) semaphore(%arg11 : memref<!tpu.dma_semaphore, #tpu.memory_space<semaphore_mem>>)
    %dma_start3A_80 = arith.constant 1 : i32
    %dma_start3A_81 = arith.constant 1 : i32
    %dma_start3A_82 = arith.constant 0 : i32
    %dma_start3A_83 = arith.constant 0 : i32
    %dma_start3A_84 = tpu.memref_slice %arg8[%dma_start3A_81, %dma_start3A_82, %dma_start3A_83] : memref<2x128x128xf32, #tpu.memory_space<vmem>> -> memref<1x128x128xf32, #tpu.memory_space<vmem>>
    %dma_start3A_85 = tpu.memref_squeeze %dma_start3A_84 : memref<1x128x128xf32, #tpu.memory_space<vmem>> -> memref<128x128xf32, #tpu.memory_space<vmem>>
    %dma_start3A_86 = arith.constant 0 : i32
    %dma_start3A_87 = tpu.memref_slice %arg9[%dma_start3A_80, %dma_start3A_86] : memref<40x128xi32, #tpu.memory_space<vmem>> -> memref<1x128xi32, #tpu.memory_space<vmem>>
    %dma_start3A_88 = tpu.memref_squeeze %dma_start3A_87 : memref<1x128xi32, #tpu.memory_space<vmem>> -> memref<128xi32, #tpu.memory_space<vmem>>
    %dma_start3A_89 = arith.constant 0 : i32
    %dma_start3A_90 = arith.constant 0 : i32
    %dma_start3A_91 = tpu.memref_slice %arg2[%dma_start3A_89, %dma_start3A_90] : memref<10240x128xf32, #tpu.memory_space<hbm>> -> memref<10240x128xf32, #tpu.memory_space<hbm>>
    tpu.enqueue_indirect_dma source(%dma_start3A_91 : memref<10240x128xf32, #tpu.memory_space<hbm>>) target(%dma_start3A_85 : memref<128x128xf32, #tpu.memory_space<vmem>>) offsets(%dma_start3A_88 : memref<128xi32, #tpu.memory_space<vmem>>) semaphore(%arg12 : memref<!tpu.dma_semaphore, #tpu.memory_space<semaphore_mem>>)
    %scan3A_92 = arith.constant 0 : i32
    %scan3A_93 = arith.constant 19 : i32
    %scan3A_94 = arith.addi %scan3A_92, %scan3A_93 : i32
    %scan3A_95 = arith.constant 1 : i32
    scf.for %scan3A_130 = %scan3A_92 to %scan3A_94 step %scan3A_95  : i32 {
      %mul3A_131 = arith.constant 1 : i32
      %mul3A_132 = arith.muli %scan3A_130, %mul3A_131 : i32
      %add3A_133 = arith.constant 0 : i32
      %add3A_134 = arith.addi %add3A_133, %mul3A_132 : i32
      %mul3A_135 = arith.constant 2 : i32
      %mul3A_136 = arith.muli %add3A_134, %mul3A_135 : i32
      %add3A_137 = arith.constant 0 : i32
      %add3A_138 = arith.addi %mul3A_136, %add3A_137 : i32
      %dma_wait3A_139 = arith.constant 0 : i32
      %dma_wait3A_140 = arith.constant 0 : i32
      %dma_wait3A_141 = arith.constant 0 : i32
      %dma_wait3A_142 = tpu.memref_slice %arg8[%dma_wait3A_139, %dma_wait3A_140, %dma_wait3A_141] : memref<2x128x128xf32, #tpu.memory_space<vmem>> -> memref<1x128x128xf32, #tpu.memory_space<vmem>>
      %dma_wait3A_143 = tpu.memref_squeeze %dma_wait3A_142 : memref<1x128x128xf32, #tpu.memory_space<vmem>> -> memref<128x128xf32, #tpu.memory_space<vmem>>
      %dma_wait3A_144 = arith.constant 0 : i32
      %dma_wait3A_145 = tpu.memref_slice %arg9[%add3A_138, %dma_wait3A_144] : memref<40x128xi32, #tpu.memory_space<vmem>> -> memref<1x128xi32, #tpu.memory_space<vmem>>
      %dma_wait3A_146 = tpu.memref_squeeze %dma_wait3A_145 : memref<1x128xi32, #tpu.memory_space<vmem>> -> memref<128xi32, #tpu.memory_space<vmem>>
      %dma_wait3A_147 = arith.constant 0 : i32
      %dma_wait3A_148 = arith.constant 0 : i32
      %dma_wait3A_149 = tpu.memref_slice %arg2[%dma_wait3A_147, %dma_wait3A_148] : memref<10240x128xf32, #tpu.memory_space<hbm>> -> memref<10240x128xf32, #tpu.memory_space<hbm>>
      tpu.wait_indirect_dma semaphore(%arg11 : memref<!tpu.dma_semaphore, #tpu.memory_space<semaphore_mem>>) src(%dma_wait3A_149 : memref<10240x128xf32, #tpu.memory_space<hbm>>) dst(%dma_wait3A_143 : memref<128x128xf32, #tpu.memory_space<vmem>>)
      %run_scoped3A_150 = arith.constant 0 : i32
      "tpu.region"() ({
        %run_scoped3A_193 = tpu.sem_alloc : memref<!tpu.dma_semaphore, #tpu.memory_space<semaphore_mem>>
        %dma_start3A_194 = arith.constant 0 : i32
        %dma_start3A_195 = arith.constant 0 : i32
        %dma_start3A_196 = tpu.memref_slice %arg8[%run_scoped3A_150, %dma_start3A_194, %dma_start3A_195] : memref<2x128x128xf32, #tpu.memory_space<vmem>> -> memref<1x128x128xf32, #tpu.memory_space<vmem>>
        %dma_start3A_197 = tpu.memref_squeeze %dma_start3A_196 : memref<1x128x128xf32, #tpu.memory_space<vmem>> -> memref<128x128xf32, #tpu.memory_space<vmem>>
        %dma_start3A_198 = arith.constant 0 : i32
        %dma_start3A_199 = tpu.memref_slice %arg10[%add3A_138, %dma_start3A_198] : memref<40x128xi32, #tpu.memory_space<vmem>> -> memref<1x128xi32, #tpu.memory_space<vmem>>
        %dma_start3A_200 = tpu.memref_squeeze %dma_start3A_199 : memref<1x128xi32, #tpu.memory_space<vmem>> -> memref<128xi32, #tpu.memory_space<vmem>>
        %dma_start3A_201 = arith.constant 0 : i32
        %dma_start3A_202 = arith.constant 0 : i32
        %dma_start3A_203 = tpu.memref_slice %arg7[%dma_start3A_201, %dma_start3A_202] : memref<10240x128xf32, #tpu.memory_space<vmem_shared>> -> memref<10240x128xf32, #tpu.memory_space<vmem_shared>>
        tpu.enqueue_indirect_dma source(%dma_start3A_197 : memref<128x128xf32, #tpu.memory_space<vmem>>) target(%dma_start3A_203 : memref<10240x128xf32, #tpu.memory_space<vmem_shared>>) offsets(%dma_start3A_200 : memref<128xi32, #tpu.memory_space<vmem>>) semaphore(%run_scoped3A_193 : memref<!tpu.dma_semaphore, #tpu.memory_space<semaphore_mem>>) {add = true}
        %dma_wait3A_204 = arith.constant 0 : i32
        %dma_wait3A_205 = arith.constant 0 : i32
        %dma_wait3A_206 = tpu.memref_slice %arg8[%run_scoped3A_150, %dma_wait3A_204, %dma_wait3A_205] : memref<2x128x128xf32, #tpu.memory_space<vmem>> -> memref<1x128x128xf32, #tpu.memory_space<vmem>>
        %dma_wait3A_207 = tpu.memref_squeeze %dma_wait3A_206 : memref<1x128x128xf32, #tpu.memory_space<vmem>> -> memref<128x128xf32, #tpu.memory_space<vmem>>
        %dma_wait3A_208 = arith.constant 0 : i32
        %dma_wait3A_209 = tpu.memref_slice %arg10[%add3A_138, %dma_wait3A_208] : memref<40x128xi32, #tpu.memory_space<vmem>> -> memref<1x128xi32, #tpu.memory_space<vmem>>
        %dma_wait3A_210 = tpu.memref_squeeze %dma_wait3A_209 : memref<1x128xi32, #tpu.memory_space<vmem>> -> memref<128xi32, #tpu.memory_space<vmem>>
        %dma_wait3A_211 = arith.constant 0 : i32
        %dma_wait3A_212 = arith.constant 0 : i32
        %dma_wait3A_213 = tpu.memref_slice %arg7[%dma_wait3A_211, %dma_wait3A_212] : memref<10240x128xf32, #tpu.memory_space<vmem_shared>> -> memref<10240x128xf32, #tpu.memory_space<vmem_shared>>
        tpu.wait_indirect_dma semaphore(%run_scoped3A_193 : memref<!tpu.dma_semaphore, #tpu.memory_space<semaphore_mem>>) src(%dma_wait3A_207 : memref<128x128xf32, #tpu.memory_space<vmem>>) dst(%dma_wait3A_213 : memref<10240x128xf32, #tpu.memory_space<vmem_shared>>)
        tpu.yield
      }) : () -> ()
      %add3A_151 = arith.constant 2 : i32
      %add3A_152 = arith.addi %add3A_138, %add3A_151 : i32
      %dma_start3A_153 = arith.constant 0 : i32
      %dma_start3A_154 = arith.constant 0 : i32
      %dma_start3A_155 = arith.constant 0 : i32
      %dma_start3A_156 = tpu.memref_slice %arg8[%dma_start3A_153, %dma_start3A_154, %dma_start3A_155] : memref<2x128x128xf32, #tpu.memory_space<vmem>> -> memref<1x128x128xf32, #tpu.memory_space<vmem>>
      %dma_start3A_157 = tpu.memref_squeeze %dma_start3A_156 : memref<1x128x128xf32, #tpu.memory_space<vmem>> -> memref<128x128xf32, #tpu.memory_space<vmem>>
      %dma_start3A_158 = arith.constant 0 : i32
      %dma_start3A_159 = tpu.memref_slice %arg9[%add3A_152, %dma_start3A_158] : memref<40x128xi32, #tpu.memory_space<vmem>> -> memref<1x128xi32, #tpu.memory_space<vmem>>
      %dma_start3A_160 = tpu.memref_squeeze %dma_start3A_159 : memref<1x128xi32, #tpu.memory_space<vmem>> -> memref<128xi32, #tpu.memory_space<vmem>>
      %dma_start3A_161 = arith.constant 0 : i32
      %dma_start3A_162 = arith.constant 0 : i32
      %dma_start3A_163 = tpu.memref_slice %arg2[%dma_start3A_161, %dma_start3A_162] : memref<10240x128xf32, #tpu.memory_space<hbm>> -> memref<10240x128xf32, #tpu.memory_space<hbm>>
      tpu.enqueue_indirect_dma source(%dma_start3A_163 : memref<10240x128xf32, #tpu.memory_space<hbm>>) target(%dma_start3A_157 : memref<128x128xf32, #tpu.memory_space<vmem>>) offsets(%dma_start3A_160 : memref<128xi32, #tpu.memory_space<vmem>>) semaphore(%arg11 : memref<!tpu.dma_semaphore, #tpu.memory_space<semaphore_mem>>)
      %mul3A_164 = arith.constant 2 : i32
      %mul3A_165 = arith.muli %add3A_134, %mul3A_164 : i32
      %add3A_166 = arith.constant 1 : i32
      %add3A_167 = arith.addi %mul3A_165, %add3A_166 : i32
      %dma_wait3A_168 = arith.constant 1 : i32
      %dma_wait3A_169 = arith.constant 0 : i32
      %dma_wait3A_170 = arith.constant 0 : i32
      %dma_wait3A_171 = tpu.memref_slice %arg8[%dma_wait3A_168, %dma_wait3A_169, %dma_wait3A_170] : memref<2x128x128xf32, #tpu.memory_space<vmem>> -> memref<1x128x128xf32, #tpu.memory_space<vmem>>
      %dma_wait3A_172 = tpu.memref_squeeze %dma_wait3A_171 : memref<1x128x128xf32, #tpu.memory_space<vmem>> -> memref<128x128xf32, #tpu.memory_space<vmem>>
      %dma_wait3A_173 = arith.constant 0 : i32
      %dma_wait3A_174 = tpu.memref_slice %arg9[%add3A_167, %dma_wait3A_173] : memref<40x128xi32, #tpu.memory_space<vmem>> -> memref<1x128xi32, #tpu.memory_space<vmem>>
      %dma_wait3A_175 = tpu.memref_squeeze %dma_wait3A_174 : memref<1x128xi32, #tpu.memory_space<vmem>> -> memref<128xi32, #tpu.memory_space<vmem>>
      %dma_wait3A_176 = arith.constant 0 : i32
      %dma_wait3A_177 = arith.constant 0 : i32
      %dma_wait3A_178 = tpu.memref_slice %arg2[%dma_wait3A_176, %dma_wait3A_177] : memref<10240x128xf32, #tpu.memory_space<hbm>> -> memref<10240x128xf32, #tpu.memory_space<hbm>>
      tpu.wait_indirect_dma semaphore(%arg12 : memref<!tpu.dma_semaphore, #tpu.memory_space<semaphore_mem>>) src(%dma_wait3A_178 : memref<10240x128xf32, #tpu.memory_space<hbm>>) dst(%dma_wait3A_172 : memref<128x128xf32, #tpu.memory_space<vmem>>)
      %run_scoped3A_179 = arith.constant 1 : i32
      "tpu.region"() ({
        %run_scoped3A_193 = tpu.sem_alloc : memref<!tpu.dma_semaphore, #tpu.memory_space<semaphore_mem>>
        %dma_start3A_194 = arith.constant 0 : i32
        %dma_start3A_195 = arith.constant 0 : i32
        %dma_start3A_196 = tpu.memref_slice %arg8[%run_scoped3A_179, %dma_start3A_194, %dma_start3A_195] : memref<2x128x128xf32, #tpu.memory_space<vmem>> -> memref<1x128x128xf32, #tpu.memory_space<vmem>>
        %dma_start3A_197 = tpu.memref_squeeze %dma_start3A_196 : memref<1x128x128xf32, #tpu.memory_space<vmem>> -> memref<128x128xf32, #tpu.memory_space<vmem>>
        %dma_start3A_198 = arith.constant 0 : i32
        %dma_start3A_199 = tpu.memref_slice %arg10[%add3A_167, %dma_start3A_198] : memref<40x128xi32, #tpu.memory_space<vmem>> -> memref<1x128xi32, #tpu.memory_space<vmem>>
        %dma_start3A_200 = tpu.memref_squeeze %dma_start3A_199 : memref<1x128xi32, #tpu.memory_space<vmem>> -> memref<128xi32, #tpu.memory_space<vmem>>
        %dma_start3A_201 = arith.constant 0 : i32
        %dma_start3A_202 = arith.constant 0 : i32
        %dma_start3A_203 = tpu.memref_slice %arg7[%dma_start3A_201, %dma_start3A_202] : memref<10240x128xf32, #tpu.memory_space<vmem_shared>> -> memref<10240x128xf32, #tpu.memory_space<vmem_shared>>
        tpu.enqueue_indirect_dma source(%dma_start3A_197 : memref<128x128xf32, #tpu.memory_space<vmem>>) target(%dma_start3A_203 : memref<10240x128xf32, #tpu.memory_space<vmem_shared>>) offsets(%dma_start3A_200 : memref<128xi32, #tpu.memory_space<vmem>>) semaphore(%run_scoped3A_193 : memref<!tpu.dma_semaphore, #tpu.memory_space<semaphore_mem>>) {add = true}
        %dma_wait3A_204 = arith.constant 0 : i32
        %dma_wait3A_205 = arith.constant 0 : i32
        %dma_wait3A_206 = tpu.memref_slice %arg8[%run_scoped3A_179, %dma_wait3A_204, %dma_wait3A_205] : memref<2x128x128xf32, #tpu.memory_space<vmem>> -> memref<1x128x128xf32, #tpu.memory_space<vmem>>
        %dma_wait3A_207 = tpu.memref_squeeze %dma_wait3A_206 : memref<1x128x128xf32, #tpu.memory_space<vmem>> -> memref<128x128xf32, #tpu.memory_space<vmem>>
        %dma_wait3A_208 = arith.constant 0 : i32
        %dma_wait3A_209 = tpu.memref_slice %arg10[%add3A_167, %dma_wait3A_208] : memref<40x128xi32, #tpu.memory_space<vmem>> -> memref<1x128xi32, #tpu.memory_space<vmem>>
        %dma_wait3A_210 = tpu.memref_squeeze %dma_wait3A_209 : memref<1x128xi32, #tpu.memory_space<vmem>> -> memref<128xi32, #tpu.memory_space<vmem>>
        %dma_wait3A_211 = arith.constant 0 : i32
        %dma_wait3A_212 = arith.constant 0 : i32
        %dma_wait3A_213 = tpu.memref_slice %arg7[%dma_wait3A_211, %dma_wait3A_212] : memref<10240x128xf32, #tpu.memory_space<vmem_shared>> -> memref<10240x128xf32, #tpu.memory_space<vmem_shared>>
        tpu.wait_indirect_dma semaphore(%run_scoped3A_193 : memref<!tpu.dma_semaphore, #tpu.memory_space<semaphore_mem>>) src(%dma_wait3A_207 : memref<128x128xf32, #tpu.memory_space<vmem>>) dst(%dma_wait3A_213 : memref<10240x128xf32, #tpu.memory_space<vmem_shared>>)
        tpu.yield
      }) : () -> ()
      %add3A_180 = arith.constant 2 : i32
      %add3A_181 = arith.addi %add3A_167, %add3A_180 : i32
      %dma_start3A_182 = arith.constant 1 : i32
      %dma_start3A_183 = arith.constant 0 : i32
      %dma_start3A_184 = arith.constant 0 : i32
      %dma_start3A_185 = tpu.memref_slice %arg8[%dma_start3A_182, %dma_start3A_183, %dma_start3A_184] : memref<2x128x128xf32, #tpu.memory_space<vmem>> -> memref<1x128x128xf32, #tpu.memory_space<vmem>>
      %dma_start3A_186 = tpu.memref_squeeze %dma_start3A_185 : memref<1x128x128xf32, #tpu.memory_space<vmem>> -> memref<128x128xf32, #tpu.memory_space<vmem>>
      %dma_start3A_187 = arith.constant 0 : i32
      %dma_start3A_188 = tpu.memref_slice %arg9[%add3A_181, %dma_start3A_187] : memref<40x128xi32, #tpu.memory_space<vmem>> -> memref<1x128xi32, #tpu.memory_space<vmem>>
      %dma_start3A_189 = tpu.memref_squeeze %dma_start3A_188 : memref<1x128xi32, #tpu.memory_space<vmem>> -> memref<128xi32, #tpu.memory_space<vmem>>
      %dma_start3A_190 = arith.constant 0 : i32
      %dma_start3A_191 = arith.constant 0 : i32
      %dma_start3A_192 = tpu.memref_slice %arg2[%dma_start3A_190, %dma_start3A_191] : memref<10240x128xf32, #tpu.memory_space<hbm>> -> memref<10240x128xf32, #tpu.memory_space<hbm>>
      tpu.enqueue_indirect_dma source(%dma_start3A_192 : memref<10240x128xf32, #tpu.memory_space<hbm>>) target(%dma_start3A_186 : memref<128x128xf32, #tpu.memory_space<vmem>>) offsets(%dma_start3A_189 : memref<128xi32, #tpu.memory_space<vmem>>) semaphore(%arg12 : memref<!tpu.dma_semaphore, #tpu.memory_space<semaphore_mem>>)
    }
    %scan3A_96 = arith.constant 19 : i32
    %dma_wait3A_97 = arith.constant 38 : i32
    %dma_wait3A_98 = arith.constant 0 : i32
    %dma_wait3A_99 = arith.constant 0 : i32
    %dma_wait3A_100 = arith.constant 0 : i32
    %dma_wait3A_101 = tpu.memref_slice %arg8[%dma_wait3A_98, %dma_wait3A_99, %dma_wait3A_100] : memref<2x128x128xf32, #tpu.memory_space<vmem>> -> memref<1x128x128xf32, #tpu.memory_space<vmem>>
    %dma_wait3A_102 = tpu.memref_squeeze %dma_wait3A_101 : memref<1x128x128xf32, #tpu.memory_space<vmem>> -> memref<128x128xf32, #tpu.memory_space<vmem>>
    %dma_wait3A_103 = arith.constant 0 : i32
    %dma_wait3A_104 = tpu.memref_slice %arg9[%dma_wait3A_97, %dma_wait3A_103] : memref<40x128xi32, #tpu.memory_space<vmem>> -> memref<1x128xi32, #tpu.memory_space<vmem>>
    %dma_wait3A_105 = tpu.memref_squeeze %dma_wait3A_104 : memref<1x128xi32, #tpu.memory_space<vmem>> -> memref<128xi32, #tpu.memory_space<vmem>>
    %dma_wait3A_106 = arith.constant 0 : i32
    %dma_wait3A_107 = arith.constant 0 : i32
    %dma_wait3A_108 = tpu.memref_slice %arg2[%dma_wait3A_106, %dma_wait3A_107] : memref<10240x128xf32, #tpu.memory_space<hbm>> -> memref<10240x128xf32, #tpu.memory_space<hbm>>
    tpu.wait_indirect_dma semaphore(%arg11 : memref<!tpu.dma_semaphore, #tpu.memory_space<semaphore_mem>>) src(%dma_wait3A_108 : memref<10240x128xf32, #tpu.memory_space<hbm>>) dst(%dma_wait3A_102 : memref<128x128xf32, #tpu.memory_space<vmem>>)
    %run_scoped3A_109 = arith.constant 0 : i32
    %run_scoped3A_110 = arith.constant 38 : i32
    "tpu.region"() ({
      %run_scoped3A_130 = tpu.sem_alloc : memref<!tpu.dma_semaphore, #tpu.memory_space<semaphore_mem>>
      %dma_start3A_131 = arith.constant 0 : i32
      %dma_start3A_132 = arith.constant 0 : i32
      %dma_start3A_133 = tpu.memref_slice %arg8[%run_scoped3A_109, %dma_start3A_131, %dma_start3A_132] : memref<2x128x128xf32, #tpu.memory_space<vmem>> -> memref<1x128x128xf32, #tpu.memory_space<vmem>>
      %dma_start3A_134 = tpu.memref_squeeze %dma_start3A_133 : memref<1x128x128xf32, #tpu.memory_space<vmem>> -> memref<128x128xf32, #tpu.memory_space<vmem>>
      %dma_start3A_135 = arith.constant 0 : i32
      %dma_start3A_136 = tpu.memref_slice %arg10[%run_scoped3A_110, %dma_start3A_135] : memref<40x128xi32, #tpu.memory_space<vmem>> -> memref<1x128xi32, #tpu.memory_space<vmem>>
      %dma_start3A_137 = tpu.memref_squeeze %dma_start3A_136 : memref<1x128xi32, #tpu.memory_space<vmem>> -> memref<128xi32, #tpu.memory_space<vmem>>
      %dma_start3A_138 = arith.constant 0 : i32
      %dma_start3A_139 = arith.constant 0 : i32
      %dma_start3A_140 = tpu.memref_slice %arg7[%dma_start3A_138, %dma_start3A_139] : memref<10240x128xf32, #tpu.memory_space<vmem_shared>> -> memref<10240x128xf32, #tpu.memory_space<vmem_shared>>
      tpu.enqueue_indirect_dma source(%dma_start3A_134 : memref<128x128xf32, #tpu.memory_space<vmem>>) target(%dma_start3A_140 : memref<10240x128xf32, #tpu.memory_space<vmem_shared>>) offsets(%dma_start3A_137 : memref<128xi32, #tpu.memory_space<vmem>>) semaphore(%run_scoped3A_130 : memref<!tpu.dma_semaphore, #tpu.memory_space<semaphore_mem>>) {add = true}
      %dma_wait3A_141 = arith.constant 0 : i32
      %dma_wait3A_142 = arith.constant 0 : i32
      %dma_wait3A_143 = tpu.memref_slice %arg8[%run_scoped3A_109, %dma_wait3A_141, %dma_wait3A_142] : memref<2x128x128xf32, #tpu.memory_space<vmem>> -> memref<1x128x128xf32, #tpu.memory_space<vmem>>
      %dma_wait3A_144 = tpu.memref_squeeze %dma_wait3A_143 : memref<1x128x128xf32, #tpu.memory_space<vmem>> -> memref<128x128xf32, #tpu.memory_space<vmem>>
      %dma_wait3A_145 = arith.constant 0 : i32
      %dma_wait3A_146 = tpu.memref_slice %arg10[%run_scoped3A_110, %dma_wait3A_145] : memref<40x128xi32, #tpu.memory_space<vmem>> -> memref<1x128xi32, #tpu.memory_space<vmem>>
      %dma_wait3A_147 = tpu.memref_squeeze %dma_wait3A_146 : memref<1x128xi32, #tpu.memory_space<vmem>> -> memref<128xi32, #tpu.memory_space<vmem>>
      %dma_wait3A_148 = arith.constant 0 : i32
      %dma_wait3A_149 = arith.constant 0 : i32
      %dma_wait3A_150 = tpu.memref_slice %arg7[%dma_wait3A_148, %dma_wait3A_149] : memref<10240x128xf32, #tpu.memory_space<vmem_shared>> -> memref<10240x128xf32, #tpu.memory_space<vmem_shared>>
      tpu.wait_indirect_dma semaphore(%run_scoped3A_130 : memref<!tpu.dma_semaphore, #tpu.memory_space<semaphore_mem>>) src(%dma_wait3A_144 : memref<128x128xf32, #tpu.memory_space<vmem>>) dst(%dma_wait3A_150 : memref<10240x128xf32, #tpu.memory_space<vmem_shared>>)
      tpu.yield
    }) : () -> ()
    %dma_wait3A_111 = arith.constant 39 : i32
    %dma_wait3A_112 = arith.constant 1 : i32
    %dma_wait3A_113 = arith.constant 0 : i32
    %dma_wait3A_114 = arith.constant 0 : i32
    %dma_wait3A_115 = tpu.memref_slice %arg8[%dma_wait3A_112, %dma_wait3A_113, %dma_wait3A_114] : memref<2x128x128xf32, #tpu.memory_space<vmem>> -> memref<1x128x128xf32, #tpu.memory_space<vmem>>
    %dma_wait3A_116 = tpu.memref_squeeze %dma_wait3A_115 : memref<1x128x128xf32, #tpu.memory_space<vmem>> -> memref<128x128xf32, #tpu.memory_space<vmem>>
    %dma_wait3A_117 = arith.constant 0 : i32
    %dma_wait3A_118 = tpu.memref_slice %arg9[%dma_wait3A_111, %dma_wait3A_117] : memref<40x128xi32, #tpu.memory_space<vmem>> -> memref<1x128xi32, #tpu.memory_space<vmem>>
    %dma_wait3A_119 = tpu.memref_squeeze %dma_wait3A_118 : memref<1x128xi32, #tpu.memory_space<vmem>> -> memref<128xi32, #tpu.memory_space<vmem>>
    %dma_wait3A_120 = arith.constant 0 : i32
    %dma_wait3A_121 = arith.constant 0 : i32
    %dma_wait3A_122 = tpu.memref_slice %arg2[%dma_wait3A_120, %dma_wait3A_121] : memref<10240x128xf32, #tpu.memory_space<hbm>> -> memref<10240x128xf32, #tpu.memory_space<hbm>>
    tpu.wait_indirect_dma semaphore(%arg12 : memref<!tpu.dma_semaphore, #tpu.memory_space<semaphore_mem>>) src(%dma_wait3A_122 : memref<10240x128xf32, #tpu.memory_space<hbm>>) dst(%dma_wait3A_116 : memref<128x128xf32, #tpu.memory_space<vmem>>)
    %run_scoped3A_123 = arith.constant 1 : i32
    %run_scoped3A_124 = arith.constant 39 : i32
    "tpu.region"() ({
      %run_scoped3A_130 = tpu.sem_alloc : memref<!tpu.dma_semaphore, #tpu.memory_space<semaphore_mem>>
      %dma_start3A_131 = arith.constant 0 : i32
      %dma_start3A_132 = arith.constant 0 : i32
      %dma_start3A_133 = tpu.memref_slice %arg8[%run_scoped3A_123, %dma_start3A_131, %dma_start3A_132] : memref<2x128x128xf32, #tpu.memory_space<vmem>> -> memref<1x128x128xf32, #tpu.memory_space<vmem>>
      %dma_start3A_134 = tpu.memref_squeeze %dma_start3A_133 : memref<1x128x128xf32, #tpu.memory_space<vmem>> -> memref<128x128xf32, #tpu.memory_space<vmem>>
      %dma_start3A_135 = arith.constant 0 : i32
      %dma_start3A_136 = tpu.memref_slice %arg10[%run_scoped3A_124, %dma_start3A_135] : memref<40x128xi32, #tpu.memory_space<vmem>> -> memref<1x128xi32, #tpu.memory_space<vmem>>
      %dma_start3A_137 = tpu.memref_squeeze %dma_start3A_136 : memref<1x128xi32, #tpu.memory_space<vmem>> -> memref<128xi32, #tpu.memory_space<vmem>>
      %dma_start3A_138 = arith.constant 0 : i32
      %dma_start3A_139 = arith.constant 0 : i32
      %dma_start3A_140 = tpu.memref_slice %arg7[%dma_start3A_138, %dma_start3A_139] : memref<10240x128xf32, #tpu.memory_space<vmem_shared>> -> memref<10240x128xf32, #tpu.memory_space<vmem_shared>>
      tpu.enqueue_indirect_dma source(%dma_start3A_134 : memref<128x128xf32, #tpu.memory_space<vmem>>) target(%dma_start3A_140 : memref<10240x128xf32, #tpu.memory_space<vmem_shared>>) offsets(%dma_start3A_137 : memref<128xi32, #tpu.memory_space<vmem>>) semaphore(%run_scoped3A_130 : memref<!tpu.dma_semaphore, #tpu.memory_space<semaphore_mem>>) {add = true}
      %dma_wait3A_141 = arith.constant 0 : i32
      %dma_wait3A_142 = arith.constant 0 : i32
      %dma_wait3A_143 = tpu.memref_slice %arg8[%run_scoped3A_123, %dma_wait3A_141, %dma_wait3A_142] : memref<2x128x128xf32, #tpu.memory_space<vmem>> -> memref<1x128x128xf32, #tpu.memory_space<vmem>>
      %dma_wait3A_144 = tpu.memref_squeeze %dma_wait3A_143 : memref<1x128x128xf32, #tpu.memory_space<vmem>> -> memref<128x128xf32, #tpu.memory_space<vmem>>
      %dma_wait3A_145 = arith.constant 0 : i32
      %dma_wait3A_146 = tpu.memref_slice %arg10[%run_scoped3A_124, %dma_wait3A_145] : memref<40x128xi32, #tpu.memory_space<vmem>> -> memref<1x128xi32, #tpu.memory_space<vmem>>
      %dma_wait3A_147 = tpu.memref_squeeze %dma_wait3A_146 : memref<1x128xi32, #tpu.memory_space<vmem>> -> memref<128xi32, #tpu.memory_space<vmem>>
      %dma_wait3A_148 = arith.constant 0 : i32
      %dma_wait3A_149 = arith.constant 0 : i32
      %dma_wait3A_150 = tpu.memref_slice %arg7[%dma_wait3A_148, %dma_wait3A_149] : memref<10240x128xf32, #tpu.memory_space<vmem_shared>> -> memref<10240x128xf32, #tpu.memory_space<vmem_shared>>
      tpu.wait_indirect_dma semaphore(%run_scoped3A_130 : memref<!tpu.dma_semaphore, #tpu.memory_space<semaphore_mem>>) src(%dma_wait3A_144 : memref<128x128xf32, #tpu.memory_space<vmem>>) dst(%dma_wait3A_150 : memref<10240x128xf32, #tpu.memory_space<vmem_shared>>)
      tpu.yield
    }) : () -> ()
    %barrier3A_125 = arith.constant 0 : index
    tpu.barrier barrier_id(%barrier3A_125)
    %mul3A_126 = arith.constant 640 : i32
    %mul3A_127 = arith.muli %arg1, %mul3A_126 : i32
    %mul3A_128 = arith.constant 640 : i32
    %mul3A_129 = arith.muli %arg1, %mul3A_128 : i32
    "tpu.region"() ({
      %run_scoped3A_130 = tpu.sem_alloc : memref<!tpu.dma_semaphore, #tpu.memory_space<semaphore_mem>>
      %dma_start3A_131 = arith.constant 0 : i32
      %dma_start3A_132 = arith.constant 0 : i32
      %dma_start3A_133 = tpu.memref_slice %arg6[%arg0, %dma_start3A_131, %dma_start3A_132] : memref<2x10240x128xf32, #tpu.memory_space<hbm>> -> memref<1x10240x128xf32, #tpu.memory_space<hbm>>
      %dma_start3A_134 = tpu.memref_squeeze %dma_start3A_133 : memref<1x10240x128xf32, #tpu.memory_space<hbm>> -> memref<10240x128xf32, #tpu.memory_space<hbm>>
      %dma_start3A_135 = arith.constant 0 : i32
      %dma_start3A_136 = tpu.memref_slice %dma_start3A_134[%mul3A_129, %dma_start3A_135] : memref<10240x128xf32, #tpu.memory_space<hbm>> -> memref<640x128xf32, #tpu.memory_space<hbm>>
      %dma_start3A_137 = arith.constant 0 : i32
      %dma_start3A_138 = tpu.memref_slice %arg7[%mul3A_127, %dma_start3A_137] : memref<10240x128xf32, #tpu.memory_space<vmem_shared>> -> memref<640x128xf32, #tpu.memory_space<vmem_shared>>
      tpu.enqueue_dma source(%dma_start3A_138 : memref<640x128xf32, #tpu.memory_space<vmem_shared>>) target(%dma_start3A_136 : memref<640x128xf32, #tpu.memory_space<hbm>>) target_semaphore(%run_scoped3A_130 : memref<!tpu.dma_semaphore, #tpu.memory_space<semaphore_mem>>)
      %dma_wait3A_139 = arith.constant 0 : i32
      %dma_wait3A_140 = arith.constant 0 : i32
      %dma_wait3A_141 = tpu.memref_slice %arg6[%arg0, %dma_wait3A_139, %dma_wait3A_140] : memref<2x10240x128xf32, #tpu.memory_space<hbm>> -> memref<1x10240x128xf32, #tpu.memory_space<hbm>>
      %dma_wait3A_142 = tpu.memref_squeeze %dma_wait3A_141 : memref<1x10240x128xf32, #tpu.memory_space<hbm>> -> memref<10240x128xf32, #tpu.memory_space<hbm>>
      %dma_wait3A_143 = arith.constant 0 : i32
      %dma_wait3A_144 = tpu.memref_slice %dma_wait3A_142[%mul3A_129, %dma_wait3A_143] : memref<10240x128xf32, #tpu.memory_space<hbm>> -> memref<640x128xf32, #tpu.memory_space<hbm>>
      %dma_wait3A_145 = arith.constant 0 : i32
      %dma_wait3A_146 = tpu.memref_slice %arg7[%mul3A_127, %dma_wait3A_145] : memref<10240x128xf32, #tpu.memory_space<vmem_shared>> -> memref<640x128xf32, #tpu.memory_space<vmem_shared>>
      tpu.wait_dma2 semaphore(%run_scoped3A_130 : memref<!tpu.dma_semaphore, #tpu.memory_space<semaphore_mem>>) src(%dma_wait3A_146 : memref<640x128xf32, #tpu.memory_space<vmem_shared>>) dst(%dma_wait3A_144 : memref<640x128xf32, #tpu.memory_space<hbm>>)
      tpu.yield
    }) : () -> ()
    return
  }
}

#map = affine_map<(d0, d1) -> (0, 0)>
#map1 = affine_map<(d0, d1) -> (0, 0, 0)>
module attributes {stable_mosaic.version = 14 : i64} {
  func.func @_sc_aggregate_body(%arg0: i32, %arg1: i32, %arg2: memref<10240x128xf32, #tpu.memory_space<hbm>>, %arg3: memref<2560x128xi32, #tpu.memory_space<hbm>>, %arg4: memref<2560x128xi32, #tpu.memory_space<hbm>>, %arg5: memref<128x128xf32, #tpu.memory_space<hbm>>, %arg6: memref<2x10240x128xf32, #tpu.memory_space<hbm>>, %arg7: memref<10240x128xf32, #tpu.memory_space<vmem_shared>>, %arg8: memref<2x128x128xf32, #tpu.memory_space<vmem>>, %arg9: memref<40x128xi32, #tpu.memory_space<vmem>>, %arg10: memref<40x128xi32, #tpu.memory_space<vmem>>, %arg11: memref<!tpu.dma_semaphore, #tpu.memory_space<semaphore_mem>>, %arg12: memref<!tpu.dma_semaphore, #tpu.memory_space<semaphore_mem>>) attributes {dimension_semantics = [#tpu.dimension_semantics<core_parallel>, #tpu.dimension_semantics<subcore_parallel>], iteration_bounds = array<i64: 2, 16>, scalar_prefetch = 0 : i64, scratch_operands = 6 : i64, tpu.core_type = #tpu.core_type<sc_vector_subcore>, window_params = [{transform_indices = #map}, {transform_indices = #map}, {transform_indices = #map}, {transform_indices = #map}, {transform_indices = #map1}]} {
    %run_scoped3A = arith.constant 0 : i32
    "tpu.region"() ({
      %run_scoped3A_130 = tpu.sem_alloc : memref<!tpu.dma_semaphore, #tpu.memory_space<semaphore_mem>>
      %dma_start3A_131 = arith.constant 0 : i32
      %dma_start3A_132 = arith.constant 0 : i32
      %dma_start3A_133 = tpu.memref_slice %arg8[%run_scoped3A, %dma_start3A_131, %dma_start3A_132] : memref<2x128x128xf32, #tpu.memory_space<vmem>> -> memref<1x128x128xf32, #tpu.memory_space<vmem>>
      %dma_start3A_134 = tpu.memref_squeeze %dma_start3A_133 : memref<1x128x128xf32, #tpu.memory_space<vmem>> -> memref<128x128xf32, #tpu.memory_space<vmem>>
      %dma_start3A_135 = arith.constant 0 : i32
      %dma_start3A_136 = arith.constant 0 : i32
      %dma_start3A_137 = tpu.memref_slice %arg8[%run_scoped3A, %dma_start3A_135, %dma_start3A_136] : memref<2x128x128xf32, #tpu.memory_space<vmem>> -> memref<1x128x128xf32, #tpu.memory_space<vmem>>
      %dma_start3A_138 = tpu.memref_squeeze %dma_start3A_137 : memref<1x128x128xf32, #tpu.memory_space<vmem>> -> memref<128x128xf32, #tpu.memory_space<vmem>>
      tpu.enqueue_dma source(%arg5 : memref<128x128xf32, #tpu.memory_space<hbm>>) target(%dma_start3A_138 : memref<128x128xf32, #tpu.memory_space<vmem>>) target_semaphore(%run_scoped3A_130 : memref<!tpu.dma_semaphore, #tpu.memory_space<semaphore_mem>>)
      %dma_wait3A_139 = arith.constant 0 : i32
      %dma_wait3A_140 = arith.constant 0 : i32
      %dma_wait3A_141 = tpu.memref_slice %arg8[%run_scoped3A, %dma_wait3A_139, %dma_wait3A_140] : memref<2x128x128xf32, #tpu.memory_space<vmem>> -> memref<1x128x128xf32, #tpu.memory_space<vmem>>
      %dma_wait3A_142 = tpu.memref_squeeze %dma_wait3A_141 : memref<1x128x128xf32, #tpu.memory_space<vmem>> -> memref<128x128xf32, #tpu.memory_space<vmem>>
      %dma_wait3A_143 = arith.constant 0 : i32
      %dma_wait3A_144 = arith.constant 0 : i32
      %dma_wait3A_145 = tpu.memref_slice %arg8[%run_scoped3A, %dma_wait3A_143, %dma_wait3A_144] : memref<2x128x128xf32, #tpu.memory_space<vmem>> -> memref<1x128x128xf32, #tpu.memory_space<vmem>>
      %dma_wait3A_146 = tpu.memref_squeeze %dma_wait3A_145 : memref<1x128x128xf32, #tpu.memory_space<vmem>> -> memref<128x128xf32, #tpu.memory_space<vmem>>
      tpu.wait_dma2 semaphore(%run_scoped3A_130 : memref<!tpu.dma_semaphore, #tpu.memory_space<semaphore_mem>>) src(%arg5 : memref<128x128xf32, #tpu.memory_space<hbm>>) dst(%dma_wait3A_146 : memref<128x128xf32, #tpu.memory_space<vmem>>)
      tpu.yield
    }) : () -> ()
    %scan3A = arith.constant 0 : i32
    %scan3A_0 = arith.constant 5 : i32
    %scan3A_1 = arith.addi %scan3A, %scan3A_0 : i32
    %scan3A_2 = arith.constant 1 : i32
    scf.for %scan3A_130 = %scan3A to %scan3A_1 step %scan3A_2  : i32 {
      %mul3A_131 = arith.constant 1 : i32
      %mul3A_132 = arith.muli %scan3A_130, %mul3A_131 : i32
      %add3A_133 = arith.constant 0 : i32
      %add3A_134 = arith.addi %add3A_133, %mul3A_132 : i32
      %mul3A_135 = arith.constant 640 : i32
      %mul3A_136 = arith.muli %arg1, %mul3A_135 : i32
      %mul3A_137 = arith.constant 128 : i32
      %mul3A_138 = arith.muli %add3A_134, %mul3A_137 : i32
      %add3A_139 = arith.addi %mul3A_136, %mul3A_138 : i32
      %run_scoped3A_140 = arith.constant 0 : i32
      "tpu.region"() ({
        %run_scoped3A_141 = tpu.sem_alloc : memref<!tpu.dma_semaphore, #tpu.memory_space<semaphore_mem>>
        %dma_start3A_142 = arith.constant 0 : i32
        %dma_start3A_143 = arith.constant 0 : i32
        %dma_start3A_144 = tpu.memref_slice %arg8[%run_scoped3A_140, %dma_start3A_142, %dma_start3A_143] : memref<2x128x128xf32, #tpu.memory_space<vmem>> -> memref<1x128x128xf32, #tpu.memory_space<vmem>>
        %dma_start3A_145 = tpu.memref_squeeze %dma_start3A_144 : memref<1x128x128xf32, #tpu.memory_space<vmem>> -> memref<128x128xf32, #tpu.memory_space<vmem>>
        %dma_start3A_146 = arith.constant 0 : i32
        %dma_start3A_147 = tpu.memref_slice %arg7[%add3A_139, %dma_start3A_146] : memref<10240x128xf32, #tpu.memory_space<vmem_shared>> -> memref<128x128xf32, #tpu.memory_space<vmem_shared>>
        %dma_start3A_148 = arith.constant 0 : i32
        %dma_start3A_149 = tpu.memref_slice %arg7[%add3A_139, %dma_start3A_148] : memref<10240x128xf32, #tpu.memory_space<vmem_shared>> -> memref<128x128xf32, #tpu.memory_space<vmem_shared>>
        %dma_start3A_150 = arith.constant 0 : i32
        %dma_start3A_151 = arith.constant 0 : i32
        %dma_start3A_152 = tpu.memref_slice %arg8[%run_scoped3A_140, %dma_start3A_150, %dma_start3A_151] : memref<2x128x128xf32, #tpu.memory_space<vmem>> -> memref<1x128x128xf32, #tpu.memory_space<vmem>>
        %dma_start3A_153 = tpu.memref_squeeze %dma_start3A_152 : memref<1x128x128xf32, #tpu.memory_space<vmem>> -> memref<128x128xf32, #tpu.memory_space<vmem>>
        tpu.enqueue_dma source(%dma_start3A_153 : memref<128x128xf32, #tpu.memory_space<vmem>>) target(%dma_start3A_149 : memref<128x128xf32, #tpu.memory_space<vmem_shared>>) target_semaphore(%run_scoped3A_141 : memref<!tpu.dma_semaphore, #tpu.memory_space<semaphore_mem>>)
        %dma_wait3A_154 = arith.constant 0 : i32
        %dma_wait3A_155 = arith.constant 0 : i32
        %dma_wait3A_156 = tpu.memref_slice %arg8[%run_scoped3A_140, %dma_wait3A_154, %dma_wait3A_155] : memref<2x128x128xf32, #tpu.memory_space<vmem>> -> memref<1x128x128xf32, #tpu.memory_space<vmem>>
        %dma_wait3A_157 = tpu.memref_squeeze %dma_wait3A_156 : memref<1x128x128xf32, #tpu.memory_space<vmem>> -> memref<128x128xf32, #tpu.memory_space<vmem>>
        %dma_wait3A_158 = arith.constant 0 : i32
        %dma_wait3A_159 = tpu.memref_slice %arg7[%add3A_139, %dma_wait3A_158] : memref<10240x128xf32, #tpu.memory_space<vmem_shared>> -> memref<128x128xf32, #tpu.memory_space<vmem_shared>>
        %dma_wait3A_160 = arith.constant 0 : i32
        %dma_wait3A_161 = tpu.memref_slice %arg7[%add3A_139, %dma_wait3A_160] : memref<10240x128xf32, #tpu.memory_space<vmem_shared>> -> memref<128x128xf32, #tpu.memory_space<vmem_shared>>
        %dma_wait3A_162 = arith.constant 0 : i32
        %dma_wait3A_163 = arith.constant 0 : i32
        %dma_wait3A_164 = tpu.memref_slice %arg8[%run_scoped3A_140, %dma_wait3A_162, %dma_wait3A_163] : memref<2x128x128xf32, #tpu.memory_space<vmem>> -> memref<1x128x128xf32, #tpu.memory_space<vmem>>
        %dma_wait3A_165 = tpu.memref_squeeze %dma_wait3A_164 : memref<1x128x128xf32, #tpu.memory_space<vmem>> -> memref<128x128xf32, #tpu.memory_space<vmem>>
        tpu.wait_dma2 semaphore(%run_scoped3A_141 : memref<!tpu.dma_semaphore, #tpu.memory_space<semaphore_mem>>) src(%dma_wait3A_165 : memref<128x128xf32, #tpu.memory_space<vmem>>) dst(%dma_wait3A_161 : memref<128x128xf32, #tpu.memory_space<vmem_shared>>)
        tpu.yield
      }) : () -> ()
    }
    %scan3A_3 = arith.constant 5 : i32
    %mul3A = arith.constant 16 : i32
    %mul3A_4 = arith.muli %arg0, %mul3A : i32
    %add3A = arith.addi %mul3A_4, %arg1 : i32
    %barrier3A = arith.constant 0 : index
    tpu.barrier barrier_id(%barrier3A)
    %mul3A_5 = arith.constant 80 : i32
    %mul3A_6 = arith.muli %add3A, %mul3A_5 : i32
    %add3A_7 = arith.constant 0 : i32
    %add3A_8 = arith.addi %mul3A_6, %add3A_7 : i32
    "tpu.region"() ({
      %run_scoped3A_130 = tpu.sem_alloc : memref<!tpu.dma_semaphore, #tpu.memory_space<semaphore_mem>>
      %dma_start3A_131 = arith.constant 0 : i32
      %dma_start3A_132 = tpu.memref_slice %arg3[%add3A_8, %dma_start3A_131] : memref<2560x128xi32, #tpu.memory_space<hbm>> -> memref<40x128xi32, #tpu.memory_space<hbm>>
      %dma_start3A_133 = arith.constant 0 : i32
      %dma_start3A_134 = tpu.memref_slice %arg3[%add3A_8, %dma_start3A_133] : memref<2560x128xi32, #tpu.memory_space<hbm>> -> memref<40x128xi32, #tpu.memory_space<hbm>>
      tpu.enqueue_dma source(%dma_start3A_134 : memref<40x128xi32, #tpu.memory_space<hbm>>) target(%arg9 : memref<40x128xi32, #tpu.memory_space<vmem>>) target_semaphore(%run_scoped3A_130 : memref<!tpu.dma_semaphore, #tpu.memory_space<semaphore_mem>>)
      %dma_wait3A_135 = arith.constant 0 : i32
      %dma_wait3A_136 = tpu.memref_slice %arg3[%add3A_8, %dma_wait3A_135] : memref<2560x128xi32, #tpu.memory_space<hbm>> -> memref<40x128xi32, #tpu.memory_space<hbm>>
      %dma_wait3A_137 = arith.constant 0 : i32
      %dma_wait3A_138 = tpu.memref_slice %arg3[%add3A_8, %dma_wait3A_137] : memref<2560x128xi32, #tpu.memory_space<hbm>> -> memref<40x128xi32, #tpu.memory_space<hbm>>
      tpu.wait_dma2 semaphore(%run_scoped3A_130 : memref<!tpu.dma_semaphore, #tpu.memory_space<semaphore_mem>>) src(%dma_wait3A_138 : memref<40x128xi32, #tpu.memory_space<hbm>>) dst(%arg9 : memref<40x128xi32, #tpu.memory_space<vmem>>)
      tpu.yield
    }) : () -> ()
    "tpu.region"() ({
      %run_scoped3A_130 = tpu.sem_alloc : memref<!tpu.dma_semaphore, #tpu.memory_space<semaphore_mem>>
      %dma_start3A_131 = arith.constant 0 : i32
      %dma_start3A_132 = tpu.memref_slice %arg4[%add3A_8, %dma_start3A_131] : memref<2560x128xi32, #tpu.memory_space<hbm>> -> memref<40x128xi32, #tpu.memory_space<hbm>>
      %dma_start3A_133 = arith.constant 0 : i32
      %dma_start3A_134 = tpu.memref_slice %arg4[%add3A_8, %dma_start3A_133] : memref<2560x128xi32, #tpu.memory_space<hbm>> -> memref<40x128xi32, #tpu.memory_space<hbm>>
      tpu.enqueue_dma source(%dma_start3A_134 : memref<40x128xi32, #tpu.memory_space<hbm>>) target(%arg10 : memref<40x128xi32, #tpu.memory_space<vmem>>) target_semaphore(%run_scoped3A_130 : memref<!tpu.dma_semaphore, #tpu.memory_space<semaphore_mem>>)
      %dma_wait3A_135 = arith.constant 0 : i32
      %dma_wait3A_136 = tpu.memref_slice %arg4[%add3A_8, %dma_wait3A_135] : memref<2560x128xi32, #tpu.memory_space<hbm>> -> memref<40x128xi32, #tpu.memory_space<hbm>>
      %dma_wait3A_137 = arith.constant 0 : i32
      %dma_wait3A_138 = tpu.memref_slice %arg4[%add3A_8, %dma_wait3A_137] : memref<2560x128xi32, #tpu.memory_space<hbm>> -> memref<40x128xi32, #tpu.memory_space<hbm>>
      tpu.wait_dma2 semaphore(%run_scoped3A_130 : memref<!tpu.dma_semaphore, #tpu.memory_space<semaphore_mem>>) src(%dma_wait3A_138 : memref<40x128xi32, #tpu.memory_space<hbm>>) dst(%arg10 : memref<40x128xi32, #tpu.memory_space<vmem>>)
      tpu.yield
    }) : () -> ()
    %dma_start3A = arith.constant 0 : i32
    %dma_start3A_9 = arith.constant 0 : i32
    %dma_start3A_10 = arith.constant 0 : i32
    %dma_start3A_11 = arith.constant 0 : i32
    %dma_start3A_12 = tpu.memref_slice %arg8[%dma_start3A_9, %dma_start3A_10, %dma_start3A_11] : memref<2x128x128xf32, #tpu.memory_space<vmem>> -> memref<1x128x128xf32, #tpu.memory_space<vmem>>
    %dma_start3A_13 = tpu.memref_squeeze %dma_start3A_12 : memref<1x128x128xf32, #tpu.memory_space<vmem>> -> memref<128x128xf32, #tpu.memory_space<vmem>>
    %dma_start3A_14 = arith.constant 0 : i32
    %dma_start3A_15 = tpu.memref_slice %arg9[%dma_start3A, %dma_start3A_14] : memref<40x128xi32, #tpu.memory_space<vmem>> -> memref<1x128xi32, #tpu.memory_space<vmem>>
    %dma_start3A_16 = tpu.memref_squeeze %dma_start3A_15 : memref<1x128xi32, #tpu.memory_space<vmem>> -> memref<128xi32, #tpu.memory_space<vmem>>
    %dma_start3A_17 = arith.constant 0 : i32
    %dma_start3A_18 = arith.constant 0 : i32
    %dma_start3A_19 = tpu.memref_slice %arg2[%dma_start3A_17, %dma_start3A_18] : memref<10240x128xf32, #tpu.memory_space<hbm>> -> memref<10240x128xf32, #tpu.memory_space<hbm>>
    tpu.enqueue_indirect_dma source(%dma_start3A_19 : memref<10240x128xf32, #tpu.memory_space<hbm>>) target(%dma_start3A_13 : memref<128x128xf32, #tpu.memory_space<vmem>>) offsets(%dma_start3A_16 : memref<128xi32, #tpu.memory_space<vmem>>) semaphore(%arg11 : memref<!tpu.dma_semaphore, #tpu.memory_space<semaphore_mem>>)
    %dma_start3A_20 = arith.constant 1 : i32
    %dma_start3A_21 = arith.constant 1 : i32
    %dma_start3A_22 = arith.constant 0 : i32
    %dma_start3A_23 = arith.constant 0 : i32
    %dma_start3A_24 = tpu.memref_slice %arg8[%dma_start3A_21, %dma_start3A_22, %dma_start3A_23] : memref<2x128x128xf32, #tpu.memory_space<vmem>> -> memref<1x128x128xf32, #tpu.memory_space<vmem>>
    %dma_start3A_25 = tpu.memref_squeeze %dma_start3A_24 : memref<1x128x128xf32, #tpu.memory_space<vmem>> -> memref<128x128xf32, #tpu.memory_space<vmem>>
    %dma_start3A_26 = arith.constant 0 : i32
    %dma_start3A_27 = tpu.memref_slice %arg9[%dma_start3A_20, %dma_start3A_26] : memref<40x128xi32, #tpu.memory_space<vmem>> -> memref<1x128xi32, #tpu.memory_space<vmem>>
    %dma_start3A_28 = tpu.memref_squeeze %dma_start3A_27 : memref<1x128xi32, #tpu.memory_space<vmem>> -> memref<128xi32, #tpu.memory_space<vmem>>
    %dma_start3A_29 = arith.constant 0 : i32
    %dma_start3A_30 = arith.constant 0 : i32
    %dma_start3A_31 = tpu.memref_slice %arg2[%dma_start3A_29, %dma_start3A_30] : memref<10240x128xf32, #tpu.memory_space<hbm>> -> memref<10240x128xf32, #tpu.memory_space<hbm>>
    tpu.enqueue_indirect_dma source(%dma_start3A_31 : memref<10240x128xf32, #tpu.memory_space<hbm>>) target(%dma_start3A_25 : memref<128x128xf32, #tpu.memory_space<vmem>>) offsets(%dma_start3A_28 : memref<128xi32, #tpu.memory_space<vmem>>) semaphore(%arg12 : memref<!tpu.dma_semaphore, #tpu.memory_space<semaphore_mem>>)
    %scan3A_32 = arith.constant 0 : i32
    %scan3A_33 = arith.constant 19 : i32
    %scan3A_34 = arith.addi %scan3A_32, %scan3A_33 : i32
    %scan3A_35 = arith.constant 1 : i32
    scf.for %scan3A_130 = %scan3A_32 to %scan3A_34 step %scan3A_35  : i32 {
      %mul3A_131 = arith.constant 1 : i32
      %mul3A_132 = arith.muli %scan3A_130, %mul3A_131 : i32
      %add3A_133 = arith.constant 0 : i32
      %add3A_134 = arith.addi %add3A_133, %mul3A_132 : i32
      %mul3A_135 = arith.constant 2 : i32
      %mul3A_136 = arith.muli %add3A_134, %mul3A_135 : i32
      %add3A_137 = arith.constant 0 : i32
      %add3A_138 = arith.addi %mul3A_136, %add3A_137 : i32
      %dma_wait3A_139 = arith.constant 0 : i32
      %dma_wait3A_140 = arith.constant 0 : i32
      %dma_wait3A_141 = arith.constant 0 : i32
      %dma_wait3A_142 = tpu.memref_slice %arg8[%dma_wait3A_139, %dma_wait3A_140, %dma_wait3A_141] : memref<2x128x128xf32, #tpu.memory_space<vmem>> -> memref<1x128x128xf32, #tpu.memory_space<vmem>>
      %dma_wait3A_143 = tpu.memref_squeeze %dma_wait3A_142 : memref<1x128x128xf32, #tpu.memory_space<vmem>> -> memref<128x128xf32, #tpu.memory_space<vmem>>
      %dma_wait3A_144 = arith.constant 0 : i32
      %dma_wait3A_145 = tpu.memref_slice %arg9[%add3A_138, %dma_wait3A_144] : memref<40x128xi32, #tpu.memory_space<vmem>> -> memref<1x128xi32, #tpu.memory_space<vmem>>
      %dma_wait3A_146 = tpu.memref_squeeze %dma_wait3A_145 : memref<1x128xi32, #tpu.memory_space<vmem>> -> memref<128xi32, #tpu.memory_space<vmem>>
      %dma_wait3A_147 = arith.constant 0 : i32
      %dma_wait3A_148 = arith.constant 0 : i32
      %dma_wait3A_149 = tpu.memref_slice %arg2[%dma_wait3A_147, %dma_wait3A_148] : memref<10240x128xf32, #tpu.memory_space<hbm>> -> memref<10240x128xf32, #tpu.memory_space<hbm>>
      tpu.wait_indirect_dma semaphore(%arg11 : memref<!tpu.dma_semaphore, #tpu.memory_space<semaphore_mem>>) src(%dma_wait3A_149 : memref<10240x128xf32, #tpu.memory_space<hbm>>) dst(%dma_wait3A_143 : memref<128x128xf32, #tpu.memory_space<vmem>>)
      %run_scoped3A_150 = arith.constant 0 : i32
      "tpu.region"() ({
        %run_scoped3A_193 = tpu.sem_alloc : memref<!tpu.dma_semaphore, #tpu.memory_space<semaphore_mem>>
        %dma_start3A_194 = arith.constant 0 : i32
        %dma_start3A_195 = arith.constant 0 : i32
        %dma_start3A_196 = tpu.memref_slice %arg8[%run_scoped3A_150, %dma_start3A_194, %dma_start3A_195] : memref<2x128x128xf32, #tpu.memory_space<vmem>> -> memref<1x128x128xf32, #tpu.memory_space<vmem>>
        %dma_start3A_197 = tpu.memref_squeeze %dma_start3A_196 : memref<1x128x128xf32, #tpu.memory_space<vmem>> -> memref<128x128xf32, #tpu.memory_space<vmem>>
        %dma_start3A_198 = arith.constant 0 : i32
        %dma_start3A_199 = tpu.memref_slice %arg10[%add3A_138, %dma_start3A_198] : memref<40x128xi32, #tpu.memory_space<vmem>> -> memref<1x128xi32, #tpu.memory_space<vmem>>
        %dma_start3A_200 = tpu.memref_squeeze %dma_start3A_199 : memref<1x128xi32, #tpu.memory_space<vmem>> -> memref<128xi32, #tpu.memory_space<vmem>>
        %dma_start3A_201 = arith.constant 0 : i32
        %dma_start3A_202 = arith.constant 0 : i32
        %dma_start3A_203 = tpu.memref_slice %arg7[%dma_start3A_201, %dma_start3A_202] : memref<10240x128xf32, #tpu.memory_space<vmem_shared>> -> memref<10240x128xf32, #tpu.memory_space<vmem_shared>>
        tpu.enqueue_indirect_dma source(%dma_start3A_197 : memref<128x128xf32, #tpu.memory_space<vmem>>) target(%dma_start3A_203 : memref<10240x128xf32, #tpu.memory_space<vmem_shared>>) offsets(%dma_start3A_200 : memref<128xi32, #tpu.memory_space<vmem>>) semaphore(%run_scoped3A_193 : memref<!tpu.dma_semaphore, #tpu.memory_space<semaphore_mem>>) {add = true}
        %dma_wait3A_204 = arith.constant 0 : i32
        %dma_wait3A_205 = arith.constant 0 : i32
        %dma_wait3A_206 = tpu.memref_slice %arg8[%run_scoped3A_150, %dma_wait3A_204, %dma_wait3A_205] : memref<2x128x128xf32, #tpu.memory_space<vmem>> -> memref<1x128x128xf32, #tpu.memory_space<vmem>>
        %dma_wait3A_207 = tpu.memref_squeeze %dma_wait3A_206 : memref<1x128x128xf32, #tpu.memory_space<vmem>> -> memref<128x128xf32, #tpu.memory_space<vmem>>
        %dma_wait3A_208 = arith.constant 0 : i32
        %dma_wait3A_209 = tpu.memref_slice %arg10[%add3A_138, %dma_wait3A_208] : memref<40x128xi32, #tpu.memory_space<vmem>> -> memref<1x128xi32, #tpu.memory_space<vmem>>
        %dma_wait3A_210 = tpu.memref_squeeze %dma_wait3A_209 : memref<1x128xi32, #tpu.memory_space<vmem>> -> memref<128xi32, #tpu.memory_space<vmem>>
        %dma_wait3A_211 = arith.constant 0 : i32
        %dma_wait3A_212 = arith.constant 0 : i32
        %dma_wait3A_213 = tpu.memref_slice %arg7[%dma_wait3A_211, %dma_wait3A_212] : memref<10240x128xf32, #tpu.memory_space<vmem_shared>> -> memref<10240x128xf32, #tpu.memory_space<vmem_shared>>
        tpu.wait_indirect_dma semaphore(%run_scoped3A_193 : memref<!tpu.dma_semaphore, #tpu.memory_space<semaphore_mem>>) src(%dma_wait3A_207 : memref<128x128xf32, #tpu.memory_space<vmem>>) dst(%dma_wait3A_213 : memref<10240x128xf32, #tpu.memory_space<vmem_shared>>)
        tpu.yield
      }) : () -> ()
      %add3A_151 = arith.constant 2 : i32
      %add3A_152 = arith.addi %add3A_138, %add3A_151 : i32
      %dma_start3A_153 = arith.constant 0 : i32
      %dma_start3A_154 = arith.constant 0 : i32
      %dma_start3A_155 = arith.constant 0 : i32
      %dma_start3A_156 = tpu.memref_slice %arg8[%dma_start3A_153, %dma_start3A_154, %dma_start3A_155] : memref<2x128x128xf32, #tpu.memory_space<vmem>> -> memref<1x128x128xf32, #tpu.memory_space<vmem>>
      %dma_start3A_157 = tpu.memref_squeeze %dma_start3A_156 : memref<1x128x128xf32, #tpu.memory_space<vmem>> -> memref<128x128xf32, #tpu.memory_space<vmem>>
      %dma_start3A_158 = arith.constant 0 : i32
      %dma_start3A_159 = tpu.memref_slice %arg9[%add3A_152, %dma_start3A_158] : memref<40x128xi32, #tpu.memory_space<vmem>> -> memref<1x128xi32, #tpu.memory_space<vmem>>
      %dma_start3A_160 = tpu.memref_squeeze %dma_start3A_159 : memref<1x128xi32, #tpu.memory_space<vmem>> -> memref<128xi32, #tpu.memory_space<vmem>>
      %dma_start3A_161 = arith.constant 0 : i32
      %dma_start3A_162 = arith.constant 0 : i32
      %dma_start3A_163 = tpu.memref_slice %arg2[%dma_start3A_161, %dma_start3A_162] : memref<10240x128xf32, #tpu.memory_space<hbm>> -> memref<10240x128xf32, #tpu.memory_space<hbm>>
      tpu.enqueue_indirect_dma source(%dma_start3A_163 : memref<10240x128xf32, #tpu.memory_space<hbm>>) target(%dma_start3A_157 : memref<128x128xf32, #tpu.memory_space<vmem>>) offsets(%dma_start3A_160 : memref<128xi32, #tpu.memory_space<vmem>>) semaphore(%arg11 : memref<!tpu.dma_semaphore, #tpu.memory_space<semaphore_mem>>)
      %mul3A_164 = arith.constant 2 : i32
      %mul3A_165 = arith.muli %add3A_134, %mul3A_164 : i32
      %add3A_166 = arith.constant 1 : i32
      %add3A_167 = arith.addi %mul3A_165, %add3A_166 : i32
      %dma_wait3A_168 = arith.constant 1 : i32
      %dma_wait3A_169 = arith.constant 0 : i32
      %dma_wait3A_170 = arith.constant 0 : i32
      %dma_wait3A_171 = tpu.memref_slice %arg8[%dma_wait3A_168, %dma_wait3A_169, %dma_wait3A_170] : memref<2x128x128xf32, #tpu.memory_space<vmem>> -> memref<1x128x128xf32, #tpu.memory_space<vmem>>
      %dma_wait3A_172 = tpu.memref_squeeze %dma_wait3A_171 : memref<1x128x128xf32, #tpu.memory_space<vmem>> -> memref<128x128xf32, #tpu.memory_space<vmem>>
      %dma_wait3A_173 = arith.constant 0 : i32
      %dma_wait3A_174 = tpu.memref_slice %arg9[%add3A_167, %dma_wait3A_173] : memref<40x128xi32, #tpu.memory_space<vmem>> -> memref<1x128xi32, #tpu.memory_space<vmem>>
      %dma_wait3A_175 = tpu.memref_squeeze %dma_wait3A_174 : memref<1x128xi32, #tpu.memory_space<vmem>> -> memref<128xi32, #tpu.memory_space<vmem>>
      %dma_wait3A_176 = arith.constant 0 : i32
      %dma_wait3A_177 = arith.constant 0 : i32
      %dma_wait3A_178 = tpu.memref_slice %arg2[%dma_wait3A_176, %dma_wait3A_177] : memref<10240x128xf32, #tpu.memory_space<hbm>> -> memref<10240x128xf32, #tpu.memory_space<hbm>>
      tpu.wait_indirect_dma semaphore(%arg12 : memref<!tpu.dma_semaphore, #tpu.memory_space<semaphore_mem>>) src(%dma_wait3A_178 : memref<10240x128xf32, #tpu.memory_space<hbm>>) dst(%dma_wait3A_172 : memref<128x128xf32, #tpu.memory_space<vmem>>)
      %run_scoped3A_179 = arith.constant 1 : i32
      "tpu.region"() ({
        %run_scoped3A_193 = tpu.sem_alloc : memref<!tpu.dma_semaphore, #tpu.memory_space<semaphore_mem>>
        %dma_start3A_194 = arith.constant 0 : i32
        %dma_start3A_195 = arith.constant 0 : i32
        %dma_start3A_196 = tpu.memref_slice %arg8[%run_scoped3A_179, %dma_start3A_194, %dma_start3A_195] : memref<2x128x128xf32, #tpu.memory_space<vmem>> -> memref<1x128x128xf32, #tpu.memory_space<vmem>>
        %dma_start3A_197 = tpu.memref_squeeze %dma_start3A_196 : memref<1x128x128xf32, #tpu.memory_space<vmem>> -> memref<128x128xf32, #tpu.memory_space<vmem>>
        %dma_start3A_198 = arith.constant 0 : i32
        %dma_start3A_199 = tpu.memref_slice %arg10[%add3A_167, %dma_start3A_198] : memref<40x128xi32, #tpu.memory_space<vmem>> -> memref<1x128xi32, #tpu.memory_space<vmem>>
        %dma_start3A_200 = tpu.memref_squeeze %dma_start3A_199 : memref<1x128xi32, #tpu.memory_space<vmem>> -> memref<128xi32, #tpu.memory_space<vmem>>
        %dma_start3A_201 = arith.constant 0 : i32
        %dma_start3A_202 = arith.constant 0 : i32
        %dma_start3A_203 = tpu.memref_slice %arg7[%dma_start3A_201, %dma_start3A_202] : memref<10240x128xf32, #tpu.memory_space<vmem_shared>> -> memref<10240x128xf32, #tpu.memory_space<vmem_shared>>
        tpu.enqueue_indirect_dma source(%dma_start3A_197 : memref<128x128xf32, #tpu.memory_space<vmem>>) target(%dma_start3A_203 : memref<10240x128xf32, #tpu.memory_space<vmem_shared>>) offsets(%dma_start3A_200 : memref<128xi32, #tpu.memory_space<vmem>>) semaphore(%run_scoped3A_193 : memref<!tpu.dma_semaphore, #tpu.memory_space<semaphore_mem>>) {add = true}
        %dma_wait3A_204 = arith.constant 0 : i32
        %dma_wait3A_205 = arith.constant 0 : i32
        %dma_wait3A_206 = tpu.memref_slice %arg8[%run_scoped3A_179, %dma_wait3A_204, %dma_wait3A_205] : memref<2x128x128xf32, #tpu.memory_space<vmem>> -> memref<1x128x128xf32, #tpu.memory_space<vmem>>
        %dma_wait3A_207 = tpu.memref_squeeze %dma_wait3A_206 : memref<1x128x128xf32, #tpu.memory_space<vmem>> -> memref<128x128xf32, #tpu.memory_space<vmem>>
        %dma_wait3A_208 = arith.constant 0 : i32
        %dma_wait3A_209 = tpu.memref_slice %arg10[%add3A_167, %dma_wait3A_208] : memref<40x128xi32, #tpu.memory_space<vmem>> -> memref<1x128xi32, #tpu.memory_space<vmem>>
        %dma_wait3A_210 = tpu.memref_squeeze %dma_wait3A_209 : memref<1x128xi32, #tpu.memory_space<vmem>> -> memref<128xi32, #tpu.memory_space<vmem>>
        %dma_wait3A_211 = arith.constant 0 : i32
        %dma_wait3A_212 = arith.constant 0 : i32
        %dma_wait3A_213 = tpu.memref_slice %arg7[%dma_wait3A_211, %dma_wait3A_212] : memref<10240x128xf32, #tpu.memory_space<vmem_shared>> -> memref<10240x128xf32, #tpu.memory_space<vmem_shared>>
        tpu.wait_indirect_dma semaphore(%run_scoped3A_193 : memref<!tpu.dma_semaphore, #tpu.memory_space<semaphore_mem>>) src(%dma_wait3A_207 : memref<128x128xf32, #tpu.memory_space<vmem>>) dst(%dma_wait3A_213 : memref<10240x128xf32, #tpu.memory_space<vmem_shared>>)
        tpu.yield
      }) : () -> ()
      %add3A_180 = arith.constant 2 : i32
      %add3A_181 = arith.addi %add3A_167, %add3A_180 : i32
      %dma_start3A_182 = arith.constant 1 : i32
      %dma_start3A_183 = arith.constant 0 : i32
      %dma_start3A_184 = arith.constant 0 : i32
      %dma_start3A_185 = tpu.memref_slice %arg8[%dma_start3A_182, %dma_start3A_183, %dma_start3A_184] : memref<2x128x128xf32, #tpu.memory_space<vmem>> -> memref<1x128x128xf32, #tpu.memory_space<vmem>>
      %dma_start3A_186 = tpu.memref_squeeze %dma_start3A_185 : memref<1x128x128xf32, #tpu.memory_space<vmem>> -> memref<128x128xf32, #tpu.memory_space<vmem>>
      %dma_start3A_187 = arith.constant 0 : i32
      %dma_start3A_188 = tpu.memref_slice %arg9[%add3A_181, %dma_start3A_187] : memref<40x128xi32, #tpu.memory_space<vmem>> -> memref<1x128xi32, #tpu.memory_space<vmem>>
      %dma_start3A_189 = tpu.memref_squeeze %dma_start3A_188 : memref<1x128xi32, #tpu.memory_space<vmem>> -> memref<128xi32, #tpu.memory_space<vmem>>
      %dma_start3A_190 = arith.constant 0 : i32
      %dma_start3A_191 = arith.constant 0 : i32
      %dma_start3A_192 = tpu.memref_slice %arg2[%dma_start3A_190, %dma_start3A_191] : memref<10240x128xf32, #tpu.memory_space<hbm>> -> memref<10240x128xf32, #tpu.memory_space<hbm>>
      tpu.enqueue_indirect_dma source(%dma_start3A_192 : memref<10240x128xf32, #tpu.memory_space<hbm>>) target(%dma_start3A_186 : memref<128x128xf32, #tpu.memory_space<vmem>>) offsets(%dma_start3A_189 : memref<128xi32, #tpu.memory_space<vmem>>) semaphore(%arg12 : memref<!tpu.dma_semaphore, #tpu.memory_space<semaphore_mem>>)
    }
    %scan3A_36 = arith.constant 19 : i32
    %dma_wait3A = arith.constant 38 : i32
    %dma_wait3A_37 = arith.constant 0 : i32
    %dma_wait3A_38 = arith.constant 0 : i32
    %dma_wait3A_39 = arith.constant 0 : i32
    %dma_wait3A_40 = tpu.memref_slice %arg8[%dma_wait3A_37, %dma_wait3A_38, %dma_wait3A_39] : memref<2x128x128xf32, #tpu.memory_space<vmem>> -> memref<1x128x128xf32, #tpu.memory_space<vmem>>
    %dma_wait3A_41 = tpu.memref_squeeze %dma_wait3A_40 : memref<1x128x128xf32, #tpu.memory_space<vmem>> -> memref<128x128xf32, #tpu.memory_space<vmem>>
    %dma_wait3A_42 = arith.constant 0 : i32
    %dma_wait3A_43 = tpu.memref_slice %arg9[%dma_wait3A, %dma_wait3A_42] : memref<40x128xi32, #tpu.memory_space<vmem>> -> memref<1x128xi32, #tpu.memory_space<vmem>>
    %dma_wait3A_44 = tpu.memref_squeeze %dma_wait3A_43 : memref<1x128xi32, #tpu.memory_space<vmem>> -> memref<128xi32, #tpu.memory_space<vmem>>
    %dma_wait3A_45 = arith.constant 0 : i32
    %dma_wait3A_46 = arith.constant 0 : i32
    %dma_wait3A_47 = tpu.memref_slice %arg2[%dma_wait3A_45, %dma_wait3A_46] : memref<10240x128xf32, #tpu.memory_space<hbm>> -> memref<10240x128xf32, #tpu.memory_space<hbm>>
    tpu.wait_indirect_dma semaphore(%arg11 : memref<!tpu.dma_semaphore, #tpu.memory_space<semaphore_mem>>) src(%dma_wait3A_47 : memref<10240x128xf32, #tpu.memory_space<hbm>>) dst(%dma_wait3A_41 : memref<128x128xf32, #tpu.memory_space<vmem>>)
    %run_scoped3A_48 = arith.constant 0 : i32
    %run_scoped3A_49 = arith.constant 38 : i32
    "tpu.region"() ({
      %run_scoped3A_130 = tpu.sem_alloc : memref<!tpu.dma_semaphore, #tpu.memory_space<semaphore_mem>>
      %dma_start3A_131 = arith.constant 0 : i32
      %dma_start3A_132 = arith.constant 0 : i32
      %dma_start3A_133 = tpu.memref_slice %arg8[%run_scoped3A_48, %dma_start3A_131, %dma_start3A_132] : memref<2x128x128xf32, #tpu.memory_space<vmem>> -> memref<1x128x128xf32, #tpu.memory_space<vmem>>
      %dma_start3A_134 = tpu.memref_squeeze %dma_start3A_133 : memref<1x128x128xf32, #tpu.memory_space<vmem>> -> memref<128x128xf32, #tpu.memory_space<vmem>>
      %dma_start3A_135 = arith.constant 0 : i32
      %dma_start3A_136 = tpu.memref_slice %arg10[%run_scoped3A_49, %dma_start3A_135] : memref<40x128xi32, #tpu.memory_space<vmem>> -> memref<1x128xi32, #tpu.memory_space<vmem>>
      %dma_start3A_137 = tpu.memref_squeeze %dma_start3A_136 : memref<1x128xi32, #tpu.memory_space<vmem>> -> memref<128xi32, #tpu.memory_space<vmem>>
      %dma_start3A_138 = arith.constant 0 : i32
      %dma_start3A_139 = arith.constant 0 : i32
      %dma_start3A_140 = tpu.memref_slice %arg7[%dma_start3A_138, %dma_start3A_139] : memref<10240x128xf32, #tpu.memory_space<vmem_shared>> -> memref<10240x128xf32, #tpu.memory_space<vmem_shared>>
      tpu.enqueue_indirect_dma source(%dma_start3A_134 : memref<128x128xf32, #tpu.memory_space<vmem>>) target(%dma_start3A_140 : memref<10240x128xf32, #tpu.memory_space<vmem_shared>>) offsets(%dma_start3A_137 : memref<128xi32, #tpu.memory_space<vmem>>) semaphore(%run_scoped3A_130 : memref<!tpu.dma_semaphore, #tpu.memory_space<semaphore_mem>>) {add = true}
      %dma_wait3A_141 = arith.constant 0 : i32
      %dma_wait3A_142 = arith.constant 0 : i32
      %dma_wait3A_143 = tpu.memref_slice %arg8[%run_scoped3A_48, %dma_wait3A_141, %dma_wait3A_142] : memref<2x128x128xf32, #tpu.memory_space<vmem>> -> memref<1x128x128xf32, #tpu.memory_space<vmem>>
      %dma_wait3A_144 = tpu.memref_squeeze %dma_wait3A_143 : memref<1x128x128xf32, #tpu.memory_space<vmem>> -> memref<128x128xf32, #tpu.memory_space<vmem>>
      %dma_wait3A_145 = arith.constant 0 : i32
      %dma_wait3A_146 = tpu.memref_slice %arg10[%run_scoped3A_49, %dma_wait3A_145] : memref<40x128xi32, #tpu.memory_space<vmem>> -> memref<1x128xi32, #tpu.memory_space<vmem>>
      %dma_wait3A_147 = tpu.memref_squeeze %dma_wait3A_146 : memref<1x128xi32, #tpu.memory_space<vmem>> -> memref<128xi32, #tpu.memory_space<vmem>>
      %dma_wait3A_148 = arith.constant 0 : i32
      %dma_wait3A_149 = arith.constant 0 : i32
      %dma_wait3A_150 = tpu.memref_slice %arg7[%dma_wait3A_148, %dma_wait3A_149] : memref<10240x128xf32, #tpu.memory_space<vmem_shared>> -> memref<10240x128xf32, #tpu.memory_space<vmem_shared>>
      tpu.wait_indirect_dma semaphore(%run_scoped3A_130 : memref<!tpu.dma_semaphore, #tpu.memory_space<semaphore_mem>>) src(%dma_wait3A_144 : memref<128x128xf32, #tpu.memory_space<vmem>>) dst(%dma_wait3A_150 : memref<10240x128xf32, #tpu.memory_space<vmem_shared>>)
      tpu.yield
    }) : () -> ()
    %dma_wait3A_50 = arith.constant 39 : i32
    %dma_wait3A_51 = arith.constant 1 : i32
    %dma_wait3A_52 = arith.constant 0 : i32
    %dma_wait3A_53 = arith.constant 0 : i32
    %dma_wait3A_54 = tpu.memref_slice %arg8[%dma_wait3A_51, %dma_wait3A_52, %dma_wait3A_53] : memref<2x128x128xf32, #tpu.memory_space<vmem>> -> memref<1x128x128xf32, #tpu.memory_space<vmem>>
    %dma_wait3A_55 = tpu.memref_squeeze %dma_wait3A_54 : memref<1x128x128xf32, #tpu.memory_space<vmem>> -> memref<128x128xf32, #tpu.memory_space<vmem>>
    %dma_wait3A_56 = arith.constant 0 : i32
    %dma_wait3A_57 = tpu.memref_slice %arg9[%dma_wait3A_50, %dma_wait3A_56] : memref<40x128xi32, #tpu.memory_space<vmem>> -> memref<1x128xi32, #tpu.memory_space<vmem>>
    %dma_wait3A_58 = tpu.memref_squeeze %dma_wait3A_57 : memref<1x128xi32, #tpu.memory_space<vmem>> -> memref<128xi32, #tpu.memory_space<vmem>>
    %dma_wait3A_59 = arith.constant 0 : i32
    %dma_wait3A_60 = arith.constant 0 : i32
    %dma_wait3A_61 = tpu.memref_slice %arg2[%dma_wait3A_59, %dma_wait3A_60] : memref<10240x128xf32, #tpu.memory_space<hbm>> -> memref<10240x128xf32, #tpu.memory_space<hbm>>
    tpu.wait_indirect_dma semaphore(%arg12 : memref<!tpu.dma_semaphore, #tpu.memory_space<semaphore_mem>>) src(%dma_wait3A_61 : memref<10240x128xf32, #tpu.memory_space<hbm>>) dst(%dma_wait3A_55 : memref<128x128xf32, #tpu.memory_space<vmem>>)
    %run_scoped3A_62 = arith.constant 1 : i32
    %run_scoped3A_63 = arith.constant 39 : i32
    "tpu.region"() ({
      %run_scoped3A_130 = tpu.sem_alloc : memref<!tpu.dma_semaphore, #tpu.memory_space<semaphore_mem>>
      %dma_start3A_131 = arith.constant 0 : i32
      %dma_start3A_132 = arith.constant 0 : i32
      %dma_start3A_133 = tpu.memref_slice %arg8[%run_scoped3A_62, %dma_start3A_131, %dma_start3A_132] : memref<2x128x128xf32, #tpu.memory_space<vmem>> -> memref<1x128x128xf32, #tpu.memory_space<vmem>>
      %dma_start3A_134 = tpu.memref_squeeze %dma_start3A_133 : memref<1x128x128xf32, #tpu.memory_space<vmem>> -> memref<128x128xf32, #tpu.memory_space<vmem>>
      %dma_start3A_135 = arith.constant 0 : i32
      %dma_start3A_136 = tpu.memref_slice %arg10[%run_scoped3A_63, %dma_start3A_135] : memref<40x128xi32, #tpu.memory_space<vmem>> -> memref<1x128xi32, #tpu.memory_space<vmem>>
      %dma_start3A_137 = tpu.memref_squeeze %dma_start3A_136 : memref<1x128xi32, #tpu.memory_space<vmem>> -> memref<128xi32, #tpu.memory_space<vmem>>
      %dma_start3A_138 = arith.constant 0 : i32
      %dma_start3A_139 = arith.constant 0 : i32
      %dma_start3A_140 = tpu.memref_slice %arg7[%dma_start3A_138, %dma_start3A_139] : memref<10240x128xf32, #tpu.memory_space<vmem_shared>> -> memref<10240x128xf32, #tpu.memory_space<vmem_shared>>
      tpu.enqueue_indirect_dma source(%dma_start3A_134 : memref<128x128xf32, #tpu.memory_space<vmem>>) target(%dma_start3A_140 : memref<10240x128xf32, #tpu.memory_space<vmem_shared>>) offsets(%dma_start3A_137 : memref<128xi32, #tpu.memory_space<vmem>>) semaphore(%run_scoped3A_130 : memref<!tpu.dma_semaphore, #tpu.memory_space<semaphore_mem>>) {add = true}
      %dma_wait3A_141 = arith.constant 0 : i32
      %dma_wait3A_142 = arith.constant 0 : i32
      %dma_wait3A_143 = tpu.memref_slice %arg8[%run_scoped3A_62, %dma_wait3A_141, %dma_wait3A_142] : memref<2x128x128xf32, #tpu.memory_space<vmem>> -> memref<1x128x128xf32, #tpu.memory_space<vmem>>
      %dma_wait3A_144 = tpu.memref_squeeze %dma_wait3A_143 : memref<1x128x128xf32, #tpu.memory_space<vmem>> -> memref<128x128xf32, #tpu.memory_space<vmem>>
      %dma_wait3A_145 = arith.constant 0 : i32
      %dma_wait3A_146 = tpu.memref_slice %arg10[%run_scoped3A_63, %dma_wait3A_145] : memref<40x128xi32, #tpu.memory_space<vmem>> -> memref<1x128xi32, #tpu.memory_space<vmem>>
      %dma_wait3A_147 = tpu.memref_squeeze %dma_wait3A_146 : memref<1x128xi32, #tpu.memory_space<vmem>> -> memref<128xi32, #tpu.memory_space<vmem>>
      %dma_wait3A_148 = arith.constant 0 : i32
      %dma_wait3A_149 = arith.constant 0 : i32
      %dma_wait3A_150 = tpu.memref_slice %arg7[%dma_wait3A_148, %dma_wait3A_149] : memref<10240x128xf32, #tpu.memory_space<vmem_shared>> -> memref<10240x128xf32, #tpu.memory_space<vmem_shared>>
      tpu.wait_indirect_dma semaphore(%run_scoped3A_130 : memref<!tpu.dma_semaphore, #tpu.memory_space<semaphore_mem>>) src(%dma_wait3A_144 : memref<128x128xf32, #tpu.memory_space<vmem>>) dst(%dma_wait3A_150 : memref<10240x128xf32, #tpu.memory_space<vmem_shared>>)
      tpu.yield
    }) : () -> ()
    %mul3A_64 = arith.constant 80 : i32
    %mul3A_65 = arith.muli %add3A, %mul3A_64 : i32
    %add3A_66 = arith.constant 40 : i32
    %add3A_67 = arith.addi %mul3A_65, %add3A_66 : i32
    "tpu.region"() ({
      %run_scoped3A_130 = tpu.sem_alloc : memref<!tpu.dma_semaphore, #tpu.memory_space<semaphore_mem>>
      %dma_start3A_131 = arith.constant 0 : i32
      %dma_start3A_132 = tpu.memref_slice %arg3[%add3A_67, %dma_start3A_131] : memref<2560x128xi32, #tpu.memory_space<hbm>> -> memref<40x128xi32, #tpu.memory_space<hbm>>
      %dma_start3A_133 = arith.constant 0 : i32
      %dma_start3A_134 = tpu.memref_slice %arg3[%add3A_67, %dma_start3A_133] : memref<2560x128xi32, #tpu.memory_space<hbm>> -> memref<40x128xi32, #tpu.memory_space<hbm>>
      tpu.enqueue_dma source(%dma_start3A_134 : memref<40x128xi32, #tpu.memory_space<hbm>>) target(%arg9 : memref<40x128xi32, #tpu.memory_space<vmem>>) target_semaphore(%run_scoped3A_130 : memref<!tpu.dma_semaphore, #tpu.memory_space<semaphore_mem>>)
      %dma_wait3A_135 = arith.constant 0 : i32
      %dma_wait3A_136 = tpu.memref_slice %arg3[%add3A_67, %dma_wait3A_135] : memref<2560x128xi32, #tpu.memory_space<hbm>> -> memref<40x128xi32, #tpu.memory_space<hbm>>
      %dma_wait3A_137 = arith.constant 0 : i32
      %dma_wait3A_138 = tpu.memref_slice %arg3[%add3A_67, %dma_wait3A_137] : memref<2560x128xi32, #tpu.memory_space<hbm>> -> memref<40x128xi32, #tpu.memory_space<hbm>>
      tpu.wait_dma2 semaphore(%run_scoped3A_130 : memref<!tpu.dma_semaphore, #tpu.memory_space<semaphore_mem>>) src(%dma_wait3A_138 : memref<40x128xi32, #tpu.memory_space<hbm>>) dst(%arg9 : memref<40x128xi32, #tpu.memory_space<vmem>>)
      tpu.yield
    }) : () -> ()
    "tpu.region"() ({
      %run_scoped3A_130 = tpu.sem_alloc : memref<!tpu.dma_semaphore, #tpu.memory_space<semaphore_mem>>
      %dma_start3A_131 = arith.constant 0 : i32
      %dma_start3A_132 = tpu.memref_slice %arg4[%add3A_67, %dma_start3A_131] : memref<2560x128xi32, #tpu.memory_space<hbm>> -> memref<40x128xi32, #tpu.memory_space<hbm>>
      %dma_start3A_133 = arith.constant 0 : i32
      %dma_start3A_134 = tpu.memref_slice %arg4[%add3A_67, %dma_start3A_133] : memref<2560x128xi32, #tpu.memory_space<hbm>> -> memref<40x128xi32, #tpu.memory_space<hbm>>
      tpu.enqueue_dma source(%dma_start3A_134 : memref<40x128xi32, #tpu.memory_space<hbm>>) target(%arg10 : memref<40x128xi32, #tpu.memory_space<vmem>>) target_semaphore(%run_scoped3A_130 : memref<!tpu.dma_semaphore, #tpu.memory_space<semaphore_mem>>)
      %dma_wait3A_135 = arith.constant 0 : i32
      %dma_wait3A_136 = tpu.memref_slice %arg4[%add3A_67, %dma_wait3A_135] : memref<2560x128xi32, #tpu.memory_space<hbm>> -> memref<40x128xi32, #tpu.memory_space<hbm>>
      %dma_wait3A_137 = arith.constant 0 : i32
      %dma_wait3A_138 = tpu.memref_slice %arg4[%add3A_67, %dma_wait3A_137] : memref<2560x128xi32, #tpu.memory_space<hbm>> -> memref<40x128xi32, #tpu.memory_space<hbm>>
      tpu.wait_dma2 semaphore(%run_scoped3A_130 : memref<!tpu.dma_semaphore, #tpu.memory_space<semaphore_mem>>) src(%dma_wait3A_138 : memref<40x128xi32, #tpu.memory_space<hbm>>) dst(%arg10 : memref<40x128xi32, #tpu.memory_space<vmem>>)
      tpu.yield
    }) : () -> ()
    %dma_start3A_68 = arith.constant 0 : i32
    %dma_start3A_69 = arith.constant 0 : i32
    %dma_start3A_70 = arith.constant 0 : i32
    %dma_start3A_71 = arith.constant 0 : i32
    %dma_start3A_72 = tpu.memref_slice %arg8[%dma_start3A_69, %dma_start3A_70, %dma_start3A_71] : memref<2x128x128xf32, #tpu.memory_space<vmem>> -> memref<1x128x128xf32, #tpu.memory_space<vmem>>
    %dma_start3A_73 = tpu.memref_squeeze %dma_start3A_72 : memref<1x128x128xf32, #tpu.memory_space<vmem>> -> memref<128x128xf32, #tpu.memory_space<vmem>>
    %dma_start3A_74 = arith.constant 0 : i32
    %dma_start3A_75 = tpu.memref_slice %arg9[%dma_start3A_68, %dma_start3A_74] : memref<40x128xi32, #tpu.memory_space<vmem>> -> memref<1x128xi32, #tpu.memory_space<vmem>>
    %dma_start3A_76 = tpu.memref_squeeze %dma_start3A_75 : memref<1x128xi32, #tpu.memory_space<vmem>> -> memref<128xi32, #tpu.memory_space<vmem>>
    %dma_start3A_77 = arith.constant 0 : i32
    %dma_start3A_78 = arith.constant 0 : i32
    %dma_start3A_79 = tpu.memref_slice %arg2[%dma_start3A_77, %dma_start3A_78] : memref<10240x128xf32, #tpu.memory_space<hbm>> -> memref<10240x128xf32, #tpu.memory_space<hbm>>
    tpu.enqueue_indirect_dma source(%dma_start3A_79 : memref<10240x128xf32, #tpu.memory_space<hbm>>) target(%dma_start3A_73 : memref<128x128xf32, #tpu.memory_space<vmem>>) offsets(%dma_start3A_76 : memref<128xi32, #tpu.memory_space<vmem>>) semaphore(%arg11 : memref<!tpu.dma_semaphore, #tpu.memory_space<semaphore_mem>>)
    %dma_start3A_80 = arith.constant 1 : i32
    %dma_start3A_81 = arith.constant 1 : i32
    %dma_start3A_82 = arith.constant 0 : i32
    %dma_start3A_83 = arith.constant 0 : i32
    %dma_start3A_84 = tpu.memref_slice %arg8[%dma_start3A_81, %dma_start3A_82, %dma_start3A_83] : memref<2x128x128xf32, #tpu.memory_space<vmem>> -> memref<1x128x128xf32, #tpu.memory_space<vmem>>
    %dma_start3A_85 = tpu.memref_squeeze %dma_start3A_84 : memref<1x128x128xf32, #tpu.memory_space<vmem>> -> memref<128x128xf32, #tpu.memory_space<vmem>>
    %dma_start3A_86 = arith.constant 0 : i32
    %dma_start3A_87 = tpu.memref_slice %arg9[%dma_start3A_80, %dma_start3A_86] : memref<40x128xi32, #tpu.memory_space<vmem>> -> memref<1x128xi32, #tpu.memory_space<vmem>>
    %dma_start3A_88 = tpu.memref_squeeze %dma_start3A_87 : memref<1x128xi32, #tpu.memory_space<vmem>> -> memref<128xi32, #tpu.memory_space<vmem>>
    %dma_start3A_89 = arith.constant 0 : i32
    %dma_start3A_90 = arith.constant 0 : i32
    %dma_start3A_91 = tpu.memref_slice %arg2[%dma_start3A_89, %dma_start3A_90] : memref<10240x128xf32, #tpu.memory_space<hbm>> -> memref<10240x128xf32, #tpu.memory_space<hbm>>
    tpu.enqueue_indirect_dma source(%dma_start3A_91 : memref<10240x128xf32, #tpu.memory_space<hbm>>) target(%dma_start3A_85 : memref<128x128xf32, #tpu.memory_space<vmem>>) offsets(%dma_start3A_88 : memref<128xi32, #tpu.memory_space<vmem>>) semaphore(%arg12 : memref<!tpu.dma_semaphore, #tpu.memory_space<semaphore_mem>>)
    %scan3A_92 = arith.constant 0 : i32
    %scan3A_93 = arith.constant 19 : i32
    %scan3A_94 = arith.addi %scan3A_92, %scan3A_93 : i32
    %scan3A_95 = arith.constant 1 : i32
    scf.for %scan3A_130 = %scan3A_92 to %scan3A_94 step %scan3A_95  : i32 {
      %mul3A_131 = arith.constant 1 : i32
      %mul3A_132 = arith.muli %scan3A_130, %mul3A_131 : i32
      %add3A_133 = arith.constant 0 : i32
      %add3A_134 = arith.addi %add3A_133, %mul3A_132 : i32
      %mul3A_135 = arith.constant 2 : i32
      %mul3A_136 = arith.muli %add3A_134, %mul3A_135 : i32
      %add3A_137 = arith.constant 0 : i32
      %add3A_138 = arith.addi %mul3A_136, %add3A_137 : i32
      %dma_wait3A_139 = arith.constant 0 : i32
      %dma_wait3A_140 = arith.constant 0 : i32
      %dma_wait3A_141 = arith.constant 0 : i32
      %dma_wait3A_142 = tpu.memref_slice %arg8[%dma_wait3A_139, %dma_wait3A_140, %dma_wait3A_141] : memref<2x128x128xf32, #tpu.memory_space<vmem>> -> memref<1x128x128xf32, #tpu.memory_space<vmem>>
      %dma_wait3A_143 = tpu.memref_squeeze %dma_wait3A_142 : memref<1x128x128xf32, #tpu.memory_space<vmem>> -> memref<128x128xf32, #tpu.memory_space<vmem>>
      %dma_wait3A_144 = arith.constant 0 : i32
      %dma_wait3A_145 = tpu.memref_slice %arg9[%add3A_138, %dma_wait3A_144] : memref<40x128xi32, #tpu.memory_space<vmem>> -> memref<1x128xi32, #tpu.memory_space<vmem>>
      %dma_wait3A_146 = tpu.memref_squeeze %dma_wait3A_145 : memref<1x128xi32, #tpu.memory_space<vmem>> -> memref<128xi32, #tpu.memory_space<vmem>>
      %dma_wait3A_147 = arith.constant 0 : i32
      %dma_wait3A_148 = arith.constant 0 : i32
      %dma_wait3A_149 = tpu.memref_slice %arg2[%dma_wait3A_147, %dma_wait3A_148] : memref<10240x128xf32, #tpu.memory_space<hbm>> -> memref<10240x128xf32, #tpu.memory_space<hbm>>
      tpu.wait_indirect_dma semaphore(%arg11 : memref<!tpu.dma_semaphore, #tpu.memory_space<semaphore_mem>>) src(%dma_wait3A_149 : memref<10240x128xf32, #tpu.memory_space<hbm>>) dst(%dma_wait3A_143 : memref<128x128xf32, #tpu.memory_space<vmem>>)
      %run_scoped3A_150 = arith.constant 0 : i32
      "tpu.region"() ({
        %run_scoped3A_193 = tpu.sem_alloc : memref<!tpu.dma_semaphore, #tpu.memory_space<semaphore_mem>>
        %dma_start3A_194 = arith.constant 0 : i32
        %dma_start3A_195 = arith.constant 0 : i32
        %dma_start3A_196 = tpu.memref_slice %arg8[%run_scoped3A_150, %dma_start3A_194, %dma_start3A_195] : memref<2x128x128xf32, #tpu.memory_space<vmem>> -> memref<1x128x128xf32, #tpu.memory_space<vmem>>
        %dma_start3A_197 = tpu.memref_squeeze %dma_start3A_196 : memref<1x128x128xf32, #tpu.memory_space<vmem>> -> memref<128x128xf32, #tpu.memory_space<vmem>>
        %dma_start3A_198 = arith.constant 0 : i32
        %dma_start3A_199 = tpu.memref_slice %arg10[%add3A_138, %dma_start3A_198] : memref<40x128xi32, #tpu.memory_space<vmem>> -> memref<1x128xi32, #tpu.memory_space<vmem>>
        %dma_start3A_200 = tpu.memref_squeeze %dma_start3A_199 : memref<1x128xi32, #tpu.memory_space<vmem>> -> memref<128xi32, #tpu.memory_space<vmem>>
        %dma_start3A_201 = arith.constant 0 : i32
        %dma_start3A_202 = arith.constant 0 : i32
        %dma_start3A_203 = tpu.memref_slice %arg7[%dma_start3A_201, %dma_start3A_202] : memref<10240x128xf32, #tpu.memory_space<vmem_shared>> -> memref<10240x128xf32, #tpu.memory_space<vmem_shared>>
        tpu.enqueue_indirect_dma source(%dma_start3A_197 : memref<128x128xf32, #tpu.memory_space<vmem>>) target(%dma_start3A_203 : memref<10240x128xf32, #tpu.memory_space<vmem_shared>>) offsets(%dma_start3A_200 : memref<128xi32, #tpu.memory_space<vmem>>) semaphore(%run_scoped3A_193 : memref<!tpu.dma_semaphore, #tpu.memory_space<semaphore_mem>>) {add = true}
        %dma_wait3A_204 = arith.constant 0 : i32
        %dma_wait3A_205 = arith.constant 0 : i32
        %dma_wait3A_206 = tpu.memref_slice %arg8[%run_scoped3A_150, %dma_wait3A_204, %dma_wait3A_205] : memref<2x128x128xf32, #tpu.memory_space<vmem>> -> memref<1x128x128xf32, #tpu.memory_space<vmem>>
        %dma_wait3A_207 = tpu.memref_squeeze %dma_wait3A_206 : memref<1x128x128xf32, #tpu.memory_space<vmem>> -> memref<128x128xf32, #tpu.memory_space<vmem>>
        %dma_wait3A_208 = arith.constant 0 : i32
        %dma_wait3A_209 = tpu.memref_slice %arg10[%add3A_138, %dma_wait3A_208] : memref<40x128xi32, #tpu.memory_space<vmem>> -> memref<1x128xi32, #tpu.memory_space<vmem>>
        %dma_wait3A_210 = tpu.memref_squeeze %dma_wait3A_209 : memref<1x128xi32, #tpu.memory_space<vmem>> -> memref<128xi32, #tpu.memory_space<vmem>>
        %dma_wait3A_211 = arith.constant 0 : i32
        %dma_wait3A_212 = arith.constant 0 : i32
        %dma_wait3A_213 = tpu.memref_slice %arg7[%dma_wait3A_211, %dma_wait3A_212] : memref<10240x128xf32, #tpu.memory_space<vmem_shared>> -> memref<10240x128xf32, #tpu.memory_space<vmem_shared>>
        tpu.wait_indirect_dma semaphore(%run_scoped3A_193 : memref<!tpu.dma_semaphore, #tpu.memory_space<semaphore_mem>>) src(%dma_wait3A_207 : memref<128x128xf32, #tpu.memory_space<vmem>>) dst(%dma_wait3A_213 : memref<10240x128xf32, #tpu.memory_space<vmem_shared>>)
        tpu.yield
      }) : () -> ()
      %add3A_151 = arith.constant 2 : i32
      %add3A_152 = arith.addi %add3A_138, %add3A_151 : i32
      %dma_start3A_153 = arith.constant 0 : i32
      %dma_start3A_154 = arith.constant 0 : i32
      %dma_start3A_155 = arith.constant 0 : i32
      %dma_start3A_156 = tpu.memref_slice %arg8[%dma_start3A_153, %dma_start3A_154, %dma_start3A_155] : memref<2x128x128xf32, #tpu.memory_space<vmem>> -> memref<1x128x128xf32, #tpu.memory_space<vmem>>
      %dma_start3A_157 = tpu.memref_squeeze %dma_start3A_156 : memref<1x128x128xf32, #tpu.memory_space<vmem>> -> memref<128x128xf32, #tpu.memory_space<vmem>>
      %dma_start3A_158 = arith.constant 0 : i32
      %dma_start3A_159 = tpu.memref_slice %arg9[%add3A_152, %dma_start3A_158] : memref<40x128xi32, #tpu.memory_space<vmem>> -> memref<1x128xi32, #tpu.memory_space<vmem>>
      %dma_start3A_160 = tpu.memref_squeeze %dma_start3A_159 : memref<1x128xi32, #tpu.memory_space<vmem>> -> memref<128xi32, #tpu.memory_space<vmem>>
      %dma_start3A_161 = arith.constant 0 : i32
      %dma_start3A_162 = arith.constant 0 : i32
      %dma_start3A_163 = tpu.memref_slice %arg2[%dma_start3A_161, %dma_start3A_162] : memref<10240x128xf32, #tpu.memory_space<hbm>> -> memref<10240x128xf32, #tpu.memory_space<hbm>>
      tpu.enqueue_indirect_dma source(%dma_start3A_163 : memref<10240x128xf32, #tpu.memory_space<hbm>>) target(%dma_start3A_157 : memref<128x128xf32, #tpu.memory_space<vmem>>) offsets(%dma_start3A_160 : memref<128xi32, #tpu.memory_space<vmem>>) semaphore(%arg11 : memref<!tpu.dma_semaphore, #tpu.memory_space<semaphore_mem>>)
      %mul3A_164 = arith.constant 2 : i32
      %mul3A_165 = arith.muli %add3A_134, %mul3A_164 : i32
      %add3A_166 = arith.constant 1 : i32
      %add3A_167 = arith.addi %mul3A_165, %add3A_166 : i32
      %dma_wait3A_168 = arith.constant 1 : i32
      %dma_wait3A_169 = arith.constant 0 : i32
      %dma_wait3A_170 = arith.constant 0 : i32
      %dma_wait3A_171 = tpu.memref_slice %arg8[%dma_wait3A_168, %dma_wait3A_169, %dma_wait3A_170] : memref<2x128x128xf32, #tpu.memory_space<vmem>> -> memref<1x128x128xf32, #tpu.memory_space<vmem>>
      %dma_wait3A_172 = tpu.memref_squeeze %dma_wait3A_171 : memref<1x128x128xf32, #tpu.memory_space<vmem>> -> memref<128x128xf32, #tpu.memory_space<vmem>>
      %dma_wait3A_173 = arith.constant 0 : i32
      %dma_wait3A_174 = tpu.memref_slice %arg9[%add3A_167, %dma_wait3A_173] : memref<40x128xi32, #tpu.memory_space<vmem>> -> memref<1x128xi32, #tpu.memory_space<vmem>>
      %dma_wait3A_175 = tpu.memref_squeeze %dma_wait3A_174 : memref<1x128xi32, #tpu.memory_space<vmem>> -> memref<128xi32, #tpu.memory_space<vmem>>
      %dma_wait3A_176 = arith.constant 0 : i32
      %dma_wait3A_177 = arith.constant 0 : i32
      %dma_wait3A_178 = tpu.memref_slice %arg2[%dma_wait3A_176, %dma_wait3A_177] : memref<10240x128xf32, #tpu.memory_space<hbm>> -> memref<10240x128xf32, #tpu.memory_space<hbm>>
      tpu.wait_indirect_dma semaphore(%arg12 : memref<!tpu.dma_semaphore, #tpu.memory_space<semaphore_mem>>) src(%dma_wait3A_178 : memref<10240x128xf32, #tpu.memory_space<hbm>>) dst(%dma_wait3A_172 : memref<128x128xf32, #tpu.memory_space<vmem>>)
      %run_scoped3A_179 = arith.constant 1 : i32
      "tpu.region"() ({
        %run_scoped3A_193 = tpu.sem_alloc : memref<!tpu.dma_semaphore, #tpu.memory_space<semaphore_mem>>
        %dma_start3A_194 = arith.constant 0 : i32
        %dma_start3A_195 = arith.constant 0 : i32
        %dma_start3A_196 = tpu.memref_slice %arg8[%run_scoped3A_179, %dma_start3A_194, %dma_start3A_195] : memref<2x128x128xf32, #tpu.memory_space<vmem>> -> memref<1x128x128xf32, #tpu.memory_space<vmem>>
        %dma_start3A_197 = tpu.memref_squeeze %dma_start3A_196 : memref<1x128x128xf32, #tpu.memory_space<vmem>> -> memref<128x128xf32, #tpu.memory_space<vmem>>
        %dma_start3A_198 = arith.constant 0 : i32
        %dma_start3A_199 = tpu.memref_slice %arg10[%add3A_167, %dma_start3A_198] : memref<40x128xi32, #tpu.memory_space<vmem>> -> memref<1x128xi32, #tpu.memory_space<vmem>>
        %dma_start3A_200 = tpu.memref_squeeze %dma_start3A_199 : memref<1x128xi32, #tpu.memory_space<vmem>> -> memref<128xi32, #tpu.memory_space<vmem>>
        %dma_start3A_201 = arith.constant 0 : i32
        %dma_start3A_202 = arith.constant 0 : i32
        %dma_start3A_203 = tpu.memref_slice %arg7[%dma_start3A_201, %dma_start3A_202] : memref<10240x128xf32, #tpu.memory_space<vmem_shared>> -> memref<10240x128xf32, #tpu.memory_space<vmem_shared>>
        tpu.enqueue_indirect_dma source(%dma_start3A_197 : memref<128x128xf32, #tpu.memory_space<vmem>>) target(%dma_start3A_203 : memref<10240x128xf32, #tpu.memory_space<vmem_shared>>) offsets(%dma_start3A_200 : memref<128xi32, #tpu.memory_space<vmem>>) semaphore(%run_scoped3A_193 : memref<!tpu.dma_semaphore, #tpu.memory_space<semaphore_mem>>) {add = true}
        %dma_wait3A_204 = arith.constant 0 : i32
        %dma_wait3A_205 = arith.constant 0 : i32
        %dma_wait3A_206 = tpu.memref_slice %arg8[%run_scoped3A_179, %dma_wait3A_204, %dma_wait3A_205] : memref<2x128x128xf32, #tpu.memory_space<vmem>> -> memref<1x128x128xf32, #tpu.memory_space<vmem>>
        %dma_wait3A_207 = tpu.memref_squeeze %dma_wait3A_206 : memref<1x128x128xf32, #tpu.memory_space<vmem>> -> memref<128x128xf32, #tpu.memory_space<vmem>>
        %dma_wait3A_208 = arith.constant 0 : i32
        %dma_wait3A_209 = tpu.memref_slice %arg10[%add3A_167, %dma_wait3A_208] : memref<40x128xi32, #tpu.memory_space<vmem>> -> memref<1x128xi32, #tpu.memory_space<vmem>>
        %dma_wait3A_210 = tpu.memref_squeeze %dma_wait3A_209 : memref<1x128xi32, #tpu.memory_space<vmem>> -> memref<128xi32, #tpu.memory_space<vmem>>
        %dma_wait3A_211 = arith.constant 0 : i32
        %dma_wait3A_212 = arith.constant 0 : i32
        %dma_wait3A_213 = tpu.memref_slice %arg7[%dma_wait3A_211, %dma_wait3A_212] : memref<10240x128xf32, #tpu.memory_space<vmem_shared>> -> memref<10240x128xf32, #tpu.memory_space<vmem_shared>>
        tpu.wait_indirect_dma semaphore(%run_scoped3A_193 : memref<!tpu.dma_semaphore, #tpu.memory_space<semaphore_mem>>) src(%dma_wait3A_207 : memref<128x128xf32, #tpu.memory_space<vmem>>) dst(%dma_wait3A_213 : memref<10240x128xf32, #tpu.memory_space<vmem_shared>>)
        tpu.yield
      }) : () -> ()
      %add3A_180 = arith.constant 2 : i32
      %add3A_181 = arith.addi %add3A_167, %add3A_180 : i32
      %dma_start3A_182 = arith.constant 1 : i32
      %dma_start3A_183 = arith.constant 0 : i32
      %dma_start3A_184 = arith.constant 0 : i32
      %dma_start3A_185 = tpu.memref_slice %arg8[%dma_start3A_182, %dma_start3A_183, %dma_start3A_184] : memref<2x128x128xf32, #tpu.memory_space<vmem>> -> memref<1x128x128xf32, #tpu.memory_space<vmem>>
      %dma_start3A_186 = tpu.memref_squeeze %dma_start3A_185 : memref<1x128x128xf32, #tpu.memory_space<vmem>> -> memref<128x128xf32, #tpu.memory_space<vmem>>
      %dma_start3A_187 = arith.constant 0 : i32
      %dma_start3A_188 = tpu.memref_slice %arg9[%add3A_181, %dma_start3A_187] : memref<40x128xi32, #tpu.memory_space<vmem>> -> memref<1x128xi32, #tpu.memory_space<vmem>>
      %dma_start3A_189 = tpu.memref_squeeze %dma_start3A_188 : memref<1x128xi32, #tpu.memory_space<vmem>> -> memref<128xi32, #tpu.memory_space<vmem>>
      %dma_start3A_190 = arith.constant 0 : i32
      %dma_start3A_191 = arith.constant 0 : i32
      %dma_start3A_192 = tpu.memref_slice %arg2[%dma_start3A_190, %dma_start3A_191] : memref<10240x128xf32, #tpu.memory_space<hbm>> -> memref<10240x128xf32, #tpu.memory_space<hbm>>
      tpu.enqueue_indirect_dma source(%dma_start3A_192 : memref<10240x128xf32, #tpu.memory_space<hbm>>) target(%dma_start3A_186 : memref<128x128xf32, #tpu.memory_space<vmem>>) offsets(%dma_start3A_189 : memref<128xi32, #tpu.memory_space<vmem>>) semaphore(%arg12 : memref<!tpu.dma_semaphore, #tpu.memory_space<semaphore_mem>>)
    }
    %scan3A_96 = arith.constant 19 : i32
    %dma_wait3A_97 = arith.constant 38 : i32
    %dma_wait3A_98 = arith.constant 0 : i32
    %dma_wait3A_99 = arith.constant 0 : i32
    %dma_wait3A_100 = arith.constant 0 : i32
    %dma_wait3A_101 = tpu.memref_slice %arg8[%dma_wait3A_98, %dma_wait3A_99, %dma_wait3A_100] : memref<2x128x128xf32, #tpu.memory_space<vmem>> -> memref<1x128x128xf32, #tpu.memory_space<vmem>>
    %dma_wait3A_102 = tpu.memref_squeeze %dma_wait3A_101 : memref<1x128x128xf32, #tpu.memory_space<vmem>> -> memref<128x128xf32, #tpu.memory_space<vmem>>
    %dma_wait3A_103 = arith.constant 0 : i32
    %dma_wait3A_104 = tpu.memref_slice %arg9[%dma_wait3A_97, %dma_wait3A_103] : memref<40x128xi32, #tpu.memory_space<vmem>> -> memref<1x128xi32, #tpu.memory_space<vmem>>
    %dma_wait3A_105 = tpu.memref_squeeze %dma_wait3A_104 : memref<1x128xi32, #tpu.memory_space<vmem>> -> memref<128xi32, #tpu.memory_space<vmem>>
    %dma_wait3A_106 = arith.constant 0 : i32
    %dma_wait3A_107 = arith.constant 0 : i32
    %dma_wait3A_108 = tpu.memref_slice %arg2[%dma_wait3A_106, %dma_wait3A_107] : memref<10240x128xf32, #tpu.memory_space<hbm>> -> memref<10240x128xf32, #tpu.memory_space<hbm>>
    tpu.wait_indirect_dma semaphore(%arg11 : memref<!tpu.dma_semaphore, #tpu.memory_space<semaphore_mem>>) src(%dma_wait3A_108 : memref<10240x128xf32, #tpu.memory_space<hbm>>) dst(%dma_wait3A_102 : memref<128x128xf32, #tpu.memory_space<vmem>>)
    %run_scoped3A_109 = arith.constant 0 : i32
    %run_scoped3A_110 = arith.constant 38 : i32
    "tpu.region"() ({
      %run_scoped3A_130 = tpu.sem_alloc : memref<!tpu.dma_semaphore, #tpu.memory_space<semaphore_mem>>
      %dma_start3A_131 = arith.constant 0 : i32
      %dma_start3A_132 = arith.constant 0 : i32
      %dma_start3A_133 = tpu.memref_slice %arg8[%run_scoped3A_109, %dma_start3A_131, %dma_start3A_132] : memref<2x128x128xf32, #tpu.memory_space<vmem>> -> memref<1x128x128xf32, #tpu.memory_space<vmem>>
      %dma_start3A_134 = tpu.memref_squeeze %dma_start3A_133 : memref<1x128x128xf32, #tpu.memory_space<vmem>> -> memref<128x128xf32, #tpu.memory_space<vmem>>
      %dma_start3A_135 = arith.constant 0 : i32
      %dma_start3A_136 = tpu.memref_slice %arg10[%run_scoped3A_110, %dma_start3A_135] : memref<40x128xi32, #tpu.memory_space<vmem>> -> memref<1x128xi32, #tpu.memory_space<vmem>>
      %dma_start3A_137 = tpu.memref_squeeze %dma_start3A_136 : memref<1x128xi32, #tpu.memory_space<vmem>> -> memref<128xi32, #tpu.memory_space<vmem>>
      %dma_start3A_138 = arith.constant 0 : i32
      %dma_start3A_139 = arith.constant 0 : i32
      %dma_start3A_140 = tpu.memref_slice %arg7[%dma_start3A_138, %dma_start3A_139] : memref<10240x128xf32, #tpu.memory_space<vmem_shared>> -> memref<10240x128xf32, #tpu.memory_space<vmem_shared>>
      tpu.enqueue_indirect_dma source(%dma_start3A_134 : memref<128x128xf32, #tpu.memory_space<vmem>>) target(%dma_start3A_140 : memref<10240x128xf32, #tpu.memory_space<vmem_shared>>) offsets(%dma_start3A_137 : memref<128xi32, #tpu.memory_space<vmem>>) semaphore(%run_scoped3A_130 : memref<!tpu.dma_semaphore, #tpu.memory_space<semaphore_mem>>) {add = true}
      %dma_wait3A_141 = arith.constant 0 : i32
      %dma_wait3A_142 = arith.constant 0 : i32
      %dma_wait3A_143 = tpu.memref_slice %arg8[%run_scoped3A_109, %dma_wait3A_141, %dma_wait3A_142] : memref<2x128x128xf32, #tpu.memory_space<vmem>> -> memref<1x128x128xf32, #tpu.memory_space<vmem>>
      %dma_wait3A_144 = tpu.memref_squeeze %dma_wait3A_143 : memref<1x128x128xf32, #tpu.memory_space<vmem>> -> memref<128x128xf32, #tpu.memory_space<vmem>>
      %dma_wait3A_145 = arith.constant 0 : i32
      %dma_wait3A_146 = tpu.memref_slice %arg10[%run_scoped3A_110, %dma_wait3A_145] : memref<40x128xi32, #tpu.memory_space<vmem>> -> memref<1x128xi32, #tpu.memory_space<vmem>>
      %dma_wait3A_147 = tpu.memref_squeeze %dma_wait3A_146 : memref<1x128xi32, #tpu.memory_space<vmem>> -> memref<128xi32, #tpu.memory_space<vmem>>
      %dma_wait3A_148 = arith.constant 0 : i32
      %dma_wait3A_149 = arith.constant 0 : i32
      %dma_wait3A_150 = tpu.memref_slice %arg7[%dma_wait3A_148, %dma_wait3A_149] : memref<10240x128xf32, #tpu.memory_space<vmem_shared>> -> memref<10240x128xf32, #tpu.memory_space<vmem_shared>>
      tpu.wait_indirect_dma semaphore(%run_scoped3A_130 : memref<!tpu.dma_semaphore, #tpu.memory_space<semaphore_mem>>) src(%dma_wait3A_144 : memref<128x128xf32, #tpu.memory_space<vmem>>) dst(%dma_wait3A_150 : memref<10240x128xf32, #tpu.memory_space<vmem_shared>>)
      tpu.yield
    }) : () -> ()
    %dma_wait3A_111 = arith.constant 39 : i32
    %dma_wait3A_112 = arith.constant 1 : i32
    %dma_wait3A_113 = arith.constant 0 : i32
    %dma_wait3A_114 = arith.constant 0 : i32
    %dma_wait3A_115 = tpu.memref_slice %arg8[%dma_wait3A_112, %dma_wait3A_113, %dma_wait3A_114] : memref<2x128x128xf32, #tpu.memory_space<vmem>> -> memref<1x128x128xf32, #tpu.memory_space<vmem>>
    %dma_wait3A_116 = tpu.memref_squeeze %dma_wait3A_115 : memref<1x128x128xf32, #tpu.memory_space<vmem>> -> memref<128x128xf32, #tpu.memory_space<vmem>>
    %dma_wait3A_117 = arith.constant 0 : i32
    %dma_wait3A_118 = tpu.memref_slice %arg9[%dma_wait3A_111, %dma_wait3A_117] : memref<40x128xi32, #tpu.memory_space<vmem>> -> memref<1x128xi32, #tpu.memory_space<vmem>>
    %dma_wait3A_119 = tpu.memref_squeeze %dma_wait3A_118 : memref<1x128xi32, #tpu.memory_space<vmem>> -> memref<128xi32, #tpu.memory_space<vmem>>
    %dma_wait3A_120 = arith.constant 0 : i32
    %dma_wait3A_121 = arith.constant 0 : i32
    %dma_wait3A_122 = tpu.memref_slice %arg2[%dma_wait3A_120, %dma_wait3A_121] : memref<10240x128xf32, #tpu.memory_space<hbm>> -> memref<10240x128xf32, #tpu.memory_space<hbm>>
    tpu.wait_indirect_dma semaphore(%arg12 : memref<!tpu.dma_semaphore, #tpu.memory_space<semaphore_mem>>) src(%dma_wait3A_122 : memref<10240x128xf32, #tpu.memory_space<hbm>>) dst(%dma_wait3A_116 : memref<128x128xf32, #tpu.memory_space<vmem>>)
    %run_scoped3A_123 = arith.constant 1 : i32
    %run_scoped3A_124 = arith.constant 39 : i32
    "tpu.region"() ({
      %run_scoped3A_130 = tpu.sem_alloc : memref<!tpu.dma_semaphore, #tpu.memory_space<semaphore_mem>>
      %dma_start3A_131 = arith.constant 0 : i32
      %dma_start3A_132 = arith.constant 0 : i32
      %dma_start3A_133 = tpu.memref_slice %arg8[%run_scoped3A_123, %dma_start3A_131, %dma_start3A_132] : memref<2x128x128xf32, #tpu.memory_space<vmem>> -> memref<1x128x128xf32, #tpu.memory_space<vmem>>
      %dma_start3A_134 = tpu.memref_squeeze %dma_start3A_133 : memref<1x128x128xf32, #tpu.memory_space<vmem>> -> memref<128x128xf32, #tpu.memory_space<vmem>>
      %dma_start3A_135 = arith.constant 0 : i32
      %dma_start3A_136 = tpu.memref_slice %arg10[%run_scoped3A_124, %dma_start3A_135] : memref<40x128xi32, #tpu.memory_space<vmem>> -> memref<1x128xi32, #tpu.memory_space<vmem>>
      %dma_start3A_137 = tpu.memref_squeeze %dma_start3A_136 : memref<1x128xi32, #tpu.memory_space<vmem>> -> memref<128xi32, #tpu.memory_space<vmem>>
      %dma_start3A_138 = arith.constant 0 : i32
      %dma_start3A_139 = arith.constant 0 : i32
      %dma_start3A_140 = tpu.memref_slice %arg7[%dma_start3A_138, %dma_start3A_139] : memref<10240x128xf32, #tpu.memory_space<vmem_shared>> -> memref<10240x128xf32, #tpu.memory_space<vmem_shared>>
      tpu.enqueue_indirect_dma source(%dma_start3A_134 : memref<128x128xf32, #tpu.memory_space<vmem>>) target(%dma_start3A_140 : memref<10240x128xf32, #tpu.memory_space<vmem_shared>>) offsets(%dma_start3A_137 : memref<128xi32, #tpu.memory_space<vmem>>) semaphore(%run_scoped3A_130 : memref<!tpu.dma_semaphore, #tpu.memory_space<semaphore_mem>>) {add = true}
      %dma_wait3A_141 = arith.constant 0 : i32
      %dma_wait3A_142 = arith.constant 0 : i32
      %dma_wait3A_143 = tpu.memref_slice %arg8[%run_scoped3A_123, %dma_wait3A_141, %dma_wait3A_142] : memref<2x128x128xf32, #tpu.memory_space<vmem>> -> memref<1x128x128xf32, #tpu.memory_space<vmem>>
      %dma_wait3A_144 = tpu.memref_squeeze %dma_wait3A_143 : memref<1x128x128xf32, #tpu.memory_space<vmem>> -> memref<128x128xf32, #tpu.memory_space<vmem>>
      %dma_wait3A_145 = arith.constant 0 : i32
      %dma_wait3A_146 = tpu.memref_slice %arg10[%run_scoped3A_124, %dma_wait3A_145] : memref<40x128xi32, #tpu.memory_space<vmem>> -> memref<1x128xi32, #tpu.memory_space<vmem>>
      %dma_wait3A_147 = tpu.memref_squeeze %dma_wait3A_146 : memref<1x128xi32, #tpu.memory_space<vmem>> -> memref<128xi32, #tpu.memory_space<vmem>>
      %dma_wait3A_148 = arith.constant 0 : i32
      %dma_wait3A_149 = arith.constant 0 : i32
      %dma_wait3A_150 = tpu.memref_slice %arg7[%dma_wait3A_148, %dma_wait3A_149] : memref<10240x128xf32, #tpu.memory_space<vmem_shared>> -> memref<10240x128xf32, #tpu.memory_space<vmem_shared>>
      tpu.wait_indirect_dma semaphore(%run_scoped3A_130 : memref<!tpu.dma_semaphore, #tpu.memory_space<semaphore_mem>>) src(%dma_wait3A_144 : memref<128x128xf32, #tpu.memory_space<vmem>>) dst(%dma_wait3A_150 : memref<10240x128xf32, #tpu.memory_space<vmem_shared>>)
      tpu.yield
    }) : () -> ()
    %barrier3A_125 = arith.constant 0 : index
    tpu.barrier barrier_id(%barrier3A_125)
    %mul3A_126 = arith.constant 640 : i32
    %mul3A_127 = arith.muli %arg1, %mul3A_126 : i32
    %mul3A_128 = arith.constant 640 : i32
    %mul3A_129 = arith.muli %arg1, %mul3A_128 : i32
    "tpu.region"() ({
      %run_scoped3A_130 = tpu.sem_alloc : memref<!tpu.dma_semaphore, #tpu.memory_space<semaphore_mem>>
      %dma_start3A_131 = arith.constant 0 : i32
      %dma_start3A_132 = arith.constant 0 : i32
      %dma_start3A_133 = tpu.memref_slice %arg6[%arg0, %dma_start3A_131, %dma_start3A_132] : memref<2x10240x128xf32, #tpu.memory_space<hbm>> -> memref<1x10240x128xf32, #tpu.memory_space<hbm>>
      %dma_start3A_134 = tpu.memref_squeeze %dma_start3A_133 : memref<1x10240x128xf32, #tpu.memory_space<hbm>> -> memref<10240x128xf32, #tpu.memory_space<hbm>>
      %dma_start3A_135 = arith.constant 0 : i32
      %dma_start3A_136 = tpu.memref_slice %dma_start3A_134[%mul3A_129, %dma_start3A_135] : memref<10240x128xf32, #tpu.memory_space<hbm>> -> memref<640x128xf32, #tpu.memory_space<hbm>>
      %dma_start3A_137 = arith.constant 0 : i32
      %dma_start3A_138 = tpu.memref_slice %arg7[%mul3A_127, %dma_start3A_137] : memref<10240x128xf32, #tpu.memory_space<vmem_shared>> -> memref<640x128xf32, #tpu.memory_space<vmem_shared>>
      tpu.enqueue_dma source(%dma_start3A_138 : memref<640x128xf32, #tpu.memory_space<vmem_shared>>) target(%dma_start3A_136 : memref<640x128xf32, #tpu.memory_space<hbm>>) target_semaphore(%run_scoped3A_130 : memref<!tpu.dma_semaphore, #tpu.memory_space<semaphore_mem>>)
      %dma_wait3A_139 = arith.constant 0 : i32
      %dma_wait3A_140 = arith.constant 0 : i32
      %dma_wait3A_141 = tpu.memref_slice %arg6[%arg0, %dma_wait3A_139, %dma_wait3A_140] : memref<2x10240x128xf32, #tpu.memory_space<hbm>> -> memref<1x10240x128xf32, #tpu.memory_space<hbm>>
      %dma_wait3A_142 = tpu.memref_squeeze %dma_wait3A_141 : memref<1x10240x128xf32, #tpu.memory_space<hbm>> -> memref<10240x128xf32, #tpu.memory_space<hbm>>
      %dma_wait3A_143 = arith.constant 0 : i32
      %dma_wait3A_144 = tpu.memref_slice %dma_wait3A_142[%mul3A_129, %dma_wait3A_143] : memref<10240x128xf32, #tpu.memory_space<hbm>> -> memref<640x128xf32, #tpu.memory_space<hbm>>
      %dma_wait3A_145 = arith.constant 0 : i32
      %dma_wait3A_146 = tpu.memref_slice %arg7[%mul3A_127, %dma_wait3A_145] : memref<10240x128xf32, #tpu.memory_space<vmem_shared>> -> memref<640x128xf32, #tpu.memory_space<vmem_shared>>
      tpu.wait_dma2 semaphore(%run_scoped3A_130 : memref<!tpu.dma_semaphore, #tpu.memory_space<semaphore_mem>>) src(%dma_wait3A_146 : memref<640x128xf32, #tpu.memory_space<vmem_shared>>) dst(%dma_wait3A_144 : memref<640x128xf32, #tpu.memory_space<hbm>>)
      tpu.yield
    }) : () -> ()
    return
  }
}

module attributes {stable_mosaic.version = 14 : i64} {
  func.func @_mm_body(%arg0: i32, %arg1: memref<512x128xf32, #tpu.memory_space<vmem>>, %arg2: memref<128x128xf32, #tpu.memory_space<vmem>>, %arg3: memref<512x128xf32, #tpu.memory_space<vmem>>) attributes {dimension_semantics = [#tpu.dimension_semantics<arbitrary>], iteration_bounds = array<i64: 20>, scalar_prefetch = 0 : i64, scratch_operands = 0 : i64, tpu.core_type = #tpu.core_type<tc>, window_params = [{transform_indices = @transform_0, window_bounds = array<i64: 512, 128>}, {pipeline_mode = #tpu.pipeline_mode<synchronous>, transform_indices = @transform_1, window_bounds = array<i64: 128, 128>}, {transform_indices = @transform_2, window_bounds = array<i64: 512, 128>}]} {
    %get3A = arith.constant 0 : index
    %get3A_0 = arith.constant 0 : index
    %get3A_1 = vector.load %arg1[%get3A, %get3A_0] : memref<512x128xf32, #tpu.memory_space<vmem>>, vector<512x128xf32>
    %get3A_2 = arith.constant 0 : index
    %get3A_3 = arith.constant 0 : index
    %get3A_4 = vector.load %arg2[%get3A_2, %get3A_3] : memref<128x128xf32, #tpu.memory_space<vmem>>, vector<128x128xf32>
    %dot_general3A = arith.constant dense<0.000000e+00> : vector<512x128xf32>
    %dot_general3A_5 = tpu.matmul %get3A_1, %get3A_4, %dot_general3A {dimension_numbers = #tpu.dot_dimension_numbers<[1], [0], [0], [1], [0, 0, 1, 1], [], []>, precision = #tpu.contract_precision<fp32>, transpose_lhs_hint = false} : vector<512x128xf32>, vector<128x128xf32>, vector<512x128xf32> -> vector<512x128xf32>
    %swap3A = arith.constant 0 : index
    %swap3A_6 = arith.constant 0 : index
    %swap3A_7 = vector.load %arg3[%swap3A, %swap3A_6] : memref<512x128xf32, #tpu.memory_space<vmem>>, vector<512x128xf32>
    tpu.vector_store %arg3[%swap3A, %swap3A_6], %dot_general3A_5 {strides = array<i32>} : memref<512x128xf32, #tpu.memory_space<vmem>>, vector<512x128xf32>,
    return
  }
  func.func @transform_0(%arg0: i32) -> (i32, i32) {
    %c0_i32 = arith.constant 0 : i32
    %c0_i32_0 = arith.constant 0 : i32
    return %arg0, %c0_i32 : i32, i32
  }
  func.func @transform_1(%arg0: i32) -> (i32, i32) {
    %c0_i32 = arith.constant 0 : i32
    %c0_i32_0 = arith.constant 0 : i32
    %c0_i32_1 = arith.constant 0 : i32
    return %c0_i32, %c0_i32_0 : i32, i32
  }
  func.func @transform_2(%arg0: i32) -> (i32, i32) {
    %c0_i32 = arith.constant 0 : i32
    %c0_i32_0 = arith.constant 0 : i32
    return %arg0, %c0_i32 : i32, i32
  }
}

module attributes {stable_mosaic.version = 14 : i64} {
  func.func @_scale_body(%arg0: i32, %arg1: memref<2x512x1xf32, #tpu.memory_space<vmem>>, %arg2: memref<512x128xf32, #tpu.memory_space<vmem>>, %arg3: memref<512x128xf32, #tpu.memory_space<vmem>>) attributes {dimension_semantics = [#tpu.dimension_semantics<arbitrary>], iteration_bounds = array<i64: 20>, scalar_prefetch = 0 : i64, scratch_operands = 0 : i64, tpu.core_type = #tpu.core_type<tc>, window_params = [{transform_indices = @transform_0, window_bounds = array<i64: 2, 512, 1>}, {transform_indices = @transform_1, window_bounds = array<i64: 512, 128>}, {transform_indices = @transform_2, window_bounds = array<i64: 512, 128>}]} {
    %get3A = arith.constant 0 : index
    %get3A_0 = arith.constant 0 : index
    %get3A_1 = vector.load %arg2[%get3A, %get3A_0] : memref<512x128xf32, #tpu.memory_space<vmem>>, vector<512x128xf32>
    %get3A_2 = arith.constant 0 : index
    %get3A_3 = arith.constant 0 : index
    %get3A_4 = arith.constant 0 : index
    %get3A_5 = vector.load %arg1[%get3A_2, %get3A_3, %get3A_4] : memref<2x512x1xf32, #tpu.memory_space<vmem>>, vector<1x512x1xf32>
    %get3A_6 = vector.shape_cast %get3A_5 : vector<1x512x1xf32> to vector<512x1xf32>
    %get3A_7 = arith.constant 1 : index
    %get3A_8 = arith.constant 0 : index
    %get3A_9 = arith.constant 0 : index
    %get3A_10 = vector.load %arg1[%get3A_7, %get3A_8, %get3A_9] : memref<2x512x1xf32, #tpu.memory_space<vmem>>, vector<1x512x1xf32>
    %get3A_11 = vector.shape_cast %get3A_10 : vector<1x512x1xf32> to vector<512x1xf32>
    %add3A = arith.addf %get3A_6, %get3A_11 : vector<512x1xf32>
    %add3A_12 = arith.constant 1.000000e+00 : f32
    %add3A_13 = vector.broadcast %add3A_12 : f32 to vector<512x1xf32>
    %add3A_14 = arith.addf %add3A, %add3A_13 : vector<512x1xf32>
    %rsqrt3A = math.rsqrt %add3A_14 : vector<512x1xf32>
    %mul3A = vector.broadcast %rsqrt3A : vector<512x1xf32> to vector<512x128xf32>
    %mul3A_15 = arith.mulf %get3A_1, %mul3A : vector<512x128xf32>
    %swap3A = arith.constant 0 : index
    %swap3A_16 = arith.constant 0 : index
    %swap3A_17 = vector.load %arg3[%swap3A, %swap3A_16] : memref<512x128xf32, #tpu.memory_space<vmem>>, vector<512x128xf32>
    tpu.vector_store %arg3[%swap3A, %swap3A_16], %mul3A_15 {strides = array<i32>} : memref<512x128xf32, #tpu.memory_space<vmem>>, vector<512x128xf32>,
    return
  }
  func.func @transform_0(%arg0: i32) -> (i32, i32, i32) {
    %c0_i32 = arith.constant 0 : i32
    %c0_i32_0 = arith.constant 0 : i32
    %c0_i32_1 = arith.constant 0 : i32
    return %c0_i32, %arg0, %c0_i32_0 : i32, i32, i32
  }
  func.func @transform_1(%arg0: i32) -> (i32, i32) {
    %c0_i32 = arith.constant 0 : i32
    %c0_i32_0 = arith.constant 0 : i32
    return %arg0, %c0_i32 : i32, i32
  }
  func.func @transform_2(%arg0: i32) -> (i32, i32) {
    %c0_i32 = arith.constant 0 : i32
    %c0_i32_0 = arith.constant 0 : i32
    return %arg0, %c0_i32 : i32, i32
  }
}

module attributes {stable_mosaic.version = 14 : i64} {
  func.func @_mid_body(%arg0: i32, %arg1: memref<2x512x1xf32, #tpu.memory_space<vmem>>, %arg2: memref<2x512x128xf32, #tpu.memory_space<vmem>>, %arg3: memref<512x128xf32, #tpu.memory_space<vmem>>, %arg4: memref<1x128xf32, #tpu.memory_space<vmem>>, %arg5: memref<128x128xf32, #tpu.memory_space<vmem>>, %arg6: memref<512x128xf32, #tpu.memory_space<vmem>>) attributes {dimension_semantics = [#tpu.dimension_semantics<arbitrary>], iteration_bounds = array<i64: 20>, scalar_prefetch = 0 : i64, scratch_operands = 0 : i64, tpu.core_type = #tpu.core_type<tc>, window_params = [{transform_indices = @transform_0, window_bounds = array<i64: 2, 512, 1>}, {transform_indices = @transform_1, window_bounds = array<i64: 2, 512, 128>}, {transform_indices = @transform_2, window_bounds = array<i64: 512, 128>}, {pipeline_mode = #tpu.pipeline_mode<synchronous>, transform_indices = @transform_3, window_bounds = array<i64: 1, 128>}, {pipeline_mode = #tpu.pipeline_mode<synchronous>, transform_indices = @transform_4, window_bounds = array<i64: 128, 128>}, {transform_indices = @transform_5, window_bounds = array<i64: 512, 128>}]} {
    %get3A = arith.constant 0 : index
    %get3A_0 = arith.constant 0 : index
    %get3A_1 = arith.constant 0 : index
    %get3A_2 = vector.load %arg1[%get3A, %get3A_0, %get3A_1] : memref<2x512x1xf32, #tpu.memory_space<vmem>>, vector<1x512x1xf32>
    %get3A_3 = vector.shape_cast %get3A_2 : vector<1x512x1xf32> to vector<512x1xf32>
    %get3A_4 = arith.constant 1 : index
    %get3A_5 = arith.constant 0 : index
    %get3A_6 = arith.constant 0 : index
    %get3A_7 = vector.load %arg1[%get3A_4, %get3A_5, %get3A_6] : memref<2x512x1xf32, #tpu.memory_space<vmem>>, vector<1x512x1xf32>
    %get3A_8 = vector.shape_cast %get3A_7 : vector<1x512x1xf32> to vector<512x1xf32>
    %add3A = arith.addf %get3A_3, %get3A_8 : vector<512x1xf32>
    %add3A_9 = arith.constant 1.000000e+00 : f32
    %add3A_10 = vector.broadcast %add3A_9 : f32 to vector<512x1xf32>
    %add3A_11 = arith.addf %add3A, %add3A_10 : vector<512x1xf32>
    %rsqrt3A = math.rsqrt %add3A_11 : vector<512x1xf32>
    %get3A_12 = arith.constant 0 : index
    %get3A_13 = arith.constant 0 : index
    %get3A_14 = arith.constant 0 : index
    %get3A_15 = vector.load %arg2[%get3A_12, %get3A_13, %get3A_14] : memref<2x512x128xf32, #tpu.memory_space<vmem>>, vector<1x512x128xf32>
    %get3A_16 = vector.shape_cast %get3A_15 : vector<1x512x128xf32> to vector<512x128xf32>
    %get3A_17 = arith.constant 1 : index
    %get3A_18 = arith.constant 0 : index
    %get3A_19 = arith.constant 0 : index
    %get3A_20 = vector.load %arg2[%get3A_17, %get3A_18, %get3A_19] : memref<2x512x128xf32, #tpu.memory_space<vmem>>, vector<1x512x128xf32>
    %get3A_21 = vector.shape_cast %get3A_20 : vector<1x512x128xf32> to vector<512x128xf32>
    %add3A_22 = arith.addf %get3A_16, %get3A_21 : vector<512x128xf32>
    %get3A_23 = arith.constant 0 : index
    %get3A_24 = arith.constant 0 : index
    %get3A_25 = vector.load %arg3[%get3A_23, %get3A_24] : memref<512x128xf32, #tpu.memory_space<vmem>>, vector<512x128xf32>
    %add3A_26 = arith.addf %add3A_22, %get3A_25 : vector<512x128xf32>
    %mul3A = vector.broadcast %rsqrt3A : vector<512x1xf32> to vector<512x128xf32>
    %mul3A_27 = arith.mulf %add3A_26, %mul3A : vector<512x128xf32>
    %get3A_28 = arith.constant 0 : index
    %get3A_29 = arith.constant 0 : index
    %get3A_30 = vector.load %arg4[%get3A_28, %get3A_29] : memref<1x128xf32, #tpu.memory_space<vmem>>, vector<1x128xf32>
    %add3A_31 = vector.broadcast %get3A_30 : vector<1x128xf32> to vector<512x128xf32>
    %add3A_32 = arith.addf %mul3A_27, %add3A_31 : vector<512x128xf32>
    %max3A = arith.constant 0.000000e+00 : f32
    %max3A_33 = vector.broadcast %max3A : f32 to vector<512x128xf32>
    %max3A_34 = arith.maximumf %add3A_32, %max3A_33 : vector<512x128xf32>
    %get3A_35 = arith.constant 0 : index
    %get3A_36 = arith.constant 0 : index
    %get3A_37 = vector.load %arg5[%get3A_35, %get3A_36] : memref<128x128xf32, #tpu.memory_space<vmem>>, vector<128x128xf32>
    %dot_general3A = arith.constant dense<0.000000e+00> : vector<512x128xf32>
    %dot_general3A_38 = tpu.matmul %max3A_34, %get3A_37, %dot_general3A {dimension_numbers = #tpu.dot_dimension_numbers<[1], [0], [0], [1], [0, 0, 1, 1], [], []>, precision = #tpu.contract_precision<fp32>, transpose_lhs_hint = false} : vector<512x128xf32>, vector<128x128xf32>, vector<512x128xf32> -> vector<512x128xf32>
    %mul3A_39 = vector.broadcast %rsqrt3A : vector<512x1xf32> to vector<512x128xf32>
    %mul3A_40 = arith.mulf %dot_general3A_38, %mul3A_39 : vector<512x128xf32>
    %swap3A = arith.constant 0 : index
    %swap3A_41 = arith.constant 0 : index
    %swap3A_42 = vector.load %arg6[%swap3A, %swap3A_41] : memref<512x128xf32, #tpu.memory_space<vmem>>, vector<512x128xf32>
    tpu.vector_store %arg6[%swap3A, %swap3A_41], %mul3A_40 {strides = array<i32>} : memref<512x128xf32, #tpu.memory_space<vmem>>, vector<512x128xf32>,
    return
  }
  func.func @transform_0(%arg0: i32) -> (i32, i32, i32) {
    %c0_i32 = arith.constant 0 : i32
    %c0_i32_0 = arith.constant 0 : i32
    %c0_i32_1 = arith.constant 0 : i32
    return %c0_i32, %arg0, %c0_i32_0 : i32, i32, i32
  }
  func.func @transform_1(%arg0: i32) -> (i32, i32, i32) {
    %c0_i32 = arith.constant 0 : i32
    %c0_i32_0 = arith.constant 0 : i32
    %c0_i32_1 = arith.constant 0 : i32
    return %c0_i32, %arg0, %c0_i32_0 : i32, i32, i32
  }
  func.func @transform_2(%arg0: i32) -> (i32, i32) {
    %c0_i32 = arith.constant 0 : i32
    %c0_i32_0 = arith.constant 0 : i32
    return %arg0, %c0_i32 : i32, i32
  }
  func.func @transform_3(%arg0: i32) -> (i32, i32) {
    %c0_i32 = arith.constant 0 : i32
    %c0_i32_0 = arith.constant 0 : i32
    %c0_i32_1 = arith.constant 0 : i32
    return %c0_i32, %c0_i32_0 : i32, i32
  }
  func.func @transform_4(%arg0: i32) -> (i32, i32) {
    %c0_i32 = arith.constant 0 : i32
    %c0_i32_0 = arith.constant 0 : i32
    %c0_i32_1 = arith.constant 0 : i32
    return %c0_i32, %c0_i32_0 : i32, i32
  }
  func.func @transform_5(%arg0: i32) -> (i32, i32) {
    %c0_i32 = arith.constant 0 : i32
    %c0_i32_0 = arith.constant 0 : i32
    return %arg0, %c0_i32 : i32, i32
  }
}

module attributes {stable_mosaic.version = 14 : i64} {
  func.func @_final_body(%arg0: i32, %arg1: memref<2x512x1xf32, #tpu.memory_space<vmem>>, %arg2: memref<2x512x128xf32, #tpu.memory_space<vmem>>, %arg3: memref<512x128xf32, #tpu.memory_space<vmem>>, %arg4: memref<1x128xf32, #tpu.memory_space<vmem>>, %arg5: memref<512x128xf32, #tpu.memory_space<vmem>>) attributes {dimension_semantics = [#tpu.dimension_semantics<arbitrary>], iteration_bounds = array<i64: 20>, scalar_prefetch = 0 : i64, scratch_operands = 0 : i64, tpu.core_type = #tpu.core_type<tc>, window_params = [{transform_indices = @transform_0, window_bounds = array<i64: 2, 512, 1>}, {transform_indices = @transform_1, window_bounds = array<i64: 2, 512, 128>}, {transform_indices = @transform_2, window_bounds = array<i64: 512, 128>}, {pipeline_mode = #tpu.pipeline_mode<synchronous>, transform_indices = @transform_3, window_bounds = array<i64: 1, 128>}, {transform_indices = @transform_4, window_bounds = array<i64: 512, 128>}]} {
    %get3A = arith.constant 0 : index
    %get3A_0 = arith.constant 0 : index
    %get3A_1 = arith.constant 0 : index
    %get3A_2 = vector.load %arg1[%get3A, %get3A_0, %get3A_1] : memref<2x512x1xf32, #tpu.memory_space<vmem>>, vector<1x512x1xf32>
    %get3A_3 = vector.shape_cast %get3A_2 : vector<1x512x1xf32> to vector<512x1xf32>
    %get3A_4 = arith.constant 1 : index
    %get3A_5 = arith.constant 0 : index
    %get3A_6 = arith.constant 0 : index
    %get3A_7 = vector.load %arg1[%get3A_4, %get3A_5, %get3A_6] : memref<2x512x1xf32, #tpu.memory_space<vmem>>, vector<1x512x1xf32>
    %get3A_8 = vector.shape_cast %get3A_7 : vector<1x512x1xf32> to vector<512x1xf32>
    %add3A = arith.addf %get3A_3, %get3A_8 : vector<512x1xf32>
    %add3A_9 = arith.constant 1.000000e+00 : f32
    %add3A_10 = vector.broadcast %add3A_9 : f32 to vector<512x1xf32>
    %add3A_11 = arith.addf %add3A, %add3A_10 : vector<512x1xf32>
    %rsqrt3A = math.rsqrt %add3A_11 : vector<512x1xf32>
    %get3A_12 = arith.constant 0 : index
    %get3A_13 = arith.constant 0 : index
    %get3A_14 = arith.constant 0 : index
    %get3A_15 = vector.load %arg2[%get3A_12, %get3A_13, %get3A_14] : memref<2x512x128xf32, #tpu.memory_space<vmem>>, vector<1x512x128xf32>
    %get3A_16 = vector.shape_cast %get3A_15 : vector<1x512x128xf32> to vector<512x128xf32>
    %get3A_17 = arith.constant 1 : index
    %get3A_18 = arith.constant 0 : index
    %get3A_19 = arith.constant 0 : index
    %get3A_20 = vector.load %arg2[%get3A_17, %get3A_18, %get3A_19] : memref<2x512x128xf32, #tpu.memory_space<vmem>>, vector<1x512x128xf32>
    %get3A_21 = vector.shape_cast %get3A_20 : vector<1x512x128xf32> to vector<512x128xf32>
    %add3A_22 = arith.addf %get3A_16, %get3A_21 : vector<512x128xf32>
    %get3A_23 = arith.constant 0 : index
    %get3A_24 = arith.constant 0 : index
    %get3A_25 = vector.load %arg3[%get3A_23, %get3A_24] : memref<512x128xf32, #tpu.memory_space<vmem>>, vector<512x128xf32>
    %add3A_26 = arith.addf %add3A_22, %get3A_25 : vector<512x128xf32>
    %mul3A = vector.broadcast %rsqrt3A : vector<512x1xf32> to vector<512x128xf32>
    %mul3A_27 = arith.mulf %add3A_26, %mul3A : vector<512x128xf32>
    %get3A_28 = arith.constant 0 : index
    %get3A_29 = arith.constant 0 : index
    %get3A_30 = vector.load %arg4[%get3A_28, %get3A_29] : memref<1x128xf32, #tpu.memory_space<vmem>>, vector<1x128xf32>
    %add3A_31 = vector.broadcast %get3A_30 : vector<1x128xf32> to vector<512x128xf32>
    %add3A_32 = arith.addf %mul3A_27, %add3A_31 : vector<512x128xf32>
    %swap3A = arith.constant 0 : index
    %swap3A_33 = arith.constant 0 : index
    %swap3A_34 = vector.load %arg5[%swap3A, %swap3A_33] : memref<512x128xf32, #tpu.memory_space<vmem>>, vector<512x128xf32>
    tpu.vector_store %arg5[%swap3A, %swap3A_33], %add3A_32 {strides = array<i32>} : memref<512x128xf32, #tpu.memory_space<vmem>>, vector<512x128xf32>,
    return
  }
  func.func @transform_0(%arg0: i32) -> (i32, i32, i32) {
    %c0_i32 = arith.constant 0 : i32
    %c0_i32_0 = arith.constant 0 : i32
    %c0_i32_1 = arith.constant 0 : i32
    return %c0_i32, %arg0, %c0_i32_0 : i32, i32, i32
  }
  func.func @transform_1(%arg0: i32) -> (i32, i32, i32) {
    %c0_i32 = arith.constant 0 : i32
    %c0_i32_0 = arith.constant 0 : i32
    %c0_i32_1 = arith.constant 0 : i32
    return %c0_i32, %arg0, %c0_i32_0 : i32, i32, i32
  }
  func.func @transform_2(%arg0: i32) -> (i32, i32) {
    %c0_i32 = arith.constant 0 : i32
    %c0_i32_0 = arith.constant 0 : i32
    return %arg0, %c0_i32 : i32, i32
  }
  func.func @transform_3(%arg0: i32) -> (i32, i32) {
    %c0_i32 = arith.constant 0 : i32
    %c0_i32_0 = arith.constant 0 : i32
    %c0_i32_1 = arith.constant 0 : i32
    return %c0_i32, %c0_i32_0 : i32, i32
  }
  func.func @transform_4(%arg0: i32) -> (i32, i32) {
    %c0_i32 = arith.constant 0 : i32
    %c0_i32_0 = arith.constant 0 : i32
    return %arg0, %c0_i32 : i32, i32
  }
}

</mosaic_0001>

<sc_bundles>
// kernel: kernel.12.cloned.1.call-start
scs
__scs_entry_jumppad:
0x0: {  	(pc) =	sbr.rel $0x88, $3  }
0x1: {  	(tag) =	ssettag $0x0;
	lr =	simm.s32 $0x1  }
0x2: {  	[smem:$0x3F9B] =	sst lr;
	_ =	strace $0xD0000000  }
0x3: {  	_ = 	snop  }
0x4: {  	_ = 	snop  }
0x5: {  	_ = 	snop  }
0x6: {  	_ = 	snop  }
0x7: {  	_ = 	snop  }
__scs_overlays_trampoline_lowered:
0x8: {  	[smem:$0x3FAA] =	sst s0  }
0x9: {  	[smem:$0x3FAB] =	sst s1  }
0xa: {  	[smem:$0x3FAC] =	sst s2  }
0xb: {  	[smem:$0x3FAD] =	sst s3  }
0xc: {  	[smem:$0x3FAE] =	sst s4  }
0xd: {  	[smem:$0x3FAF] =	sst s5  }
0xe: {  	[smem:$0x3FB0] =	sst s6  }
0xf: {  	[smem:$0x3FB1] =	sst s7  }
0x10: {  	[smem:$0x3FB2] =	sst s8  }
0x11: {  	[smem:$0x3FB3] =	sst s9;
	s0 =	simm.s32 @!p0 $0x0  }
0x12: {  	s1 =	sld [smem:$0x3F99];
	s0 =	simm.s32 @p0 $0x1  }
0x13: {  	[smem:$0x3FB4] =	sst s0;
	s0 =	simm.s32 @!p1 $0x0  }
0x14: {  	s2 =	sld [smem:$0x3F98];
	s0 =	simm.s32 @p1 $0x1  }
0x15: {  	[smem:$0x3FB5] =	sst s0;
	s0 =	simm.s32 @!p2 $0x0  }
0x16: {  	s3 =	sld [smem:$0x3FDB];
	s0 =	simm.s32 @p2 $0x1  }
0x17: {  	s4 =	simm.s32 $0x1BF5;
	[smem:$0x3FB7] =	sst s0  }
0x18: {  	s0 =	sld [smem:$0x3F9A];
	_ =	swait.ge [sflag:s4], $0x0  }
0x19: {  	s7 =	sld [smem:$0x3F9B]  }
0x1a: {  	s8 =	sadd.s32 $0xFFFFE003, lr  }
0x1b: {  	s9 =	sadd.s32 $0xFFFFFEF7, lr;
	s5 =	simm.s32 $0xFFFFFFFF;
	p2 =	slt.u32 s8, $0xFFFFF086  }
0x1c: {  	p1 =	slt.u32 s9, $0xF7A;
	s5 =	simm.s32 @!p2 $0x0  }
0x1d: {  	s5 =	simm.s32 @p1 $0x1;
	p0 =	seq.s32 s7, s2  }
0x1e: {  	s7 =	smul.u32 @!p0 $0xF7A, s2;
	p2 =	seq.s32 @!p0 s5, $0x0  }
0x1f: {  	s9 =	smul.u32 $0xF7A, s1;
	s8 =	simm.s32 @!p0 $0x1BF5;
	p2 =	por !p2, p0  }
0x20: {  	[sflag:s8] =	ssyncset.s32 @!p0 $0xFFFFF086;
	s6 =	sadd.s32 @!p0 s3, s7;
	s7 =	simm.s32 @!p0 $0x108  }
0x21: {  	s3 =	sadd.s32 s3, s9;
	s6 =	sadd.s32 @!p0 $0x88, s6;
	s7 =	simm.s32 @p2 $0x1082  }
0x22: {  	[simem:s7], [sflag:s8] =	dma.local @!p0 [hbm:s6], $0xF7A  }
0x23: {  	s9 =	sor.u32 $0xD0000000, s2;
	s6 =	simm.s32 $0x108;
	_ =	swait.ge @!p0 [sflag:s8], $0x0  }
0x24: {  	s3 =	sadd.s32 $0x88, s3;
	s6 =	simm.s32 @!p1 $0x1082;
	[sflag:s4] =	ssyncset.s32 $0xFFFFF086  }
0x25: {  	[simem:s6], [sflag:s4] =	dma.local [hbm:s3], $0xF7A  }
0x26: {  	[smem:$0x3F9B] =	sst s1;
	(tag) =	ssettag s2;
	_ =	strace s9  }
0x27: {  	s1 =	sld [smem:$0x3FAB]  }
0x28: {  	s2 =	sld [smem:$0x3FAC]  }
0x29: {  	s4 =	sld [smem:$0x3FAE]  }
0x2a: {  	p0 =	seq.s32 s5, $0x0;
	s5 =	sld [smem:$0x3FAF]  }
0x2b: {  	s6 =	sld [smem:$0x3FB0]  }
0x2c: {  	s7 =	sld [smem:$0x3FB1]  }
0x2d: {  	s3 =	simm.s32 $0x108;
	s8 =	sld [smem:$0x3FB2]  }
0x2e: {  	s3 =	simm.s32 @!p0 $0x1082;
	s9 =	sld [smem:$0x3FB3]  }
0x2f: {  	lr =	sadd.s32 s0, s3;
	s0 =	sld [smem:$0x3FAA]  }
0x30: {  	s3 =	sld [smem:$0x3FAD]  }
0x31: {  	[smem:$0x3FB6] =	sst s10  }
0x32: {  	s10 =	sld [smem:$0x3FB4];
	_ =	sdelay $0x3  }
0x33: {  	p0 =	seq.s32 s10, $0x1;
	s10 =	sld [smem:$0x3FB6];
	_ =	sdelay $0x3  }
0x34: {  	[smem:$0x3FB6] =	sst s10  }
0x35: {  	s10 =	sld [smem:$0x3FB5];
	_ =	sdelay $0x3  }
0x36: {  	p1 =	seq.s32 s10, $0x1;
	s10 =	sld [smem:$0x3FB6];
	_ =	sdelay $0x3  }
0x37: {  	[smem:$0x3FB6] =	sst s10  }
0x38: {  	s10 =	sld [smem:$0x3FB7]  }
0x39: {  	_ = 	snop;
	(pc) =	sbr.ind lr, $3  }
0x3a: {  	_ = 	snop  }
0x3b: {  	_ = 	snop  }
0x3c: {  	p2 =	seq.s32 s10, $0x1;
	s10 =	sld [smem:$0x3FB6]  }
0x3d: {  	_ =	shalt  }
0x3e: {  	_ =	shalt  }
0x3f: {  	_ =	shalt  }
0x40: {  	_ =	shalt  }
0x41: {  	_ =	shalt  }
0x42: {  	_ =	shalt  }
0x43: {  	_ =	shalt  }
0x44: {  	_ =	shalt  }
0x45: {  	_ =	shalt  }
0x46: {  	_ =	shalt  }
0x47: {  	_ =	shalt  }
0x48: {  	_ =	shalt  }
0x49: {  	_ =	shalt  }
0x4a: {  	_ =	shalt  }
0x4b: {  	_ =	shalt  }
0x4c: {  	_ =	shalt  }
0x4d: {  	_ =	shalt  }
0x4e: {  	_ =	shalt  }
0x4f: {  	_ =	shalt  }
0x50: {  	_ =	shalt  }
0x51: {  	_ =	shalt  }
0x52: {  	_ =	shalt  }
0x53: {  	_ =	shalt  }
0x54: {  	_ =	shalt  }
0x55: {  	_ =	shalt  }
0x56: {  	_ =	shalt  }
0x57: {  	_ =	shalt  }
0x58: {  	_ =	shalt  }
0x59: {  	_ =	shalt  }
0x5a: {  	_ =	shalt  }
0x5b: {  	_ =	shalt  }
0x5c: {  	_ =	shalt  }
0x5d: {  	_ =	shalt  }
0x5e: {  	_ =	shalt  }
0x5f: {  	_ =	shalt  }
0x60: {  	_ =	shalt  }
0x61: {  	_ =	shalt  }
0x62: {  	_ =	shalt  }
0x63: {  	_ =	shalt  }
0x64: {  	_ =	shalt  }
0x65: {  	_ =	shalt  }
0x66: {  	_ =	shalt  }
0x67: {  	_ =	shalt  }
0x68: {  	_ =	shalt  }
0x69: {  	_ =	shalt  }
0x6a: {  	_ =	shalt  }
0x6b: {  	_ =	shalt  }
0x6c: {  	_ =	shalt  }
0x6d: {  	_ =	shalt  }
0x6e: {  	_ =	shalt  }
0x6f: {  	_ =	shalt  }
0x70: {  	_ =	shalt  }
0x71: {  	_ =	shalt  }
0x72: {  	_ =	shalt  }
0x73: {  	_ =	shalt  }
0x74: {  	_ =	shalt  }
0x75: {  	_ =	shalt  }
0x76: {  	_ =	shalt  }
0x77: {  	_ =	shalt  }
0x78: {  	_ =	shalt  }
0x79: {  	_ =	shalt  }
0x7a: {  	_ =	shalt  }
0x7b: {  	_ =	shalt  }
0x7c: {  	_ =	shalt  }
0x7d: {  	_ =	shalt  }
0x7e: {  	_ =	shalt  }
0x7f: {  	_ =	shalt  }
0x80: {  	_ =	shalt  }
0x81: {  	_ =	shalt  }
0x82: {  	_ =	shalt  }
0x83: {  	_ =	shalt  }
0x84: {  	_ =	shalt  }
0x85: {  	_ =	shalt  }
0x86: {  	_ =	shalt  }
0x87: {  	_ =	shalt  }
.Lfunc_end0:
.L_simem_size_0:
called_computation.1_lowered:
.L_overlay_start_0:
0x88: {  	s2 =	sld [smem:$0x3FD9]  }
0x89: {  	s3 =	sld [smem:$0x3FFE];
	_ =	sdelay $0x1  }
0x8a: {  	s1 =	srdreg.scid  }
0x8b: {  	s0 =	sand.u32 $0x1, s1  }
0x8c: {  	s17 =	sshll.u32 s0, $0xA;
	s2 =	sadd.s32 s3, s2  }
0x8d: {  	s2 =	sadd.s32 s2, s17  }
0x8e: {  	[smem:$0x3FC2] =	sst s2  }
0x8f: {  	_ = 	snop  }
0x90: {  	s2 =	sld [smem:$0x3FD0];
	(tm) =	ssettm $0x1  }
0x91: {  	s18 =	sld [smem:$0x3FFB];
	_ =	sdelay $0x3  }
0x92: {  	_ =	strace s18  }
0x93: {  	s3 =	sld [smem:$0x3FFC];
	_ =	sdelay $0x3  }
0x94: {  	_ =	strace s3  }
0x95: {  	s3 =	sld [smem:$0x3FFD];
	_ =	sdelay $0x3  }
0x96: {  	_ =	strace s3  }
0x97: {  	_ =	strace $0x8FFFFFFF  }
0x98: {  	s19 =	sld [smem:$0x3FDB];
	_ =	sdelay $0x1  }
0x99: {  	s4 =	simm.s32 $_scs_section_size  }
0x9a: {  	s5 =	simm.s32 $_size__tile_overlayer_lowered;
	s6 =	simm.s32 $_tile_overlayer_lowered  }
0x9b: {  	s22 =	simm.s32 $0x1BFF;
	s21 =	sshll.u32 s6, $0x1;
	s3 =	sadd.s32 s4, s19  }
0x9c: {  	s7 =	simm.s32 $0x0;
	s20 =	sshll.u32 s5, $0x1;
	s5 =	sadd.s32 s21, s3  }
0x9d: {  	[timem:s7], [sflag:s22] =	dma.local [hbm:s5], s20  }
0x9e: {  	_ =	swait.ge [sflag:s22], s20  }
0x9f: {  	s4 =	ssub.s32 $0x0, s20;
	[sflag:s22] =	ssyncset.done $0x0  }
0xa0: {  	[sflag:s22] =	ssyncadd.s32 s4;
	_ =	sdelay $0x1  }
0xa1: {  	s23 =	simm.s32 $0x1B8B  }
0xa2: {  	_ =	swait.ge [sflag:s23], $0x1  }
0xa3: {  	[sflag:s23] =	ssyncset.done $0x0  }
0xa4: {  	s25 =	simm.s32 $0x1B8E;
	s24 =	sld [smem:$0x3FFE];
	[sflag:s23] =	ssyncadd.s32 $0xFFFFFFFF  }
0xa5: {  	s26 =	simm.s32 $execute0_lowered;
	[smem:$0x3FD2] =	sst s25  }
0xa6: {  	s5 =	sshll.u32 s26, $0x1;
	_ =	strace $0x80000049;
	[dreg:$0x1] =	wrdreg $0xFFFFFFFF  }
0xa7: {  	s28 =	simm.s32 $_size_execute0_lowered;
	s3 =	sadd.s32 s3, s5;
	[dreg:$0x0] =	wrdreg $0x0  }
0xa8: {  	s5 =	sshll.u32 s28, $0x1;
	[dreg:$0x2] =	wrdreg s3  }
0xa9: {  	[dreg:$0x3] =	wrdreg s5  }
0xaa: {  	[dreg:$0x4] =	wrdreg $0xC0  }
0xab: {  	_ =	task [dreg:s7], $0x5FFFF  }
0xac: {  	[dreg:$0x1] =	wrdreg $0xFFFFFFFF  }
0xad: {  	[dreg:$0x0] =	wrdreg $0x60  }
0xae: {  	[dreg:$0x2] =	wrdreg s24  }
0xaf: {  	[dreg:$0x3] =	wrdreg s2  }
0xb0: {  	[dreg:$0x4] =	wrdreg $0x0  }
0xb1: {  	[dreg:$0x5] =	wrdreg $0x9  }
0xb2: {  	_ =	task.clear_ibuf [dreg:s7], $0x6FFFF;
	_ =	strace $0x90000049  }
0xb3: {  	s29 =	simm.s32 $0x9;
	_ =	strace $0x8000004B  }
0xb4: {  	_ =	swait.ge [sflag:s29], $0x1  }
0xb5: {  	[sflag:s29] =	ssyncadd.s32 $0xFFFFFFFF  }
0xb6: {  	_ =	strace $0x9000004B  }
0xb7: {  	_ =	sfence  }
0xb8: {  	s30 =	sld [smem:$0x0];
	_ =	sdelay $0x2  }
0xb9: {  	s31 =	sshll.u32 s1, $0xD;
	s1 =	sshrl.u32 s1, $0x2  }
0xba: {  	s3 =	sand.u32 $0x4000, s31;
	s1 =	sadd.s32 s1, s30  }
0xbb: {  	s0 =	sor.u32 s3, s0;
	s1 =	sshll.u32 s1, $0x11  }
0xbc: {  	s0 =	sor.u32 s1, s0  }
0xbd: {  	s0 =	sadd.s32 $0x8F2B, s0  }
0xbe: {  	[sflag:s0] =	ssyncadd.remote.s32 $0x1  }
0xbf: {  	_ =	sfence.sel $0xFFFF  }
0xc0: {  	[dreg:$0x0] =	wrdreg $0xFFFFFFFF;
	(pc) =	sbr.abs _section_cstart, $3  }
0xc1: {  	[dreg:$0x1] =	wrdreg $0xFFFFFFFF  }
0xc2: {  	_ =	task.clear_ibuf [dreg:s7], $0x2FFFF;
	_ =	strace $0x9FFFFFFF  }
0xc3: {  	(tm) =	ssettm $0x7FFFFFFF  }
tec
execute0_lowered:
.L_overlay_start_1:
0x0: {  	(tag) =	ssettag $0x1  }
0x1: {  	s6 =	rddreg [dreg:$0x0]  }
0x2: {  	s9 =	rddreg [dreg:$0x1]  }
0x3: {  	s1 =	rddreg [dreg:$0x2];
	s2 =	simm.s32 $0x0;
	s3 =	srdreg.scid  }
0x4: {  	s16 =	simm.s32 $0x14000;
	s17 =	simm.s32 $0x3;
	s18 =	simm.s32 $0x1C000  }
0x5: {  	s19 =	simm.s32 $0x1D400;
	s20 =	simm.s32 $0x80;
	s21 =	simm.s32 $0x1C080  }
0x6: {  	s22 =	simm.s32 $0x18000;
	s23 =	simm.s32 $0x1;
	s28 =	simm.s32 $0x1E780  }
0x7: {  	s29 =	simm.s32 $0x0;
	[smem:$0x7FF] =	sst s2;
	s5 =	sand.u32 $0x1, s3  }
0x8: {  	s3 =	stileid.u32;
	s4 =	sadd.s32 $0xC400, s6;
	s11 =	sadd.s32 $0x2400, s6  }
0x9: {  	_ =	strace $0x8000004A;
	s7 =	smul.u32 $0x28000, s5;
	s8 =	sshll.u32 s5, $0x4  }
0xa: {  	s10 =	smul.u32 $0x50000, s3;
	s12 =	ssub.s32 $0x2, s5;
	s5 =	sadd.s32 $0x34400, s6  }
0xb: {  	s25 =	smul.u32 $0x2800, s3;
	s8 =	sor.u32 s3, s8;
	s26 =	sshrl.u32 s12, $0x1  }
0xc: {  	s13 =	smul.u32 $0x2800, s8;
	s14 =	sadd.s32 s7, s6;
	s30 =	sshrl.u32 s10, $0x2  }
0xd: {  	s8 =	smul.u32 $0x500, s8;
	s12 =	ssub.s32 s12, s26;
	s26 =	simm.s32 $0x1E700  }
0xe: {  	s6 =	sadd.s32 s30, s1;
	s24 =	sadd.s32 $0x34C00, s14;
	s31 =	sshrl.u32 s13, $0x3  }
0xf: {  	s7 =	sadd.s32 s9, s8;
	s8 =	sadd.s32 s11, s8;
	s13 =	sadd.s32 $0x8000, s6  }
0x10: {  	s14 =	sadd.s32 $0xC000, s6;
	s15 =	sadd.s32 $0x10000, s6;
	s10 =	sadd.s32 $0x280, s31  }
0x11: {  	s24 =	sadd.s32 s25, s24;
	s25 =	simm.s32 $0x2;
	s9 =	sadd.s32 s9, s10  }
0x12: {  	s10 =	sadd.s32 s11, s10;
	s11 =	smax.u32 s12, $0x1;
	s12 =	sadd.s32 $0x4000, s6  }
.LBB2_1:
0x13: {  	[tilespmem:s16], [sflag:$0x3] =	stream.linear.gather [hbm4b:s5+s2], $0x4000, $0x38;
	[tilespmem:$0x1E800] =	vst v63  }
0x14: {  	_ =	swait.ge [sflag:s17], $0x4000  }
0x15: {  	[sflag:s17] =	ssyncset.done $0x0  }
0x16: {  	[sflag:s17] =	ssyncadd.s32 $0xFFFFC000  }
0x17: {  	[spmem:s6] =	stream.linear.scatter [tilespmem:s16], [sflag:$0x3], $0x4000, $0x38;
	[tilespmem:$0x1E800] =	vst v63  }
0x18: {  	_ =	swait.ge [sflag:s17], $0x4000  }
0x19: {  	[sflag:s17] =	ssyncset.done $0x0  }
0x1a: {  	[sflag:s17] =	ssyncadd.s32 $0xFFFFC000  }
0x1b: {  	[spmem:s12] =	stream.linear.scatter [tilespmem:s16], [sflag:$0x3], $0x4000, $0x38;
	[tilespmem:$0x1E800] =	vst v63  }
0x1c: {  	_ =	swait.ge [sflag:s17], $0x4000  }
0x1d: {  	[sflag:s17] =	ssyncset.done $0x0  }
0x1e: {  	[sflag:s17] =	ssyncadd.s32 $0xFFFFC000  }
0x1f: {  	[spmem:s13] =	stream.linear.scatter [tilespmem:s16], [sflag:$0x3], $0x4000, $0x38;
	[tilespmem:$0x1E800] =	vst v63  }
0x20: {  	_ =	swait.ge [sflag:s17], $0x4000  }
0x21: {  	[sflag:s17] =	ssyncset.done $0x0  }
0x22: {  	[sflag:s17] =	ssyncadd.s32 $0xFFFFC000  }
0x23: {  	[spmem:s14] =	stream.linear.scatter [tilespmem:s16], [sflag:$0x3], $0x4000, $0x38;
	[tilespmem:$0x1E800] =	vst v63  }
0x24: {  	_ =	swait.ge [sflag:s17], $0x4000  }
0x25: {  	[sflag:s17] =	ssyncset.done $0x0  }
0x26: {  	[sflag:s17] =	ssyncadd.s32 $0xFFFFC000  }
0x27: {  	[spmem:s15] =	stream.linear.scatter [tilespmem:s16], [sflag:$0x3], $0x4000, $0x38;
	[tilespmem:$0x1E800] =	vst v63  }
0x28: {  	_ =	swait.ge [sflag:s17], $0x4000  }
0x29: {  	[sflag:s17] =	ssyncset.done $0x0  }
0x2a: {  	[sflag:s17] =	ssyncadd.s32 $0xFFFFC000  }
0x2b: {  	[bflag:$0x0] =	sbarrier.arrive $0xFFFF  }
0x2c: {  	[tilespmem:s18], [sflag:$0x3] =	stream.linear.gather [hbm4b:s7+s2], $0x1400, $0x38;
	[tilespmem:$0x1E800] =	vst v63  }
0x2d: {  	_ =	swait.ge [sflag:s17], $0x1400  }
0x2e: {  	[sflag:s17] =	ssyncset.done $0x0  }
0x2f: {  	[sflag:s17] =	ssyncadd.s32 $0xFFFFEC00  }
0x30: {  	[tilespmem:s19], [sflag:$0x3] =	stream.linear.gather [hbm4b:s8+s2], $0x1400, $0x38;
	[tilespmem:$0x1E800] =	vst v63  }
0x31: {  	_ =	swait.ge [sflag:s17], $0x1400  }
0x32: {  	[sflag:s17] =	ssyncset.done $0x0  }
0x33: {  	[sflag:s17] =	ssyncadd.s32 $0xFFFFEC00  }
0x34: {  	[tilespmem:s16], [sflag:$0x1] =	stream.indirect.gather [hbm4b:s4+s20], $0x80, s18, s20, $0xb8;
	[tilespmem:$0x1E800] =	vst v63  }
0x35: {  	_ = 	snop  }
0x36: {  	[tilespmem:s22], [sflag:$0x2] =	stream.indirect.gather [hbm4b:s4+s20], $0x80, s21, s20, $0xb8;
	[tilespmem:$0x1E800] =	vst v63  }
0x37: {  	_ =	swait.ge [sflag:s23], $0x4000  }
0x38: {  	[sflag:s23] =	ssyncset.done $0x0  }
0x39: {  	s30 =	simm.s32 $0x1D400;
	[sflag:s23] =	ssyncadd.s32 $0xFFFFC000  }
0x3a: {  	[spmem:s1] =	stream.indirect.scatter.add.f32 [tilespmem:s16], [sflag:$0x3], $0x80, s30, s20, $0xb8;
	[tilespmem:$0x1E800] =	vst v63  }
0x3b: {  	_ =	swait.ge [sflag:s17], $0x4000  }
0x3c: {  	[sflag:s17] =	ssyncset.done $0x0  }
0x3d: {  	s30 =	simm.s32 $0x1C100;
	[sflag:s17] =	ssyncadd.s32 $0xFFFFC000  }
0x3e: {  	[tilespmem:s16], [sflag:$0x1] =	stream.indirect.gather [hbm4b:s4+s20], $0x80, s30, s20, $0xb8;
	[tilespmem:$0x1E800] =	vst v63  }
0x3f: {  	_ =	swait.ge [sflag:s25], $0x4000  }
0x40: {  	[sflag:s25] =	ssyncset.done $0x0  }
0x41: {  	s30 =	simm.s32 $0x1D480;
	[sflag:s25] =	ssyncadd.s32 $0xFFFFC000  }
0x42: {  	[spmem:s1] =	stream.indirect.scatter.add.f32 [tilespmem:s22], [sflag:$0x3], $0x80, s30, s20, $0xb8;
	[tilespmem:$0x1E800] =	vst v63  }
0x43: {  	_ =	swait.ge [sflag:s17], $0x4000  }
0x44: {  	[sflag:s17] =	ssyncset.done $0x0  }
0x45: {  	s31 =	simm.s32 $0x1C180;
	s30 =	simm.s32 $0x400;
	[sflag:s17] =	ssyncadd.s32 $0xFFFFC000  }
.LBB2_2:
0x46: {  	[tilespmem:s22], [sflag:$0x2] =	stream.indirect.gather [hbm4b:s4+s20], $0x80, s31, s20, $0xb8;
	[tilespmem:$0x1E800] =	vst v63  }
0x47: {  	s31 =	smov.u32 s30  }
0x48: {  	p0 =	sne.s32 s30, $0x4800;
	s30 =	sadd.s32 $0x400, s30;
	_ =	swait.ge [sflag:s23], $0x4000  }
0x49: {  	s31 =	sshra.s32 s31, $0x2;
	[sflag:s23] =	ssyncset.done $0x0  }
0x4a: {  	s0 =	sadd.s32 $0x1D400, s31;
	[sflag:s23] =	ssyncadd.s32 $0xFFFFC000  }
0x4b: {  	[spmem:s1] =	stream.indirect.scatter.add.f32 [tilespmem:s16], [sflag:$0x3], $0x80, s0, s20, $0xb8;
	[tilespmem:$0x1E800] =	vst v63  }
0x4c: {  	_ =	swait.ge [sflag:s17], $0x4000  }
0x4d: {  	[sflag:s17] =	ssyncset.done $0x0  }
0x4e: {  	s0 =	sadd.s32 $0x1C100, s31;
	[sflag:s17] =	ssyncadd.s32 $0xFFFFC000  }
0x4f: {  	[tilespmem:s16], [sflag:$0x1] =	stream.indirect.gather [hbm4b:s4+s20], $0x80, s0, s20, $0xb8;
	[tilespmem:$0x1E800] =	vst v63  }
0x50: {  	_ =	swait.ge [sflag:s25], $0x4000  }
0x51: {  	[sflag:s25] =	ssyncset.done $0x0  }
.Ltmp0:
0x52: {  	s0 =	sadd.s32 $0x1D480, s31;
	[sflag:s25] =	ssyncadd.s32 $0xFFFFC000;
	(pc) =	sbr.rel @p0 .LBB2_2-.Ltmp0, $4  }
0x53: {  	[spmem:s1] =	stream.indirect.scatter.add.f32 [tilespmem:s22], [sflag:$0x3], $0x80, s0, s20, $0xb8;
	[tilespmem:$0x1E800] =	vst v63  }
0x54: {  	_ =	swait.ge [sflag:s17], $0x4000  }
0x55: {  	[sflag:s17] =	ssyncset.done $0x0  }
0x56: {  	s31 =	sadd.s32 $0x1C180, s31;
	[sflag:s17] =	ssyncadd.s32 $0xFFFFC000  }
0x57: {  	[tilespmem:s22], [sflag:$0x2] =	stream.indirect.gather [hbm4b:s4+s20], $0x80, s31, s20, $0xb8;
	[tilespmem:$0x1E800] =	vst v63  }
0x58: {  	_ =	swait.ge [sflag:s23], $0x4000  }
0x59: {  	[sflag:s23] =	ssyncset.done $0x0  }
0x5a: {  	[sflag:s23] =	ssyncadd.s32 $0xFFFFC000  }
0x5b: {  	[spmem:s1] =	stream.indirect.scatter.add.f32 [tilespmem:s16], [sflag:$0x3], $0x80, s26, s20, $0xb8;
	[tilespmem:$0x1E800] =	vst v63  }
0x5c: {  	_ =	swait.ge [sflag:s17], $0x4000  }
0x5d: {  	[sflag:s17] =	ssyncset.done $0x0  }
0x5e: {  	[sflag:s17] =	ssyncadd.s32 $0xFFFFC000  }
0x5f: {  	_ =	swait.ge [sflag:s25], $0x4000  }
0x60: {  	[sflag:s25] =	ssyncset.done $0x0  }
0x61: {  	[sflag:s25] =	ssyncadd.s32 $0xFFFFC000  }
0x62: {  	[spmem:s1] =	stream.indirect.scatter.add.f32 [tilespmem:s22], [sflag:$0x3], $0x80, s28, s20, $0xb8;
	[tilespmem:$0x1E800] =	vst v63  }
0x63: {  	_ =	swait.ge [sflag:s17], $0x4000  }
0x64: {  	[sflag:s17] =	ssyncset.done $0x0  }
0x65: {  	s0 =	simm.s32 $0x0;
	[sflag:s17] =	ssyncadd.s32 $0xFFFFC000  }
0x66: {  	[tilespmem:s18], [sflag:$0x3] =	stream.linear.gather [hbm4b:s9+s0], $0x1400, $0x38;
	[tilespmem:$0x1E800] =	vst v63  }
0x67: {  	_ =	swait.ge [sflag:s17], $0x1400  }
0x68: {  	[sflag:s17] =	ssyncset.done $0x0  }
0x69: {  	[sflag:s17] =	ssyncadd.s32 $0xFFFFEC00  }
0x6a: {  	[tilespmem:s19], [sflag:$0x3] =	stream.linear.gather [hbm4b:s10+s0], $0x1400, $0x38;
	[tilespmem:$0x1E800] =	vst v63  }
0x6b: {  	_ =	swait.ge [sflag:s17], $0x1400  }
0x6c: {  	[sflag:s17] =	ssyncset.done $0x0  }
0x6d: {  	[sflag:s17] =	ssyncadd.s32 $0xFFFFEC00  }
0x6e: {  	[tilespmem:s16], [sflag:$0x1] =	stream.indirect.gather [hbm4b:s4+s20], $0x80, s18, s20, $0xb8;
	[tilespmem:$0x1E800] =	vst v63  }
0x6f: {  	_ = 	snop  }
0x70: {  	[tilespmem:s22], [sflag:$0x2] =	stream.indirect.gather [hbm4b:s4+s20], $0x80, s21, s20, $0xb8;
	[tilespmem:$0x1E800] =	vst v63  }
0x71: {  	_ =	swait.ge [sflag:s23], $0x4000  }
0x72: {  	[sflag:s23] =	ssyncset.done $0x0  }
0x73: {  	s0 =	simm.s32 $0x1D400;
	[sflag:s23] =	ssyncadd.s32 $0xFFFFC000  }
0x74: {  	[spmem:s1] =	stream.indirect.scatter.add.f32 [tilespmem:s16], [sflag:$0x3], $0x80, s0, s20, $0xb8;
	[tilespmem:$0x1E800] =	vst v63  }
0x75: {  	_ =	swait.ge [sflag:s17], $0x4000  }
0x76: {  	[sflag:s17] =	ssyncset.done $0x0  }
0x77: {  	s0 =	simm.s32 $0x1C100;
	[sflag:s17] =	ssyncadd.s32 $0xFFFFC000  }
0x78: {  	[tilespmem:s16], [sflag:$0x1] =	stream.indirect.gather [hbm4b:s4+s20], $0x80, s0, s20, $0xb8;
	[tilespmem:$0x1E800] =	vst v63  }
0x79: {  	_ =	swait.ge [sflag:s25], $0x4000  }
0x7a: {  	[sflag:s25] =	ssyncset.done $0x0  }
0x7b: {  	s0 =	simm.s32 $0x1D480;
	[sflag:s25] =	ssyncadd.s32 $0xFFFFC000  }
0x7c: {  	[spmem:s1] =	stream.indirect.scatter.add.f32 [tilespmem:s22], [sflag:$0x3], $0x80, s0, s20, $0xb8;
	[tilespmem:$0x1E800] =	vst v63  }
0x7d: {  	_ =	swait.ge [sflag:s17], $0x4000  }
0x7e: {  	[sflag:s17] =	ssyncset.done $0x0  }
0x7f: {  	s30 =	simm.s32 $0x400;
	s31 =	simm.s32 $0x1C180;
	[sflag:s17] =	ssyncadd.s32 $0xFFFFC000  }
.LBB2_4:
0x80: {  	[tilespmem:s22], [sflag:$0x2] =	stream.indirect.gather [hbm4b:s4+s20], $0x80, s31, s20, $0xb8;
	[tilespmem:$0x1E800] =	vst v63  }
0x81: {  	s0 =	smov.u32 s30  }
0x82: {  	p0 =	sne.s32 s30, $0x4800;
	s30 =	sadd.s32 $0x400, s30;
	_ =	swait.ge [sflag:s23], $0x4000  }
0x83: {  	s0 =	sshra.s32 s0, $0x2;
	[sflag:s23] =	ssyncset.done $0x0  }
0x84: {  	s31 =	sadd.s32 $0x1D400, s0;
	[sflag:s23] =	ssyncadd.s32 $0xFFFFC000  }
0x85: {  	[spmem:s1] =	stream.indirect.scatter.add.f32 [tilespmem:s16], [sflag:$0x3], $0x80, s31, s20, $0xb8;
	[tilespmem:$0x1E800] =	vst v63  }
0x86: {  	_ =	swait.ge [sflag:s17], $0x4000  }
0x87: {  	[sflag:s17] =	ssyncset.done $0x0  }
0x88: {  	s31 =	sadd.s32 $0x1C100, s0;
	[sflag:s17] =	ssyncadd.s32 $0xFFFFC000  }
0x89: {  	[tilespmem:s16], [sflag:$0x1] =	stream.indirect.gather [hbm4b:s4+s20], $0x80, s31, s20, $0xb8;
	[tilespmem:$0x1E800] =	vst v63  }
0x8a: {  	_ =	swait.ge [sflag:s25], $0x4000  }
0x8b: {  	[sflag:s25] =	ssyncset.done $0x0  }
.Ltmp1:
0x8c: {  	s31 =	sadd.s32 $0x1D480, s0;
	[sflag:s25] =	ssyncadd.s32 $0xFFFFC000;
	(pc) =	sbr.rel @p0 .LBB2_4-.Ltmp1, $4  }
0x8d: {  	[spmem:s1] =	stream.indirect.scatter.add.f32 [tilespmem:s22], [sflag:$0x3], $0x80, s31, s20, $0xb8;
	[tilespmem:$0x1E800] =	vst v63  }
0x8e: {  	_ =	swait.ge [sflag:s17], $0x4000  }
0x8f: {  	[sflag:s17] =	ssyncset.done $0x0  }
0x90: {  	s31 =	sadd.s32 $0x1C180, s0;
	[sflag:s17] =	ssyncadd.s32 $0xFFFFC000  }
0x91: {  	[tilespmem:s22], [sflag:$0x2] =	stream.indirect.gather [hbm4b:s4+s20], $0x80, s31, s20, $0xb8;
	[tilespmem:$0x1E800] =	vst v63  }
0x92: {  	_ =	swait.ge [sflag:s23], $0x4000  }
0x93: {  	[sflag:s23] =	ssyncset.done $0x0  }
0x94: {  	[sflag:s23] =	ssyncadd.s32 $0xFFFFC000  }
0x95: {  	[spmem:s1] =	stream.indirect.scatter.add.f32 [tilespmem:s16], [sflag:$0x3], $0x80, s26, s20, $0xb8;
	[tilespmem:$0x1E800] =	vst v63  }
0x96: {  	_ =	swait.ge [sflag:s17], $0x4000  }
0x97: {  	[sflag:s17] =	ssyncset.done $0x0  }
0x98: {  	[sflag:s17] =	ssyncadd.s32 $0xFFFFC000  }
0x99: {  	_ =	swait.ge [sflag:s25], $0x4000  }
0x9a: {  	[sflag:s25] =	ssyncset.done $0x0  }
0x9b: {  	[sflag:s25] =	ssyncadd.s32 $0xFFFFC000  }
0x9c: {  	[spmem:s1] =	stream.indirect.scatter.add.f32 [tilespmem:s22], [sflag:$0x3], $0x80, s28, s20, $0xb8;
	[tilespmem:$0x1E800] =	vst v63  }
0x9d: {  	_ =	swait.ge [sflag:s17], $0x4000  }
0x9e: {  	s0 =	sshll.u32 s3, $0x6;
	s29 =	sadd.s32 $0x1, s29;
	[sflag:s17] =	ssyncset.done $0x0  }
0x9f: {  	s30 =	sshrl.u32 s6, $0x3;
	p0 =	sne.s32 s29, s11;
	[sflag:s17] =	ssyncadd.s32 $0xFFFFC000  }
.Ltmp2:
0xa0: {  	s0 =	sor.u32 $0x1C03, s0;
	[bflag:$0x0] =	sbarrier.arrive $0xFFFF;
	(pc) =	sbr.rel @p0 .LBB2_1-.Ltmp2, $4  }
0xa1: {  	[hbm:s24], [sflag:s0] =	dma.local [spmem:s30], $0x2800  }
0xa2: {  	_ =	swait.ge [sflag:s17], $0x2800  }
0xa3: {  	[sflag:s17] =	ssyncset.done $0x0  }
0xa4: {  	[sflag:s17] =	ssyncadd.s32 $0xFFFFD800  }
0xa5: {  	_ =	sfence.sel $0x180000  }
0xa6: {  	[bflag:$0x0] =	sbarrier.arrive $0xFFFF  }
0xa7: {  	_ =	strace $0x9000004A  }
0xa8: {  	[bflag:$0x2] =	sbarrier.arrive $0xFFFF  }
0xa9: {  	p0 =	sne.s32 s3, $0x0;
	s0 =	rddreg [dreg:$0x3]  }
0xaa: {  	s0 =	sadd.s32 @!p0 $0x100000, s0  }
0xab: {  	[sflag:s0] =	ssyncadd.tile.s32 @!p0 $0x1;
	_ =	shalt  }
.Lfunc_end2:
_tile_overlayer_lowered:
.L_overlay_start_2:
0xac: {  	(tag) =	ssettag $0x2  }
0xad: {  	s0 =	rddreg [dreg:$0x0];
	s2 =	stileid.u32  }
0xae: {  	s1 =	rddreg [dreg:$0x1];
	p0 =	sne.s32 s2, $0x0  }
0xaf: {  	s3 =	rddreg [dreg:$0x2];
	[bflag:$0x3] =	sbarrier.arrive $0xFFFF;
	s2 =	simm.s32 @!p0 $0x1C03  }
0xb0: {  	[timem:s3], [sflag:s2] =	dma.local @!p0 [hbm:s0], s1  }
0xb1: {  	s0 =	simm.s32 @!p0 $0x3  }
0xb2: {  	_ =	swait.ge @!p0 [sflag:s0], s1  }
0xb3: {  	s1 =	ssub.s32 @!p0 $0x0, s1;
	[sflag:s0] =	ssyncset.done @!p0 $0x0  }
0xb4: {  	[sflag:s0] =	ssyncadd.s32 @!p0 s1  }
0xb5: {  	[bflag:$0x3] =	sbarrier.arrive $0xFFFF  }
0xb6: {  	_ =	shalt  }

// kernel: kernel.15.cloned.1.call-start
scs
__scs_entry_jumppad:
0x0: {  	(pc) =	sbr.rel $0x88, $3  }
0x1: {  	(tag) =	ssettag $0x0;
	lr =	simm.s32 $0x1  }
0x2: {  	[smem:$0x3F9B] =	sst lr;
	_ =	strace $0xD0000000  }
0x3: {  	_ = 	snop  }
0x4: {  	_ = 	snop  }
0x5: {  	_ = 	snop  }
0x6: {  	_ = 	snop  }
0x7: {  	_ = 	snop  }
__scs_overlays_trampoline_lowered:
0x8: {  	[smem:$0x3FAA] =	sst s0  }
0x9: {  	[smem:$0x3FAB] =	sst s1  }
0xa: {  	[smem:$0x3FAC] =	sst s2  }
0xb: {  	[smem:$0x3FAD] =	sst s3  }
0xc: {  	[smem:$0x3FAE] =	sst s4  }
0xd: {  	[smem:$0x3FAF] =	sst s5  }
0xe: {  	[smem:$0x3FB0] =	sst s6  }
0xf: {  	[smem:$0x3FB1] =	sst s7  }
0x10: {  	[smem:$0x3FB2] =	sst s8  }
0x11: {  	[smem:$0x3FB3] =	sst s9;
	s0 =	simm.s32 @!p0 $0x0  }
0x12: {  	s1 =	sld [smem:$0x3F99];
	s0 =	simm.s32 @p0 $0x1  }
0x13: {  	[smem:$0x3FB4] =	sst s0;
	s0 =	simm.s32 @!p1 $0x0  }
0x14: {  	s2 =	sld [smem:$0x3F98];
	s0 =	simm.s32 @p1 $0x1  }
0x15: {  	[smem:$0x3FB5] =	sst s0;
	s0 =	simm.s32 @!p2 $0x0  }
0x16: {  	s3 =	sld [smem:$0x3FDB];
	s0 =	simm.s32 @p2 $0x1  }
0x17: {  	s4 =	simm.s32 $0x1BF5;
	[smem:$0x3FB7] =	sst s0  }
0x18: {  	s0 =	sld [smem:$0x3F9A];
	_ =	swait.ge [sflag:s4], $0x0  }
0x19: {  	s7 =	sld [smem:$0x3F9B]  }
0x1a: {  	s8 =	sadd.s32 $0xFFFFE003, lr  }
0x1b: {  	s9 =	sadd.s32 $0xFFFFFEF7, lr;
	s5 =	simm.s32 $0xFFFFFFFF;
	p2 =	slt.u32 s8, $0xFFFFF086  }
0x1c: {  	p1 =	slt.u32 s9, $0xF7A;
	s5 =	simm.s32 @!p2 $0x0  }
0x1d: {  	s5 =	simm.s32 @p1 $0x1;
	p0 =	seq.s32 s7, s2  }
0x1e: {  	s7 =	smul.u32 @!p0 $0xF7A, s2;
	p2 =	seq.s32 @!p0 s5, $0x0  }
0x1f: {  	s9 =	smul.u32 $0xF7A, s1;
	s8 =	simm.s32 @!p0 $0x1BF5;
	p2 =	por !p2, p0  }
0x20: {  	[sflag:s8] =	ssyncset.s32 @!p0 $0xFFFFF086;
	s6 =	sadd.s32 @!p0 s3, s7;
	s7 =	simm.s32 @!p0 $0x108  }
0x21: {  	s3 =	sadd.s32 s3, s9;
	s6 =	sadd.s32 @!p0 $0x88, s6;
	s7 =	simm.s32 @p2 $0x1082  }
0x22: {  	[simem:s7], [sflag:s8] =	dma.local @!p0 [hbm:s6], $0xF7A  }
0x23: {  	s9 =	sor.u32 $0xD0000000, s2;
	s6 =	simm.s32 $0x108;
	_ =	swait.ge @!p0 [sflag:s8], $0x0  }
0x24: {  	s3 =	sadd.s32 $0x88, s3;
	s6 =	simm.s32 @!p1 $0x1082;
	[sflag:s4] =	ssyncset.s32 $0xFFFFF086  }
0x25: {  	[simem:s6], [sflag:s4] =	dma.local [hbm:s3], $0xF7A  }
0x26: {  	[smem:$0x3F9B] =	sst s1;
	(tag) =	ssettag s2;
	_ =	strace s9  }
0x27: {  	s1 =	sld [smem:$0x3FAB]  }
0x28: {  	s2 =	sld [smem:$0x3FAC]  }
0x29: {  	s4 =	sld [smem:$0x3FAE]  }
0x2a: {  	p0 =	seq.s32 s5, $0x0;
	s5 =	sld [smem:$0x3FAF]  }
0x2b: {  	s6 =	sld [smem:$0x3FB0]  }
0x2c: {  	s7 =	sld [smem:$0x3FB1]  }
0x2d: {  	s3 =	simm.s32 $0x108;
	s8 =	sld [smem:$0x3FB2]  }
0x2e: {  	s3 =	simm.s32 @!p0 $0x1082;
	s9 =	sld [smem:$0x3FB3]  }
0x2f: {  	lr =	sadd.s32 s0, s3;
	s0 =	sld [smem:$0x3FAA]  }
0x30: {  	s3 =	sld [smem:$0x3FAD]  }
0x31: {  	[smem:$0x3FB6] =	sst s10  }
0x32: {  	s10 =	sld [smem:$0x3FB4];
	_ =	sdelay $0x3  }
0x33: {  	p0 =	seq.s32 s10, $0x1;
	s10 =	sld [smem:$0x3FB6];
	_ =	sdelay $0x3  }
0x34: {  	[smem:$0x3FB6] =	sst s10  }
0x35: {  	s10 =	sld [smem:$0x3FB5];
	_ =	sdelay $0x3  }
0x36: {  	p1 =	seq.s32 s10, $0x1;
	s10 =	sld [smem:$0x3FB6];
	_ =	sdelay $0x3  }
0x37: {  	[smem:$0x3FB6] =	sst s10  }
0x38: {  	s10 =	sld [smem:$0x3FB7]  }
0x39: {  	_ = 	snop;
	(pc) =	sbr.ind lr, $3  }
0x3a: {  	_ = 	snop  }
0x3b: {  	_ = 	snop  }
0x3c: {  	p2 =	seq.s32 s10, $0x1;
	s10 =	sld [smem:$0x3FB6]  }
0x3d: {  	_ =	shalt  }
0x3e: {  	_ =	shalt  }
0x3f: {  	_ =	shalt  }
0x40: {  	_ =	shalt  }
0x41: {  	_ =	shalt  }
0x42: {  	_ =	shalt  }
0x43: {  	_ =	shalt  }
0x44: {  	_ =	shalt  }
0x45: {  	_ =	shalt  }
0x46: {  	_ =	shalt  }
0x47: {  	_ =	shalt  }
0x48: {  	_ =	shalt  }
0x49: {  	_ =	shalt  }
0x4a: {  	_ =	shalt  }
0x4b: {  	_ =	shalt  }
0x4c: {  	_ =	shalt  }
0x4d: {  	_ =	shalt  }
0x4e: {  	_ =	shalt  }
0x4f: {  	_ =	shalt  }
0x50: {  	_ =	shalt  }
0x51: {  	_ =	shalt  }
0x52: {  	_ =	shalt  }
0x53: {  	_ =	shalt  }
0x54: {  	_ =	shalt  }
0x55: {  	_ =	shalt  }
0x56: {  	_ =	shalt  }
0x57: {  	_ =	shalt  }
0x58: {  	_ =	shalt  }
0x59: {  	_ =	shalt  }
0x5a: {  	_ =	shalt  }
0x5b: {  	_ =	shalt  }
0x5c: {  	_ =	shalt  }
0x5d: {  	_ =	shalt  }
0x5e: {  	_ =	shalt  }
0x5f: {  	_ =	shalt  }
0x60: {  	_ =	shalt  }
0x61: {  	_ =	shalt  }
0x62: {  	_ =	shalt  }
0x63: {  	_ =	shalt  }
0x64: {  	_ =	shalt  }
0x65: {  	_ =	shalt  }
0x66: {  	_ =	shalt  }
0x67: {  	_ =	shalt  }
0x68: {  	_ =	shalt  }
0x69: {  	_ =	shalt  }
0x6a: {  	_ =	shalt  }
0x6b: {  	_ =	shalt  }
0x6c: {  	_ =	shalt  }
0x6d: {  	_ =	shalt  }
0x6e: {  	_ =	shalt  }
0x6f: {  	_ =	shalt  }
0x70: {  	_ =	shalt  }
0x71: {  	_ =	shalt  }
0x72: {  	_ =	shalt  }
0x73: {  	_ =	shalt  }
0x74: {  	_ =	shalt  }
0x75: {  	_ =	shalt  }
0x76: {  	_ =	shalt  }
0x77: {  	_ =	shalt  }
0x78: {  	_ =	shalt  }
0x79: {  	_ =	shalt  }
0x7a: {  	_ =	shalt  }
0x7b: {  	_ =	shalt  }
0x7c: {  	_ =	shalt  }
0x7d: {  	_ =	shalt  }
0x7e: {  	_ =	shalt  }
0x7f: {  	_ =	shalt  }
0x80: {  	_ =	shalt  }
0x81: {  	_ =	shalt  }
0x82: {  	_ =	shalt  }
0x83: {  	_ =	shalt  }
0x84: {  	_ =	shalt  }
0x85: {  	_ =	shalt  }
0x86: {  	_ =	shalt  }
0x87: {  	_ =	shalt  }
.Lfunc_end0:
.L_simem_size_0:
called_computation.2_lowered:
.L_overlay_start_0:
0x88: {  	s2 =	sld [smem:$0x3FD9]  }
0x89: {  	s3 =	sld [smem:$0x3FFE];
	_ =	sdelay $0x1  }
0x8a: {  	s1 =	srdreg.scid  }
0x8b: {  	s0 =	sand.u32 $0x1, s1  }
0x8c: {  	s17 =	sshll.u32 s0, $0xA;
	s2 =	sadd.s32 s3, s2  }
0x8d: {  	s2 =	sadd.s32 s2, s17  }
0x8e: {  	[smem:$0x3FC2] =	sst s2  }
0x8f: {  	_ = 	snop  }
0x90: {  	s2 =	sld [smem:$0x3FD0];
	(tm) =	ssettm $0x1  }
0x91: {  	s18 =	sld [smem:$0x3FFB];
	_ =	sdelay $0x3  }
0x92: {  	_ =	strace s18  }
0x93: {  	s3 =	sld [smem:$0x3FFC];
	_ =	sdelay $0x3  }
0x94: {  	_ =	strace s3  }
0x95: {  	s3 =	sld [smem:$0x3FFD];
	_ =	sdelay $0x3  }
0x96: {  	_ =	strace s3  }
0x97: {  	_ =	strace $0x8FFFFFFF  }
0x98: {  	s19 =	sld [smem:$0x3FDB];
	_ =	sdelay $0x1  }
0x99: {  	s4 =	simm.s32 $_scs_section_size  }
0x9a: {  	s5 =	simm.s32 $_size__tile_overlayer_lowered;
	s6 =	simm.s32 $_tile_overlayer_lowered  }
0x9b: {  	s22 =	simm.s32 $0x1BFF;
	s21 =	sshll.u32 s6, $0x1;
	s3 =	sadd.s32 s4, s19  }
0x9c: {  	s7 =	simm.s32 $0x0;
	s20 =	sshll.u32 s5, $0x1;
	s5 =	sadd.s32 s21, s3  }
0x9d: {  	[timem:s7], [sflag:s22] =	dma.local [hbm:s5], s20  }
0x9e: {  	_ =	swait.ge [sflag:s22], s20  }
0x9f: {  	s4 =	ssub.s32 $0x0, s20;
	[sflag:s22] =	ssyncset.done $0x0  }
0xa0: {  	[sflag:s22] =	ssyncadd.s32 s4;
	_ =	sdelay $0x1  }
0xa1: {  	s23 =	simm.s32 $0x1B8B  }
0xa2: {  	_ =	swait.ge [sflag:s23], $0x1  }
0xa3: {  	[sflag:s23] =	ssyncset.done $0x0  }
0xa4: {  	s25 =	simm.s32 $0x1B8E;
	s24 =	sld [smem:$0x3FFE];
	[sflag:s23] =	ssyncadd.s32 $0xFFFFFFFF  }
0xa5: {  	s26 =	simm.s32 $execute0_lowered;
	[smem:$0x3FD2] =	sst s25  }
0xa6: {  	s5 =	sshll.u32 s26, $0x1;
	_ =	strace $0x8000004C;
	[dreg:$0x1] =	wrdreg $0xFFFFFFFF  }
0xa7: {  	s28 =	simm.s32 $_size_execute0_lowered;
	s3 =	sadd.s32 s3, s5;
	[dreg:$0x0] =	wrdreg $0x0  }
0xa8: {  	s5 =	sshll.u32 s28, $0x1;
	[dreg:$0x2] =	wrdreg s3  }
0xa9: {  	[dreg:$0x3] =	wrdreg s5  }
0xaa: {  	[dreg:$0x4] =	wrdreg $0xC0  }
0xab: {  	_ =	task [dreg:s7], $0x5FFFF  }
0xac: {  	[dreg:$0x1] =	wrdreg $0xFFFFFFFF  }
0xad: {  	[dreg:$0x0] =	wrdreg $0x60  }
0xae: {  	[dreg:$0x2] =	wrdreg s24  }
0xaf: {  	[dreg:$0x3] =	wrdreg s2  }
0xb0: {  	[dreg:$0x4] =	wrdreg $0x0  }
0xb1: {  	[dreg:$0x5] =	wrdreg $0x9  }
0xb2: {  	_ =	task.clear_ibuf [dreg:s7], $0x6FFFF;
	_ =	strace $0x9000004C  }
0xb3: {  	s29 =	simm.s32 $0x9;
	_ =	strace $0x8000004E  }
0xb4: {  	_ =	swait.ge [sflag:s29], $0x1  }
0xb5: {  	[sflag:s29] =	ssyncadd.s32 $0xFFFFFFFF  }
0xb6: {  	_ =	strace $0x9000004E  }
0xb7: {  	_ =	sfence  }
0xb8: {  	s30 =	sld [smem:$0x0];
	_ =	sdelay $0x2  }
0xb9: {  	s31 =	sshll.u32 s1, $0xD;
	s1 =	sshrl.u32 s1, $0x2  }
0xba: {  	s3 =	sand.u32 $0x4000, s31;
	s1 =	sadd.s32 s1, s30  }
0xbb: {  	s0 =	sor.u32 s3, s0;
	s1 =	sshll.u32 s1, $0x11  }
0xbc: {  	s0 =	sor.u32 s1, s0  }
0xbd: {  	s0 =	sadd.s32 $0x8F2B, s0  }
0xbe: {  	[sflag:s0] =	ssyncadd.remote.s32 $0x1  }
0xbf: {  	_ =	sfence.sel $0xFFFF  }
0xc0: {  	[dreg:$0x0] =	wrdreg $0xFFFFFFFF;
	(pc) =	sbr.abs _section_cstart, $3  }
0xc1: {  	[dreg:$0x1] =	wrdreg $0xFFFFFFFF  }
0xc2: {  	_ =	task.clear_ibuf [dreg:s7], $0x2FFFF;
	_ =	strace $0x9FFFFFFF  }
0xc3: {  	(tm) =	ssettm $0x7FFFFFFF  }
tec
execute0_lowered:
.L_overlay_start_1:
0x0: {  	(tag) =	ssettag $0x1  }
0x1: {  	s6 =	rddreg [dreg:$0x0]  }
0x2: {  	s9 =	rddreg [dreg:$0x1]  }
0x3: {  	s1 =	rddreg [dreg:$0x2];
	s2 =	simm.s32 $0x0;
	s3 =	srdreg.scid  }
0x4: {  	s16 =	simm.s32 $0x14000;
	s17 =	simm.s32 $0x3;
	s18 =	simm.s32 $0x1C000  }
0x5: {  	s19 =	simm.s32 $0x1D400;
	s20 =	simm.s32 $0x80;
	s21 =	simm.s32 $0x1C080  }
0x6: {  	s22 =	simm.s32 $0x18000;
	s23 =	simm.s32 $0x1;
	s28 =	simm.s32 $0x1E780  }
0x7: {  	s29 =	simm.s32 $0x0;
	[smem:$0x7FF] =	sst s2;
	s5 =	sand.u32 $0x1, s3  }
0x8: {  	s3 =	stileid.u32;
	s4 =	sadd.s32 $0xC400, s6;
	s11 =	sadd.s32 $0x2400, s6  }
0x9: {  	_ =	strace $0x8000004D;
	s7 =	smul.u32 $0x28000, s5;
	s8 =	sshll.u32 s5, $0x4  }
0xa: {  	s10 =	smul.u32 $0x50000, s3;
	s12 =	ssub.s32 $0x2, s5;
	s5 =	sadd.s32 $0x34400, s6  }
0xb: {  	s25 =	smul.u32 $0x2800, s3;
	s8 =	sor.u32 s3, s8;
	s26 =	sshrl.u32 s12, $0x1  }
0xc: {  	s13 =	smul.u32 $0x2800, s8;
	s14 =	sadd.s32 s7, s6;
	s30 =	sshrl.u32 s10, $0x2  }
0xd: {  	s8 =	smul.u32 $0x500, s8;
	s12 =	ssub.s32 s12, s26;
	s26 =	simm.s32 $0x1E700  }
0xe: {  	s6 =	sadd.s32 s30, s1;
	s24 =	sadd.s32 $0x34C00, s14;
	s31 =	sshrl.u32 s13, $0x3  }
0xf: {  	s7 =	sadd.s32 s9, s8;
	s8 =	sadd.s32 s11, s8;
	s13 =	sadd.s32 $0x8000, s6  }
0x10: {  	s14 =	sadd.s32 $0xC000, s6;
	s15 =	sadd.s32 $0x10000, s6;
	s10 =	sadd.s32 $0x280, s31  }
0x11: {  	s24 =	sadd.s32 s25, s24;
	s25 =	simm.s32 $0x2;
	s9 =	sadd.s32 s9, s10  }
0x12: {  	s10 =	sadd.s32 s11, s10;
	s11 =	smax.u32 s12, $0x1;
	s12 =	sadd.s32 $0x4000, s6  }
.LBB2_1:
0x13: {  	[tilespmem:s16], [sflag:$0x3] =	stream.linear.gather [hbm4b:s5+s2], $0x4000, $0x38;
	[tilespmem:$0x1E800] =	vst v63  }
0x14: {  	_ =	swait.ge [sflag:s17], $0x4000  }
0x15: {  	[sflag:s17] =	ssyncset.done $0x0  }
0x16: {  	[sflag:s17] =	ssyncadd.s32 $0xFFFFC000  }
0x17: {  	[spmem:s6] =	stream.linear.scatter [tilespmem:s16], [sflag:$0x3], $0x4000, $0x38;
	[tilespmem:$0x1E800] =	vst v63  }
0x18: {  	_ =	swait.ge [sflag:s17], $0x4000  }
0x19: {  	[sflag:s17] =	ssyncset.done $0x0  }
0x1a: {  	[sflag:s17] =	ssyncadd.s32 $0xFFFFC000  }
0x1b: {  	[spmem:s12] =	stream.linear.scatter [tilespmem:s16], [sflag:$0x3], $0x4000, $0x38;
	[tilespmem:$0x1E800] =	vst v63  }
0x1c: {  	_ =	swait.ge [sflag:s17], $0x4000  }
0x1d: {  	[sflag:s17] =	ssyncset.done $0x0  }
0x1e: {  	[sflag:s17] =	ssyncadd.s32 $0xFFFFC000  }
0x1f: {  	[spmem:s13] =	stream.linear.scatter [tilespmem:s16], [sflag:$0x3], $0x4000, $0x38;
	[tilespmem:$0x1E800] =	vst v63  }
0x20: {  	_ =	swait.ge [sflag:s17], $0x4000  }
0x21: {  	[sflag:s17] =	ssyncset.done $0x0  }
0x22: {  	[sflag:s17] =	ssyncadd.s32 $0xFFFFC000  }
0x23: {  	[spmem:s14] =	stream.linear.scatter [tilespmem:s16], [sflag:$0x3], $0x4000, $0x38;
	[tilespmem:$0x1E800] =	vst v63  }
0x24: {  	_ =	swait.ge [sflag:s17], $0x4000  }
0x25: {  	[sflag:s17] =	ssyncset.done $0x0  }
0x26: {  	[sflag:s17] =	ssyncadd.s32 $0xFFFFC000  }
0x27: {  	[spmem:s15] =	stream.linear.scatter [tilespmem:s16], [sflag:$0x3], $0x4000, $0x38;
	[tilespmem:$0x1E800] =	vst v63  }
0x28: {  	_ =	swait.ge [sflag:s17], $0x4000  }
0x29: {  	[sflag:s17] =	ssyncset.done $0x0  }
0x2a: {  	[sflag:s17] =	ssyncadd.s32 $0xFFFFC000  }
0x2b: {  	[bflag:$0x0] =	sbarrier.arrive $0xFFFF  }
0x2c: {  	[tilespmem:s18], [sflag:$0x3] =	stream.linear.gather [hbm4b:s7+s2], $0x1400, $0x38;
	[tilespmem:$0x1E800] =	vst v63  }
0x2d: {  	_ =	swait.ge [sflag:s17], $0x1400  }
0x2e: {  	[sflag:s17] =	ssyncset.done $0x0  }
0x2f: {  	[sflag:s17] =	ssyncadd.s32 $0xFFFFEC00  }
0x30: {  	[tilespmem:s19], [sflag:$0x3] =	stream.linear.gather [hbm4b:s8+s2], $0x1400, $0x38;
	[tilespmem:$0x1E800] =	vst v63  }
0x31: {  	_ =	swait.ge [sflag:s17], $0x1400  }
0x32: {  	[sflag:s17] =	ssyncset.done $0x0  }
0x33: {  	[sflag:s17] =	ssyncadd.s32 $0xFFFFEC00  }
0x34: {  	[tilespmem:s16], [sflag:$0x1] =	stream.indirect.gather [hbm4b:s4+s20], $0x80, s18, s20, $0xb8;
	[tilespmem:$0x1E800] =	vst v63  }
0x35: {  	_ = 	snop  }
0x36: {  	[tilespmem:s22], [sflag:$0x2] =	stream.indirect.gather [hbm4b:s4+s20], $0x80, s21, s20, $0xb8;
	[tilespmem:$0x1E800] =	vst v63  }
0x37: {  	_ =	swait.ge [sflag:s23], $0x4000  }
0x38: {  	[sflag:s23] =	ssyncset.done $0x0  }
0x39: {  	s30 =	simm.s32 $0x1D400;
	[sflag:s23] =	ssyncadd.s32 $0xFFFFC000  }
0x3a: {  	[spmem:s1] =	stream.indirect.scatter.add.f32 [tilespmem:s16], [sflag:$0x3], $0x80, s30, s20, $0xb8;
	[tilespmem:$0x1E800] =	vst v63  }
0x3b: {  	_ =	swait.ge [sflag:s17], $0x4000  }
0x3c: {  	[sflag:s17] =	ssyncset.done $0x0  }
0x3d: {  	s30 =	simm.s32 $0x1C100;
	[sflag:s17] =	ssyncadd.s32 $0xFFFFC000  }
0x3e: {  	[tilespmem:s16], [sflag:$0x1] =	stream.indirect.gather [hbm4b:s4+s20], $0x80, s30, s20, $0xb8;
	[tilespmem:$0x1E800] =	vst v63  }
0x3f: {  	_ =	swait.ge [sflag:s25], $0x4000  }
0x40: {  	[sflag:s25] =	ssyncset.done $0x0  }
0x41: {  	s30 =	simm.s32 $0x1D480;
	[sflag:s25] =	ssyncadd.s32 $0xFFFFC000  }
0x42: {  	[spmem:s1] =	stream.indirect.scatter.add.f32 [tilespmem:s22], [sflag:$0x3], $0x80, s30, s20, $0xb8;
	[tilespmem:$0x1E800] =	vst v63  }
0x43: {  	_ =	swait.ge [sflag:s17], $0x4000  }
0x44: {  	[sflag:s17] =	ssyncset.done $0x0  }
0x45: {  	s31 =	simm.s32 $0x1C180;
	s30 =	simm.s32 $0x400;
	[sflag:s17] =	ssyncadd.s32 $0xFFFFC000  }
.LBB2_2:
0x46: {  	[tilespmem:s22], [sflag:$0x2] =	stream.indirect.gather [hbm4b:s4+s20], $0x80, s31, s20, $0xb8;
	[tilespmem:$0x1E800] =	vst v63  }
0x47: {  	s31 =	smov.u32 s30  }
0x48: {  	p0 =	sne.s32 s30, $0x4800;
	s30 =	sadd.s32 $0x400, s30;
	_ =	swait.ge [sflag:s23], $0x4000  }
0x49: {  	s31 =	sshra.s32 s31, $0x2;
	[sflag:s23] =	ssyncset.done $0x0  }
0x4a: {  	s0 =	sadd.s32 $0x1D400, s31;
	[sflag:s23] =	ssyncadd.s32 $0xFFFFC000  }
0x4b: {  	[spmem:s1] =	stream.indirect.scatter.add.f32 [tilespmem:s16], [sflag:$0x3], $0x80, s0, s20, $0xb8;
	[tilespmem:$0x1E800] =	vst v63  }
0x4c: {  	_ =	swait.ge [sflag:s17], $0x4000  }
0x4d: {  	[sflag:s17] =	ssyncset.done $0x0  }
0x4e: {  	s0 =	sadd.s32 $0x1C100, s31;
	[sflag:s17] =	ssyncadd.s32 $0xFFFFC000  }
0x4f: {  	[tilespmem:s16], [sflag:$0x1] =	stream.indirect.gather [hbm4b:s4+s20], $0x80, s0, s20, $0xb8;
	[tilespmem:$0x1E800] =	vst v63  }
0x50: {  	_ =	swait.ge [sflag:s25], $0x4000  }
0x51: {  	[sflag:s25] =	ssyncset.done $0x0  }
.Ltmp0:
0x52: {  	s0 =	sadd.s32 $0x1D480, s31;
	[sflag:s25] =	ssyncadd.s32 $0xFFFFC000;
	(pc) =	sbr.rel @p0 .LBB2_2-.Ltmp0, $4  }
0x53: {  	[spmem:s1] =	stream.indirect.scatter.add.f32 [tilespmem:s22], [sflag:$0x3], $0x80, s0, s20, $0xb8;
	[tilespmem:$0x1E800] =	vst v63  }
0x54: {  	_ =	swait.ge [sflag:s17], $0x4000  }
0x55: {  	[sflag:s17] =	ssyncset.done $0x0  }
0x56: {  	s31 =	sadd.s32 $0x1C180, s31;
	[sflag:s17] =	ssyncadd.s32 $0xFFFFC000  }
0x57: {  	[tilespmem:s22], [sflag:$0x2] =	stream.indirect.gather [hbm4b:s4+s20], $0x80, s31, s20, $0xb8;
	[tilespmem:$0x1E800] =	vst v63  }
0x58: {  	_ =	swait.ge [sflag:s23], $0x4000  }
0x59: {  	[sflag:s23] =	ssyncset.done $0x0  }
0x5a: {  	[sflag:s23] =	ssyncadd.s32 $0xFFFFC000  }
0x5b: {  	[spmem:s1] =	stream.indirect.scatter.add.f32 [tilespmem:s16], [sflag:$0x3], $0x80, s26, s20, $0xb8;
	[tilespmem:$0x1E800] =	vst v63  }
0x5c: {  	_ =	swait.ge [sflag:s17], $0x4000  }
0x5d: {  	[sflag:s17] =	ssyncset.done $0x0  }
0x5e: {  	[sflag:s17] =	ssyncadd.s32 $0xFFFFC000  }
0x5f: {  	_ =	swait.ge [sflag:s25], $0x4000  }
0x60: {  	[sflag:s25] =	ssyncset.done $0x0  }
0x61: {  	[sflag:s25] =	ssyncadd.s32 $0xFFFFC000  }
0x62: {  	[spmem:s1] =	stream.indirect.scatter.add.f32 [tilespmem:s22], [sflag:$0x3], $0x80, s28, s20, $0xb8;
	[tilespmem:$0x1E800] =	vst v63  }
0x63: {  	_ =	swait.ge [sflag:s17], $0x4000  }
0x64: {  	[sflag:s17] =	ssyncset.done $0x0  }
0x65: {  	s0 =	simm.s32 $0x0;
	[sflag:s17] =	ssyncadd.s32 $0xFFFFC000  }
0x66: {  	[tilespmem:s18], [sflag:$0x3] =	stream.linear.gather [hbm4b:s9+s0], $0x1400, $0x38;
	[tilespmem:$0x1E800] =	vst v63  }
0x67: {  	_ =	swait.ge [sflag:s17], $0x1400  }
0x68: {  	[sflag:s17] =	ssyncset.done $0x0  }
0x69: {  	[sflag:s17] =	ssyncadd.s32 $0xFFFFEC00  }
0x6a: {  	[tilespmem:s19], [sflag:$0x3] =	stream.linear.gather [hbm4b:s10+s0], $0x1400, $0x38;
	[tilespmem:$0x1E800] =	vst v63  }
0x6b: {  	_ =	swait.ge [sflag:s17], $0x1400  }
0x6c: {  	[sflag:s17] =	ssyncset.done $0x0  }
0x6d: {  	[sflag:s17] =	ssyncadd.s32 $0xFFFFEC00  }
0x6e: {  	[tilespmem:s16], [sflag:$0x1] =	stream.indirect.gather [hbm4b:s4+s20], $0x80, s18, s20, $0xb8;
	[tilespmem:$0x1E800] =	vst v63  }
0x6f: {  	_ = 	snop  }
0x70: {  	[tilespmem:s22], [sflag:$0x2] =	stream.indirect.gather [hbm4b:s4+s20], $0x80, s21, s20, $0xb8;
	[tilespmem:$0x1E800] =	vst v63  }
0x71: {  	_ =	swait.ge [sflag:s23], $0x4000  }
0x72: {  	[sflag:s23] =	ssyncset.done $0x0  }
0x73: {  	s0 =	simm.s32 $0x1D400;
	[sflag:s23] =	ssyncadd.s32 $0xFFFFC000  }
0x74: {  	[spmem:s1] =	stream.indirect.scatter.add.f32 [tilespmem:s16], [sflag:$0x3], $0x80, s0, s20, $0xb8;
	[tilespmem:$0x1E800] =	vst v63  }
0x75: {  	_ =	swait.ge [sflag:s17], $0x4000  }
0x76: {  	[sflag:s17] =	ssyncset.done $0x0  }
0x77: {  	s0 =	simm.s32 $0x1C100;
	[sflag:s17] =	ssyncadd.s32 $0xFFFFC000  }
0x78: {  	[tilespmem:s16], [sflag:$0x1] =	stream.indirect.gather [hbm4b:s4+s20], $0x80, s0, s20, $0xb8;
	[tilespmem:$0x1E800] =	vst v63  }
0x79: {  	_ =	swait.ge [sflag:s25], $0x4000  }
0x7a: {  	[sflag:s25] =	ssyncset.done $0x0  }
0x7b: {  	s0 =	simm.s32 $0x1D480;
	[sflag:s25] =	ssyncadd.s32 $0xFFFFC000  }
0x7c: {  	[spmem:s1] =	stream.indirect.scatter.add.f32 [tilespmem:s22], [sflag:$0x3], $0x80, s0, s20, $0xb8;
	[tilespmem:$0x1E800] =	vst v63  }
0x7d: {  	_ =	swait.ge [sflag:s17], $0x4000  }
0x7e: {  	[sflag:s17] =	ssyncset.done $0x0  }
0x7f: {  	s30 =	simm.s32 $0x400;
	s31 =	simm.s32 $0x1C180;
	[sflag:s17] =	ssyncadd.s32 $0xFFFFC000  }
.LBB2_4:
0x80: {  	[tilespmem:s22], [sflag:$0x2] =	stream.indirect.gather [hbm4b:s4+s20], $0x80, s31, s20, $0xb8;
	[tilespmem:$0x1E800] =	vst v63  }
0x81: {  	s0 =	smov.u32 s30  }
0x82: {  	p0 =	sne.s32 s30, $0x4800;
	s30 =	sadd.s32 $0x400, s30;
	_ =	swait.ge [sflag:s23], $0x4000  }
0x83: {  	s0 =	sshra.s32 s0, $0x2;
	[sflag:s23] =	ssyncset.done $0x0  }
0x84: {  	s31 =	sadd.s32 $0x1D400, s0;
	[sflag:s23] =	ssyncadd.s32 $0xFFFFC000  }
0x85: {  	[spmem:s1] =	stream.indirect.scatter.add.f32 [tilespmem:s16], [sflag:$0x3], $0x80, s31, s20, $0xb8;
	[tilespmem:$0x1E800] =	vst v63  }
0x86: {  	_ =	swait.ge [sflag:s17], $0x4000  }
0x87: {  	[sflag:s17] =	ssyncset.done $0x0  }
0x88: {  	s31 =	sadd.s32 $0x1C100, s0;
	[sflag:s17] =	ssyncadd.s32 $0xFFFFC000  }
0x89: {  	[tilespmem:s16], [sflag:$0x1] =	stream.indirect.gather [hbm4b:s4+s20], $0x80, s31, s20, $0xb8;
	[tilespmem:$0x1E800] =	vst v63  }
0x8a: {  	_ =	swait.ge [sflag:s25], $0x4000  }
0x8b: {  	[sflag:s25] =	ssyncset.done $0x0  }
.Ltmp1:
0x8c: {  	s31 =	sadd.s32 $0x1D480, s0;
	[sflag:s25] =	ssyncadd.s32 $0xFFFFC000;
	(pc) =	sbr.rel @p0 .LBB2_4-.Ltmp1, $4  }
0x8d: {  	[spmem:s1] =	stream.indirect.scatter.add.f32 [tilespmem:s22], [sflag:$0x3], $0x80, s31, s20, $0xb8;
	[tilespmem:$0x1E800] =	vst v63  }
0x8e: {  	_ =	swait.ge [sflag:s17], $0x4000  }
0x8f: {  	[sflag:s17] =	ssyncset.done $0x0  }
0x90: {  	s31 =	sadd.s32 $0x1C180, s0;
	[sflag:s17] =	ssyncadd.s32 $0xFFFFC000  }
0x91: {  	[tilespmem:s22], [sflag:$0x2] =	stream.indirect.gather [hbm4b:s4+s20], $0x80, s31, s20, $0xb8;
	[tilespmem:$0x1E800] =	vst v63  }
0x92: {  	_ =	swait.ge [sflag:s23], $0x4000  }
0x93: {  	[sflag:s23] =	ssyncset.done $0x0  }
0x94: {  	[sflag:s23] =	ssyncadd.s32 $0xFFFFC000  }
0x95: {  	[spmem:s1] =	stream.indirect.scatter.add.f32 [tilespmem:s16], [sflag:$0x3], $0x80, s26, s20, $0xb8;
	[tilespmem:$0x1E800] =	vst v63  }
0x96: {  	_ =	swait.ge [sflag:s17], $0x4000  }
0x97: {  	[sflag:s17] =	ssyncset.done $0x0  }
0x98: {  	[sflag:s17] =	ssyncadd.s32 $0xFFFFC000  }
0x99: {  	_ =	swait.ge [sflag:s25], $0x4000  }
0x9a: {  	[sflag:s25] =	ssyncset.done $0x0  }
0x9b: {  	[sflag:s25] =	ssyncadd.s32 $0xFFFFC000  }
0x9c: {  	[spmem:s1] =	stream.indirect.scatter.add.f32 [tilespmem:s22], [sflag:$0x3], $0x80, s28, s20, $0xb8;
	[tilespmem:$0x1E800] =	vst v63  }
0x9d: {  	_ =	swait.ge [sflag:s17], $0x4000  }
0x9e: {  	s0 =	sshll.u32 s3, $0x6;
	s29 =	sadd.s32 $0x1, s29;
	[sflag:s17] =	ssyncset.done $0x0  }
0x9f: {  	s30 =	sshrl.u32 s6, $0x3;
	p0 =	sne.s32 s29, s11;
	[sflag:s17] =	ssyncadd.s32 $0xFFFFC000  }
.Ltmp2:
0xa0: {  	s0 =	sor.u32 $0x1C03, s0;
	[bflag:$0x0] =	sbarrier.arrive $0xFFFF;
	(pc) =	sbr.rel @p0 .LBB2_1-.Ltmp2, $4  }
0xa1: {  	[hbm:s24], [sflag:s0] =	dma.local [spmem:s30], $0x2800  }
0xa2: {  	_ =	swait.ge [sflag:s17], $0x2800  }
0xa3: {  	[sflag:s17] =	ssyncset.done $0x0  }
0xa4: {  	[sflag:s17] =	ssyncadd.s32 $0xFFFFD800  }
0xa5: {  	_ =	sfence.sel $0x180000  }
0xa6: {  	[bflag:$0x0] =	sbarrier.arrive $0xFFFF  }
0xa7: {  	_ =	strace $0x9000004D  }
0xa8: {  	[bflag:$0x2] =	sbarrier.arrive $0xFFFF  }
0xa9: {  	p0 =	sne.s32 s3, $0x0;
	s0 =	rddreg [dreg:$0x3]  }
0xaa: {  	s0 =	sadd.s32 @!p0 $0x100000, s0  }
0xab: {  	[sflag:s0] =	ssyncadd.tile.s32 @!p0 $0x1;
	_ =	shalt  }
.Lfunc_end2:
_tile_overlayer_lowered:
.L_overlay_start_2:
0xac: {  	(tag) =	ssettag $0x2  }
0xad: {  	s0 =	rddreg [dreg:$0x0];
	s2 =	stileid.u32  }
0xae: {  	s1 =	rddreg [dreg:$0x1];
	p0 =	sne.s32 s2, $0x0  }
0xaf: {  	s3 =	rddreg [dreg:$0x2];
	[bflag:$0x3] =	sbarrier.arrive $0xFFFF;
	s2 =	simm.s32 @!p0 $0x1C03  }
0xb0: {  	[timem:s3], [sflag:s2] =	dma.local @!p0 [hbm:s0], s1  }
0xb1: {  	s0 =	simm.s32 @!p0 $0x3  }
0xb2: {  	_ =	swait.ge @!p0 [sflag:s0], s1  }
0xb3: {  	s1 =	ssub.s32 @!p0 $0x0, s1;
	[sflag:s0] =	ssyncset.done @!p0 $0x0  }
0xb4: {  	[sflag:s0] =	ssyncadd.s32 @!p0 s1  }
0xb5: {  	[bflag:$0x3] =	sbarrier.arrive $0xFFFF  }
0xb6: {  	_ =	shalt  }

// kernel: kernel.9.cloned.1.call-start
scs
__scs_entry_jumppad:
0x0: {  	(pc) =	sbr.rel $0x88, $3  }
0x1: {  	(tag) =	ssettag $0x0;
	lr =	simm.s32 $0x1  }
0x2: {  	[smem:$0x3F9B] =	sst lr;
	_ =	strace $0xD0000000  }
0x3: {  	_ = 	snop  }
0x4: {  	_ = 	snop  }
0x5: {  	_ = 	snop  }
0x6: {  	_ = 	snop  }
0x7: {  	_ = 	snop  }
__scs_overlays_trampoline_lowered:
0x8: {  	[smem:$0x3FAA] =	sst s0  }
0x9: {  	[smem:$0x3FAB] =	sst s1  }
0xa: {  	[smem:$0x3FAC] =	sst s2  }
0xb: {  	[smem:$0x3FAD] =	sst s3  }
0xc: {  	[smem:$0x3FAE] =	sst s4  }
0xd: {  	[smem:$0x3FAF] =	sst s5  }
0xe: {  	[smem:$0x3FB0] =	sst s6  }
0xf: {  	[smem:$0x3FB1] =	sst s7  }
0x10: {  	[smem:$0x3FB2] =	sst s8  }
0x11: {  	[smem:$0x3FB3] =	sst s9;
	s0 =	simm.s32 @!p0 $0x0  }
0x12: {  	s1 =	sld [smem:$0x3F99];
	s0 =	simm.s32 @p0 $0x1  }
0x13: {  	[smem:$0x3FB4] =	sst s0;
	s0 =	simm.s32 @!p1 $0x0  }
0x14: {  	s2 =	sld [smem:$0x3F98];
	s0 =	simm.s32 @p1 $0x1  }
0x15: {  	[smem:$0x3FB5] =	sst s0;
	s0 =	simm.s32 @!p2 $0x0  }
0x16: {  	s3 =	sld [smem:$0x3FDB];
	s0 =	simm.s32 @p2 $0x1  }
0x17: {  	s4 =	simm.s32 $0x1BF5;
	[smem:$0x3FB7] =	sst s0  }
0x18: {  	s0 =	sld [smem:$0x3F9A];
	_ =	swait.ge [sflag:s4], $0x0  }
0x19: {  	s7 =	sld [smem:$0x3F9B]  }
0x1a: {  	s8 =	sadd.s32 $0xFFFFE003, lr  }
0x1b: {  	s9 =	sadd.s32 $0xFFFFFEF7, lr;
	s5 =	simm.s32 $0xFFFFFFFF;
	p2 =	slt.u32 s8, $0xFFFFF086  }
0x1c: {  	p1 =	slt.u32 s9, $0xF7A;
	s5 =	simm.s32 @!p2 $0x0  }
0x1d: {  	s5 =	simm.s32 @p1 $0x1;
	p0 =	seq.s32 s7, s2  }
0x1e: {  	s7 =	smul.u32 @!p0 $0xF7A, s2;
	p2 =	seq.s32 @!p0 s5, $0x0  }
0x1f: {  	s9 =	smul.u32 $0xF7A, s1;
	s8 =	simm.s32 @!p0 $0x1BF5;
	p2 =	por !p2, p0  }
0x20: {  	[sflag:s8] =	ssyncset.s32 @!p0 $0xFFFFF086;
	s6 =	sadd.s32 @!p0 s3, s7;
	s7 =	simm.s32 @!p0 $0x108  }
0x21: {  	s3 =	sadd.s32 s3, s9;
	s6 =	sadd.s32 @!p0 $0x88, s6;
	s7 =	simm.s32 @p2 $0x1082  }
0x22: {  	[simem:s7], [sflag:s8] =	dma.local @!p0 [hbm:s6], $0xF7A  }
0x23: {  	s9 =	sor.u32 $0xD0000000, s2;
	s6 =	simm.s32 $0x108;
	_ =	swait.ge @!p0 [sflag:s8], $0x0  }
0x24: {  	s3 =	sadd.s32 $0x88, s3;
	s6 =	simm.s32 @!p1 $0x1082;
	[sflag:s4] =	ssyncset.s32 $0xFFFFF086  }
0x25: {  	[simem:s6], [sflag:s4] =	dma.local [hbm:s3], $0xF7A  }
0x26: {  	[smem:$0x3F9B] =	sst s1;
	(tag) =	ssettag s2;
	_ =	strace s9  }
0x27: {  	s1 =	sld [smem:$0x3FAB]  }
0x28: {  	s2 =	sld [smem:$0x3FAC]  }
0x29: {  	s4 =	sld [smem:$0x3FAE]  }
0x2a: {  	p0 =	seq.s32 s5, $0x0;
	s5 =	sld [smem:$0x3FAF]  }
0x2b: {  	s6 =	sld [smem:$0x3FB0]  }
0x2c: {  	s7 =	sld [smem:$0x3FB1]  }
0x2d: {  	s3 =	simm.s32 $0x108;
	s8 =	sld [smem:$0x3FB2]  }
0x2e: {  	s3 =	simm.s32 @!p0 $0x1082;
	s9 =	sld [smem:$0x3FB3]  }
0x2f: {  	lr =	sadd.s32 s0, s3;
	s0 =	sld [smem:$0x3FAA]  }
0x30: {  	s3 =	sld [smem:$0x3FAD]  }
0x31: {  	[smem:$0x3FB6] =	sst s10  }
0x32: {  	s10 =	sld [smem:$0x3FB4];
	_ =	sdelay $0x3  }
0x33: {  	p0 =	seq.s32 s10, $0x1;
	s10 =	sld [smem:$0x3FB6];
	_ =	sdelay $0x3  }
0x34: {  	[smem:$0x3FB6] =	sst s10  }
0x35: {  	s10 =	sld [smem:$0x3FB5];
	_ =	sdelay $0x3  }
0x36: {  	p1 =	seq.s32 s10, $0x1;
	s10 =	sld [smem:$0x3FB6];
	_ =	sdelay $0x3  }
0x37: {  	[smem:$0x3FB6] =	sst s10  }
0x38: {  	s10 =	sld [smem:$0x3FB7]  }
0x39: {  	_ = 	snop;
	(pc) =	sbr.ind lr, $3  }
0x3a: {  	_ = 	snop  }
0x3b: {  	_ = 	snop  }
0x3c: {  	p2 =	seq.s32 s10, $0x1;
	s10 =	sld [smem:$0x3FB6]  }
0x3d: {  	_ =	shalt  }
0x3e: {  	_ =	shalt  }
0x3f: {  	_ =	shalt  }
0x40: {  	_ =	shalt  }
0x41: {  	_ =	shalt  }
0x42: {  	_ =	shalt  }
0x43: {  	_ =	shalt  }
0x44: {  	_ =	shalt  }
0x45: {  	_ =	shalt  }
0x46: {  	_ =	shalt  }
0x47: {  	_ =	shalt  }
0x48: {  	_ =	shalt  }
0x49: {  	_ =	shalt  }
0x4a: {  	_ =	shalt  }
0x4b: {  	_ =	shalt  }
0x4c: {  	_ =	shalt  }
0x4d: {  	_ =	shalt  }
0x4e: {  	_ =	shalt  }
0x4f: {  	_ =	shalt  }
0x50: {  	_ =	shalt  }
0x51: {  	_ =	shalt  }
0x52: {  	_ =	shalt  }
0x53: {  	_ =	shalt  }
0x54: {  	_ =	shalt  }
0x55: {  	_ =	shalt  }
0x56: {  	_ =	shalt  }
0x57: {  	_ =	shalt  }
0x58: {  	_ =	shalt  }
0x59: {  	_ =	shalt  }
0x5a: {  	_ =	shalt  }
0x5b: {  	_ =	shalt  }
0x5c: {  	_ =	shalt  }
0x5d: {  	_ =	shalt  }
0x5e: {  	_ =	shalt  }
0x5f: {  	_ =	shalt  }
0x60: {  	_ =	shalt  }
0x61: {  	_ =	shalt  }
0x62: {  	_ =	shalt  }
0x63: {  	_ =	shalt  }
0x64: {  	_ =	shalt  }
0x65: {  	_ =	shalt  }
0x66: {  	_ =	shalt  }
0x67: {  	_ =	shalt  }
0x68: {  	_ =	shalt  }
0x69: {  	_ =	shalt  }
0x6a: {  	_ =	shalt  }
0x6b: {  	_ =	shalt  }
0x6c: {  	_ =	shalt  }
0x6d: {  	_ =	shalt  }
0x6e: {  	_ =	shalt  }
0x6f: {  	_ =	shalt  }
0x70: {  	_ =	shalt  }
0x71: {  	_ =	shalt  }
0x72: {  	_ =	shalt  }
0x73: {  	_ =	shalt  }
0x74: {  	_ =	shalt  }
0x75: {  	_ =	shalt  }
0x76: {  	_ =	shalt  }
0x77: {  	_ =	shalt  }
0x78: {  	_ =	shalt  }
0x79: {  	_ =	shalt  }
0x7a: {  	_ =	shalt  }
0x7b: {  	_ =	shalt  }
0x7c: {  	_ =	shalt  }
0x7d: {  	_ =	shalt  }
0x7e: {  	_ =	shalt  }
0x7f: {  	_ =	shalt  }
0x80: {  	_ =	shalt  }
0x81: {  	_ =	shalt  }
0x82: {  	_ =	shalt  }
0x83: {  	_ =	shalt  }
0x84: {  	_ =	shalt  }
0x85: {  	_ =	shalt  }
0x86: {  	_ =	shalt  }
0x87: {  	_ =	shalt  }
.Lfunc_end0:
.L_simem_size_0:
called_computation_lowered:
.L_overlay_start_0:
0x88: {  	s2 =	sld [smem:$0x3FD9]  }
0x89: {  	s3 =	sld [smem:$0x3FFE];
	_ =	sdelay $0x1  }
0x8a: {  	s1 =	srdreg.scid  }
0x8b: {  	s0 =	sand.u32 $0x1, s1  }
0x8c: {  	s16 =	sshll.u32 s0, $0xA;
	s2 =	sadd.s32 s3, s2  }
0x8d: {  	s2 =	sadd.s32 s2, s16  }
0x8e: {  	[smem:$0x3FC2] =	sst s2  }
0x8f: {  	_ = 	snop  }
0x90: {  	(tm) =	ssettm $0x1  }
0x91: {  	s17 =	sld [smem:$0x3FFB];
	_ =	sdelay $0x3  }
0x92: {  	_ =	strace s17  }
0x93: {  	s2 =	sld [smem:$0x3FFC];
	_ =	sdelay $0x3  }
0x94: {  	_ =	strace s2  }
0x95: {  	s2 =	sld [smem:$0x3FFD];
	_ =	sdelay $0x3  }
0x96: {  	_ =	strace s2  }
0x97: {  	_ =	strace $0x8FFFFFFF  }
0x98: {  	s18 =	sld [smem:$0x3FDB];
	_ =	sdelay $0x1  }
0x99: {  	s19 =	simm.s32 $_scs_section_size  }
0x9a: {  	s4 =	simm.s32 $_size__tile_overlayer_lowered;
	s5 =	simm.s32 $_tile_overlayer_lowered  }
0x9b: {  	s22 =	simm.s32 $0x1BFF;
	s21 =	sshll.u32 s5, $0x1;
	s2 =	sadd.s32 s19, s18  }
0x9c: {  	s6 =	simm.s32 $0x0;
	s20 =	sshll.u32 s4, $0x1;
	s4 =	sadd.s32 s21, s2  }
0x9d: {  	[timem:s6], [sflag:s22] =	dma.local [hbm:s4], s20  }
0x9e: {  	_ =	swait.ge [sflag:s22], s20  }
0x9f: {  	s3 =	ssub.s32 $0x0, s20;
	[sflag:s22] =	ssyncset.done $0x0  }
0xa0: {  	[sflag:s22] =	ssyncadd.s32 s3;
	_ =	sdelay $0x1  }
0xa1: {  	s23 =	simm.s32 $0x1B8B  }
0xa2: {  	_ =	swait.ge [sflag:s23], $0x1  }
0xa3: {  	[sflag:s23] =	ssyncset.done $0x0  }
0xa4: {  	s25 =	simm.s32 $0x1B8E;
	s24 =	sld [smem:$0x3FFE];
	[sflag:s23] =	ssyncadd.s32 $0xFFFFFFFF  }
0xa5: {  	s26 =	simm.s32 $execute0_lowered;
	[smem:$0x3FD2] =	sst s25  }
0xa6: {  	s4 =	sshll.u32 s26, $0x1;
	_ =	strace $0x80000046;
	[dreg:$0x1] =	wrdreg $0xFFFFFFFF  }
0xa7: {  	s28 =	simm.s32 $_size_execute0_lowered;
	s2 =	sadd.s32 s2, s4;
	[dreg:$0x0] =	wrdreg $0x0  }
0xa8: {  	s4 =	sshll.u32 s28, $0x1;
	[dreg:$0x2] =	wrdreg s2  }
0xa9: {  	[dreg:$0x3] =	wrdreg s4  }
0xaa: {  	[dreg:$0x4] =	wrdreg $0xC0  }
0xab: {  	_ =	task [dreg:s6], $0x5FFFF  }
0xac: {  	[dreg:$0x1] =	wrdreg $0xFFFFFFFF  }
0xad: {  	[dreg:$0x0] =	wrdreg $0x60  }
0xae: {  	[dreg:$0x2] =	wrdreg s24  }
0xaf: {  	[dreg:$0x3] =	wrdreg $0x78000  }
0xb0: {  	[dreg:$0x4] =	wrdreg $0x9  }
0xb1: {  	_ =	task.clear_ibuf [dreg:s6], $0x5FFFF;
	_ =	strace $0x90000046  }
0xb2: {  	s29 =	simm.s32 $0x9;
	_ =	strace $0x80000048  }
0xb3: {  	_ =	swait.ge [sflag:s29], $0x1  }
0xb4: {  	[sflag:s29] =	ssyncadd.s32 $0xFFFFFFFF  }
0xb5: {  	_ =	strace $0x90000048  }
0xb6: {  	_ =	sfence  }
0xb7: {  	s30 =	sld [smem:$0x0];
	_ =	sdelay $0x2  }
0xb8: {  	s31 =	sshll.u32 s1, $0xD;
	s1 =	sshrl.u32 s1, $0x2  }
0xb9: {  	s3 =	sand.u32 $0x4000, s31;
	s1 =	sadd.s32 s1, s30  }
0xba: {  	s0 =	sor.u32 s3, s0;
	s1 =	sshll.u32 s1, $0x11  }
0xbb: {  	s0 =	sor.u32 s1, s0  }
0xbc: {  	s0 =	sadd.s32 $0x8F2B, s0  }
0xbd: {  	[sflag:s0] =	ssyncadd.remote.s32 $0x1  }
0xbe: {  	_ =	sfence.sel $0xFFFF  }
0xbf: {  	[dreg:$0x0] =	wrdreg $0xFFFFFFFF;
	(pc) =	sbr.abs _section_cstart, $3  }
0xc0: {  	[dreg:$0x1] =	wrdreg $0xFFFFFFFF  }
0xc1: {  	_ =	task.clear_ibuf [dreg:s6], $0x2FFFF;
	_ =	strace $0x9FFFFFFF  }
0xc2: {  	(tm) =	ssettm $0x7FFFFFFF  }
0xc3: {  	_ =	shalt  }
tec
execute0_lowered:
.L_overlay_start_1:
0x0: {  	(tag) =	ssettag $0x1  }
0x1: {  	s1 =	rddreg [dreg:$0x0]  }
0x2: {  	s0 =	srdreg.scid;
	s20 =	rddreg [dreg:$0x1]  }
0x3: {  	s15 =	stileid.u32;
	s2 =	simm.s32 $0x0;
	s23 =	simm.s32 $0x2  }
0x4: {  	s25 =	simm.s32 $0x80;
	s26 =	simm.s32 $0x400;
	s29 =	simm.s32 $0x1  }
0x5: {  	s31 =	simm.s32 $0x0;
	s0 =	sand.u32 $0x1, s0;
	[smem:$0x7FF] =	sst s2  }
0x6: {  	s4 =	sshrl.u32 s15, $0x3;
	s5 =	sshll.u32 s15, $0x7;
	s22 =	smul.u32 $0xA000, s15  }
0x7: {  	s3 =	sshll.u32 s0, $0x4;
	_ =	strace $0x80000047;
	s4 =	smul.u32 $0x1400, s4  }
0x8: {  	s6 =	smul.u32 $0x500, s0;
	s0 =	ssub.s32 $0x2, s0;
	s3 =	sor.u32 s15, s3  }
0x9: {  	s5 =	sand.u32 $0x380, s5;
	s28 =	sshrl.u32 s0, $0x1;
	s3 =	smul.u32 $0x500, s3  }
0xa: {  	s22 =	sshrl.u32 s22, $0x2;
	s21 =	sor.u32 s5, s4;
	s0 =	ssub.s32 s0, s28  }
0xb: {  	s30 =	sshrl.u32 s21, $0x3;
	s7 =	sadd.s32 s3, s1;
	s1 =	sadd.s32 s6, s1  }
0xc: {  	s3 =	sadd.s32 s21, s20;
	s20 =	sadd.s32 s22, s20;
	s21 =	smax.u32 s0, $0x1  }
0xd: {  	s4 =	sadd.s32 $0x2400, s7;
	s5 =	sadd.s32 $0x2800, s3;
	s6 =	sadd.s32 $0x5000, s3  }
0xe: {  	s7 =	sadd.s32 $0x7800, s3;
	s8 =	sadd.s32 $0xA000, s3;
	s9 =	sadd.s32 $0xC800, s3  }
0xf: {  	s10 =	sadd.s32 $0xF000, s3;
	s11 =	sadd.s32 $0x11800, s3;
	s12 =	sadd.s32 $0x14000, s3  }
0x10: {  	s13 =	sadd.s32 $0x16800, s3;
	s14 =	sadd.s32 $0x19000, s3;
	s15 =	sadd.s32 $0x1B800, s3  }
0x11: {  	s16 =	sadd.s32 $0x1E000, s3;
	s17 =	sadd.s32 $0x20800, s3;
	s1 =	sadd.s32 $0xC400, s1  }
0x12: {  	v0 =	vimm.f32 $0.0e+00;
	v1 =	vimm.f32 $1.000000000e+00;
	s18 =	sadd.s32 $0x23000, s3;
	s19 =	sadd.s32 $0x25800, s3;
	s24 =	sadd.s32 s30, s1  }
.LBB2_1:
0x13: {  	s0 =	simm.s32 $0x5000  }
0x14: {  	[tilespmem:s0], [sflag:$0x2] =	stream.linear.gather [hbm4b:s4+s2], $0x2800, $0x38;
	[tilespmem:$0xA000] =	vst v63  }
0x15: {  	_ =	swait.ge [sflag:s23], $0x2800  }
0x16: {  	[sflag:s23] =	ssyncset.done $0x0  }
0x17: {  	s0 =	simm.s32 $0x0;
	[sflag:s23] =	ssyncadd.s32 $0xFFFFD800  }
.LBB2_2:
0x18: {  	p0 =	sne.s32 s0, $0x9FC0  }
.Ltmp0:
0x19: {  	_ = 	snop;
	(pc) =	sbr.rel @p0 .LBB2_2-.Ltmp0, $3  }
0x1a: {  	_ =	sdelay $0x1  }
0x1b: {  	s1 =	sshra.s32 s0, $0x2  }
0x1c: {  	s0 =	sadd.s32 $0x40, s0;
	[tilespmem:s1+$0x0] =	vst v0  }
0x1d: {  	s0 =	simm.s32 $0x1C0  }
.LBB2_4:
0x1e: {  	s1 =	sshra.s32 s0, $0x2  }
0x1f: {  	v2 =	vld [tilespmem:s1+$0x4F90];
	_ =	sdelay $0x7  }
0x20: {  	[tilespmem:v2+s2+$0x0] =	vst.idx.add.f32.msk $0xffff, v1  }
0x21: {  	v2 =	vld [tilespmem:s1+$0x4FA0];
	_ =	sdelay $0x7  }
0x22: {  	[tilespmem:v2+s2+$0x0] =	vst.idx.add.f32.msk $0xffff, v1  }
0x23: {  	v2 =	vld [tilespmem:s1+$0x4FB0];
	_ =	sdelay $0x7  }
0x24: {  	[tilespmem:v2+s2+$0x0] =	vst.idx.add.f32.msk $0xffff, v1  }
0x25: {  	v2 =	vld [tilespmem:s1+$0x4FC0];
	_ =	sdelay $0x7  }
0x26: {  	[tilespmem:v2+s2+$0x0] =	vst.idx.add.f32.msk $0xffff, v1  }
0x27: {  	v2 =	vld [tilespmem:s1+$0x4FD0];
	_ =	sdelay $0x7  }
0x28: {  	[tilespmem:v2+s2+$0x0] =	vst.idx.add.f32.msk $0xffff, v1  }
0x29: {  	v2 =	vld [tilespmem:s1+$0x4FE0];
	_ =	sdelay $0x7  }
0x2a: {  	[tilespmem:v2+s2+$0x0] =	vst.idx.add.f32.msk $0xffff, v1  }
0x2b: {  	v2 =	vld [tilespmem:s1+$0x4FF0];
	_ =	sdelay $0x7  }
0x2c: {  	[tilespmem:v2+s2+$0x0] =	vst.idx.add.f32.msk $0xffff, v1  }
0x2d: {  	v2 =	vld [tilespmem:s1+$0x5000];
	_ =	sdelay $0x2  }
0x2e: {  	p0 =	sne.s32 s0, $0x9FC0  }
.Ltmp1:
0x2f: {  	_ = 	snop;
	(pc) =	sbr.rel @p0 .LBB2_4-.Ltmp1, $2  }
0x30: {  	_ =	sdelay $0x2  }
0x31: {  	s0 =	sadd.s32 $0x200, s0;
	[tilespmem:v2+s2+$0x0] =	vst.idx.add.f32.msk $0xffff, v1  }
0x32: {  	s0 =	simm.s32 $0x0  }
0x33: {  	[spmem:s3] =	stream.strided.scatter [tilespmem:s0], [sflag:$0x1], $0x280, s26, s25, $0x38;
	[tilespmem:$0xA000] =	vst v63  }
0x34: {  	s1 =	simm.s32 $0x280  }
0x35: {  	[spmem:s5] =	stream.strided.scatter [tilespmem:s1], [sflag:$0x1], $0x280, s26, s25, $0x38;
	[tilespmem:$0xA000] =	vst v63  }
0x36: {  	s22 =	simm.s32 $0x500  }
0x37: {  	[spmem:s6] =	stream.strided.scatter [tilespmem:s22], [sflag:$0x1], $0x280, s26, s25, $0x38;
	[tilespmem:$0xA000] =	vst v63  }
0x38: {  	s30 =	simm.s32 $0x780  }
0x39: {  	[spmem:s7] =	stream.strided.scatter [tilespmem:s30], [sflag:$0x1], $0x280, s26, s25, $0x38;
	[tilespmem:$0xA000] =	vst v63  }
0x3a: {  	s22 =	simm.s32 $0xA00  }
0x3b: {  	[spmem:s8] =	stream.strided.scatter [tilespmem:s22], [sflag:$0x1], $0x280, s26, s25, $0x38;
	[tilespmem:$0xA000] =	vst v63  }
0x3c: {  	s30 =	simm.s32 $0xC80  }
0x3d: {  	[spmem:s9] =	stream.strided.scatter [tilespmem:s30], [sflag:$0x1], $0x280, s26, s25, $0x38;
	[tilespmem:$0xA000] =	vst v63  }
0x3e: {  	s22 =	simm.s32 $0xF00  }
0x3f: {  	[spmem:s10] =	stream.strided.scatter [tilespmem:s22], [sflag:$0x1], $0x280, s26, s25, $0x38;
	[tilespmem:$0xA000] =	vst v63  }
0x40: {  	s30 =	simm.s32 $0x1180  }
0x41: {  	[spmem:s11] =	stream.strided.scatter [tilespmem:s30], [sflag:$0x1], $0x280, s26, s25, $0x38;
	[tilespmem:$0xA000] =	vst v63  }
0x42: {  	s22 =	simm.s32 $0x1400  }
0x43: {  	[spmem:s12] =	stream.strided.scatter [tilespmem:s22], [sflag:$0x1], $0x280, s26, s25, $0x38;
	[tilespmem:$0xA000] =	vst v63  }
0x44: {  	s30 =	simm.s32 $0x1680  }
0x45: {  	[spmem:s13] =	stream.strided.scatter [tilespmem:s30], [sflag:$0x1], $0x280, s26, s25, $0x38;
	[tilespmem:$0xA000] =	vst v63  }
0x46: {  	s22 =	simm.s32 $0x1900  }
0x47: {  	[spmem:s14] =	stream.strided.scatter [tilespmem:s22], [sflag:$0x1], $0x280, s26, s25, $0x38;
	[tilespmem:$0xA000] =	vst v63  }
0x48: {  	s30 =	simm.s32 $0x1B80  }
0x49: {  	[spmem:s15] =	stream.strided.scatter [tilespmem:s30], [sflag:$0x1], $0x280, s26, s25, $0x38;
	[tilespmem:$0xA000] =	vst v63  }
0x4a: {  	s22 =	simm.s32 $0x1E00  }
0x4b: {  	[spmem:s16] =	stream.strided.scatter [tilespmem:s22], [sflag:$0x1], $0x280, s26, s25, $0x38;
	[tilespmem:$0xA000] =	vst v63  }
0x4c: {  	s30 =	simm.s32 $0x2080  }
0x4d: {  	[spmem:s17] =	stream.strided.scatter [tilespmem:s30], [sflag:$0x1], $0x280, s26, s25, $0x38;
	[tilespmem:$0xA000] =	vst v63  }
0x4e: {  	s22 =	simm.s32 $0x2300  }
0x4f: {  	[spmem:s18] =	stream.strided.scatter [tilespmem:s22], [sflag:$0x1], $0x280, s26, s25, $0x38;
	[tilespmem:$0xA000] =	vst v63  }
0x50: {  	s30 =	simm.s32 $0x2580  }
0x51: {  	[spmem:s19] =	stream.strided.scatter [tilespmem:s30], [sflag:$0x1], $0x280, s26, s25, $0x38;
	[tilespmem:$0xA000] =	vst v63  }
0x52: {  	_ =	swait.ge [sflag:s29], $0x280  }
0x53: {  	[sflag:s29] =	ssyncset.done $0x0  }
0x54: {  	[sflag:s29] =	ssyncadd.s32 $0xFFFFFD80  }
0x55: {  	_ =	swait.ge [sflag:s29], $0x280  }
0x56: {  	[sflag:s29] =	ssyncset.done $0x0  }
0x57: {  	[sflag:s29] =	ssyncadd.s32 $0xFFFFFD80  }
0x58: {  	_ =	swait.ge [sflag:s29], $0x280  }
0x59: {  	[sflag:s29] =	ssyncset.done $0x0  }
0x5a: {  	[sflag:s29] =	ssyncadd.s32 $0xFFFFFD80  }
0x5b: {  	_ =	swait.ge [sflag:s29], $0x280  }
0x5c: {  	[sflag:s29] =	ssyncset.done $0x0  }
0x5d: {  	[sflag:s29] =	ssyncadd.s32 $0xFFFFFD80  }
0x5e: {  	_ =	swait.ge [sflag:s29], $0x280  }
0x5f: {  	[sflag:s29] =	ssyncset.done $0x0  }
0x60: {  	[sflag:s29] =	ssyncadd.s32 $0xFFFFFD80  }
0x61: {  	_ =	swait.ge [sflag:s29], $0x280  }
0x62: {  	[sflag:s29] =	ssyncset.done $0x0  }
0x63: {  	[sflag:s29] =	ssyncadd.s32 $0xFFFFFD80  }
0x64: {  	_ =	swait.ge [sflag:s29], $0x280  }
0x65: {  	[sflag:s29] =	ssyncset.done $0x0  }
0x66: {  	[sflag:s29] =	ssyncadd.s32 $0xFFFFFD80  }
0x67: {  	_ =	swait.ge [sflag:s29], $0x280  }
0x68: {  	[sflag:s29] =	ssyncset.done $0x0  }
0x69: {  	[sflag:s29] =	ssyncadd.s32 $0xFFFFFD80  }
0x6a: {  	_ =	swait.ge [sflag:s29], $0x280  }
0x6b: {  	[sflag:s29] =	ssyncset.done $0x0  }
0x6c: {  	[sflag:s29] =	ssyncadd.s32 $0xFFFFFD80  }
0x6d: {  	_ =	swait.ge [sflag:s29], $0x280  }
0x6e: {  	[sflag:s29] =	ssyncset.done $0x0  }
0x6f: {  	[sflag:s29] =	ssyncadd.s32 $0xFFFFFD80  }
0x70: {  	_ =	swait.ge [sflag:s29], $0x280  }
0x71: {  	[sflag:s29] =	ssyncset.done $0x0  }
0x72: {  	[sflag:s29] =	ssyncadd.s32 $0xFFFFFD80  }
0x73: {  	_ =	swait.ge [sflag:s29], $0x280  }
0x74: {  	[sflag:s29] =	ssyncset.done $0x0  }
0x75: {  	[sflag:s29] =	ssyncadd.s32 $0xFFFFFD80  }
0x76: {  	_ =	swait.ge [sflag:s29], $0x280  }
0x77: {  	[sflag:s29] =	ssyncset.done $0x0  }
0x78: {  	[sflag:s29] =	ssyncadd.s32 $0xFFFFFD80  }
0x79: {  	_ =	swait.ge [sflag:s29], $0x280  }
0x7a: {  	[sflag:s29] =	ssyncset.done $0x0  }
0x7b: {  	[sflag:s29] =	ssyncadd.s32 $0xFFFFFD80  }
0x7c: {  	_ =	swait.ge [sflag:s29], $0x280  }
0x7d: {  	[sflag:s29] =	ssyncset.done $0x0  }
0x7e: {  	[sflag:s29] =	ssyncadd.s32 $0xFFFFFD80  }
0x7f: {  	_ =	swait.ge [sflag:s29], $0x280  }
0x80: {  	[sflag:s29] =	ssyncset.done $0x0  }
0x81: {  	[sflag:s29] =	ssyncadd.s32 $0xFFFFFD80  }
0x82: {  	s22 =	simm.s32 $0x2800;
	[bflag:$0x0] =	sbarrier.arrive $0xFFFF  }
0x83: {  	[tilespmem:s22], [sflag:$0x2] =	stream.linear.gather [spmem:s20], $0x2800, $0x38;
	[tilespmem:$0xA000] =	vst v63  }
0x84: {  	_ =	swait.ge [sflag:s23], $0x2800  }
0x85: {  	s30 =	sand.u32 $0x70, s0;
	s22 =	sand.u32 $0x1C00, s0;
	[sflag:s23] =	ssyncset.done $0x0  }
0x86: {  	s1 =	sor.u32 s30, s22;
	[sflag:s23] =	ssyncadd.s32 $0xFFFFD800  }
0x87: {  	v2 =	vld [tilespmem:s1+$0x2880]  }
0x88: {  	v3 =	vld [tilespmem:s1+$0x2800];
	_ =	sdelay $0x1  }
0x89: {  	v4 =	vld [tilespmem:s1+$0x2900];
	_ =	sdelay $0x1  }
0x8a: {  	v5 =	vld [tilespmem:s1+$0x2980]  }
0x8b: {  	v2 =	vadd.f32 v2, v3  }
0x8c: {  	v3 =	vld [tilespmem:s1+$0x2A00]  }
0x8d: {  	v2 =	vadd.f32 v4, v2  }
0x8e: {  	v56 =	vld [tilespmem:s1+$0x2A80]  }
0x8f: {  	v2 =	vadd.f32 v5, v2  }
0x90: {  	v57 =	vld [tilespmem:s1+$0x2B00]  }
0x91: {  	v2 =	vadd.f32 v3, v2  }
0x92: {  	v3 =	vld [tilespmem:s1+$0x2B80]  }
0x93: {  	v2 =	vadd.f32 v56, v2  }
0x94: {  	v58 =	vld [tilespmem:s1+$0x3C00]  }
0x95: {  	v2 =	vadd.f32 v57, v2  }
0x96: {  	v59 =	vld [tilespmem:s1+$0x3C80]  }
0x97: {  	v2 =	vadd.f32 v3, v2  }
0x98: {  	v3 =	vld [tilespmem:s1+$0x3D00]  }
0x99: {  	v2 =	vadd.f32 v58, v2  }
0x9a: {  	v60 =	vld [tilespmem:s1+$0x3D80]  }
0x9b: {  	v2 =	vadd.f32 v59, v2  }
0x9c: {  	v61 =	vld [tilespmem:s1+$0x3E00]  }
0x9d: {  	v2 =	vadd.f32 v3, v2  }
0x9e: {  	v3 =	vld [tilespmem:s1+$0x3E80]  }
0x9f: {  	v2 =	vadd.f32 v60, v2  }
0xa0: {  	v62 =	vld [tilespmem:s1+$0x3F00]  }
0xa1: {  	v2 =	vadd.f32 v61, v2  }
0xa2: {  	v63 =	vld [tilespmem:s1+$0x3F80]  }
0xa3: {  	v2 =	vadd.f32 v3, v2;
	_ =	sdelay $0x1  }
0xa4: {  	v2 =	vadd.f32 v62, v2;
	_ =	sdelay $0x1  }
0xa5: {  	s30 =	simm.s32 $0x10;
	s22 =	simm.s32 $0x80;
	v2 =	vadd.f32 v63, v2  }
0xa6: {  	s28 =	sand.u32 $0x1C00, s22;
	s1 =	sand.u32 $0x70, s30  }
0xa7: {  	s1 =	sor.u32 s1, s28;
	s28 =	simm.s32 $0x20;
	[tilespmem:s0+$0x0] =	vst v2  }
.LBB2_6:
0xa8: {  	p0 =	sne.s32 s28, $0x270;
	v2 =	vld [tilespmem:s1+$0x2880]  }
0xa9: {  	v3 =	vld [tilespmem:s1+$0x2800];
	_ =	sdelay $0x1  }
0xaa: {  	v4 =	vld [tilespmem:s1+$0x2900];
	_ =	sdelay $0x1  }
0xab: {  	v5 =	vld [tilespmem:s1+$0x2980]  }
0xac: {  	v2 =	vadd.f32 v2, v3  }
0xad: {  	v3 =	vld [tilespmem:s1+$0x2A00]  }
0xae: {  	v2 =	vadd.f32 v4, v2  }
0xaf: {  	v4 =	vld [tilespmem:s1+$0x2A80]  }
0xb0: {  	v2 =	vadd.f32 v5, v2  }
0xb1: {  	v5 =	vld [tilespmem:s1+$0x2B00]  }
0xb2: {  	v2 =	vadd.f32 v3, v2  }
0xb3: {  	v3 =	vld [tilespmem:s1+$0x2B80]  }
0xb4: {  	v2 =	vadd.f32 v4, v2  }
0xb5: {  	v4 =	vld [tilespmem:s1+$0x3C00]  }
0xb6: {  	v2 =	vadd.f32 v5, v2  }
0xb7: {  	v5 =	vld [tilespmem:s1+$0x3C80]  }
0xb8: {  	v2 =	vadd.f32 v3, v2  }
0xb9: {  	v3 =	vld [tilespmem:s1+$0x3D00]  }
0xba: {  	v2 =	vadd.f32 v4, v2  }
0xbb: {  	v4 =	vld [tilespmem:s1+$0x3D80]  }
0xbc: {  	v2 =	vadd.f32 v5, v2  }
0xbd: {  	v5 =	vld [tilespmem:s1+$0x3E00]  }
0xbe: {  	v2 =	vadd.f32 v3, v2  }
0xbf: {  	v3 =	vld [tilespmem:s1+$0x3E80]  }
0xc0: {  	v2 =	vadd.f32 v4, v2  }
0xc1: {  	v4 =	vld [tilespmem:s1+$0x3F00]  }
0xc2: {  	v2 =	vadd.f32 v5, v2  }
0xc3: {  	v5 =	vld [tilespmem:s1+$0x3F80]  }
0xc4: {  	v2 =	vadd.f32 v3, v2;
	_ =	sdelay $0x1  }
.Ltmp2:
0xc5: {  	v2 =	vadd.f32 v4, v2;
	(pc) =	sbr.rel @p0 .LBB2_6-.Ltmp2, $4  }
0xc6: {  	_ = 	snop  }
0xc7: {  	s22 =	sadd.s32 $0x80, s22;
	v2 =	vadd.f32 v5, v2  }
0xc8: {  	s0 =	sadd.s32 $0x10, s0;
	s30 =	sand.u32 $0x1C00, s22;
	s1 =	sand.u32 $0x70, s28  }
0xc9: {  	s28 =	sadd.s32 $0x10, s28;
	s1 =	sor.u32 s1, s30;
	[tilespmem:s0+$0x0] =	vst v2  }
0xca: {  	v2 =	vld [tilespmem:s1+$0x2880]  }
0xcb: {  	v3 =	vld [tilespmem:s1+$0x2800];
	_ =	sdelay $0x1  }
0xcc: {  	v4 =	vld [tilespmem:s1+$0x2900];
	_ =	sdelay $0x1  }
0xcd: {  	v5 =	vld [tilespmem:s1+$0x2980]  }
0xce: {  	v2 =	vadd.f32 v2, v3  }
0xcf: {  	v3 =	vld [tilespmem:s1+$0x2A00]  }
0xd0: {  	v2 =	vadd.f32 v4, v2  }
0xd1: {  	v56 =	vld [tilespmem:s1+$0x2A80]  }
0xd2: {  	v2 =	vadd.f32 v5, v2  }
0xd3: {  	v57 =	vld [tilespmem:s1+$0x2B00]  }
0xd4: {  	v2 =	vadd.f32 v3, v2  }
0xd5: {  	v3 =	vld [tilespmem:s1+$0x2B80]  }
0xd6: {  	v2 =	vadd.f32 v56, v2  }
0xd7: {  	v58 =	vld [tilespmem:s1+$0x3C00]  }
0xd8: {  	v2 =	vadd.f32 v57, v2  }
0xd9: {  	v59 =	vld [tilespmem:s1+$0x3C80]  }
0xda: {  	v2 =	vadd.f32 v3, v2  }
0xdb: {  	v3 =	vld [tilespmem:s1+$0x3D00]  }
0xdc: {  	v2 =	vadd.f32 v58, v2  }
0xdd: {  	v60 =	vld [tilespmem:s1+$0x3D80]  }
0xde: {  	v2 =	vadd.f32 v59, v2  }
0xdf: {  	v61 =	vld [tilespmem:s1+$0x3E00]  }
0xe0: {  	v2 =	vadd.f32 v3, v2  }
0xe1: {  	v3 =	vld [tilespmem:s1+$0x3E80]  }
0xe2: {  	v2 =	vadd.f32 v60, v2  }
0xe3: {  	v62 =	vld [tilespmem:s1+$0x3F00]  }
0xe4: {  	v2 =	vadd.f32 v61, v2  }
0xe5: {  	v63 =	vld [tilespmem:s1+$0x3F80]  }
0xe6: {  	v2 =	vadd.f32 v3, v2;
	_ =	sdelay $0x1  }
0xe7: {  	v2 =	vadd.f32 v62, v2;
	_ =	sdelay $0x1  }
0xe8: {  	s31 =	sadd.s32 $0x1, s31;
	v2 =	vadd.f32 v63, v2  }
0xe9: {  	s0 =	sadd.s32 $0x10, s0;
	p0 =	sne.s32 s31, s21  }
.Ltmp3:
0xea: {  	[tilespmem:s0+$0x0] =	vst v2;
	(pc) =	sbr.rel @p0 .LBB2_1-.Ltmp3, $4  }
0xeb: {  	[hbm4b:s24+s25] =	stream.strided.scatter [tilespmem:s2], [sflag:$0x2], $0x280, s26, s25, $0x38;
	[tilespmem:$0xA000] =	vst v63  }
0xec: {  	_ =	swait.ge [sflag:s23], $0x280  }
0xed: {  	[sflag:s23] =	ssyncset.done $0x0  }
0xee: {  	[sflag:s23] =	ssyncadd.s32 $0xFFFFFD80  }
0xef: {  	_ =	sfence.sel $0x180000  }
0xf0: {  	[bflag:$0x0] =	sbarrier.arrive $0xFFFF  }
0xf1: {  	_ =	strace $0x90000047  }
0xf2: {  	s0 =	stileid.u32;
	[bflag:$0x2] =	sbarrier.arrive $0xFFFF  }
0xf3: {  	p0 =	sne.s32 s0, $0x0;
	s0 =	rddreg [dreg:$0x2]  }
0xf4: {  	s0 =	sadd.s32 @!p0 $0x100000, s0  }
0xf5: {  	[sflag:s0] =	ssyncadd.tile.s32 @!p0 $0x1;
	_ =	shalt  }
.Lfunc_end2:
_tile_overlayer_lowered:
.L_overlay_start_2:
0xf6: {  	(tag) =	ssettag $0x2  }
0xf7: {  	s0 =	rddreg [dreg:$0x0];
	s2 =	stileid.u32  }
0xf8: {  	s1 =	rddreg [dreg:$0x1];
	p0 =	sne.s32 s2, $0x0  }
0xf9: {  	s3 =	rddreg [dreg:$0x2];
	[bflag:$0x3] =	sbarrier.arrive $0xFFFF;
	s2 =	simm.s32 @!p0 $0x1C02  }
0xfa: {  	[timem:s3], [sflag:s2] =	dma.local @!p0 [hbm:s0], s1  }
0xfb: {  	s0 =	simm.s32 @!p0 $0x2  }
0xfc: {  	_ =	swait.ge @!p0 [sflag:s0], s1  }
0xfd: {  	s1 =	ssub.s32 @!p0 $0x0, s1;
	[sflag:s0] =	ssyncset.done @!p0 $0x0  }
0xfe: {  	[sflag:s0] =	ssyncadd.s32 @!p0 s1  }
0xff: {  	[bflag:$0x3] =	sbarrier.arrive $0xFFFF  }
0x100: {  	_ =	shalt  }

</sc_bundles>
